<compile_context>
chip_gen: v7x
topology: tpu7x:2x2x1
jax: 0.10.2.dev20260603
libtpu: 0.0.44.dev20260713+nightly
codegen_flags: <defaults>
</compile_context>

<pallas_src>
import functools

import jax
import jax.numpy as jnp
from jax import lax
from jax.experimental import pallas as pl
from jax.experimental.pallas import tpu as pltpu
from jax.experimental.pallas import tpu_sc as plsc

_KH, _KW = 2, 2
_DEPTH = 8


def kernel(x, indices):
    B, C, H, W = x.shape
    lut_rank, NK, SS = indices.shape
    oh, ow = H - _KH + 1, W - _KW + 1
    nslots = lut_rank * NK * SS
    idxf = indices.reshape(-1).astype(jnp.int32)
    meta = jnp.stack(
        [idxf // (_KH * _KW), (idxf // _KW) % _KH, idxf % _KW] + [idxf * 0] * 13,
        axis=1,
    ).reshape(-1)
    xd = jnp.stack([x[..., :ow], x[..., W - ow :]], axis=0)

    mesh = plsc.VectorSubcoreMesh(core_axis_name="c", subcore_axis_name="s")
    NW = 32
    slots_per = nslots // NW
    NB = 16
    nitems = slots_per * (B // NB)

    @functools.partial(
        pl.kernel,
        mesh=mesh,
        out_type=jax.ShapeDtypeStruct((lut_rank, B, NK, SS, oh, ow), jnp.float32),
        compiler_params=pltpu.CompilerParams(use_tc_tiling_on_sc=False),
        scratch_types=[
            pltpu.VMEM((nslots * 16,), jnp.int32),
            pltpu.VMEM((2, NB, H, ow), jnp.float32),
            pltpu.SemaphoreType.DMA,
            pltpu.SemaphoreType.DMA,
        ],
    )
    def sc_copy(xd_hbm, meta_hbm, out_hbm, meta_v, buf_v, sem_in, sem_out):
        wid = lax.axis_index("s") * 2 + lax.axis_index("c")
        pltpu.sync_copy(meta_hbm, meta_v)

        def start_read(n):
            slot = wid * slots_per + n // (B // NB)
            b0 = (n % (B // NB)) * NB
            mv = meta_v[pl.ds(slot * 16, 16)]
            return pltpu.async_copy(
                xd_hbm.at[mv[2], pl.ds(b0, NB), mv[0], :, :],
                buf_v.at[n % 2],
                sem_in,
            )

        def start_write(n):
            slot = wid * slots_per + n // (B // NB)
            b0 = (n % (B // NB)) * NB
            mv = meta_v[pl.ds(slot * 16, 16)]
            r = slot // (NK * SS)
            k = (slot // SS) % NK
            s = slot % SS
            return pltpu.async_copy(
                buf_v.at[n % 2, :, pl.ds(mv[1], oh), :],
                out_hbm.at[r, pl.ds(b0, NB), k, s],
                sem_out,
            )

        reads = {0: start_read(0)}
        writes = {}
        for n in range(nitems):
            if n >= 1:
                writes[n - 1].wait()
            if n + 1 < nitems:
                reads[n + 1] = start_read(n + 1)
            reads[n].wait()
            writes[n] = start_write(n)
        writes[nitems - 1].wait()

    out = sc_copy(xd, meta)
    return out.reshape(lut_rank, B, NK, SS, oh * ow)

# --- scband reference (transcript-rebuilt; emitter-appended) ---
"""Pipeline reference for scband-fixed-conv-connections-37847251813101 (READ-ONLY COPY).

The authoritative reference and input builder live on the scoring server;
editing this copy changes nothing except your own understanding.
"""

import jax, jax.numpy as jnp
import numpy as np

KH, KW, STRIDE = 2, 2, 1


def setup_inputs(seed: int = 0) -> dict:
    key = jax.random.key(seed)
    kx, ki = jax.random.split(key)
    x = jax.random.normal(kx, (32, 64, 56, 56), dtype=jnp.float32)
    # Fixed connections computed at __init__ time: for each of lut_rank inputs,
    # each of num_kernels kernels, each of sample_size tuples, a flat index into
    # the unfolded patch dimension of size C*KH*KW = 64*2*2 = 256.
    # flat = channel*(KH*KW) + i*KW + j, uniform random ('random' init_method).
    indices = jax.random.randint(ki, (2, 32, 4), 0, 256, dtype=jnp.int32)
    return {"x": x, "indices": indices}


def _unfold(x, kh, kw, stride):
    # Matches torch.nn.functional.unfold channel ordering: (c, i, j) with c slowest.
    B, C, H, W = x.shape
    oh = (H - kh) // stride + 1
    ow = (W - kw) // stride + 1
    patches = []
    for i in range(kh):
        for j in range(kw):
            patches.append(x[:, :, i:i + oh * stride:stride, j:j + ow * stride:stride])
    p = jnp.stack(patches, axis=2)  # (B, C, kh*kw, oh, ow)
    return p.reshape(B, C * kh * kw, oh * ow), oh * ow


def reference(x, indices):
    # FixedConvConnections.forward: unfold input into receptive-field patches,
    # then gather the fixed, per-kernel connection indices for each LUT input slot.
    B = x.shape[0]
    p, L = _unfold(x, KH, KW, STRIDE)  # (B, C*KH*KW, L)
    lut_rank, num_kernels, sample_size = indices.shape
    g = jnp.take(p, indices.reshape(-1), axis=1)  # (B, lut_rank*num_kernels*sample_size, L)
    g = g.reshape(B, lut_rank, num_kernels, sample_size, L)
    out = jnp.transpose(g, (1, 0, 2, 3, 4))  # (lut_rank, B, num_kernels, sample_size, L)
    return out

if __name__ == "__main__":
    import jax
    _d = setup_inputs()
    print(jax.jit(kernel)(*tuple(_d.values())))

</pallas_src>

<mosaic_0001>
#map = affine_map<(d0, d1) -> (0, 0, 0, 0, 0)>
#map1 = affine_map<(d0, d1) -> (0)>
#map2 = affine_map<(d0, d1) -> (0, 0, 0, 0, 0, 0)>
module attributes {stable_mosaic.version = 14 : i64} {
  func.func @sc_copy(%arg0: i32, %arg1: i32, %arg2: memref<2x32x64x56x55xf32, #tpu.memory_space<hbm>>, %arg3: memref<4096xi32, #tpu.memory_space<hbm>>, %arg4: memref<2x32x32x4x55x55xf32, #tpu.memory_space<hbm>>, %arg5: memref<4096xi32, #tpu.memory_space<vmem>>, %arg6: memref<2x16x56x55xf32, #tpu.memory_space<vmem>>, %arg7: memref<!tpu.dma_semaphore, #tpu.memory_space<semaphore_mem>>, %arg8: memref<!tpu.dma_semaphore, #tpu.memory_space<semaphore_mem>>) attributes {dimension_semantics = [#tpu.dimension_semantics<core_parallel>, #tpu.dimension_semantics<subcore_parallel>], iteration_bounds = array<i64: 2, 16>, scalar_prefetch = 0 : i64, scratch_operands = 4 : i64, tpu.core_type = #tpu.core_type<sc_vector_subcore>, window_params = [{transform_indices = #map}, {transform_indices = #map1}, {transform_indices = #map2}]} {
    %mul3A = arith.constant 2 : i32
    %mul3A_0 = arith.muli %arg1, %mul3A : i32
    %add3A = arith.addi %mul3A_0, %arg0 : i32
    "tpu.region"() ({
      %run_scoped3A = tpu.sem_alloc : memref<!tpu.dma_semaphore, #tpu.memory_space<semaphore_mem>>
      tpu.enqueue_dma source(%arg3 : memref<4096xi32, #tpu.memory_space<hbm>>) target(%arg5 : memref<4096xi32, #tpu.memory_space<vmem>>) target_semaphore(%run_scoped3A : memref<!tpu.dma_semaphore, #tpu.memory_space<semaphore_mem>>)
      tpu.wait_dma2 semaphore(%run_scoped3A : memref<!tpu.dma_semaphore, #tpu.memory_space<semaphore_mem>>) src(%arg3 : memref<4096xi32, #tpu.memory_space<hbm>>) dst(%arg5 : memref<4096xi32, #tpu.memory_space<vmem>>)
      tpu.yield
    }) : () -> ()
    %mul3A_1 = arith.constant 8 : i32
    %mul3A_2 = arith.muli %add3A, %mul3A_1 : i32
    %add3A_3 = arith.constant 0 : i32
    %add3A_4 = arith.addi %mul3A_2, %add3A_3 : i32
    %mul3A_5 = arith.constant 16 : i32
    %mul3A_6 = arith.muli %add3A_4, %mul3A_5 : i32
    %get3A = arith.index_cast %mul3A_6 : i32 to index
    %get3A_7 = tpu.vector_load %arg5[%get3A] {strides = array<i32>} : memref<4096xi32, #tpu.memory_space<vmem>>, vector<16xi32>,
    %get3A_8 = vector.shape_cast %get3A_7 : vector<16xi32> to vector<16xi32>
    %slice3A = vector.extract_strided_slice %get3A_8 {offsets = [2], sizes = [1], strides = [1]} : vector<16xi32> to vector<1xi32>
    %squeeze3A = vector.extract %slice3A[0] : i32 from vector<1xi32>
    %slice3A_9 = vector.extract_strided_slice %get3A_8 {offsets = [0], sizes = [1], strides = [1]} : vector<16xi32> to vector<1xi32>
    %squeeze3A_10 = vector.extract %slice3A_9[0] : i32 from vector<1xi32>
    %dma_start3A = arith.constant 0 : i32
    %dma_start3A_11 = arith.constant 0 : i32
    %dma_start3A_12 = arith.constant 0 : i32
    %dma_start3A_13 = arith.constant 0 : i32
    %dma_start3A_14 = tpu.memref_slice %arg6[%dma_start3A, %dma_start3A_11, %dma_start3A_12, %dma_start3A_13] : memref<2x16x56x55xf32, #tpu.memory_space<vmem>> -> memref<1x16x56x55xf32, #tpu.memory_space<vmem>>
    %dma_start3A_15 = tpu.memref_squeeze %dma_start3A_14 : memref<1x16x56x55xf32, #tpu.memory_space<vmem>> -> memref<16x56x55xf32, #tpu.memory_space<vmem>>
    %dma_start3A_16 = arith.constant 0 : i32
    %dma_start3A_17 = arith.constant 0 : i32
    %dma_start3A_18 = arith.constant 0 : i32
    %dma_start3A_19 = tpu.memref_slice %arg2[%squeeze3A, %dma_start3A_16, %squeeze3A_10, %dma_start3A_17, %dma_start3A_18] : memref<2x32x64x56x55xf32, #tpu.memory_space<hbm>> -> memref<1x16x1x56x55xf32, #tpu.memory_space<hbm>>
    %dma_start3A_20 = tpu.memref_squeeze %dma_start3A_19 : memref<1x16x1x56x55xf32, #tpu.memory_space<hbm>> -> memref<16x56x55xf32, #tpu.memory_space<hbm>>
    %dma_start3A_21 = arith.constant 0 : i32
    %dma_start3A_22 = arith.constant 0 : i32
    %dma_start3A_23 = arith.constant 0 : i32
    %dma_start3A_24 = tpu.memref_slice %arg6[%dma_start3A, %dma_start3A_21, %dma_start3A_22, %dma_start3A_23] : memref<2x16x56x55xf32, #tpu.memory_space<vmem>> -> memref<1x16x56x55xf32, #tpu.memory_space<vmem>>
    %dma_start3A_25 = tpu.memref_squeeze %dma_start3A_24 : memref<1x16x56x55xf32, #tpu.memory_space<vmem>> -> memref<16x56x55xf32, #tpu.memory_space<vmem>>
    %dma_start3A_26 = arith.constant 0 : i32
    %dma_start3A_27 = arith.constant 0 : i32
    %dma_start3A_28 = arith.constant 0 : i32
    %dma_start3A_29 = tpu.memref_slice %arg2[%squeeze3A, %dma_start3A_26, %squeeze3A_10, %dma_start3A_27, %dma_start3A_28] : memref<2x32x64x56x55xf32, #tpu.memory_space<hbm>> -> memref<1x16x1x56x55xf32, #tpu.memory_space<hbm>>
    %dma_start3A_30 = tpu.memref_squeeze %dma_start3A_29 : memref<1x16x1x56x55xf32, #tpu.memory_space<hbm>> -> memref<16x56x55xf32, #tpu.memory_space<hbm>>
    tpu.enqueue_dma source(%dma_start3A_30 : memref<16x56x55xf32, #tpu.memory_space<hbm>>) target(%dma_start3A_25 : memref<16x56x55xf32, #tpu.memory_space<vmem>>) target_semaphore(%arg7 : memref<!tpu.dma_semaphore, #tpu.memory_space<semaphore_mem>>)
    %mul3A_31 = arith.constant 8 : i32
    %mul3A_32 = arith.muli %add3A, %mul3A_31 : i32
    %add3A_33 = arith.constant 0 : i32
    %add3A_34 = arith.addi %mul3A_32, %add3A_33 : i32
    %mul3A_35 = arith.constant 16 : i32
    %mul3A_36 = arith.muli %add3A_34, %mul3A_35 : i32
    %get3A_37 = arith.index_cast %mul3A_36 : i32 to index
    %get3A_38 = tpu.vector_load %arg5[%get3A_37] {strides = array<i32>} : memref<4096xi32, #tpu.memory_space<vmem>>, vector<16xi32>,
    %get3A_39 = vector.shape_cast %get3A_38 : vector<16xi32> to vector<16xi32>
    %slice3A_40 = vector.extract_strided_slice %get3A_39 {offsets = [2], sizes = [1], strides = [1]} : vector<16xi32> to vector<1xi32>
    %squeeze3A_41 = vector.extract %slice3A_40[0] : i32 from vector<1xi32>
    %slice3A_42 = vector.extract_strided_slice %get3A_39 {offsets = [0], sizes = [1], strides = [1]} : vector<16xi32> to vector<1xi32>
    %squeeze3A_43 = vector.extract %slice3A_42[0] : i32 from vector<1xi32>
    %dma_start3A_44 = arith.constant 1 : i32
    %dma_start3A_45 = arith.constant 0 : i32
    %dma_start3A_46 = arith.constant 0 : i32
    %dma_start3A_47 = arith.constant 0 : i32
    %dma_start3A_48 = tpu.memref_slice %arg6[%dma_start3A_44, %dma_start3A_45, %dma_start3A_46, %dma_start3A_47] : memref<2x16x56x55xf32, #tpu.memory_space<vmem>> -> memref<1x16x56x55xf32, #tpu.memory_space<vmem>>
    %dma_start3A_49 = tpu.memref_squeeze %dma_start3A_48 : memref<1x16x56x55xf32, #tpu.memory_space<vmem>> -> memref<16x56x55xf32, #tpu.memory_space<vmem>>
    %dma_start3A_50 = arith.constant 16 : i32
    %dma_start3A_51 = arith.constant 0 : i32
    %dma_start3A_52 = arith.constant 0 : i32
    %dma_start3A_53 = tpu.memref_slice %arg2[%squeeze3A_41, %dma_start3A_50, %squeeze3A_43, %dma_start3A_51, %dma_start3A_52] : memref<2x32x64x56x55xf32, #tpu.memory_space<hbm>> -> memref<1x16x1x56x55xf32, #tpu.memory_space<hbm>>
    %dma_start3A_54 = tpu.memref_squeeze %dma_start3A_53 : memref<1x16x1x56x55xf32, #tpu.memory_space<hbm>> -> memref<16x56x55xf32, #tpu.memory_space<hbm>>
    %dma_start3A_55 = arith.constant 0 : i32
    %dma_start3A_56 = arith.constant 0 : i32
    %dma_start3A_57 = arith.constant 0 : i32
    %dma_start3A_58 = tpu.memref_slice %arg6[%dma_start3A_44, %dma_start3A_55, %dma_start3A_56, %dma_start3A_57] : memref<2x16x56x55xf32, #tpu.memory_space<vmem>> -> memref<1x16x56x55xf32, #tpu.memory_space<vmem>>
    %dma_start3A_59 = tpu.memref_squeeze %dma_start3A_58 : memref<1x16x56x55xf32, #tpu.memory_space<vmem>> -> memref<16x56x55xf32, #tpu.memory_space<vmem>>
    %dma_start3A_60 = arith.constant 16 : i32
    %dma_start3A_61 = arith.constant 0 : i32
    %dma_start3A_62 = arith.constant 0 : i32
    %dma_start3A_63 = tpu.memref_slice %arg2[%squeeze3A_41, %dma_start3A_60, %squeeze3A_43, %dma_start3A_61, %dma_start3A_62] : memref<2x32x64x56x55xf32, #tpu.memory_space<hbm>> -> memref<1x16x1x56x55xf32, #tpu.memory_space<hbm>>
    %dma_start3A_64 = tpu.memref_squeeze %dma_start3A_63 : memref<1x16x1x56x55xf32, #tpu.memory_space<hbm>> -> memref<16x56x55xf32, #tpu.memory_space<hbm>>
    tpu.enqueue_dma source(%dma_start3A_64 : memref<16x56x55xf32, #tpu.memory_space<hbm>>) target(%dma_start3A_59 : memref<16x56x55xf32, #tpu.memory_space<vmem>>) target_semaphore(%arg7 : memref<!tpu.dma_semaphore, #tpu.memory_space<semaphore_mem>>)
    %dma_wait3A = arith.constant 0 : i32
    %dma_wait3A_65 = arith.constant 0 : i32
    %dma_wait3A_66 = arith.constant 0 : i32
    %dma_wait3A_67 = arith.constant 0 : i32
    %dma_wait3A_68 = tpu.memref_slice %arg6[%dma_wait3A, %dma_wait3A_65, %dma_wait3A_66, %dma_wait3A_67] : memref<2x16x56x55xf32, #tpu.memory_space<vmem>> -> memref<1x16x56x55xf32, #tpu.memory_space<vmem>>
    %dma_wait3A_69 = tpu.memref_squeeze %dma_wait3A_68 : memref<1x16x56x55xf32, #tpu.memory_space<vmem>> -> memref<16x56x55xf32, #tpu.memory_space<vmem>>
    %dma_wait3A_70 = arith.constant 0 : i32
    %dma_wait3A_71 = arith.constant 0 : i32
    %dma_wait3A_72 = arith.constant 0 : i32
    %dma_wait3A_73 = tpu.memref_slice %arg2[%squeeze3A, %dma_wait3A_70, %squeeze3A_10, %dma_wait3A_71, %dma_wait3A_72] : memref<2x32x64x56x55xf32, #tpu.memory_space<hbm>> -> memref<1x16x1x56x55xf32, #tpu.memory_space<hbm>>
    %dma_wait3A_74 = tpu.memref_squeeze %dma_wait3A_73 : memref<1x16x1x56x55xf32, #tpu.memory_space<hbm>> -> memref<16x56x55xf32, #tpu.memory_space<hbm>>
    %dma_wait3A_75 = arith.constant 0 : i32
    %dma_wait3A_76 = arith.constant 0 : i32
    %dma_wait3A_77 = arith.constant 0 : i32
    %dma_wait3A_78 = tpu.memref_slice %arg6[%dma_wait3A, %dma_wait3A_75, %dma_wait3A_76, %dma_wait3A_77] : memref<2x16x56x55xf32, #tpu.memory_space<vmem>> -> memref<1x16x56x55xf32, #tpu.memory_space<vmem>>
    %dma_wait3A_79 = tpu.memref_squeeze %dma_wait3A_78 : memref<1x16x56x55xf32, #tpu.memory_space<vmem>> -> memref<16x56x55xf32, #tpu.memory_space<vmem>>
    %dma_wait3A_80 = arith.constant 0 : i32
    %dma_wait3A_81 = arith.constant 0 : i32
    %dma_wait3A_82 = arith.constant 0 : i32
    %dma_wait3A_83 = tpu.memref_slice %arg2[%squeeze3A, %dma_wait3A_80, %squeeze3A_10, %dma_wait3A_81, %dma_wait3A_82] : memref<2x32x64x56x55xf32, #tpu.memory_space<hbm>> -> memref<1x16x1x56x55xf32, #tpu.memory_space<hbm>>
    %dma_wait3A_84 = tpu.memref_squeeze %dma_wait3A_83 : memref<1x16x1x56x55xf32, #tpu.memory_space<hbm>> -> memref<16x56x55xf32, #tpu.memory_space<hbm>>
    tpu.wait_dma2 semaphore(%arg7 : memref<!tpu.dma_semaphore, #tpu.memory_space<semaphore_mem>>) src(%dma_wait3A_84 : memref<16x56x55xf32, #tpu.memory_space<hbm>>) dst(%dma_wait3A_79 : memref<16x56x55xf32, #tpu.memory_space<vmem>>)
    %mul3A_85 = arith.constant 8 : i32
    %mul3A_86 = arith.muli %add3A, %mul3A_85 : i32
    %add3A_87 = arith.constant 0 : i32
    %add3A_88 = arith.addi %mul3A_86, %add3A_87 : i32
    %mul3A_89 = arith.constant 16 : i32
    %mul3A_90 = arith.muli %add3A_88, %mul3A_89 : i32
    %get3A_91 = arith.index_cast %mul3A_90 : i32 to index
    %get3A_92 = tpu.vector_load %arg5[%get3A_91] {strides = array<i32>} : memref<4096xi32, #tpu.memory_space<vmem>>, vector<16xi32>,
    %get3A_93 = vector.shape_cast %get3A_92 : vector<16xi32> to vector<16xi32>
    %jit3A = arith.constant 128 : i32
    %div3A = arith.divsi %add3A_88, %jit3A : i32
    %sign3A = arith.constant 0 : i32
    %sign3A_94 = arith.cmpi sgt, %add3A_88, %sign3A : i32
    %sign3A_95 = arith.extui %sign3A_94 : i1 to i32
    %sign3A_96 = arith.constant 0 : i32
    %sign3A_97 = arith.cmpi slt, %add3A_88, %sign3A_96 : i32
    %sign3A_98 = arith.extui %sign3A_97 : i1 to i32
    %sign3A_99 = arith.subi %sign3A_95, %sign3A_98 : i32
    %sign3A_100 = arith.constant 0 : i32
    %sign3A_101 = arith.cmpi sgt, %jit3A, %sign3A_100 : i32
    %sign3A_102 = arith.extui %sign3A_101 : i1 to i32
    %sign3A_103 = arith.constant 0 : i32
    %sign3A_104 = arith.cmpi slt, %jit3A, %sign3A_103 : i32
    %sign3A_105 = arith.extui %sign3A_104 : i1 to i32
    %sign3A_106 = arith.subi %sign3A_102, %sign3A_105 : i32
    %ne3A = arith.cmpi ne, %sign3A_99, %sign3A_106 : i32
    %rem3A = arith.remsi %add3A_88, %jit3A : i32
    %ne3A_107 = arith.constant 0 : i32
    %ne3A_108 = arith.cmpi ne, %rem3A, %ne3A_107 : i32
    %and3A = arith.andi %ne3A, %ne3A_108 : i1
    %sub3A = arith.constant 1 : i32
    %sub3A_109 = arith.subi %div3A, %sub3A : i32
    %select_n3A = arith.select %and3A, %sub3A_109, %div3A : i32
    %jit3A_110 = arith.constant 4 : i32
    %div3A_111 = arith.divsi %add3A_88, %jit3A_110 : i32
    %sign3A_112 = arith.constant 0 : i32
    %sign3A_113 = arith.cmpi sgt, %add3A_88, %sign3A_112 : i32
    %sign3A_114 = arith.extui %sign3A_113 : i1 to i32
    %sign3A_115 = arith.constant 0 : i32
    %sign3A_116 = arith.cmpi slt, %add3A_88, %sign3A_115 : i32
    %sign3A_117 = arith.extui %sign3A_116 : i1 to i32
    %sign3A_118 = arith.subi %sign3A_114, %sign3A_117 : i32
    %sign3A_119 = arith.constant 0 : i32
    %sign3A_120 = arith.cmpi sgt, %jit3A_110, %sign3A_119 : i32
    %sign3A_121 = arith.extui %sign3A_120 : i1 to i32
    %sign3A_122 = arith.constant 0 : i32
    %sign3A_123 = arith.cmpi slt, %jit3A_110, %sign3A_122 : i32
    %sign3A_124 = arith.extui %sign3A_123 : i1 to i32
    %sign3A_125 = arith.subi %sign3A_121, %sign3A_124 : i32
    %ne3A_126 = arith.cmpi ne, %sign3A_118, %sign3A_125 : i32
    %rem3A_127 = arith.remsi %add3A_88, %jit3A_110 : i32
    %ne3A_128 = arith.constant 0 : i32
    %ne3A_129 = arith.cmpi ne, %rem3A_127, %ne3A_128 : i32
    %and3A_130 = arith.andi %ne3A_126, %ne3A_129 : i1
    %sub3A_131 = arith.constant 1 : i32
    %sub3A_132 = arith.subi %div3A_111, %sub3A_131 : i32
    %select_n3A_133 = arith.select %and3A_130, %sub3A_132, %div3A_111 : i32
    %jit3A_134 = arith.constant 32 : i32
    %eq3A = arith.constant 0 : i32
    %eq3A_135 = arith.cmpi eq, %jit3A_134, %eq3A : i32
    %jit3A_136 = arith.constant 1 : i32
    %select_n3A_137 = arith.select %eq3A_135, %jit3A_136, %jit3A_134 : i32
    %rem3A_138 = arith.remsi %select_n3A_133, %select_n3A_137 : i32
    %ne3A_139 = arith.constant 0 : i32
    %ne3A_140 = arith.cmpi ne, %rem3A_138, %ne3A_139 : i32
    %lt3A = arith.constant 0 : i32
    %lt3A_141 = arith.cmpi slt, %rem3A_138, %lt3A : i32
    %lt3A_142 = arith.constant 0 : i32
    %lt3A_143 = arith.cmpi slt, %select_n3A_137, %lt3A_142 : i32
    %ne3A_144 = arith.xori %lt3A_141, %lt3A_143 : i1
    %and3A_145 = arith.andi %ne3A_144, %ne3A_140 : i1
    %add3A_146 = arith.addi %rem3A_138, %select_n3A_137 : i32
    %select_n3A_147 = arith.select %and3A_145, %add3A_146, %rem3A_138 : i32
    %jit3A_148 = arith.constant 4 : i32
    %eq3A_149 = arith.constant 0 : i32
    %eq3A_150 = arith.cmpi eq, %jit3A_148, %eq3A_149 : i32
    %jit3A_151 = arith.constant 1 : i32
    %select_n3A_152 = arith.select %eq3A_150, %jit3A_151, %jit3A_148 : i32
    %rem3A_153 = arith.remsi %add3A_88, %select_n3A_152 : i32
    %ne3A_154 = arith.constant 0 : i32
    %ne3A_155 = arith.cmpi ne, %rem3A_153, %ne3A_154 : i32
    %lt3A_156 = arith.constant 0 : i32
    %lt3A_157 = arith.cmpi slt, %rem3A_153, %lt3A_156 : i32
    %lt3A_158 = arith.constant 0 : i32
    %lt3A_159 = arith.cmpi slt, %select_n3A_152, %lt3A_158 : i32
    %ne3A_160 = arith.xori %lt3A_157, %lt3A_159 : i1
    %and3A_161 = arith.andi %ne3A_160, %ne3A_155 : i1
    %add3A_162 = arith.addi %rem3A_153, %select_n3A_152 : i32
    %select_n3A_163 = arith.select %and3A_161, %add3A_162, %rem3A_153 : i32
    %slice3A_164 = vector.extract_strided_slice %get3A_93 {offsets = [1], sizes = [1], strides = [1]} : vector<16xi32> to vector<1xi32>
    %squeeze3A_165 = vector.extract %slice3A_164[0] : i32 from vector<1xi32>
    %dma_start3A_166 = arith.constant 0 : i32
    %dma_start3A_167 = arith.constant 0 : i32
    %dma_start3A_168 = arith.constant 0 : i32
    %dma_start3A_169 = tpu.memref_slice %arg6[%dma_start3A_166, %dma_start3A_167, %squeeze3A_165, %dma_start3A_168] : memref<2x16x56x55xf32, #tpu.memory_space<vmem>> -> memref<1x16x55x55xf32, #tpu.memory_space<vmem>>
    %dma_start3A_170 = tpu.memref_squeeze %dma_start3A_169 : memref<1x16x55x55xf32, #tpu.memory_space<vmem>> -> memref<16x55x55xf32, #tpu.memory_space<vmem>>
    %dma_start3A_171 = arith.constant 0 : i32
    %dma_start3A_172 = arith.constant 0 : i32
    %dma_start3A_173 = arith.constant 0 : i32
    %dma_start3A_174 = tpu.memref_slice %arg4[%select_n3A, %dma_start3A_171, %select_n3A_147, %select_n3A_163, %dma_start3A_172, %dma_start3A_173] : memref<2x32x32x4x55x55xf32, #tpu.memory_space<hbm>> -> memref<1x16x1x1x55x55xf32, #tpu.memory_space<hbm>>
    %dma_start3A_175 = tpu.memref_squeeze %dma_start3A_174 : memref<1x16x1x1x55x55xf32, #tpu.memory_space<hbm>> -> memref<16x55x55xf32, #tpu.memory_space<hbm>>
    %dma_start3A_176 = arith.constant 0 : i32
    %dma_start3A_177 = arith.constant 0 : i32
    %dma_start3A_178 = arith.constant 0 : i32
    %dma_start3A_179 = tpu.memref_slice %arg4[%select_n3A, %dma_start3A_176, %select_n3A_147, %select_n3A_163, %dma_start3A_177, %dma_start3A_178] : memref<2x32x32x4x55x55xf32, #tpu.memory_space<hbm>> -> memref<1x16x1x1x55x55xf32, #tpu.memory_space<hbm>>
    %dma_start3A_180 = tpu.memref_squeeze %dma_start3A_179 : memref<1x16x1x1x55x55xf32, #tpu.memory_space<hbm>> -> memref<16x55x55xf32, #tpu.memory_space<hbm>>
    %dma_start3A_181 = arith.constant 0 : i32
    %dma_start3A_182 = arith.constant 0 : i32
    %dma_start3A_183 = tpu.memref_slice %arg6[%dma_start3A_166, %dma_start3A_181, %squeeze3A_165, %dma_start3A_182] : memref<2x16x56x55xf32, #tpu.memory_space<vmem>> -> memref<1x16x55x55xf32, #tpu.memory_space<vmem>>
    %dma_start3A_184 = tpu.memref_squeeze %dma_start3A_183 : memref<1x16x55x55xf32, #tpu.memory_space<vmem>> -> memref<16x55x55xf32, #tpu.memory_space<vmem>>
    tpu.enqueue_dma source(%dma_start3A_184 : memref<16x55x55xf32, #tpu.memory_space<vmem>>) target(%dma_start3A_180 : memref<16x55x55xf32, #tpu.memory_space<hbm>>) target_semaphore(%arg8 : memref<!tpu.dma_semaphore, #tpu.memory_space<semaphore_mem>>)
    %dma_wait3A_185 = arith.constant 0 : i32
    %dma_wait3A_186 = arith.constant 0 : i32
    %dma_wait3A_187 = arith.constant 0 : i32
    %dma_wait3A_188 = tpu.memref_slice %arg6[%dma_wait3A_185, %dma_wait3A_186, %squeeze3A_165, %dma_wait3A_187] : memref<2x16x56x55xf32, #tpu.memory_space<vmem>> -> memref<1x16x55x55xf32, #tpu.memory_space<vmem>>
    %dma_wait3A_189 = tpu.memref_squeeze %dma_wait3A_188 : memref<1x16x55x55xf32, #tpu.memory_space<vmem>> -> memref<16x55x55xf32, #tpu.memory_space<vmem>>
    %dma_wait3A_190 = arith.constant 0 : i32
    %dma_wait3A_191 = arith.constant 0 : i32
    %dma_wait3A_192 = arith.constant 0 : i32
    %dma_wait3A_193 = tpu.memref_slice %arg4[%select_n3A, %dma_wait3A_190, %select_n3A_147, %select_n3A_163, %dma_wait3A_191, %dma_wait3A_192] : memref<2x32x32x4x55x55xf32, #tpu.memory_space<hbm>> -> memref<1x16x1x1x55x55xf32, #tpu.memory_space<hbm>>
    %dma_wait3A_194 = tpu.memref_squeeze %dma_wait3A_193 : memref<1x16x1x1x55x55xf32, #tpu.memory_space<hbm>> -> memref<16x55x55xf32, #tpu.memory_space<hbm>>
    %dma_wait3A_195 = arith.constant 0 : i32
    %dma_wait3A_196 = arith.constant 0 : i32
    %dma_wait3A_197 = arith.constant 0 : i32
    %dma_wait3A_198 = tpu.memref_slice %arg4[%select_n3A, %dma_wait3A_195, %select_n3A_147, %select_n3A_163, %dma_wait3A_196, %dma_wait3A_197] : memref<2x32x32x4x55x55xf32, #tpu.memory_space<hbm>> -> memref<1x16x1x1x55x55xf32, #tpu.memory_space<hbm>>
    %dma_wait3A_199 = tpu.memref_squeeze %dma_wait3A_198 : memref<1x16x1x1x55x55xf32, #tpu.memory_space<hbm>> -> memref<16x55x55xf32, #tpu.memory_space<hbm>>
    %dma_wait3A_200 = arith.constant 0 : i32
    %dma_wait3A_201 = arith.constant 0 : i32
    %dma_wait3A_202 = tpu.memref_slice %arg6[%dma_wait3A_185, %dma_wait3A_200, %squeeze3A_165, %dma_wait3A_201] : memref<2x16x56x55xf32, #tpu.memory_space<vmem>> -> memref<1x16x55x55xf32, #tpu.memory_space<vmem>>
    %dma_wait3A_203 = tpu.memref_squeeze %dma_wait3A_202 : memref<1x16x55x55xf32, #tpu.memory_space<vmem>> -> memref<16x55x55xf32, #tpu.memory_space<vmem>>
    tpu.wait_dma2 semaphore(%arg8 : memref<!tpu.dma_semaphore, #tpu.memory_space<semaphore_mem>>) src(%dma_wait3A_203 : memref<16x55x55xf32, #tpu.memory_space<vmem>>) dst(%dma_wait3A_199 : memref<16x55x55xf32, #tpu.memory_space<hbm>>)
    %mul3A_204 = arith.constant 8 : i32
    %mul3A_205 = arith.muli %add3A, %mul3A_204 : i32
    %add3A_206 = arith.constant 1 : i32
    %add3A_207 = arith.addi %mul3A_205, %add3A_206 : i32
    %mul3A_208 = arith.constant 16 : i32
    %mul3A_209 = arith.muli %add3A_207, %mul3A_208 : i32
    %get3A_210 = arith.index_cast %mul3A_209 : i32 to index
    %get3A_211 = tpu.vector_load %arg5[%get3A_210] {strides = array<i32>} : memref<4096xi32, #tpu.memory_space<vmem>>, vector<16xi32>,
    %get3A_212 = vector.shape_cast %get3A_211 : vector<16xi32> to vector<16xi32>
    %slice3A_213 = vector.extract_strided_slice %get3A_212 {offsets = [2], sizes = [1], strides = [1]} : vector<16xi32> to vector<1xi32>
    %squeeze3A_214 = vector.extract %slice3A_213[0] : i32 from vector<1xi32>
    %slice3A_215 = vector.extract_strided_slice %get3A_212 {offsets = [0], sizes = [1], strides = [1]} : vector<16xi32> to vector<1xi32>
    %squeeze3A_216 = vector.extract %slice3A_215[0] : i32 from vector<1xi32>
    %dma_start3A_217 = arith.constant 0 : i32
    %dma_start3A_218 = arith.constant 0 : i32
    %dma_start3A_219 = arith.constant 0 : i32
    %dma_start3A_220 = arith.constant 0 : i32
    %dma_start3A_221 = tpu.memref_slice %arg6[%dma_start3A_217, %dma_start3A_218, %dma_start3A_219, %dma_start3A_220] : memref<2x16x56x55xf32, #tpu.memory_space<vmem>> -> memref<1x16x56x55xf32, #tpu.memory_space<vmem>>
    %dma_start3A_222 = tpu.memref_squeeze %dma_start3A_221 : memref<1x16x56x55xf32, #tpu.memory_space<vmem>> -> memref<16x56x55xf32, #tpu.memory_space<vmem>>
    %dma_start3A_223 = arith.constant 0 : i32
    %dma_start3A_224 = arith.constant 0 : i32
    %dma_start3A_225 = arith.constant 0 : i32
    %dma_start3A_226 = tpu.memref_slice %arg2[%squeeze3A_214, %dma_start3A_223, %squeeze3A_216, %dma_start3A_224, %dma_start3A_225] : memref<2x32x64x56x55xf32, #tpu.memory_space<hbm>> -> memref<1x16x1x56x55xf32, #tpu.memory_space<hbm>>
    %dma_start3A_227 = tpu.memref_squeeze %dma_start3A_226 : memref<1x16x1x56x55xf32, #tpu.memory_space<hbm>> -> memref<16x56x55xf32, #tpu.memory_space<hbm>>
    %dma_start3A_228 = arith.constant 0 : i32
    %dma_start3A_229 = arith.constant 0 : i32
    %dma_start3A_230 = arith.constant 0 : i32
    %dma_start3A_231 = tpu.memref_slice %arg6[%dma_start3A_217, %dma_start3A_228, %dma_start3A_229, %dma_start3A_230] : memref<2x16x56x55xf32, #tpu.memory_space<vmem>> -> memref<1x16x56x55xf32, #tpu.memory_space<vmem>>
    %dma_start3A_232 = tpu.memref_squeeze %dma_start3A_231 : memref<1x16x56x55xf32, #tpu.memory_space<vmem>> -> memref<16x56x55xf32, #tpu.memory_space<vmem>>
    %dma_start3A_233 = arith.constant 0 : i32
    %dma_start3A_234 = arith.constant 0 : i32
    %dma_start3A_235 = arith.constant 0 : i32
    %dma_start3A_236 = tpu.memref_slice %arg2[%squeeze3A_214, %dma_start3A_233, %squeeze3A_216, %dma_start3A_234, %dma_start3A_235] : memref<2x32x64x56x55xf32, #tpu.memory_space<hbm>> -> memref<1x16x1x56x55xf32, #tpu.memory_space<hbm>>
    %dma_start3A_237 = tpu.memref_squeeze %dma_start3A_236 : memref<1x16x1x56x55xf32, #tpu.memory_space<hbm>> -> memref<16x56x55xf32, #tpu.memory_space<hbm>>
    tpu.enqueue_dma source(%dma_start3A_237 : memref<16x56x55xf32, #tpu.memory_space<hbm>>) target(%dma_start3A_232 : memref<16x56x55xf32, #tpu.memory_space<vmem>>) target_semaphore(%arg7 : memref<!tpu.dma_semaphore, #tpu.memory_space<semaphore_mem>>)
    %dma_wait3A_238 = arith.constant 1 : i32
    %dma_wait3A_239 = arith.constant 0 : i32
    %dma_wait3A_240 = arith.constant 0 : i32
    %dma_wait3A_241 = arith.constant 0 : i32
    %dma_wait3A_242 = tpu.memref_slice %arg6[%dma_wait3A_238, %dma_wait3A_239, %dma_wait3A_240, %dma_wait3A_241] : memref<2x16x56x55xf32, #tpu.memory_space<vmem>> -> memref<1x16x56x55xf32, #tpu.memory_space<vmem>>
    %dma_wait3A_243 = tpu.memref_squeeze %dma_wait3A_242 : memref<1x16x56x55xf32, #tpu.memory_space<vmem>> -> memref<16x56x55xf32, #tpu.memory_space<vmem>>
    %dma_wait3A_244 = arith.constant 16 : i32
    %dma_wait3A_245 = arith.constant 0 : i32
    %dma_wait3A_246 = arith.constant 0 : i32
    %dma_wait3A_247 = tpu.memref_slice %arg2[%squeeze3A_41, %dma_wait3A_244, %squeeze3A_43, %dma_wait3A_245, %dma_wait3A_246] : memref<2x32x64x56x55xf32, #tpu.memory_space<hbm>> -> memref<1x16x1x56x55xf32, #tpu.memory_space<hbm>>
    %dma_wait3A_248 = tpu.memref_squeeze %dma_wait3A_247 : memref<1x16x1x56x55xf32, #tpu.memory_space<hbm>> -> memref<16x56x55xf32, #tpu.memory_space<hbm>>
    %dma_wait3A_249 = arith.constant 0 : i32
    %dma_wait3A_250 = arith.constant 0 : i32
    %dma_wait3A_251 = arith.constant 0 : i32
    %dma_wait3A_252 = tpu.memref_slice %arg6[%dma_wait3A_238, %dma_wait3A_249, %dma_wait3A_250, %dma_wait3A_251] : memref<2x16x56x55xf32, #tpu.memory_space<vmem>> -> memref<1x16x56x55xf32, #tpu.memory_space<vmem>>
    %dma_wait3A_253 = tpu.memref_squeeze %dma_wait3A_252 : memref<1x16x56x55xf32, #tpu.memory_space<vmem>> -> memref<16x56x55xf32, #tpu.memory_space<vmem>>
    %dma_wait3A_254 = arith.constant 16 : i32
    %dma_wait3A_255 = arith.constant 0 : i32
    %dma_wait3A_256 = arith.constant 0 : i32
    %dma_wait3A_257 = tpu.memref_slice %arg2[%squeeze3A_41, %dma_wait3A_254, %squeeze3A_43, %dma_wait3A_255, %dma_wait3A_256] : memref<2x32x64x56x55xf32, #tpu.memory_space<hbm>> -> memref<1x16x1x56x55xf32, #tpu.memory_space<hbm>>
    %dma_wait3A_258 = tpu.memref_squeeze %dma_wait3A_257 : memref<1x16x1x56x55xf32, #tpu.memory_space<hbm>> -> memref<16x56x55xf32, #tpu.memory_space<hbm>>
    tpu.wait_dma2 semaphore(%arg7 : memref<!tpu.dma_semaphore, #tpu.memory_space<semaphore_mem>>) src(%dma_wait3A_258 : memref<16x56x55xf32, #tpu.memory_space<hbm>>) dst(%dma_wait3A_253 : memref<16x56x55xf32, #tpu.memory_space<vmem>>)
    %mul3A_259 = arith.constant 8 : i32
    %mul3A_260 = arith.muli %add3A, %mul3A_259 : i32
    %add3A_261 = arith.constant 0 : i32
    %add3A_262 = arith.addi %mul3A_260, %add3A_261 : i32
    %mul3A_263 = arith.constant 16 : i32
    %mul3A_264 = arith.muli %add3A_262, %mul3A_263 : i32
    %get3A_265 = arith.index_cast %mul3A_264 : i32 to index
    %get3A_266 = tpu.vector_load %arg5[%get3A_265] {strides = array<i32>} : memref<4096xi32, #tpu.memory_space<vmem>>, vector<16xi32>,
    %get3A_267 = vector.shape_cast %get3A_266 : vector<16xi32> to vector<16xi32>
    %jit3A_268 = arith.constant 128 : i32
    %div3A_269 = arith.divsi %add3A_262, %jit3A_268 : i32
    %sign3A_270 = arith.constant 0 : i32
    %sign3A_271 = arith.cmpi sgt, %add3A_262, %sign3A_270 : i32
    %sign3A_272 = arith.extui %sign3A_271 : i1 to i32
    %sign3A_273 = arith.constant 0 : i32
    %sign3A_274 = arith.cmpi slt, %add3A_262, %sign3A_273 : i32
    %sign3A_275 = arith.extui %sign3A_274 : i1 to i32
    %sign3A_276 = arith.subi %sign3A_272, %sign3A_275 : i32
    %sign3A_277 = arith.constant 0 : i32
    %sign3A_278 = arith.cmpi sgt, %jit3A_268, %sign3A_277 : i32
    %sign3A_279 = arith.extui %sign3A_278 : i1 to i32
    %sign3A_280 = arith.constant 0 : i32
    %sign3A_281 = arith.cmpi slt, %jit3A_268, %sign3A_280 : i32
    %sign3A_282 = arith.extui %sign3A_281 : i1 to i32
    %sign3A_283 = arith.subi %sign3A_279, %sign3A_282 : i32
    %ne3A_284 = arith.cmpi ne, %sign3A_276, %sign3A_283 : i32
    %rem3A_285 = arith.remsi %add3A_262, %jit3A_268 : i32
    %ne3A_286 = arith.constant 0 : i32
    %ne3A_287 = arith.cmpi ne, %rem3A_285, %ne3A_286 : i32
    %and3A_288 = arith.andi %ne3A_284, %ne3A_287 : i1
    %sub3A_289 = arith.constant 1 : i32
    %sub3A_290 = arith.subi %div3A_269, %sub3A_289 : i32
    %select_n3A_291 = arith.select %and3A_288, %sub3A_290, %div3A_269 : i32
    %jit3A_292 = arith.constant 4 : i32
    %div3A_293 = arith.divsi %add3A_262, %jit3A_292 : i32
    %sign3A_294 = arith.constant 0 : i32
    %sign3A_295 = arith.cmpi sgt, %add3A_262, %sign3A_294 : i32
    %sign3A_296 = arith.extui %sign3A_295 : i1 to i32
    %sign3A_297 = arith.constant 0 : i32
    %sign3A_298 = arith.cmpi slt, %add3A_262, %sign3A_297 : i32
    %sign3A_299 = arith.extui %sign3A_298 : i1 to i32
    %sign3A_300 = arith.subi %sign3A_296, %sign3A_299 : i32
    %sign3A_301 = arith.constant 0 : i32
    %sign3A_302 = arith.cmpi sgt, %jit3A_292, %sign3A_301 : i32
    %sign3A_303 = arith.extui %sign3A_302 : i1 to i32
    %sign3A_304 = arith.constant 0 : i32
    %sign3A_305 = arith.cmpi slt, %jit3A_292, %sign3A_304 : i32
    %sign3A_306 = arith.extui %sign3A_305 : i1 to i32
    %sign3A_307 = arith.subi %sign3A_303, %sign3A_306 : i32
    %ne3A_308 = arith.cmpi ne, %sign3A_300, %sign3A_307 : i32
    %rem3A_309 = arith.remsi %add3A_262, %jit3A_292 : i32
    %ne3A_310 = arith.constant 0 : i32
    %ne3A_311 = arith.cmpi ne, %rem3A_309, %ne3A_310 : i32
    %and3A_312 = arith.andi %ne3A_308, %ne3A_311 : i1
    %sub3A_313 = arith.constant 1 : i32
    %sub3A_314 = arith.subi %div3A_293, %sub3A_313 : i32
    %select_n3A_315 = arith.select %and3A_312, %sub3A_314, %div3A_293 : i32
    %jit3A_316 = arith.constant 32 : i32
    %eq3A_317 = arith.constant 0 : i32
    %eq3A_318 = arith.cmpi eq, %jit3A_316, %eq3A_317 : i32
    %jit3A_319 = arith.constant 1 : i32
    %select_n3A_320 = arith.select %eq3A_318, %jit3A_319, %jit3A_316 : i32
    %rem3A_321 = arith.remsi %select_n3A_315, %select_n3A_320 : i32
    %ne3A_322 = arith.constant 0 : i32
    %ne3A_323 = arith.cmpi ne, %rem3A_321, %ne3A_322 : i32
    %lt3A_324 = arith.constant 0 : i32
    %lt3A_325 = arith.cmpi slt, %rem3A_321, %lt3A_324 : i32
    %lt3A_326 = arith.constant 0 : i32
    %lt3A_327 = arith.cmpi slt, %select_n3A_320, %lt3A_326 : i32
    %ne3A_328 = arith.xori %lt3A_325, %lt3A_327 : i1
    %and3A_329 = arith.andi %ne3A_328, %ne3A_323 : i1
    %add3A_330 = arith.addi %rem3A_321, %select_n3A_320 : i32
    %select_n3A_331 = arith.select %and3A_329, %add3A_330, %rem3A_321 : i32
    %jit3A_332 = arith.constant 4 : i32
    %eq3A_333 = arith.constant 0 : i32
    %eq3A_334 = arith.cmpi eq, %jit3A_332, %eq3A_333 : i32
    %jit3A_335 = arith.constant 1 : i32
    %select_n3A_336 = arith.select %eq3A_334, %jit3A_335, %jit3A_332 : i32
    %rem3A_337 = arith.remsi %add3A_262, %select_n3A_336 : i32
    %ne3A_338 = arith.constant 0 : i32
    %ne3A_339 = arith.cmpi ne, %rem3A_337, %ne3A_338 : i32
    %lt3A_340 = arith.constant 0 : i32
    %lt3A_341 = arith.cmpi slt, %rem3A_337, %lt3A_340 : i32
    %lt3A_342 = arith.constant 0 : i32
    %lt3A_343 = arith.cmpi slt, %select_n3A_336, %lt3A_342 : i32
    %ne3A_344 = arith.xori %lt3A_341, %lt3A_343 : i1
    %and3A_345 = arith.andi %ne3A_344, %ne3A_339 : i1
    %add3A_346 = arith.addi %rem3A_337, %select_n3A_336 : i32
    %select_n3A_347 = arith.select %and3A_345, %add3A_346, %rem3A_337 : i32
    %slice3A_348 = vector.extract_strided_slice %get3A_267 {offsets = [1], sizes = [1], strides = [1]} : vector<16xi32> to vector<1xi32>
    %squeeze3A_349 = vector.extract %slice3A_348[0] : i32 from vector<1xi32>
    %dma_start3A_350 = arith.constant 1 : i32
    %dma_start3A_351 = arith.constant 0 : i32
    %dma_start3A_352 = arith.constant 0 : i32
    %dma_start3A_353 = tpu.memref_slice %arg6[%dma_start3A_350, %dma_start3A_351, %squeeze3A_349, %dma_start3A_352] : memref<2x16x56x55xf32, #tpu.memory_space<vmem>> -> memref<1x16x55x55xf32, #tpu.memory_space<vmem>>
    %dma_start3A_354 = tpu.memref_squeeze %dma_start3A_353 : memref<1x16x55x55xf32, #tpu.memory_space<vmem>> -> memref<16x55x55xf32, #tpu.memory_space<vmem>>
    %dma_start3A_355 = arith.constant 16 : i32
    %dma_start3A_356 = arith.constant 0 : i32
    %dma_start3A_357 = arith.constant 0 : i32
    %dma_start3A_358 = tpu.memref_slice %arg4[%select_n3A_291, %dma_start3A_355, %select_n3A_331, %select_n3A_347, %dma_start3A_356, %dma_start3A_357] : memref<2x32x32x4x55x55xf32, #tpu.memory_space<hbm>> -> memref<1x16x1x1x55x55xf32, #tpu.memory_space<hbm>>
    %dma_start3A_359 = tpu.memref_squeeze %dma_start3A_358 : memref<1x16x1x1x55x55xf32, #tpu.memory_space<hbm>> -> memref<16x55x55xf32, #tpu.memory_space<hbm>>
    %dma_start3A_360 = arith.constant 16 : i32
    %dma_start3A_361 = arith.constant 0 : i32
    %dma_start3A_362 = arith.constant 0 : i32
    %dma_start3A_363 = tpu.memref_slice %arg4[%select_n3A_291, %dma_start3A_360, %select_n3A_331, %select_n3A_347, %dma_start3A_361, %dma_start3A_362] : memref<2x32x32x4x55x55xf32, #tpu.memory_space<hbm>> -> memref<1x16x1x1x55x55xf32, #tpu.memory_space<hbm>>
    %dma_start3A_364 = tpu.memref_squeeze %dma_start3A_363 : memref<1x16x1x1x55x55xf32, #tpu.memory_space<hbm>> -> memref<16x55x55xf32, #tpu.memory_space<hbm>>
    %dma_start3A_365 = arith.constant 0 : i32
    %dma_start3A_366 = arith.constant 0 : i32
    %dma_start3A_367 = tpu.memref_slice %arg6[%dma_start3A_350, %dma_start3A_365, %squeeze3A_349, %dma_start3A_366] : memref<2x16x56x55xf32, #tpu.memory_space<vmem>> -> memref<1x16x55x55xf32, #tpu.memory_space<vmem>>
    %dma_start3A_368 = tpu.memref_squeeze %dma_start3A_367 : memref<1x16x55x55xf32, #tpu.memory_space<vmem>> -> memref<16x55x55xf32, #tpu.memory_space<vmem>>
    tpu.enqueue_dma source(%dma_start3A_368 : memref<16x55x55xf32, #tpu.memory_space<vmem>>) target(%dma_start3A_364 : memref<16x55x55xf32, #tpu.memory_space<hbm>>) target_semaphore(%arg8 : memref<!tpu.dma_semaphore, #tpu.memory_space<semaphore_mem>>)
    %dma_wait3A_369 = arith.constant 1 : i32
    %dma_wait3A_370 = arith.constant 0 : i32
    %dma_wait3A_371 = arith.constant 0 : i32
    %dma_wait3A_372 = tpu.memref_slice %arg6[%dma_wait3A_369, %dma_wait3A_370, %squeeze3A_349, %dma_wait3A_371] : memref<2x16x56x55xf32, #tpu.memory_space<vmem>> -> memref<1x16x55x55xf32, #tpu.memory_space<vmem>>
    %dma_wait3A_373 = tpu.memref_squeeze %dma_wait3A_372 : memref<1x16x55x55xf32, #tpu.memory_space<vmem>> -> memref<16x55x55xf32, #tpu.memory_space<vmem>>
    %dma_wait3A_374 = arith.constant 16 : i32
    %dma_wait3A_375 = arith.constant 0 : i32
    %dma_wait3A_376 = arith.constant 0 : i32
    %dma_wait3A_377 = tpu.memref_slice %arg4[%select_n3A_291, %dma_wait3A_374, %select_n3A_331, %select_n3A_347, %dma_wait3A_375, %dma_wait3A_376] : memref<2x32x32x4x55x55xf32, #tpu.memory_space<hbm>> -> memref<1x16x1x1x55x55xf32, #tpu.memory_space<hbm>>
    %dma_wait3A_378 = tpu.memref_squeeze %dma_wait3A_377 : memref<1x16x1x1x55x55xf32, #tpu.memory_space<hbm>> -> memref<16x55x55xf32, #tpu.memory_space<hbm>>
    %dma_wait3A_379 = arith.constant 16 : i32
    %dma_wait3A_380 = arith.constant 0 : i32
    %dma_wait3A_381 = arith.constant 0 : i32
    %dma_wait3A_382 = tpu.memref_slice %arg4[%select_n3A_291, %dma_wait3A_379, %select_n3A_331, %select_n3A_347, %dma_wait3A_380, %dma_wait3A_381] : memref<2x32x32x4x55x55xf32, #tpu.memory_space<hbm>> -> memref<1x16x1x1x55x55xf32, #tpu.memory_space<hbm>>
    %dma_wait3A_383 = tpu.memref_squeeze %dma_wait3A_382 : memref<1x16x1x1x55x55xf32, #tpu.memory_space<hbm>> -> memref<16x55x55xf32, #tpu.memory_space<hbm>>
    %dma_wait3A_384 = arith.constant 0 : i32
    %dma_wait3A_385 = arith.constant 0 : i32
    %dma_wait3A_386 = tpu.memref_slice %arg6[%dma_wait3A_369, %dma_wait3A_384, %squeeze3A_349, %dma_wait3A_385] : memref<2x16x56x55xf32, #tpu.memory_space<vmem>> -> memref<1x16x55x55xf32, #tpu.memory_space<vmem>>
    %dma_wait3A_387 = tpu.memref_squeeze %dma_wait3A_386 : memref<1x16x55x55xf32, #tpu.memory_space<vmem>> -> memref<16x55x55xf32, #tpu.memory_space<vmem>>
    tpu.wait_dma2 semaphore(%arg8 : memref<!tpu.dma_semaphore, #tpu.memory_space<semaphore_mem>>) src(%dma_wait3A_387 : memref<16x55x55xf32, #tpu.memory_space<vmem>>) dst(%dma_wait3A_383 : memref<16x55x55xf32, #tpu.memory_space<hbm>>)
    %mul3A_388 = arith.constant 8 : i32
    %mul3A_389 = arith.muli %add3A, %mul3A_388 : i32
    %add3A_390 = arith.constant 1 : i32
    %add3A_391 = arith.addi %mul3A_389, %add3A_390 : i32
    %mul3A_392 = arith.constant 16 : i32
    %mul3A_393 = arith.muli %add3A_391, %mul3A_392 : i32
    %get3A_394 = arith.index_cast %mul3A_393 : i32 to index
    %get3A_395 = tpu.vector_load %arg5[%get3A_394] {strides = array<i32>} : memref<4096xi32, #tpu.memory_space<vmem>>, vector<16xi32>,
    %get3A_396 = vector.shape_cast %get3A_395 : vector<16xi32> to vector<16xi32>
    %slice3A_397 = vector.extract_strided_slice %get3A_396 {offsets = [2], sizes = [1], strides = [1]} : vector<16xi32> to vector<1xi32>
    %squeeze3A_398 = vector.extract %slice3A_397[0] : i32 from vector<1xi32>
    %slice3A_399 = vector.extract_strided_slice %get3A_396 {offsets = [0], sizes = [1], strides = [1]} : vector<16xi32> to vector<1xi32>
    %squeeze3A_400 = vector.extract %slice3A_399[0] : i32 from vector<1xi32>
    %dma_start3A_401 = arith.constant 1 : i32
    %dma_start3A_402 = arith.constant 0 : i32
    %dma_start3A_403 = arith.constant 0 : i32
    %dma_start3A_404 = arith.constant 0 : i32
    %dma_start3A_405 = tpu.memref_slice %arg6[%dma_start3A_401, %dma_start3A_402, %dma_start3A_403, %dma_start3A_404] : memref<2x16x56x55xf32, #tpu.memory_space<vmem>> -> memref<1x16x56x55xf32, #tpu.memory_space<vmem>>
    %dma_start3A_406 = tpu.memref_squeeze %dma_start3A_405 : memref<1x16x56x55xf32, #tpu.memory_space<vmem>> -> memref<16x56x55xf32, #tpu.memory_space<vmem>>
    %dma_start3A_407 = arith.constant 16 : i32
    %dma_start3A_408 = arith.constant 0 : i32
    %dma_start3A_409 = arith.constant 0 : i32
    %dma_start3A_410 = tpu.memref_slice %arg2[%squeeze3A_398, %dma_start3A_407, %squeeze3A_400, %dma_start3A_408, %dma_start3A_409] : memref<2x32x64x56x55xf32, #tpu.memory_space<hbm>> -> memref<1x16x1x56x55xf32, #tpu.memory_space<hbm>>
    %dma_start3A_411 = tpu.memref_squeeze %dma_start3A_410 : memref<1x16x1x56x55xf32, #tpu.memory_space<hbm>> -> memref<16x56x55xf32, #tpu.memory_space<hbm>>
    %dma_start3A_412 = arith.constant 0 : i32
    %dma_start3A_413 = arith.constant 0 : i32
    %dma_start3A_414 = arith.constant 0 : i32
    %dma_start3A_415 = tpu.memref_slice %arg6[%dma_start3A_401, %dma_start3A_412, %dma_start3A_413, %dma_start3A_414] : memref<2x16x56x55xf32, #tpu.memory_space<vmem>> -> memref<1x16x56x55xf32, #tpu.memory_space<vmem>>
    %dma_start3A_416 = tpu.memref_squeeze %dma_start3A_415 : memref<1x16x56x55xf32, #tpu.memory_space<vmem>> -> memref<16x56x55xf32, #tpu.memory_space<vmem>>
    %dma_start3A_417 = arith.constant 16 : i32
    %dma_start3A_418 = arith.constant 0 : i32
    %dma_start3A_419 = arith.constant 0 : i32
    %dma_start3A_420 = tpu.memref_slice %arg2[%squeeze3A_398, %dma_start3A_417, %squeeze3A_400, %dma_start3A_418, %dma_start3A_419] : memref<2x32x64x56x55xf32, #tpu.memory_space<hbm>> -> memref<1x16x1x56x55xf32, #tpu.memory_space<hbm>>
    %dma_start3A_421 = tpu.memref_squeeze %dma_start3A_420 : memref<1x16x1x56x55xf32, #tpu.memory_space<hbm>> -> memref<16x56x55xf32, #tpu.memory_space<hbm>>
    tpu.enqueue_dma source(%dma_start3A_421 : memref<16x56x55xf32, #tpu.memory_space<hbm>>) target(%dma_start3A_416 : memref<16x56x55xf32, #tpu.memory_space<vmem>>) target_semaphore(%arg7 : memref<!tpu.dma_semaphore, #tpu.memory_space<semaphore_mem>>)
    %dma_wait3A_422 = arith.constant 0 : i32
    %dma_wait3A_423 = arith.constant 0 : i32
    %dma_wait3A_424 = arith.constant 0 : i32
    %dma_wait3A_425 = arith.constant 0 : i32
    %dma_wait3A_426 = tpu.memref_slice %arg6[%dma_wait3A_422, %dma_wait3A_423, %dma_wait3A_424, %dma_wait3A_425] : memref<2x16x56x55xf32, #tpu.memory_space<vmem>> -> memref<1x16x56x55xf32, #tpu.memory_space<vmem>>
    %dma_wait3A_427 = tpu.memref_squeeze %dma_wait3A_426 : memref<1x16x56x55xf32, #tpu.memory_space<vmem>> -> memref<16x56x55xf32, #tpu.memory_space<vmem>>
    %dma_wait3A_428 = arith.constant 0 : i32
    %dma_wait3A_429 = arith.constant 0 : i32
    %dma_wait3A_430 = arith.constant 0 : i32
    %dma_wait3A_431 = tpu.memref_slice %arg2[%squeeze3A_214, %dma_wait3A_428, %squeeze3A_216, %dma_wait3A_429, %dma_wait3A_430] : memref<2x32x64x56x55xf32, #tpu.memory_space<hbm>> -> memref<1x16x1x56x55xf32, #tpu.memory_space<hbm>>
    %dma_wait3A_432 = tpu.memref_squeeze %dma_wait3A_431 : memref<1x16x1x56x55xf32, #tpu.memory_space<hbm>> -> memref<16x56x55xf32, #tpu.memory_space<hbm>>
    %dma_wait3A_433 = arith.constant 0 : i32
    %dma_wait3A_434 = arith.constant 0 : i32
    %dma_wait3A_435 = arith.constant 0 : i32
    %dma_wait3A_436 = tpu.memref_slice %arg6[%dma_wait3A_422, %dma_wait3A_433, %dma_wait3A_434, %dma_wait3A_435] : memref<2x16x56x55xf32, #tpu.memory_space<vmem>> -> memref<1x16x56x55xf32, #tpu.memory_space<vmem>>
    %dma_wait3A_437 = tpu.memref_squeeze %dma_wait3A_436 : memref<1x16x56x55xf32, #tpu.memory_space<vmem>> -> memref<16x56x55xf32, #tpu.memory_space<vmem>>
    %dma_wait3A_438 = arith.constant 0 : i32
    %dma_wait3A_439 = arith.constant 0 : i32
    %dma_wait3A_440 = arith.constant 0 : i32
    %dma_wait3A_441 = tpu.memref_slice %arg2[%squeeze3A_214, %dma_wait3A_438, %squeeze3A_216, %dma_wait3A_439, %dma_wait3A_440] : memref<2x32x64x56x55xf32, #tpu.memory_space<hbm>> -> memref<1x16x1x56x55xf32, #tpu.memory_space<hbm>>
    %dma_wait3A_442 = tpu.memref_squeeze %dma_wait3A_441 : memref<1x16x1x56x55xf32, #tpu.memory_space<hbm>> -> memref<16x56x55xf32, #tpu.memory_space<hbm>>
    tpu.wait_dma2 semaphore(%arg7 : memref<!tpu.dma_semaphore, #tpu.memory_space<semaphore_mem>>) src(%dma_wait3A_442 : memref<16x56x55xf32, #tpu.memory_space<hbm>>) dst(%dma_wait3A_437 : memref<16x56x55xf32, #tpu.memory_space<vmem>>)
    %mul3A_443 = arith.constant 8 : i32
    %mul3A_444 = arith.muli %add3A, %mul3A_443 : i32
    %add3A_445 = arith.constant 1 : i32
    %add3A_446 = arith.addi %mul3A_444, %add3A_445 : i32
    %mul3A_447 = arith.constant 16 : i32
    %mul3A_448 = arith.muli %add3A_446, %mul3A_447 : i32
    %get3A_449 = arith.index_cast %mul3A_448 : i32 to index
    %get3A_450 = tpu.vector_load %arg5[%get3A_449] {strides = array<i32>} : memref<4096xi32, #tpu.memory_space<vmem>>, vector<16xi32>,
    %get3A_451 = vector.shape_cast %get3A_450 : vector<16xi32> to vector<16xi32>
    %jit3A_452 = arith.constant 128 : i32
    %div3A_453 = arith.divsi %add3A_446, %jit3A_452 : i32
    %sign3A_454 = arith.constant 0 : i32
    %sign3A_455 = arith.cmpi sgt, %add3A_446, %sign3A_454 : i32
    %sign3A_456 = arith.extui %sign3A_455 : i1 to i32
    %sign3A_457 = arith.constant 0 : i32
    %sign3A_458 = arith.cmpi slt, %add3A_446, %sign3A_457 : i32
    %sign3A_459 = arith.extui %sign3A_458 : i1 to i32
    %sign3A_460 = arith.subi %sign3A_456, %sign3A_459 : i32
    %sign3A_461 = arith.constant 0 : i32
    %sign3A_462 = arith.cmpi sgt, %jit3A_452, %sign3A_461 : i32
    %sign3A_463 = arith.extui %sign3A_462 : i1 to i32
    %sign3A_464 = arith.constant 0 : i32
    %sign3A_465 = arith.cmpi slt, %jit3A_452, %sign3A_464 : i32
    %sign3A_466 = arith.extui %sign3A_465 : i1 to i32
    %sign3A_467 = arith.subi %sign3A_463, %sign3A_466 : i32
    %ne3A_468 = arith.cmpi ne, %sign3A_460, %sign3A_467 : i32
    %rem3A_469 = arith.remsi %add3A_446, %jit3A_452 : i32
    %ne3A_470 = arith.constant 0 : i32
    %ne3A_471 = arith.cmpi ne, %rem3A_469, %ne3A_470 : i32
    %and3A_472 = arith.andi %ne3A_468, %ne3A_471 : i1
    %sub3A_473 = arith.constant 1 : i32
    %sub3A_474 = arith.subi %div3A_453, %sub3A_473 : i32
    %select_n3A_475 = arith.select %and3A_472, %sub3A_474, %div3A_453 : i32
    %jit3A_476 = arith.constant 4 : i32
    %div3A_477 = arith.divsi %add3A_446, %jit3A_476 : i32
    %sign3A_478 = arith.constant 0 : i32
    %sign3A_479 = arith.cmpi sgt, %add3A_446, %sign3A_478 : i32
    %sign3A_480 = arith.extui %sign3A_479 : i1 to i32
    %sign3A_481 = arith.constant 0 : i32
    %sign3A_482 = arith.cmpi slt, %add3A_446, %sign3A_481 : i32
    %sign3A_483 = arith.extui %sign3A_482 : i1 to i32
    %sign3A_484 = arith.subi %sign3A_480, %sign3A_483 : i32
    %sign3A_485 = arith.constant 0 : i32
    %sign3A_486 = arith.cmpi sgt, %jit3A_476, %sign3A_485 : i32
    %sign3A_487 = arith.extui %sign3A_486 : i1 to i32
    %sign3A_488 = arith.constant 0 : i32
    %sign3A_489 = arith.cmpi slt, %jit3A_476, %sign3A_488 : i32
    %sign3A_490 = arith.extui %sign3A_489 : i1 to i32
    %sign3A_491 = arith.subi %sign3A_487, %sign3A_490 : i32
    %ne3A_492 = arith.cmpi ne, %sign3A_484, %sign3A_491 : i32
    %rem3A_493 = arith.remsi %add3A_446, %jit3A_476 : i32
    %ne3A_494 = arith.constant 0 : i32
    %ne3A_495 = arith.cmpi ne, %rem3A_493, %ne3A_494 : i32
    %and3A_496 = arith.andi %ne3A_492, %ne3A_495 : i1
    %sub3A_497 = arith.constant 1 : i32
    %sub3A_498 = arith.subi %div3A_477, %sub3A_497 : i32
    %select_n3A_499 = arith.select %and3A_496, %sub3A_498, %div3A_477 : i32
    %jit3A_500 = arith.constant 32 : i32
    %eq3A_501 = arith.constant 0 : i32
    %eq3A_502 = arith.cmpi eq, %jit3A_500, %eq3A_501 : i32
    %jit3A_503 = arith.constant 1 : i32
    %select_n3A_504 = arith.select %eq3A_502, %jit3A_503, %jit3A_500 : i32
    %rem3A_505 = arith.remsi %select_n3A_499, %select_n3A_504 : i32
    %ne3A_506 = arith.constant 0 : i32
    %ne3A_507 = arith.cmpi ne, %rem3A_505, %ne3A_506 : i32
    %lt3A_508 = arith.constant 0 : i32
    %lt3A_509 = arith.cmpi slt, %rem3A_505, %lt3A_508 : i32
    %lt3A_510 = arith.constant 0 : i32
    %lt3A_511 = arith.cmpi slt, %select_n3A_504, %lt3A_510 : i32
    %ne3A_512 = arith.xori %lt3A_509, %lt3A_511 : i1
    %and3A_513 = arith.andi %ne3A_512, %ne3A_507 : i1
    %add3A_514 = arith.addi %rem3A_505, %select_n3A_504 : i32
    %select_n3A_515 = arith.select %and3A_513, %add3A_514, %rem3A_505 : i32
    %jit3A_516 = arith.constant 4 : i32
    %eq3A_517 = arith.constant 0 : i32
    %eq3A_518 = arith.cmpi eq, %jit3A_516, %eq3A_517 : i32
    %jit3A_519 = arith.constant 1 : i32
    %select_n3A_520 = arith.select %eq3A_518, %jit3A_519, %jit3A_516 : i32
    %rem3A_521 = arith.remsi %add3A_446, %select_n3A_520 : i32
    %ne3A_522 = arith.constant 0 : i32
    %ne3A_523 = arith.cmpi ne, %rem3A_521, %ne3A_522 : i32
    %lt3A_524 = arith.constant 0 : i32
    %lt3A_525 = arith.cmpi slt, %rem3A_521, %lt3A_524 : i32
    %lt3A_526 = arith.constant 0 : i32
    %lt3A_527 = arith.cmpi slt, %select_n3A_520, %lt3A_526 : i32
    %ne3A_528 = arith.xori %lt3A_525, %lt3A_527 : i1
    %and3A_529 = arith.andi %ne3A_528, %ne3A_523 : i1
    %add3A_530 = arith.addi %rem3A_521, %select_n3A_520 : i32
    %select_n3A_531 = arith.select %and3A_529, %add3A_530, %rem3A_521 : i32
    %slice3A_532 = vector.extract_strided_slice %get3A_451 {offsets = [1], sizes = [1], strides = [1]} : vector<16xi32> to vector<1xi32>
    %squeeze3A_533 = vector.extract %slice3A_532[0] : i32 from vector<1xi32>
    %dma_start3A_534 = arith.constant 0 : i32
    %dma_start3A_535 = arith.constant 0 : i32
    %dma_start3A_536 = arith.constant 0 : i32
    %dma_start3A_537 = tpu.memref_slice %arg6[%dma_start3A_534, %dma_start3A_535, %squeeze3A_533, %dma_start3A_536] : memref<2x16x56x55xf32, #tpu.memory_space<vmem>> -> memref<1x16x55x55xf32, #tpu.memory_space<vmem>>
    %dma_start3A_538 = tpu.memref_squeeze %dma_start3A_537 : memref<1x16x55x55xf32, #tpu.memory_space<vmem>> -> memref<16x55x55xf32, #tpu.memory_space<vmem>>
    %dma_start3A_539 = arith.constant 0 : i32
    %dma_start3A_540 = arith.constant 0 : i32
    %dma_start3A_541 = arith.constant 0 : i32
    %dma_start3A_542 = tpu.memref_slice %arg4[%select_n3A_475, %dma_start3A_539, %select_n3A_515, %select_n3A_531, %dma_start3A_540, %dma_start3A_541] : memref<2x32x32x4x55x55xf32, #tpu.memory_space<hbm>> -> memref<1x16x1x1x55x55xf32, #tpu.memory_space<hbm>>
    %dma_start3A_543 = tpu.memref_squeeze %dma_start3A_542 : memref<1x16x1x1x55x55xf32, #tpu.memory_space<hbm>> -> memref<16x55x55xf32, #tpu.memory_space<hbm>>
    %dma_start3A_544 = arith.constant 0 : i32
    %dma_start3A_545 = arith.constant 0 : i32
    %dma_start3A_546 = arith.constant 0 : i32
    %dma_start3A_547 = tpu.memref_slice %arg4[%select_n3A_475, %dma_start3A_544, %select_n3A_515, %select_n3A_531, %dma_start3A_545, %dma_start3A_546] : memref<2x32x32x4x55x55xf32, #tpu.memory_space<hbm>> -> memref<1x16x1x1x55x55xf32, #tpu.memory_space<hbm>>
    %dma_start3A_548 = tpu.memref_squeeze %dma_start3A_547 : memref<1x16x1x1x55x55xf32, #tpu.memory_space<hbm>> -> memref<16x55x55xf32, #tpu.memory_space<hbm>>
    %dma_start3A_549 = arith.constant 0 : i32
    %dma_start3A_550 = arith.constant 0 : i32
    %dma_start3A_551 = tpu.memref_slice %arg6[%dma_start3A_534, %dma_start3A_549, %squeeze3A_533, %dma_start3A_550] : memref<2x16x56x55xf32, #tpu.memory_space<vmem>> -> memref<1x16x55x55xf32, #tpu.memory_space<vmem>>
    %dma_start3A_552 = tpu.memref_squeeze %dma_start3A_551 : memref<1x16x55x55xf32, #tpu.memory_space<vmem>> -> memref<16x55x55xf32, #tpu.memory_space<vmem>>
    tpu.enqueue_dma source(%dma_start3A_552 : memref<16x55x55xf32, #tpu.memory_space<vmem>>) target(%dma_start3A_548 : memref<16x55x55xf32, #tpu.memory_space<hbm>>) target_semaphore(%arg8 : memref<!tpu.dma_semaphore, #tpu.memory_space<semaphore_mem>>)
    %dma_wait3A_553 = arith.constant 0 : i32
    %dma_wait3A_554 = arith.constant 0 : i32
    %dma_wait3A_555 = arith.constant 0 : i32
    %dma_wait3A_556 = tpu.memref_slice %arg6[%dma_wait3A_553, %dma_wait3A_554, %squeeze3A_533, %dma_wait3A_555] : memref<2x16x56x55xf32, #tpu.memory_space<vmem>> -> memref<1x16x55x55xf32, #tpu.memory_space<vmem>>
    %dma_wait3A_557 = tpu.memref_squeeze %dma_wait3A_556 : memref<1x16x55x55xf32, #tpu.memory_space<vmem>> -> memref<16x55x55xf32, #tpu.memory_space<vmem>>
    %dma_wait3A_558 = arith.constant 0 : i32
    %dma_wait3A_559 = arith.constant 0 : i32
    %dma_wait3A_560 = arith.constant 0 : i32
    %dma_wait3A_561 = tpu.memref_slice %arg4[%select_n3A_475, %dma_wait3A_558, %select_n3A_515, %select_n3A_531, %dma_wait3A_559, %dma_wait3A_560] : memref<2x32x32x4x55x55xf32, #tpu.memory_space<hbm>> -> memref<1x16x1x1x55x55xf32, #tpu.memory_space<hbm>>
    %dma_wait3A_562 = tpu.memref_squeeze %dma_wait3A_561 : memref<1x16x1x1x55x55xf32, #tpu.memory_space<hbm>> -> memref<16x55x55xf32, #tpu.memory_space<hbm>>
    %dma_wait3A_563 = arith.constant 0 : i32
    %dma_wait3A_564 = arith.constant 0 : i32
    %dma_wait3A_565 = arith.constant 0 : i32
    %dma_wait3A_566 = tpu.memref_slice %arg4[%select_n3A_475, %dma_wait3A_563, %select_n3A_515, %select_n3A_531, %dma_wait3A_564, %dma_wait3A_565] : memref<2x32x32x4x55x55xf32, #tpu.memory_space<hbm>> -> memref<1x16x1x1x55x55xf32, #tpu.memory_space<hbm>>
    %dma_wait3A_567 = tpu.memref_squeeze %dma_wait3A_566 : memref<1x16x1x1x55x55xf32, #tpu.memory_space<hbm>> -> memref<16x55x55xf32, #tpu.memory_space<hbm>>
    %dma_wait3A_568 = arith.constant 0 : i32
    %dma_wait3A_569 = arith.constant 0 : i32
    %dma_wait3A_570 = tpu.memref_slice %arg6[%dma_wait3A_553, %dma_wait3A_568, %squeeze3A_533, %dma_wait3A_569] : memref<2x16x56x55xf32, #tpu.memory_space<vmem>> -> memref<1x16x55x55xf32, #tpu.memory_space<vmem>>
    %dma_wait3A_571 = tpu.memref_squeeze %dma_wait3A_570 : memref<1x16x55x55xf32, #tpu.memory_space<vmem>> -> memref<16x55x55xf32, #tpu.memory_space<vmem>>
    tpu.wait_dma2 semaphore(%arg8 : memref<!tpu.dma_semaphore, #tpu.memory_space<semaphore_mem>>) src(%dma_wait3A_571 : memref<16x55x55xf32, #tpu.memory_space<vmem>>) dst(%dma_wait3A_567 : memref<16x55x55xf32, #tpu.memory_space<hbm>>)
    %mul3A_572 = arith.constant 8 : i32
    %mul3A_573 = arith.muli %add3A, %mul3A_572 : i32
    %add3A_574 = arith.constant 2 : i32
    %add3A_575 = arith.addi %mul3A_573, %add3A_574 : i32
    %mul3A_576 = arith.constant 16 : i32
    %mul3A_577 = arith.muli %add3A_575, %mul3A_576 : i32
    %get3A_578 = arith.index_cast %mul3A_577 : i32 to index
    %get3A_579 = tpu.vector_load %arg5[%get3A_578] {strides = array<i32>} : memref<4096xi32, #tpu.memory_space<vmem>>, vector<16xi32>,
    %get3A_580 = vector.shape_cast %get3A_579 : vector<16xi32> to vector<16xi32>
    %slice3A_581 = vector.extract_strided_slice %get3A_580 {offsets = [2], sizes = [1], strides = [1]} : vector<16xi32> to vector<1xi32>
    %squeeze3A_582 = vector.extract %slice3A_581[0] : i32 from vector<1xi32>
    %slice3A_583 = vector.extract_strided_slice %get3A_580 {offsets = [0], sizes = [1], strides = [1]} : vector<16xi32> to vector<1xi32>
    %squeeze3A_584 = vector.extract %slice3A_583[0] : i32 from vector<1xi32>
    %dma_start3A_585 = arith.constant 0 : i32
    %dma_start3A_586 = arith.constant 0 : i32
    %dma_start3A_587 = arith.constant 0 : i32
    %dma_start3A_588 = arith.constant 0 : i32
    %dma_start3A_589 = tpu.memref_slice %arg6[%dma_start3A_585, %dma_start3A_586, %dma_start3A_587, %dma_start3A_588] : memref<2x16x56x55xf32, #tpu.memory_space<vmem>> -> memref<1x16x56x55xf32, #tpu.memory_space<vmem>>
    %dma_start3A_590 = tpu.memref_squeeze %dma_start3A_589 : memref<1x16x56x55xf32, #tpu.memory_space<vmem>> -> memref<16x56x55xf32, #tpu.memory_space<vmem>>
    %dma_start3A_591 = arith.constant 0 : i32
    %dma_start3A_592 = arith.constant 0 : i32
    %dma_start3A_593 = arith.constant 0 : i32
    %dma_start3A_594 = tpu.memref_slice %arg2[%squeeze3A_582, %dma_start3A_591, %squeeze3A_584, %dma_start3A_592, %dma_start3A_593] : memref<2x32x64x56x55xf32, #tpu.memory_space<hbm>> -> memref<1x16x1x56x55xf32, #tpu.memory_space<hbm>>
    %dma_start3A_595 = tpu.memref_squeeze %dma_start3A_594 : memref<1x16x1x56x55xf32, #tpu.memory_space<hbm>> -> memref<16x56x55xf32, #tpu.memory_space<hbm>>
    %dma_start3A_596 = arith.constant 0 : i32
    %dma_start3A_597 = arith.constant 0 : i32
    %dma_start3A_598 = arith.constant 0 : i32
    %dma_start3A_599 = tpu.memref_slice %arg6[%dma_start3A_585, %dma_start3A_596, %dma_start3A_597, %dma_start3A_598] : memref<2x16x56x55xf32, #tpu.memory_space<vmem>> -> memref<1x16x56x55xf32, #tpu.memory_space<vmem>>
    %dma_start3A_600 = tpu.memref_squeeze %dma_start3A_599 : memref<1x16x56x55xf32, #tpu.memory_space<vmem>> -> memref<16x56x55xf32, #tpu.memory_space<vmem>>
    %dma_start3A_601 = arith.constant 0 : i32
    %dma_start3A_602 = arith.constant 0 : i32
    %dma_start3A_603 = arith.constant 0 : i32
    %dma_start3A_604 = tpu.memref_slice %arg2[%squeeze3A_582, %dma_start3A_601, %squeeze3A_584, %dma_start3A_602, %dma_start3A_603] : memref<2x32x64x56x55xf32, #tpu.memory_space<hbm>> -> memref<1x16x1x56x55xf32, #tpu.memory_space<hbm>>
    %dma_start3A_605 = tpu.memref_squeeze %dma_start3A_604 : memref<1x16x1x56x55xf32, #tpu.memory_space<hbm>> -> memref<16x56x55xf32, #tpu.memory_space<hbm>>
    tpu.enqueue_dma source(%dma_start3A_605 : memref<16x56x55xf32, #tpu.memory_space<hbm>>) target(%dma_start3A_600 : memref<16x56x55xf32, #tpu.memory_space<vmem>>) target_semaphore(%arg7 : memref<!tpu.dma_semaphore, #tpu.memory_space<semaphore_mem>>)
    %dma_wait3A_606 = arith.constant 1 : i32
    %dma_wait3A_607 = arith.constant 0 : i32
    %dma_wait3A_608 = arith.constant 0 : i32
    %dma_wait3A_609 = arith.constant 0 : i32
    %dma_wait3A_610 = tpu.memref_slice %arg6[%dma_wait3A_606, %dma_wait3A_607, %dma_wait3A_608, %dma_wait3A_609] : memref<2x16x56x55xf32, #tpu.memory_space<vmem>> -> memref<1x16x56x55xf32, #tpu.memory_space<vmem>>
    %dma_wait3A_611 = tpu.memref_squeeze %dma_wait3A_610 : memref<1x16x56x55xf32, #tpu.memory_space<vmem>> -> memref<16x56x55xf32, #tpu.memory_space<vmem>>
    %dma_wait3A_612 = arith.constant 16 : i32
    %dma_wait3A_613 = arith.constant 0 : i32
    %dma_wait3A_614 = arith.constant 0 : i32
    %dma_wait3A_615 = tpu.memref_slice %arg2[%squeeze3A_398, %dma_wait3A_612, %squeeze3A_400, %dma_wait3A_613, %dma_wait3A_614] : memref<2x32x64x56x55xf32, #tpu.memory_space<hbm>> -> memref<1x16x1x56x55xf32, #tpu.memory_space<hbm>>
    %dma_wait3A_616 = tpu.memref_squeeze %dma_wait3A_615 : memref<1x16x1x56x55xf32, #tpu.memory_space<hbm>> -> memref<16x56x55xf32, #tpu.memory_space<hbm>>
    %dma_wait3A_617 = arith.constant 0 : i32
    %dma_wait3A_618 = arith.constant 0 : i32
    %dma_wait3A_619 = arith.constant 0 : i32
    %dma_wait3A_620 = tpu.memref_slice %arg6[%dma_wait3A_606, %dma_wait3A_617, %dma_wait3A_618, %dma_wait3A_619] : memref<2x16x56x55xf32, #tpu.memory_space<vmem>> -> memref<1x16x56x55xf32, #tpu.memory_space<vmem>>
    %dma_wait3A_621 = tpu.memref_squeeze %dma_wait3A_620 : memref<1x16x56x55xf32, #tpu.memory_space<vmem>> -> memref<16x56x55xf32, #tpu.memory_space<vmem>>
    %dma_wait3A_622 = arith.constant 16 : i32
    %dma_wait3A_623 = arith.constant 0 : i32
    %dma_wait3A_624 = arith.constant 0 : i32
    %dma_wait3A_625 = tpu.memref_slice %arg2[%squeeze3A_398, %dma_wait3A_622, %squeeze3A_400, %dma_wait3A_623, %dma_wait3A_624] : memref<2x32x64x56x55xf32, #tpu.memory_space<hbm>> -> memref<1x16x1x56x55xf32, #tpu.memory_space<hbm>>
    %dma_wait3A_626 = tpu.memref_squeeze %dma_wait3A_625 : memref<1x16x1x56x55xf32, #tpu.memory_space<hbm>> -> memref<16x56x55xf32, #tpu.memory_space<hbm>>
    tpu.wait_dma2 semaphore(%arg7 : memref<!tpu.dma_semaphore, #tpu.memory_space<semaphore_mem>>) src(%dma_wait3A_626 : memref<16x56x55xf32, #tpu.memory_space<hbm>>) dst(%dma_wait3A_621 : memref<16x56x55xf32, #tpu.memory_space<vmem>>)
    %mul3A_627 = arith.constant 8 : i32
    %mul3A_628 = arith.muli %add3A, %mul3A_627 : i32
    %add3A_629 = arith.constant 1 : i32
    %add3A_630 = arith.addi %mul3A_628, %add3A_629 : i32
    %mul3A_631 = arith.constant 16 : i32
    %mul3A_632 = arith.muli %add3A_630, %mul3A_631 : i32
    %get3A_633 = arith.index_cast %mul3A_632 : i32 to index
    %get3A_634 = tpu.vector_load %arg5[%get3A_633] {strides = array<i32>} : memref<4096xi32, #tpu.memory_space<vmem>>, vector<16xi32>,
    %get3A_635 = vector.shape_cast %get3A_634 : vector<16xi32> to vector<16xi32>
    %jit3A_636 = arith.constant 128 : i32
    %div3A_637 = arith.divsi %add3A_630, %jit3A_636 : i32
    %sign3A_638 = arith.constant 0 : i32
    %sign3A_639 = arith.cmpi sgt, %add3A_630, %sign3A_638 : i32
    %sign3A_640 = arith.extui %sign3A_639 : i1 to i32
    %sign3A_641 = arith.constant 0 : i32
    %sign3A_642 = arith.cmpi slt, %add3A_630, %sign3A_641 : i32
    %sign3A_643 = arith.extui %sign3A_642 : i1 to i32
    %sign3A_644 = arith.subi %sign3A_640, %sign3A_643 : i32
    %sign3A_645 = arith.constant 0 : i32
    %sign3A_646 = arith.cmpi sgt, %jit3A_636, %sign3A_645 : i32
    %sign3A_647 = arith.extui %sign3A_646 : i1 to i32
    %sign3A_648 = arith.constant 0 : i32
    %sign3A_649 = arith.cmpi slt, %jit3A_636, %sign3A_648 : i32
    %sign3A_650 = arith.extui %sign3A_649 : i1 to i32
    %sign3A_651 = arith.subi %sign3A_647, %sign3A_650 : i32
    %ne3A_652 = arith.cmpi ne, %sign3A_644, %sign3A_651 : i32
    %rem3A_653 = arith.remsi %add3A_630, %jit3A_636 : i32
    %ne3A_654 = arith.constant 0 : i32
    %ne3A_655 = arith.cmpi ne, %rem3A_653, %ne3A_654 : i32
    %and3A_656 = arith.andi %ne3A_652, %ne3A_655 : i1
    %sub3A_657 = arith.constant 1 : i32
    %sub3A_658 = arith.subi %div3A_637, %sub3A_657 : i32
    %select_n3A_659 = arith.select %and3A_656, %sub3A_658, %div3A_637 : i32
    %jit3A_660 = arith.constant 4 : i32
    %div3A_661 = arith.divsi %add3A_630, %jit3A_660 : i32
    %sign3A_662 = arith.constant 0 : i32
    %sign3A_663 = arith.cmpi sgt, %add3A_630, %sign3A_662 : i32
    %sign3A_664 = arith.extui %sign3A_663 : i1 to i32
    %sign3A_665 = arith.constant 0 : i32
    %sign3A_666 = arith.cmpi slt, %add3A_630, %sign3A_665 : i32
    %sign3A_667 = arith.extui %sign3A_666 : i1 to i32
    %sign3A_668 = arith.subi %sign3A_664, %sign3A_667 : i32
    %sign3A_669 = arith.constant 0 : i32
    %sign3A_670 = arith.cmpi sgt, %jit3A_660, %sign3A_669 : i32
    %sign3A_671 = arith.extui %sign3A_670 : i1 to i32
    %sign3A_672 = arith.constant 0 : i32
    %sign3A_673 = arith.cmpi slt, %jit3A_660, %sign3A_672 : i32
    %sign3A_674 = arith.extui %sign3A_673 : i1 to i32
    %sign3A_675 = arith.subi %sign3A_671, %sign3A_674 : i32
    %ne3A_676 = arith.cmpi ne, %sign3A_668, %sign3A_675 : i32
    %rem3A_677 = arith.remsi %add3A_630, %jit3A_660 : i32
    %ne3A_678 = arith.constant 0 : i32
    %ne3A_679 = arith.cmpi ne, %rem3A_677, %ne3A_678 : i32
    %and3A_680 = arith.andi %ne3A_676, %ne3A_679 : i1
    %sub3A_681 = arith.constant 1 : i32
    %sub3A_682 = arith.subi %div3A_661, %sub3A_681 : i32
    %select_n3A_683 = arith.select %and3A_680, %sub3A_682, %div3A_661 : i32
    %jit3A_684 = arith.constant 32 : i32
    %eq3A_685 = arith.constant 0 : i32
    %eq3A_686 = arith.cmpi eq, %jit3A_684, %eq3A_685 : i32
    %jit3A_687 = arith.constant 1 : i32
    %select_n3A_688 = arith.select %eq3A_686, %jit3A_687, %jit3A_684 : i32
    %rem3A_689 = arith.remsi %select_n3A_683, %select_n3A_688 : i32
    %ne3A_690 = arith.constant 0 : i32
    %ne3A_691 = arith.cmpi ne, %rem3A_689, %ne3A_690 : i32
    %lt3A_692 = arith.constant 0 : i32
    %lt3A_693 = arith.cmpi slt, %rem3A_689, %lt3A_692 : i32
    %lt3A_694 = arith.constant 0 : i32
    %lt3A_695 = arith.cmpi slt, %select_n3A_688, %lt3A_694 : i32
    %ne3A_696 = arith.xori %lt3A_693, %lt3A_695 : i1
    %and3A_697 = arith.andi %ne3A_696, %ne3A_691 : i1
    %add3A_698 = arith.addi %rem3A_689, %select_n3A_688 : i32
    %select_n3A_699 = arith.select %and3A_697, %add3A_698, %rem3A_689 : i32
    %jit3A_700 = arith.constant 4 : i32
    %eq3A_701 = arith.constant 0 : i32
    %eq3A_702 = arith.cmpi eq, %jit3A_700, %eq3A_701 : i32
    %jit3A_703 = arith.constant 1 : i32
    %select_n3A_704 = arith.select %eq3A_702, %jit3A_703, %jit3A_700 : i32
    %rem3A_705 = arith.remsi %add3A_630, %select_n3A_704 : i32
    %ne3A_706 = arith.constant 0 : i32
    %ne3A_707 = arith.cmpi ne, %rem3A_705, %ne3A_706 : i32
    %lt3A_708 = arith.constant 0 : i32
    %lt3A_709 = arith.cmpi slt, %rem3A_705, %lt3A_708 : i32
    %lt3A_710 = arith.constant 0 : i32
    %lt3A_711 = arith.cmpi slt, %select_n3A_704, %lt3A_710 : i32
    %ne3A_712 = arith.xori %lt3A_709, %lt3A_711 : i1
    %and3A_713 = arith.andi %ne3A_712, %ne3A_707 : i1
    %add3A_714 = arith.addi %rem3A_705, %select_n3A_704 : i32
    %select_n3A_715 = arith.select %and3A_713, %add3A_714, %rem3A_705 : i32
    %slice3A_716 = vector.extract_strided_slice %get3A_635 {offsets = [1], sizes = [1], strides = [1]} : vector<16xi32> to vector<1xi32>
    %squeeze3A_717 = vector.extract %slice3A_716[0] : i32 from vector<1xi32>
    %dma_start3A_718 = arith.constant 1 : i32
    %dma_start3A_719 = arith.constant 0 : i32
    %dma_start3A_720 = arith.constant 0 : i32
    %dma_start3A_721 = tpu.memref_slice %arg6[%dma_start3A_718, %dma_start3A_719, %squeeze3A_717, %dma_start3A_720] : memref<2x16x56x55xf32, #tpu.memory_space<vmem>> -> memref<1x16x55x55xf32, #tpu.memory_space<vmem>>
    %dma_start3A_722 = tpu.memref_squeeze %dma_start3A_721 : memref<1x16x55x55xf32, #tpu.memory_space<vmem>> -> memref<16x55x55xf32, #tpu.memory_space<vmem>>
    %dma_start3A_723 = arith.constant 16 : i32
    %dma_start3A_724 = arith.constant 0 : i32
    %dma_start3A_725 = arith.constant 0 : i32
    %dma_start3A_726 = tpu.memref_slice %arg4[%select_n3A_659, %dma_start3A_723, %select_n3A_699, %select_n3A_715, %dma_start3A_724, %dma_start3A_725] : memref<2x32x32x4x55x55xf32, #tpu.memory_space<hbm>> -> memref<1x16x1x1x55x55xf32, #tpu.memory_space<hbm>>
    %dma_start3A_727 = tpu.memref_squeeze %dma_start3A_726 : memref<1x16x1x1x55x55xf32, #tpu.memory_space<hbm>> -> memref<16x55x55xf32, #tpu.memory_space<hbm>>
    %dma_start3A_728 = arith.constant 16 : i32
    %dma_start3A_729 = arith.constant 0 : i32
    %dma_start3A_730 = arith.constant 0 : i32
    %dma_start3A_731 = tpu.memref_slice %arg4[%select_n3A_659, %dma_start3A_728, %select_n3A_699, %select_n3A_715, %dma_start3A_729, %dma_start3A_730] : memref<2x32x32x4x55x55xf32, #tpu.memory_space<hbm>> -> memref<1x16x1x1x55x55xf32, #tpu.memory_space<hbm>>
    %dma_start3A_732 = tpu.memref_squeeze %dma_start3A_731 : memref<1x16x1x1x55x55xf32, #tpu.memory_space<hbm>> -> memref<16x55x55xf32, #tpu.memory_space<hbm>>
    %dma_start3A_733 = arith.constant 0 : i32
    %dma_start3A_734 = arith.constant 0 : i32
    %dma_start3A_735 = tpu.memref_slice %arg6[%dma_start3A_718, %dma_start3A_733, %squeeze3A_717, %dma_start3A_734] : memref<2x16x56x55xf32, #tpu.memory_space<vmem>> -> memref<1x16x55x55xf32, #tpu.memory_space<vmem>>
    %dma_start3A_736 = tpu.memref_squeeze %dma_start3A_735 : memref<1x16x55x55xf32, #tpu.memory_space<vmem>> -> memref<16x55x55xf32, #tpu.memory_space<vmem>>
    tpu.enqueue_dma source(%dma_start3A_736 : memref<16x55x55xf32, #tpu.memory_space<vmem>>) target(%dma_start3A_732 : memref<16x55x55xf32, #tpu.memory_space<hbm>>) target_semaphore(%arg8 : memref<!tpu.dma_semaphore, #tpu.memory_space<semaphore_mem>>)
    %dma_wait3A_737 = arith.constant 1 : i32
    %dma_wait3A_738 = arith.constant 0 : i32
    %dma_wait3A_739 = arith.constant 0 : i32
    %dma_wait3A_740 = tpu.memref_slice %arg6[%dma_wait3A_737, %dma_wait3A_738, %squeeze3A_717, %dma_wait3A_739] : memref<2x16x56x55xf32, #tpu.memory_space<vmem>> -> memref<1x16x55x55xf32, #tpu.memory_space<vmem>>
    %dma_wait3A_741 = tpu.memref_squeeze %dma_wait3A_740 : memref<1x16x55x55xf32, #tpu.memory_space<vmem>> -> memref<16x55x55xf32, #tpu.memory_space<vmem>>
    %dma_wait3A_742 = arith.constant 16 : i32
    %dma_wait3A_743 = arith.constant 0 : i32
    %dma_wait3A_744 = arith.constant 0 : i32
    %dma_wait3A_745 = tpu.memref_slice %arg4[%select_n3A_659, %dma_wait3A_742, %select_n3A_699, %select_n3A_715, %dma_wait3A_743, %dma_wait3A_744] : memref<2x32x32x4x55x55xf32, #tpu.memory_space<hbm>> -> memref<1x16x1x1x55x55xf32, #tpu.memory_space<hbm>>
    %dma_wait3A_746 = tpu.memref_squeeze %dma_wait3A_745 : memref<1x16x1x1x55x55xf32, #tpu.memory_space<hbm>> -> memref<16x55x55xf32, #tpu.memory_space<hbm>>
    %dma_wait3A_747 = arith.constant 16 : i32
    %dma_wait3A_748 = arith.constant 0 : i32
    %dma_wait3A_749 = arith.constant 0 : i32
    %dma_wait3A_750 = tpu.memref_slice %arg4[%select_n3A_659, %dma_wait3A_747, %select_n3A_699, %select_n3A_715, %dma_wait3A_748, %dma_wait3A_749] : memref<2x32x32x4x55x55xf32, #tpu.memory_space<hbm>> -> memref<1x16x1x1x55x55xf32, #tpu.memory_space<hbm>>
    %dma_wait3A_751 = tpu.memref_squeeze %dma_wait3A_750 : memref<1x16x1x1x55x55xf32, #tpu.memory_space<hbm>> -> memref<16x55x55xf32, #tpu.memory_space<hbm>>
    %dma_wait3A_752 = arith.constant 0 : i32
    %dma_wait3A_753 = arith.constant 0 : i32
    %dma_wait3A_754 = tpu.memref_slice %arg6[%dma_wait3A_737, %dma_wait3A_752, %squeeze3A_717, %dma_wait3A_753] : memref<2x16x56x55xf32, #tpu.memory_space<vmem>> -> memref<1x16x55x55xf32, #tpu.memory_space<vmem>>
    %dma_wait3A_755 = tpu.memref_squeeze %dma_wait3A_754 : memref<1x16x55x55xf32, #tpu.memory_space<vmem>> -> memref<16x55x55xf32, #tpu.memory_space<vmem>>
    tpu.wait_dma2 semaphore(%arg8 : memref<!tpu.dma_semaphore, #tpu.memory_space<semaphore_mem>>) src(%dma_wait3A_755 : memref<16x55x55xf32, #tpu.memory_space<vmem>>) dst(%dma_wait3A_751 : memref<16x55x55xf32, #tpu.memory_space<hbm>>)
    %mul3A_756 = arith.constant 8 : i32
    %mul3A_757 = arith.muli %add3A, %mul3A_756 : i32
    %add3A_758 = arith.constant 2 : i32
    %add3A_759 = arith.addi %mul3A_757, %add3A_758 : i32
    %mul3A_760 = arith.constant 16 : i32
    %mul3A_761 = arith.muli %add3A_759, %mul3A_760 : i32
    %get3A_762 = arith.index_cast %mul3A_761 : i32 to index
    %get3A_763 = tpu.vector_load %arg5[%get3A_762] {strides = array<i32>} : memref<4096xi32, #tpu.memory_space<vmem>>, vector<16xi32>,
    %get3A_764 = vector.shape_cast %get3A_763 : vector<16xi32> to vector<16xi32>
    %slice3A_765 = vector.extract_strided_slice %get3A_764 {offsets = [2], sizes = [1], strides = [1]} : vector<16xi32> to vector<1xi32>
    %squeeze3A_766 = vector.extract %slice3A_765[0] : i32 from vector<1xi32>
    %slice3A_767 = vector.extract_strided_slice %get3A_764 {offsets = [0], sizes = [1], strides = [1]} : vector<16xi32> to vector<1xi32>
    %squeeze3A_768 = vector.extract %slice3A_767[0] : i32 from vector<1xi32>
    %dma_start3A_769 = arith.constant 1 : i32
    %dma_start3A_770 = arith.constant 0 : i32
    %dma_start3A_771 = arith.constant 0 : i32
    %dma_start3A_772 = arith.constant 0 : i32
    %dma_start3A_773 = tpu.memref_slice %arg6[%dma_start3A_769, %dma_start3A_770, %dma_start3A_771, %dma_start3A_772] : memref<2x16x56x55xf32, #tpu.memory_space<vmem>> -> memref<1x16x56x55xf32, #tpu.memory_space<vmem>>
    %dma_start3A_774 = tpu.memref_squeeze %dma_start3A_773 : memref<1x16x56x55xf32, #tpu.memory_space<vmem>> -> memref<16x56x55xf32, #tpu.memory_space<vmem>>
    %dma_start3A_775 = arith.constant 16 : i32
    %dma_start3A_776 = arith.constant 0 : i32
    %dma_start3A_777 = arith.constant 0 : i32
    %dma_start3A_778 = tpu.memref_slice %arg2[%squeeze3A_766, %dma_start3A_775, %squeeze3A_768, %dma_start3A_776, %dma_start3A_777] : memref<2x32x64x56x55xf32, #tpu.memory_space<hbm>> -> memref<1x16x1x56x55xf32, #tpu.memory_space<hbm>>
    %dma_start3A_779 = tpu.memref_squeeze %dma_start3A_778 : memref<1x16x1x56x55xf32, #tpu.memory_space<hbm>> -> memref<16x56x55xf32, #tpu.memory_space<hbm>>
    %dma_start3A_780 = arith.constant 0 : i32
    %dma_start3A_781 = arith.constant 0 : i32
    %dma_start3A_782 = arith.constant 0 : i32
    %dma_start3A_783 = tpu.memref_slice %arg6[%dma_start3A_769, %dma_start3A_780, %dma_start3A_781, %dma_start3A_782] : memref<2x16x56x55xf32, #tpu.memory_space<vmem>> -> memref<1x16x56x55xf32, #tpu.memory_space<vmem>>
    %dma_start3A_784 = tpu.memref_squeeze %dma_start3A_783 : memref<1x16x56x55xf32, #tpu.memory_space<vmem>> -> memref<16x56x55xf32, #tpu.memory_space<vmem>>
    %dma_start3A_785 = arith.constant 16 : i32
    %dma_start3A_786 = arith.constant 0 : i32
    %dma_start3A_787 = arith.constant 0 : i32
    %dma_start3A_788 = tpu.memref_slice %arg2[%squeeze3A_766, %dma_start3A_785, %squeeze3A_768, %dma_start3A_786, %dma_start3A_787] : memref<2x32x64x56x55xf32, #tpu.memory_space<hbm>> -> memref<1x16x1x56x55xf32, #tpu.memory_space<hbm>>
    %dma_start3A_789 = tpu.memref_squeeze %dma_start3A_788 : memref<1x16x1x56x55xf32, #tpu.memory_space<hbm>> -> memref<16x56x55xf32, #tpu.memory_space<hbm>>
    tpu.enqueue_dma source(%dma_start3A_789 : memref<16x56x55xf32, #tpu.memory_space<hbm>>) target(%dma_start3A_784 : memref<16x56x55xf32, #tpu.memory_space<vmem>>) target_semaphore(%arg7 : memref<!tpu.dma_semaphore, #tpu.memory_space<semaphore_mem>>)
    %dma_wait3A_790 = arith.constant 0 : i32
    %dma_wait3A_791 = arith.constant 0 : i32
    %dma_wait3A_792 = arith.constant 0 : i32
    %dma_wait3A_793 = arith.constant 0 : i32
    %dma_wait3A_794 = tpu.memref_slice %arg6[%dma_wait3A_790, %dma_wait3A_791, %dma_wait3A_792, %dma_wait3A_793] : memref<2x16x56x55xf32, #tpu.memory_space<vmem>> -> memref<1x16x56x55xf32, #tpu.memory_space<vmem>>
    %dma_wait3A_795 = tpu.memref_squeeze %dma_wait3A_794 : memref<1x16x56x55xf32, #tpu.memory_space<vmem>> -> memref<16x56x55xf32, #tpu.memory_space<vmem>>
    %dma_wait3A_796 = arith.constant 0 : i32
    %dma_wait3A_797 = arith.constant 0 : i32
    %dma_wait3A_798 = arith.constant 0 : i32
    %dma_wait3A_799 = tpu.memref_slice %arg2[%squeeze3A_582, %dma_wait3A_796, %squeeze3A_584, %dma_wait3A_797, %dma_wait3A_798] : memref<2x32x64x56x55xf32, #tpu.memory_space<hbm>> -> memref<1x16x1x56x55xf32, #tpu.memory_space<hbm>>
    %dma_wait3A_800 = tpu.memref_squeeze %dma_wait3A_799 : memref<1x16x1x56x55xf32, #tpu.memory_space<hbm>> -> memref<16x56x55xf32, #tpu.memory_space<hbm>>
    %dma_wait3A_801 = arith.constant 0 : i32
    %dma_wait3A_802 = arith.constant 0 : i32
    %dma_wait3A_803 = arith.constant 0 : i32
    %dma_wait3A_804 = tpu.memref_slice %arg6[%dma_wait3A_790, %dma_wait3A_801, %dma_wait3A_802, %dma_wait3A_803] : memref<2x16x56x55xf32, #tpu.memory_space<vmem>> -> memref<1x16x56x55xf32, #tpu.memory_space<vmem>>
    %dma_wait3A_805 = tpu.memref_squeeze %dma_wait3A_804 : memref<1x16x56x55xf32, #tpu.memory_space<vmem>> -> memref<16x56x55xf32, #tpu.memory_space<vmem>>
    %dma_wait3A_806 = arith.constant 0 : i32
    %dma_wait3A_807 = arith.constant 0 : i32
    %dma_wait3A_808 = arith.constant 0 : i32
    %dma_wait3A_809 = tpu.memref_slice %arg2[%squeeze3A_582, %dma_wait3A_806, %squeeze3A_584, %dma_wait3A_807, %dma_wait3A_808] : memref<2x32x64x56x55xf32, #tpu.memory_space<hbm>> -> memref<1x16x1x56x55xf32, #tpu.memory_space<hbm>>
    %dma_wait3A_810 = tpu.memref_squeeze %dma_wait3A_809 : memref<1x16x1x56x55xf32, #tpu.memory_space<hbm>> -> memref<16x56x55xf32, #tpu.memory_space<hbm>>
    tpu.wait_dma2 semaphore(%arg7 : memref<!tpu.dma_semaphore, #tpu.memory_space<semaphore_mem>>) src(%dma_wait3A_810 : memref<16x56x55xf32, #tpu.memory_space<hbm>>) dst(%dma_wait3A_805 : memref<16x56x55xf32, #tpu.memory_space<vmem>>)
    %mul3A_811 = arith.constant 8 : i32
    %mul3A_812 = arith.muli %add3A, %mul3A_811 : i32
    %add3A_813 = arith.constant 2 : i32
    %add3A_814 = arith.addi %mul3A_812, %add3A_813 : i32
    %mul3A_815 = arith.constant 16 : i32
    %mul3A_816 = arith.muli %add3A_814, %mul3A_815 : i32
    %get3A_817 = arith.index_cast %mul3A_816 : i32 to index
    %get3A_818 = tpu.vector_load %arg5[%get3A_817] {strides = array<i32>} : memref<4096xi32, #tpu.memory_space<vmem>>, vector<16xi32>,
    %get3A_819 = vector.shape_cast %get3A_818 : vector<16xi32> to vector<16xi32>
    %jit3A_820 = arith.constant 128 : i32
    %div3A_821 = arith.divsi %add3A_814, %jit3A_820 : i32
    %sign3A_822 = arith.constant 0 : i32
    %sign3A_823 = arith.cmpi sgt, %add3A_814, %sign3A_822 : i32
    %sign3A_824 = arith.extui %sign3A_823 : i1 to i32
    %sign3A_825 = arith.constant 0 : i32
    %sign3A_826 = arith.cmpi slt, %add3A_814, %sign3A_825 : i32
    %sign3A_827 = arith.extui %sign3A_826 : i1 to i32
    %sign3A_828 = arith.subi %sign3A_824, %sign3A_827 : i32
    %sign3A_829 = arith.constant 0 : i32
    %sign3A_830 = arith.cmpi sgt, %jit3A_820, %sign3A_829 : i32
    %sign3A_831 = arith.extui %sign3A_830 : i1 to i32
    %sign3A_832 = arith.constant 0 : i32
    %sign3A_833 = arith.cmpi slt, %jit3A_820, %sign3A_832 : i32
    %sign3A_834 = arith.extui %sign3A_833 : i1 to i32
    %sign3A_835 = arith.subi %sign3A_831, %sign3A_834 : i32
    %ne3A_836 = arith.cmpi ne, %sign3A_828, %sign3A_835 : i32
    %rem3A_837 = arith.remsi %add3A_814, %jit3A_820 : i32
    %ne3A_838 = arith.constant 0 : i32
    %ne3A_839 = arith.cmpi ne, %rem3A_837, %ne3A_838 : i32
    %and3A_840 = arith.andi %ne3A_836, %ne3A_839 : i1
    %sub3A_841 = arith.constant 1 : i32
    %sub3A_842 = arith.subi %div3A_821, %sub3A_841 : i32
    %select_n3A_843 = arith.select %and3A_840, %sub3A_842, %div3A_821 : i32
    %jit3A_844 = arith.constant 4 : i32
    %div3A_845 = arith.divsi %add3A_814, %jit3A_844 : i32
    %sign3A_846 = arith.constant 0 : i32
    %sign3A_847 = arith.cmpi sgt, %add3A_814, %sign3A_846 : i32
    %sign3A_848 = arith.extui %sign3A_847 : i1 to i32
    %sign3A_849 = arith.constant 0 : i32
    %sign3A_850 = arith.cmpi slt, %add3A_814, %sign3A_849 : i32
    %sign3A_851 = arith.extui %sign3A_850 : i1 to i32
    %sign3A_852 = arith.subi %sign3A_848, %sign3A_851 : i32
    %sign3A_853 = arith.constant 0 : i32
    %sign3A_854 = arith.cmpi sgt, %jit3A_844, %sign3A_853 : i32
    %sign3A_855 = arith.extui %sign3A_854 : i1 to i32
    %sign3A_856 = arith.constant 0 : i32
    %sign3A_857 = arith.cmpi slt, %jit3A_844, %sign3A_856 : i32
    %sign3A_858 = arith.extui %sign3A_857 : i1 to i32
    %sign3A_859 = arith.subi %sign3A_855, %sign3A_858 : i32
    %ne3A_860 = arith.cmpi ne, %sign3A_852, %sign3A_859 : i32
    %rem3A_861 = arith.remsi %add3A_814, %jit3A_844 : i32
    %ne3A_862 = arith.constant 0 : i32
    %ne3A_863 = arith.cmpi ne, %rem3A_861, %ne3A_862 : i32
    %and3A_864 = arith.andi %ne3A_860, %ne3A_863 : i1
    %sub3A_865 = arith.constant 1 : i32
    %sub3A_866 = arith.subi %div3A_845, %sub3A_865 : i32
    %select_n3A_867 = arith.select %and3A_864, %sub3A_866, %div3A_845 : i32
    %jit3A_868 = arith.constant 32 : i32
    %eq3A_869 = arith.constant 0 : i32
    %eq3A_870 = arith.cmpi eq, %jit3A_868, %eq3A_869 : i32
    %jit3A_871 = arith.constant 1 : i32
    %select_n3A_872 = arith.select %eq3A_870, %jit3A_871, %jit3A_868 : i32
    %rem3A_873 = arith.remsi %select_n3A_867, %select_n3A_872 : i32
    %ne3A_874 = arith.constant 0 : i32
    %ne3A_875 = arith.cmpi ne, %rem3A_873, %ne3A_874 : i32
    %lt3A_876 = arith.constant 0 : i32
    %lt3A_877 = arith.cmpi slt, %rem3A_873, %lt3A_876 : i32
    %lt3A_878 = arith.constant 0 : i32
    %lt3A_879 = arith.cmpi slt, %select_n3A_872, %lt3A_878 : i32
    %ne3A_880 = arith.xori %lt3A_877, %lt3A_879 : i1
    %and3A_881 = arith.andi %ne3A_880, %ne3A_875 : i1
    %add3A_882 = arith.addi %rem3A_873, %select_n3A_872 : i32
    %select_n3A_883 = arith.select %and3A_881, %add3A_882, %rem3A_873 : i32
    %jit3A_884 = arith.constant 4 : i32
    %eq3A_885 = arith.constant 0 : i32
    %eq3A_886 = arith.cmpi eq, %jit3A_884, %eq3A_885 : i32
    %jit3A_887 = arith.constant 1 : i32
    %select_n3A_888 = arith.select %eq3A_886, %jit3A_887, %jit3A_884 : i32
    %rem3A_889 = arith.remsi %add3A_814, %select_n3A_888 : i32
    %ne3A_890 = arith.constant 0 : i32
    %ne3A_891 = arith.cmpi ne, %rem3A_889, %ne3A_890 : i32
    %lt3A_892 = arith.constant 0 : i32
    %lt3A_893 = arith.cmpi slt, %rem3A_889, %lt3A_892 : i32
    %lt3A_894 = arith.constant 0 : i32
    %lt3A_895 = arith.cmpi slt, %select_n3A_888, %lt3A_894 : i32
    %ne3A_896 = arith.xori %lt3A_893, %lt3A_895 : i1
    %and3A_897 = arith.andi %ne3A_896, %ne3A_891 : i1
    %add3A_898 = arith.addi %rem3A_889, %select_n3A_888 : i32
    %select_n3A_899 = arith.select %and3A_897, %add3A_898, %rem3A_889 : i32
    %slice3A_900 = vector.extract_strided_slice %get3A_819 {offsets = [1], sizes = [1], strides = [1]} : vector<16xi32> to vector<1xi32>
    %squeeze3A_901 = vector.extract %slice3A_900[0] : i32 from vector<1xi32>
    %dma_start3A_902 = arith.constant 0 : i32
    %dma_start3A_903 = arith.constant 0 : i32
    %dma_start3A_904 = arith.constant 0 : i32
    %dma_start3A_905 = tpu.memref_slice %arg6[%dma_start3A_902, %dma_start3A_903, %squeeze3A_901, %dma_start3A_904] : memref<2x16x56x55xf32, #tpu.memory_space<vmem>> -> memref<1x16x55x55xf32, #tpu.memory_space<vmem>>
    %dma_start3A_906 = tpu.memref_squeeze %dma_start3A_905 : memref<1x16x55x55xf32, #tpu.memory_space<vmem>> -> memref<16x55x55xf32, #tpu.memory_space<vmem>>
    %dma_start3A_907 = arith.constant 0 : i32
    %dma_start3A_908 = arith.constant 0 : i32
    %dma_start3A_909 = arith.constant 0 : i32
    %dma_start3A_910 = tpu.memref_slice %arg4[%select_n3A_843, %dma_start3A_907, %select_n3A_883, %select_n3A_899, %dma_start3A_908, %dma_start3A_909] : memref<2x32x32x4x55x55xf32, #tpu.memory_space<hbm>> -> memref<1x16x1x1x55x55xf32, #tpu.memory_space<hbm>>
    %dma_start3A_911 = tpu.memref_squeeze %dma_start3A_910 : memref<1x16x1x1x55x55xf32, #tpu.memory_space<hbm>> -> memref<16x55x55xf32, #tpu.memory_space<hbm>>
    %dma_start3A_912 = arith.constant 0 : i32
    %dma_start3A_913 = arith.constant 0 : i32
    %dma_start3A_914 = arith.constant 0 : i32
    %dma_start3A_915 = tpu.memref_slice %arg4[%select_n3A_843, %dma_start3A_912, %select_n3A_883, %select_n3A_899, %dma_start3A_913, %dma_start3A_914] : memref<2x32x32x4x55x55xf32, #tpu.memory_space<hbm>> -> memref<1x16x1x1x55x55xf32, #tpu.memory_space<hbm>>
    %dma_start3A_916 = tpu.memref_squeeze %dma_start3A_915 : memref<1x16x1x1x55x55xf32, #tpu.memory_space<hbm>> -> memref<16x55x55xf32, #tpu.memory_space<hbm>>
    %dma_start3A_917 = arith.constant 0 : i32
    %dma_start3A_918 = arith.constant 0 : i32
    %dma_start3A_919 = tpu.memref_slice %arg6[%dma_start3A_902, %dma_start3A_917, %squeeze3A_901, %dma_start3A_918] : memref<2x16x56x55xf32, #tpu.memory_space<vmem>> -> memref<1x16x55x55xf32, #tpu.memory_space<vmem>>
    %dma_start3A_920 = tpu.memref_squeeze %dma_start3A_919 : memref<1x16x55x55xf32, #tpu.memory_space<vmem>> -> memref<16x55x55xf32, #tpu.memory_space<vmem>>
    tpu.enqueue_dma source(%dma_start3A_920 : memref<16x55x55xf32, #tpu.memory_space<vmem>>) target(%dma_start3A_916 : memref<16x55x55xf32, #tpu.memory_space<hbm>>) target_semaphore(%arg8 : memref<!tpu.dma_semaphore, #tpu.memory_space<semaphore_mem>>)
    %dma_wait3A_921 = arith.constant 0 : i32
    %dma_wait3A_922 = arith.constant 0 : i32
    %dma_wait3A_923 = arith.constant 0 : i32
    %dma_wait3A_924 = tpu.memref_slice %arg6[%dma_wait3A_921, %dma_wait3A_922, %squeeze3A_901, %dma_wait3A_923] : memref<2x16x56x55xf32, #tpu.memory_space<vmem>> -> memref<1x16x55x55xf32, #tpu.memory_space<vmem>>
    %dma_wait3A_925 = tpu.memref_squeeze %dma_wait3A_924 : memref<1x16x55x55xf32, #tpu.memory_space<vmem>> -> memref<16x55x55xf32, #tpu.memory_space<vmem>>
    %dma_wait3A_926 = arith.constant 0 : i32
    %dma_wait3A_927 = arith.constant 0 : i32
    %dma_wait3A_928 = arith.constant 0 : i32
    %dma_wait3A_929 = tpu.memref_slice %arg4[%select_n3A_843, %dma_wait3A_926, %select_n3A_883, %select_n3A_899, %dma_wait3A_927, %dma_wait3A_928] : memref<2x32x32x4x55x55xf32, #tpu.memory_space<hbm>> -> memref<1x16x1x1x55x55xf32, #tpu.memory_space<hbm>>
    %dma_wait3A_930 = tpu.memref_squeeze %dma_wait3A_929 : memref<1x16x1x1x55x55xf32, #tpu.memory_space<hbm>> -> memref<16x55x55xf32, #tpu.memory_space<hbm>>
    %dma_wait3A_931 = arith.constant 0 : i32
    %dma_wait3A_932 = arith.constant 0 : i32
    %dma_wait3A_933 = arith.constant 0 : i32
    %dma_wait3A_934 = tpu.memref_slice %arg4[%select_n3A_843, %dma_wait3A_931, %select_n3A_883, %select_n3A_899, %dma_wait3A_932, %dma_wait3A_933] : memref<2x32x32x4x55x55xf32, #tpu.memory_space<hbm>> -> memref<1x16x1x1x55x55xf32, #tpu.memory_space<hbm>>
    %dma_wait3A_935 = tpu.memref_squeeze %dma_wait3A_934 : memref<1x16x1x1x55x55xf32, #tpu.memory_space<hbm>> -> memref<16x55x55xf32, #tpu.memory_space<hbm>>
    %dma_wait3A_936 = arith.constant 0 : i32
    %dma_wait3A_937 = arith.constant 0 : i32
    %dma_wait3A_938 = tpu.memref_slice %arg6[%dma_wait3A_921, %dma_wait3A_936, %squeeze3A_901, %dma_wait3A_937] : memref<2x16x56x55xf32, #tpu.memory_space<vmem>> -> memref<1x16x55x55xf32, #tpu.memory_space<vmem>>
    %dma_wait3A_939 = tpu.memref_squeeze %dma_wait3A_938 : memref<1x16x55x55xf32, #tpu.memory_space<vmem>> -> memref<16x55x55xf32, #tpu.memory_space<vmem>>
    tpu.wait_dma2 semaphore(%arg8 : memref<!tpu.dma_semaphore, #tpu.memory_space<semaphore_mem>>) src(%dma_wait3A_939 : memref<16x55x55xf32, #tpu.memory_space<vmem>>) dst(%dma_wait3A_935 : memref<16x55x55xf32, #tpu.memory_space<hbm>>)
    %mul3A_940 = arith.constant 8 : i32
    %mul3A_941 = arith.muli %add3A, %mul3A_940 : i32
    %add3A_942 = arith.constant 3 : i32
    %add3A_943 = arith.addi %mul3A_941, %add3A_942 : i32
    %mul3A_944 = arith.constant 16 : i32
    %mul3A_945 = arith.muli %add3A_943, %mul3A_944 : i32
    %get3A_946 = arith.index_cast %mul3A_945 : i32 to index
    %get3A_947 = tpu.vector_load %arg5[%get3A_946] {strides = array<i32>} : memref<4096xi32, #tpu.memory_space<vmem>>, vector<16xi32>,
    %get3A_948 = vector.shape_cast %get3A_947 : vector<16xi32> to vector<16xi32>
    %slice3A_949 = vector.extract_strided_slice %get3A_948 {offsets = [2], sizes = [1], strides = [1]} : vector<16xi32> to vector<1xi32>
    %squeeze3A_950 = vector.extract %slice3A_949[0] : i32 from vector<1xi32>
    %slice3A_951 = vector.extract_strided_slice %get3A_948 {offsets = [0], sizes = [1], strides = [1]} : vector<16xi32> to vector<1xi32>
    %squeeze3A_952 = vector.extract %slice3A_951[0] : i32 from vector<1xi32>
    %dma_start3A_953 = arith.constant 0 : i32
    %dma_start3A_954 = arith.constant 0 : i32
    %dma_start3A_955 = arith.constant 0 : i32
    %dma_start3A_956 = arith.constant 0 : i32
    %dma_start3A_957 = tpu.memref_slice %arg6[%dma_start3A_953, %dma_start3A_954, %dma_start3A_955, %dma_start3A_956] : memref<2x16x56x55xf32, #tpu.memory_space<vmem>> -> memref<1x16x56x55xf32, #tpu.memory_space<vmem>>
    %dma_start3A_958 = tpu.memref_squeeze %dma_start3A_957 : memref<1x16x56x55xf32, #tpu.memory_space<vmem>> -> memref<16x56x55xf32, #tpu.memory_space<vmem>>
    %dma_start3A_959 = arith.constant 0 : i32
    %dma_start3A_960 = arith.constant 0 : i32
    %dma_start3A_961 = arith.constant 0 : i32
    %dma_start3A_962 = tpu.memref_slice %arg2[%squeeze3A_950, %dma_start3A_959, %squeeze3A_952, %dma_start3A_960, %dma_start3A_961] : memref<2x32x64x56x55xf32, #tpu.memory_space<hbm>> -> memref<1x16x1x56x55xf32, #tpu.memory_space<hbm>>
    %dma_start3A_963 = tpu.memref_squeeze %dma_start3A_962 : memref<1x16x1x56x55xf32, #tpu.memory_space<hbm>> -> memref<16x56x55xf32, #tpu.memory_space<hbm>>
    %dma_start3A_964 = arith.constant 0 : i32
    %dma_start3A_965 = arith.constant 0 : i32
    %dma_start3A_966 = arith.constant 0 : i32
    %dma_start3A_967 = tpu.memref_slice %arg6[%dma_start3A_953, %dma_start3A_964, %dma_start3A_965, %dma_start3A_966] : memref<2x16x56x55xf32, #tpu.memory_space<vmem>> -> memref<1x16x56x55xf32, #tpu.memory_space<vmem>>
    %dma_start3A_968 = tpu.memref_squeeze %dma_start3A_967 : memref<1x16x56x55xf32, #tpu.memory_space<vmem>> -> memref<16x56x55xf32, #tpu.memory_space<vmem>>
    %dma_start3A_969 = arith.constant 0 : i32
    %dma_start3A_970 = arith.constant 0 : i32
    %dma_start3A_971 = arith.constant 0 : i32
    %dma_start3A_972 = tpu.memref_slice %arg2[%squeeze3A_950, %dma_start3A_969, %squeeze3A_952, %dma_start3A_970, %dma_start3A_971] : memref<2x32x64x56x55xf32, #tpu.memory_space<hbm>> -> memref<1x16x1x56x55xf32, #tpu.memory_space<hbm>>
    %dma_start3A_973 = tpu.memref_squeeze %dma_start3A_972 : memref<1x16x1x56x55xf32, #tpu.memory_space<hbm>> -> memref<16x56x55xf32, #tpu.memory_space<hbm>>
    tpu.enqueue_dma source(%dma_start3A_973 : memref<16x56x55xf32, #tpu.memory_space<hbm>>) target(%dma_start3A_968 : memref<16x56x55xf32, #tpu.memory_space<vmem>>) target_semaphore(%arg7 : memref<!tpu.dma_semaphore, #tpu.memory_space<semaphore_mem>>)
    %dma_wait3A_974 = arith.constant 1 : i32
    %dma_wait3A_975 = arith.constant 0 : i32
    %dma_wait3A_976 = arith.constant 0 : i32
    %dma_wait3A_977 = arith.constant 0 : i32
    %dma_wait3A_978 = tpu.memref_slice %arg6[%dma_wait3A_974, %dma_wait3A_975, %dma_wait3A_976, %dma_wait3A_977] : memref<2x16x56x55xf32, #tpu.memory_space<vmem>> -> memref<1x16x56x55xf32, #tpu.memory_space<vmem>>
    %dma_wait3A_979 = tpu.memref_squeeze %dma_wait3A_978 : memref<1x16x56x55xf32, #tpu.memory_space<vmem>> -> memref<16x56x55xf32, #tpu.memory_space<vmem>>
    %dma_wait3A_980 = arith.constant 16 : i32
    %dma_wait3A_981 = arith.constant 0 : i32
    %dma_wait3A_982 = arith.constant 0 : i32
    %dma_wait3A_983 = tpu.memref_slice %arg2[%squeeze3A_766, %dma_wait3A_980, %squeeze3A_768, %dma_wait3A_981, %dma_wait3A_982] : memref<2x32x64x56x55xf32, #tpu.memory_space<hbm>> -> memref<1x16x1x56x55xf32, #tpu.memory_space<hbm>>
    %dma_wait3A_984 = tpu.memref_squeeze %dma_wait3A_983 : memref<1x16x1x56x55xf32, #tpu.memory_space<hbm>> -> memref<16x56x55xf32, #tpu.memory_space<hbm>>
    %dma_wait3A_985 = arith.constant 0 : i32
    %dma_wait3A_986 = arith.constant 0 : i32
    %dma_wait3A_987 = arith.constant 0 : i32
    %dma_wait3A_988 = tpu.memref_slice %arg6[%dma_wait3A_974, %dma_wait3A_985, %dma_wait3A_986, %dma_wait3A_987] : memref<2x16x56x55xf32, #tpu.memory_space<vmem>> -> memref<1x16x56x55xf32, #tpu.memory_space<vmem>>
    %dma_wait3A_989 = tpu.memref_squeeze %dma_wait3A_988 : memref<1x16x56x55xf32, #tpu.memory_space<vmem>> -> memref<16x56x55xf32, #tpu.memory_space<vmem>>
    %dma_wait3A_990 = arith.constant 16 : i32
    %dma_wait3A_991 = arith.constant 0 : i32
    %dma_wait3A_992 = arith.constant 0 : i32
    %dma_wait3A_993 = tpu.memref_slice %arg2[%squeeze3A_766, %dma_wait3A_990, %squeeze3A_768, %dma_wait3A_991, %dma_wait3A_992] : memref<2x32x64x56x55xf32, #tpu.memory_space<hbm>> -> memref<1x16x1x56x55xf32, #tpu.memory_space<hbm>>
    %dma_wait3A_994 = tpu.memref_squeeze %dma_wait3A_993 : memref<1x16x1x56x55xf32, #tpu.memory_space<hbm>> -> memref<16x56x55xf32, #tpu.memory_space<hbm>>
    tpu.wait_dma2 semaphore(%arg7 : memref<!tpu.dma_semaphore, #tpu.memory_space<semaphore_mem>>) src(%dma_wait3A_994 : memref<16x56x55xf32, #tpu.memory_space<hbm>>) dst(%dma_wait3A_989 : memref<16x56x55xf32, #tpu.memory_space<vmem>>)
    %mul3A_995 = arith.constant 8 : i32
    %mul3A_996 = arith.muli %add3A, %mul3A_995 : i32
    %add3A_997 = arith.constant 2 : i32
    %add3A_998 = arith.addi %mul3A_996, %add3A_997 : i32
    %mul3A_999 = arith.constant 16 : i32
    %mul3A_1000 = arith.muli %add3A_998, %mul3A_999 : i32
    %get3A_1001 = arith.index_cast %mul3A_1000 : i32 to index
    %get3A_1002 = tpu.vector_load %arg5[%get3A_1001] {strides = array<i32>} : memref<4096xi32, #tpu.memory_space<vmem>>, vector<16xi32>,
    %get3A_1003 = vector.shape_cast %get3A_1002 : vector<16xi32> to vector<16xi32>
    %jit3A_1004 = arith.constant 128 : i32
    %div3A_1005 = arith.divsi %add3A_998, %jit3A_1004 : i32
    %sign3A_1006 = arith.constant 0 : i32
    %sign3A_1007 = arith.cmpi sgt, %add3A_998, %sign3A_1006 : i32
    %sign3A_1008 = arith.extui %sign3A_1007 : i1 to i32
    %sign3A_1009 = arith.constant 0 : i32
    %sign3A_1010 = arith.cmpi slt, %add3A_998, %sign3A_1009 : i32
    %sign3A_1011 = arith.extui %sign3A_1010 : i1 to i32
    %sign3A_1012 = arith.subi %sign3A_1008, %sign3A_1011 : i32
    %sign3A_1013 = arith.constant 0 : i32
    %sign3A_1014 = arith.cmpi sgt, %jit3A_1004, %sign3A_1013 : i32
    %sign3A_1015 = arith.extui %sign3A_1014 : i1 to i32
    %sign3A_1016 = arith.constant 0 : i32
    %sign3A_1017 = arith.cmpi slt, %jit3A_1004, %sign3A_1016 : i32
    %sign3A_1018 = arith.extui %sign3A_1017 : i1 to i32
    %sign3A_1019 = arith.subi %sign3A_1015, %sign3A_1018 : i32
    %ne3A_1020 = arith.cmpi ne, %sign3A_1012, %sign3A_1019 : i32
    %rem3A_1021 = arith.remsi %add3A_998, %jit3A_1004 : i32
    %ne3A_1022 = arith.constant 0 : i32
    %ne3A_1023 = arith.cmpi ne, %rem3A_1021, %ne3A_1022 : i32
    %and3A_1024 = arith.andi %ne3A_1020, %ne3A_1023 : i1
    %sub3A_1025 = arith.constant 1 : i32
    %sub3A_1026 = arith.subi %div3A_1005, %sub3A_1025 : i32
    %select_n3A_1027 = arith.select %and3A_1024, %sub3A_1026, %div3A_1005 : i32
    %jit3A_1028 = arith.constant 4 : i32
    %div3A_1029 = arith.divsi %add3A_998, %jit3A_1028 : i32
    %sign3A_1030 = arith.constant 0 : i32
    %sign3A_1031 = arith.cmpi sgt, %add3A_998, %sign3A_1030 : i32
    %sign3A_1032 = arith.extui %sign3A_1031 : i1 to i32
    %sign3A_1033 = arith.constant 0 : i32
    %sign3A_1034 = arith.cmpi slt, %add3A_998, %sign3A_1033 : i32
    %sign3A_1035 = arith.extui %sign3A_1034 : i1 to i32
    %sign3A_1036 = arith.subi %sign3A_1032, %sign3A_1035 : i32
    %sign3A_1037 = arith.constant 0 : i32
    %sign3A_1038 = arith.cmpi sgt, %jit3A_1028, %sign3A_1037 : i32
    %sign3A_1039 = arith.extui %sign3A_1038 : i1 to i32
    %sign3A_1040 = arith.constant 0 : i32
    %sign3A_1041 = arith.cmpi slt, %jit3A_1028, %sign3A_1040 : i32
    %sign3A_1042 = arith.extui %sign3A_1041 : i1 to i32
    %sign3A_1043 = arith.subi %sign3A_1039, %sign3A_1042 : i32
    %ne3A_1044 = arith.cmpi ne, %sign3A_1036, %sign3A_1043 : i32
    %rem3A_1045 = arith.remsi %add3A_998, %jit3A_1028 : i32
    %ne3A_1046 = arith.constant 0 : i32
    %ne3A_1047 = arith.cmpi ne, %rem3A_1045, %ne3A_1046 : i32
    %and3A_1048 = arith.andi %ne3A_1044, %ne3A_1047 : i1
    %sub3A_1049 = arith.constant 1 : i32
    %sub3A_1050 = arith.subi %div3A_1029, %sub3A_1049 : i32
    %select_n3A_1051 = arith.select %and3A_1048, %sub3A_1050, %div3A_1029 : i32
    %jit3A_1052 = arith.constant 32 : i32
    %eq3A_1053 = arith.constant 0 : i32
    %eq3A_1054 = arith.cmpi eq, %jit3A_1052, %eq3A_1053 : i32
    %jit3A_1055 = arith.constant 1 : i32
    %select_n3A_1056 = arith.select %eq3A_1054, %jit3A_1055, %jit3A_1052 : i32
    %rem3A_1057 = arith.remsi %select_n3A_1051, %select_n3A_1056 : i32
    %ne3A_1058 = arith.constant 0 : i32
    %ne3A_1059 = arith.cmpi ne, %rem3A_1057, %ne3A_1058 : i32
    %lt3A_1060 = arith.constant 0 : i32
    %lt3A_1061 = arith.cmpi slt, %rem3A_1057, %lt3A_1060 : i32
    %lt3A_1062 = arith.constant 0 : i32
    %lt3A_1063 = arith.cmpi slt, %select_n3A_1056, %lt3A_1062 : i32
    %ne3A_1064 = arith.xori %lt3A_1061, %lt3A_1063 : i1
    %and3A_1065 = arith.andi %ne3A_1064, %ne3A_1059 : i1
    %add3A_1066 = arith.addi %rem3A_1057, %select_n3A_1056 : i32
    %select_n3A_1067 = arith.select %and3A_1065, %add3A_1066, %rem3A_1057 : i32
    %jit3A_1068 = arith.constant 4 : i32
    %eq3A_1069 = arith.constant 0 : i32
    %eq3A_1070 = arith.cmpi eq, %jit3A_1068, %eq3A_1069 : i32
    %jit3A_1071 = arith.constant 1 : i32
    %select_n3A_1072 = arith.select %eq3A_1070, %jit3A_1071, %jit3A_1068 : i32
    %rem3A_1073 = arith.remsi %add3A_998, %select_n3A_1072 : i32
    %ne3A_1074 = arith.constant 0 : i32
    %ne3A_1075 = arith.cmpi ne, %rem3A_1073, %ne3A_1074 : i32
    %lt3A_1076 = arith.constant 0 : i32
    %lt3A_1077 = arith.cmpi slt, %rem3A_1073, %lt3A_1076 : i32
    %lt3A_1078 = arith.constant 0 : i32
    %lt3A_1079 = arith.cmpi slt, %select_n3A_1072, %lt3A_1078 : i32
    %ne3A_1080 = arith.xori %lt3A_1077, %lt3A_1079 : i1
    %and3A_1081 = arith.andi %ne3A_1080, %ne3A_1075 : i1
    %add3A_1082 = arith.addi %rem3A_1073, %select_n3A_1072 : i32
    %select_n3A_1083 = arith.select %and3A_1081, %add3A_1082, %rem3A_1073 : i32
    %slice3A_1084 = vector.extract_strided_slice %get3A_1003 {offsets = [1], sizes = [1], strides = [1]} : vector<16xi32> to vector<1xi32>
    %squeeze3A_1085 = vector.extract %slice3A_1084[0] : i32 from vector<1xi32>
    %dma_start3A_1086 = arith.constant 1 : i32
    %dma_start3A_1087 = arith.constant 0 : i32
    %dma_start3A_1088 = arith.constant 0 : i32
    %dma_start3A_1089 = tpu.memref_slice %arg6[%dma_start3A_1086, %dma_start3A_1087, %squeeze3A_1085, %dma_start3A_1088] : memref<2x16x56x55xf32, #tpu.memory_space<vmem>> -> memref<1x16x55x55xf32, #tpu.memory_space<vmem>>
    %dma_start3A_1090 = tpu.memref_squeeze %dma_start3A_1089 : memref<1x16x55x55xf32, #tpu.memory_space<vmem>> -> memref<16x55x55xf32, #tpu.memory_space<vmem>>
    %dma_start3A_1091 = arith.constant 16 : i32
    %dma_start3A_1092 = arith.constant 0 : i32
    %dma_start3A_1093 = arith.constant 0 : i32
    %dma_start3A_1094 = tpu.memref_slice %arg4[%select_n3A_1027, %dma_start3A_1091, %select_n3A_1067, %select_n3A_1083, %dma_start3A_1092, %dma_start3A_1093] : memref<2x32x32x4x55x55xf32, #tpu.memory_space<hbm>> -> memref<1x16x1x1x55x55xf32, #tpu.memory_space<hbm>>
    %dma_start3A_1095 = tpu.memref_squeeze %dma_start3A_1094 : memref<1x16x1x1x55x55xf32, #tpu.memory_space<hbm>> -> memref<16x55x55xf32, #tpu.memory_space<hbm>>
    %dma_start3A_1096 = arith.constant 16 : i32
    %dma_start3A_1097 = arith.constant 0 : i32
    %dma_start3A_1098 = arith.constant 0 : i32
    %dma_start3A_1099 = tpu.memref_slice %arg4[%select_n3A_1027, %dma_start3A_1096, %select_n3A_1067, %select_n3A_1083, %dma_start3A_1097, %dma_start3A_1098] : memref<2x32x32x4x55x55xf32, #tpu.memory_space<hbm>> -> memref<1x16x1x1x55x55xf32, #tpu.memory_space<hbm>>
    %dma_start3A_1100 = tpu.memref_squeeze %dma_start3A_1099 : memref<1x16x1x1x55x55xf32, #tpu.memory_space<hbm>> -> memref<16x55x55xf32, #tpu.memory_space<hbm>>
    %dma_start3A_1101 = arith.constant 0 : i32
    %dma_start3A_1102 = arith.constant 0 : i32
    %dma_start3A_1103 = tpu.memref_slice %arg6[%dma_start3A_1086, %dma_start3A_1101, %squeeze3A_1085, %dma_start3A_1102] : memref<2x16x56x55xf32, #tpu.memory_space<vmem>> -> memref<1x16x55x55xf32, #tpu.memory_space<vmem>>
    %dma_start3A_1104 = tpu.memref_squeeze %dma_start3A_1103 : memref<1x16x55x55xf32, #tpu.memory_space<vmem>> -> memref<16x55x55xf32, #tpu.memory_space<vmem>>
    tpu.enqueue_dma source(%dma_start3A_1104 : memref<16x55x55xf32, #tpu.memory_space<vmem>>) target(%dma_start3A_1100 : memref<16x55x55xf32, #tpu.memory_space<hbm>>) target_semaphore(%arg8 : memref<!tpu.dma_semaphore, #tpu.memory_space<semaphore_mem>>)
    %dma_wait3A_1105 = arith.constant 1 : i32
    %dma_wait3A_1106 = arith.constant 0 : i32
    %dma_wait3A_1107 = arith.constant 0 : i32
    %dma_wait3A_1108 = tpu.memref_slice %arg6[%dma_wait3A_1105, %dma_wait3A_1106, %squeeze3A_1085, %dma_wait3A_1107] : memref<2x16x56x55xf32, #tpu.memory_space<vmem>> -> memref<1x16x55x55xf32, #tpu.memory_space<vmem>>
    %dma_wait3A_1109 = tpu.memref_squeeze %dma_wait3A_1108 : memref<1x16x55x55xf32, #tpu.memory_space<vmem>> -> memref<16x55x55xf32, #tpu.memory_space<vmem>>
    %dma_wait3A_1110 = arith.constant 16 : i32
    %dma_wait3A_1111 = arith.constant 0 : i32
    %dma_wait3A_1112 = arith.constant 0 : i32
    %dma_wait3A_1113 = tpu.memref_slice %arg4[%select_n3A_1027, %dma_wait3A_1110, %select_n3A_1067, %select_n3A_1083, %dma_wait3A_1111, %dma_wait3A_1112] : memref<2x32x32x4x55x55xf32, #tpu.memory_space<hbm>> -> memref<1x16x1x1x55x55xf32, #tpu.memory_space<hbm>>
    %dma_wait3A_1114 = tpu.memref_squeeze %dma_wait3A_1113 : memref<1x16x1x1x55x55xf32, #tpu.memory_space<hbm>> -> memref<16x55x55xf32, #tpu.memory_space<hbm>>
    %dma_wait3A_1115 = arith.constant 16 : i32
    %dma_wait3A_1116 = arith.constant 0 : i32
    %dma_wait3A_1117 = arith.constant 0 : i32
    %dma_wait3A_1118 = tpu.memref_slice %arg4[%select_n3A_1027, %dma_wait3A_1115, %select_n3A_1067, %select_n3A_1083, %dma_wait3A_1116, %dma_wait3A_1117] : memref<2x32x32x4x55x55xf32, #tpu.memory_space<hbm>> -> memref<1x16x1x1x55x55xf32, #tpu.memory_space<hbm>>
    %dma_wait3A_1119 = tpu.memref_squeeze %dma_wait3A_1118 : memref<1x16x1x1x55x55xf32, #tpu.memory_space<hbm>> -> memref<16x55x55xf32, #tpu.memory_space<hbm>>
    %dma_wait3A_1120 = arith.constant 0 : i32
    %dma_wait3A_1121 = arith.constant 0 : i32
    %dma_wait3A_1122 = tpu.memref_slice %arg6[%dma_wait3A_1105, %dma_wait3A_1120, %squeeze3A_1085, %dma_wait3A_1121] : memref<2x16x56x55xf32, #tpu.memory_space<vmem>> -> memref<1x16x55x55xf32, #tpu.memory_space<vmem>>
    %dma_wait3A_1123 = tpu.memref_squeeze %dma_wait3A_1122 : memref<1x16x55x55xf32, #tpu.memory_space<vmem>> -> memref<16x55x55xf32, #tpu.memory_space<vmem>>
    tpu.wait_dma2 semaphore(%arg8 : memref<!tpu.dma_semaphore, #tpu.memory_space<semaphore_mem>>) src(%dma_wait3A_1123 : memref<16x55x55xf32, #tpu.memory_space<vmem>>) dst(%dma_wait3A_1119 : memref<16x55x55xf32, #tpu.memory_space<hbm>>)
    %mul3A_1124 = arith.constant 8 : i32
    %mul3A_1125 = arith.muli %add3A, %mul3A_1124 : i32
    %add3A_1126 = arith.constant 3 : i32
    %add3A_1127 = arith.addi %mul3A_1125, %add3A_1126 : i32
    %mul3A_1128 = arith.constant 16 : i32
    %mul3A_1129 = arith.muli %add3A_1127, %mul3A_1128 : i32
    %get3A_1130 = arith.index_cast %mul3A_1129 : i32 to index
    %get3A_1131 = tpu.vector_load %arg5[%get3A_1130] {strides = array<i32>} : memref<4096xi32, #tpu.memory_space<vmem>>, vector<16xi32>,
    %get3A_1132 = vector.shape_cast %get3A_1131 : vector<16xi32> to vector<16xi32>
    %slice3A_1133 = vector.extract_strided_slice %get3A_1132 {offsets = [2], sizes = [1], strides = [1]} : vector<16xi32> to vector<1xi32>
    %squeeze3A_1134 = vector.extract %slice3A_1133[0] : i32 from vector<1xi32>
    %slice3A_1135 = vector.extract_strided_slice %get3A_1132 {offsets = [0], sizes = [1], strides = [1]} : vector<16xi32> to vector<1xi32>
    %squeeze3A_1136 = vector.extract %slice3A_1135[0] : i32 from vector<1xi32>
    %dma_start3A_1137 = arith.constant 1 : i32
    %dma_start3A_1138 = arith.constant 0 : i32
    %dma_start3A_1139 = arith.constant 0 : i32
    %dma_start3A_1140 = arith.constant 0 : i32
    %dma_start3A_1141 = tpu.memref_slice %arg6[%dma_start3A_1137, %dma_start3A_1138, %dma_start3A_1139, %dma_start3A_1140] : memref<2x16x56x55xf32, #tpu.memory_space<vmem>> -> memref<1x16x56x55xf32, #tpu.memory_space<vmem>>
    %dma_start3A_1142 = tpu.memref_squeeze %dma_start3A_1141 : memref<1x16x56x55xf32, #tpu.memory_space<vmem>> -> memref<16x56x55xf32, #tpu.memory_space<vmem>>
    %dma_start3A_1143 = arith.constant 16 : i32
    %dma_start3A_1144 = arith.constant 0 : i32
    %dma_start3A_1145 = arith.constant 0 : i32
    %dma_start3A_1146 = tpu.memref_slice %arg2[%squeeze3A_1134, %dma_start3A_1143, %squeeze3A_1136, %dma_start3A_1144, %dma_start3A_1145] : memref<2x32x64x56x55xf32, #tpu.memory_space<hbm>> -> memref<1x16x1x56x55xf32, #tpu.memory_space<hbm>>
    %dma_start3A_1147 = tpu.memref_squeeze %dma_start3A_1146 : memref<1x16x1x56x55xf32, #tpu.memory_space<hbm>> -> memref<16x56x55xf32, #tpu.memory_space<hbm>>
    %dma_start3A_1148 = arith.constant 0 : i32
    %dma_start3A_1149 = arith.constant 0 : i32
    %dma_start3A_1150 = arith.constant 0 : i32
    %dma_start3A_1151 = tpu.memref_slice %arg6[%dma_start3A_1137, %dma_start3A_1148, %dma_start3A_1149, %dma_start3A_1150] : memref<2x16x56x55xf32, #tpu.memory_space<vmem>> -> memref<1x16x56x55xf32, #tpu.memory_space<vmem>>
    %dma_start3A_1152 = tpu.memref_squeeze %dma_start3A_1151 : memref<1x16x56x55xf32, #tpu.memory_space<vmem>> -> memref<16x56x55xf32, #tpu.memory_space<vmem>>
    %dma_start3A_1153 = arith.constant 16 : i32
    %dma_start3A_1154 = arith.constant 0 : i32
    %dma_start3A_1155 = arith.constant 0 : i32
    %dma_start3A_1156 = tpu.memref_slice %arg2[%squeeze3A_1134, %dma_start3A_1153, %squeeze3A_1136, %dma_start3A_1154, %dma_start3A_1155] : memref<2x32x64x56x55xf32, #tpu.memory_space<hbm>> -> memref<1x16x1x56x55xf32, #tpu.memory_space<hbm>>
    %dma_start3A_1157 = tpu.memref_squeeze %dma_start3A_1156 : memref<1x16x1x56x55xf32, #tpu.memory_space<hbm>> -> memref<16x56x55xf32, #tpu.memory_space<hbm>>
    tpu.enqueue_dma source(%dma_start3A_1157 : memref<16x56x55xf32, #tpu.memory_space<hbm>>) target(%dma_start3A_1152 : memref<16x56x55xf32, #tpu.memory_space<vmem>>) target_semaphore(%arg7 : memref<!tpu.dma_semaphore, #tpu.memory_space<semaphore_mem>>)
    %dma_wait3A_1158 = arith.constant 0 : i32
    %dma_wait3A_1159 = arith.constant 0 : i32
    %dma_wait3A_1160 = arith.constant 0 : i32
    %dma_wait3A_1161 = arith.constant 0 : i32
    %dma_wait3A_1162 = tpu.memref_slice %arg6[%dma_wait3A_1158, %dma_wait3A_1159, %dma_wait3A_1160, %dma_wait3A_1161] : memref<2x16x56x55xf32, #tpu.memory_space<vmem>> -> memref<1x16x56x55xf32, #tpu.memory_space<vmem>>
    %dma_wait3A_1163 = tpu.memref_squeeze %dma_wait3A_1162 : memref<1x16x56x55xf32, #tpu.memory_space<vmem>> -> memref<16x56x55xf32, #tpu.memory_space<vmem>>
    %dma_wait3A_1164 = arith.constant 0 : i32
    %dma_wait3A_1165 = arith.constant 0 : i32
    %dma_wait3A_1166 = arith.constant 0 : i32
    %dma_wait3A_1167 = tpu.memref_slice %arg2[%squeeze3A_950, %dma_wait3A_1164, %squeeze3A_952, %dma_wait3A_1165, %dma_wait3A_1166] : memref<2x32x64x56x55xf32, #tpu.memory_space<hbm>> -> memref<1x16x1x56x55xf32, #tpu.memory_space<hbm>>
    %dma_wait3A_1168 = tpu.memref_squeeze %dma_wait3A_1167 : memref<1x16x1x56x55xf32, #tpu.memory_space<hbm>> -> memref<16x56x55xf32, #tpu.memory_space<hbm>>
    %dma_wait3A_1169 = arith.constant 0 : i32
    %dma_wait3A_1170 = arith.constant 0 : i32
    %dma_wait3A_1171 = arith.constant 0 : i32
    %dma_wait3A_1172 = tpu.memref_slice %arg6[%dma_wait3A_1158, %dma_wait3A_1169, %dma_wait3A_1170, %dma_wait3A_1171] : memref<2x16x56x55xf32, #tpu.memory_space<vmem>> -> memref<1x16x56x55xf32, #tpu.memory_space<vmem>>
    %dma_wait3A_1173 = tpu.memref_squeeze %dma_wait3A_1172 : memref<1x16x56x55xf32, #tpu.memory_space<vmem>> -> memref<16x56x55xf32, #tpu.memory_space<vmem>>
    %dma_wait3A_1174 = arith.constant 0 : i32
    %dma_wait3A_1175 = arith.constant 0 : i32
    %dma_wait3A_1176 = arith.constant 0 : i32
    %dma_wait3A_1177 = tpu.memref_slice %arg2[%squeeze3A_950, %dma_wait3A_1174, %squeeze3A_952, %dma_wait3A_1175, %dma_wait3A_1176] : memref<2x32x64x56x55xf32, #tpu.memory_space<hbm>> -> memref<1x16x1x56x55xf32, #tpu.memory_space<hbm>>
    %dma_wait3A_1178 = tpu.memref_squeeze %dma_wait3A_1177 : memref<1x16x1x56x55xf32, #tpu.memory_space<hbm>> -> memref<16x56x55xf32, #tpu.memory_space<hbm>>
    tpu.wait_dma2 semaphore(%arg7 : memref<!tpu.dma_semaphore, #tpu.memory_space<semaphore_mem>>) src(%dma_wait3A_1178 : memref<16x56x55xf32, #tpu.memory_space<hbm>>) dst(%dma_wait3A_1173 : memref<16x56x55xf32, #tpu.memory_space<vmem>>)
    %mul3A_1179 = arith.constant 8 : i32
    %mul3A_1180 = arith.muli %add3A, %mul3A_1179 : i32
    %add3A_1181 = arith.constant 3 : i32
    %add3A_1182 = arith.addi %mul3A_1180, %add3A_1181 : i32
    %mul3A_1183 = arith.constant 16 : i32
    %mul3A_1184 = arith.muli %add3A_1182, %mul3A_1183 : i32
    %get3A_1185 = arith.index_cast %mul3A_1184 : i32 to index
    %get3A_1186 = tpu.vector_load %arg5[%get3A_1185] {strides = array<i32>} : memref<4096xi32, #tpu.memory_space<vmem>>, vector<16xi32>,
    %get3A_1187 = vector.shape_cast %get3A_1186 : vector<16xi32> to vector<16xi32>
    %jit3A_1188 = arith.constant 128 : i32
    %div3A_1189 = arith.divsi %add3A_1182, %jit3A_1188 : i32
    %sign3A_1190 = arith.constant 0 : i32
    %sign3A_1191 = arith.cmpi sgt, %add3A_1182, %sign3A_1190 : i32
    %sign3A_1192 = arith.extui %sign3A_1191 : i1 to i32
    %sign3A_1193 = arith.constant 0 : i32
    %sign3A_1194 = arith.cmpi slt, %add3A_1182, %sign3A_1193 : i32
    %sign3A_1195 = arith.extui %sign3A_1194 : i1 to i32
    %sign3A_1196 = arith.subi %sign3A_1192, %sign3A_1195 : i32
    %sign3A_1197 = arith.constant 0 : i32
    %sign3A_1198 = arith.cmpi sgt, %jit3A_1188, %sign3A_1197 : i32
    %sign3A_1199 = arith.extui %sign3A_1198 : i1 to i32
    %sign3A_1200 = arith.constant 0 : i32
    %sign3A_1201 = arith.cmpi slt, %jit3A_1188, %sign3A_1200 : i32
    %sign3A_1202 = arith.extui %sign3A_1201 : i1 to i32
    %sign3A_1203 = arith.subi %sign3A_1199, %sign3A_1202 : i32
    %ne3A_1204 = arith.cmpi ne, %sign3A_1196, %sign3A_1203 : i32
    %rem3A_1205 = arith.remsi %add3A_1182, %jit3A_1188 : i32
    %ne3A_1206 = arith.constant 0 : i32
    %ne3A_1207 = arith.cmpi ne, %rem3A_1205, %ne3A_1206 : i32
    %and3A_1208 = arith.andi %ne3A_1204, %ne3A_1207 : i1
    %sub3A_1209 = arith.constant 1 : i32
    %sub3A_1210 = arith.subi %div3A_1189, %sub3A_1209 : i32
    %select_n3A_1211 = arith.select %and3A_1208, %sub3A_1210, %div3A_1189 : i32
    %jit3A_1212 = arith.constant 4 : i32
    %div3A_1213 = arith.divsi %add3A_1182, %jit3A_1212 : i32
    %sign3A_1214 = arith.constant 0 : i32
    %sign3A_1215 = arith.cmpi sgt, %add3A_1182, %sign3A_1214 : i32
    %sign3A_1216 = arith.extui %sign3A_1215 : i1 to i32
    %sign3A_1217 = arith.constant 0 : i32
    %sign3A_1218 = arith.cmpi slt, %add3A_1182, %sign3A_1217 : i32
    %sign3A_1219 = arith.extui %sign3A_1218 : i1 to i32
    %sign3A_1220 = arith.subi %sign3A_1216, %sign3A_1219 : i32
    %sign3A_1221 = arith.constant 0 : i32
    %sign3A_1222 = arith.cmpi sgt, %jit3A_1212, %sign3A_1221 : i32
    %sign3A_1223 = arith.extui %sign3A_1222 : i1 to i32
    %sign3A_1224 = arith.constant 0 : i32
    %sign3A_1225 = arith.cmpi slt, %jit3A_1212, %sign3A_1224 : i32
    %sign3A_1226 = arith.extui %sign3A_1225 : i1 to i32
    %sign3A_1227 = arith.subi %sign3A_1223, %sign3A_1226 : i32
    %ne3A_1228 = arith.cmpi ne, %sign3A_1220, %sign3A_1227 : i32
    %rem3A_1229 = arith.remsi %add3A_1182, %jit3A_1212 : i32
    %ne3A_1230 = arith.constant 0 : i32
    %ne3A_1231 = arith.cmpi ne, %rem3A_1229, %ne3A_1230 : i32
    %and3A_1232 = arith.andi %ne3A_1228, %ne3A_1231 : i1
    %sub3A_1233 = arith.constant 1 : i32
    %sub3A_1234 = arith.subi %div3A_1213, %sub3A_1233 : i32
    %select_n3A_1235 = arith.select %and3A_1232, %sub3A_1234, %div3A_1213 : i32
    %jit3A_1236 = arith.constant 32 : i32
    %eq3A_1237 = arith.constant 0 : i32
    %eq3A_1238 = arith.cmpi eq, %jit3A_1236, %eq3A_1237 : i32
    %jit3A_1239 = arith.constant 1 : i32
    %select_n3A_1240 = arith.select %eq3A_1238, %jit3A_1239, %jit3A_1236 : i32
    %rem3A_1241 = arith.remsi %select_n3A_1235, %select_n3A_1240 : i32
    %ne3A_1242 = arith.constant 0 : i32
    %ne3A_1243 = arith.cmpi ne, %rem3A_1241, %ne3A_1242 : i32
    %lt3A_1244 = arith.constant 0 : i32
    %lt3A_1245 = arith.cmpi slt, %rem3A_1241, %lt3A_1244 : i32
    %lt3A_1246 = arith.constant 0 : i32
    %lt3A_1247 = arith.cmpi slt, %select_n3A_1240, %lt3A_1246 : i32
    %ne3A_1248 = arith.xori %lt3A_1245, %lt3A_1247 : i1
    %and3A_1249 = arith.andi %ne3A_1248, %ne3A_1243 : i1
    %add3A_1250 = arith.addi %rem3A_1241, %select_n3A_1240 : i32
    %select_n3A_1251 = arith.select %and3A_1249, %add3A_1250, %rem3A_1241 : i32
    %jit3A_1252 = arith.constant 4 : i32
    %eq3A_1253 = arith.constant 0 : i32
    %eq3A_1254 = arith.cmpi eq, %jit3A_1252, %eq3A_1253 : i32
    %jit3A_1255 = arith.constant 1 : i32
    %select_n3A_1256 = arith.select %eq3A_1254, %jit3A_1255, %jit3A_1252 : i32
    %rem3A_1257 = arith.remsi %add3A_1182, %select_n3A_1256 : i32
    %ne3A_1258 = arith.constant 0 : i32
    %ne3A_1259 = arith.cmpi ne, %rem3A_1257, %ne3A_1258 : i32
    %lt3A_1260 = arith.constant 0 : i32
    %lt3A_1261 = arith.cmpi slt, %rem3A_1257, %lt3A_1260 : i32
    %lt3A_1262 = arith.constant 0 : i32
    %lt3A_1263 = arith.cmpi slt, %select_n3A_1256, %lt3A_1262 : i32
    %ne3A_1264 = arith.xori %lt3A_1261, %lt3A_1263 : i1
    %and3A_1265 = arith.andi %ne3A_1264, %ne3A_1259 : i1
    %add3A_1266 = arith.addi %rem3A_1257, %select_n3A_1256 : i32
    %select_n3A_1267 = arith.select %and3A_1265, %add3A_1266, %rem3A_1257 : i32
    %slice3A_1268 = vector.extract_strided_slice %get3A_1187 {offsets = [1], sizes = [1], strides = [1]} : vector<16xi32> to vector<1xi32>
    %squeeze3A_1269 = vector.extract %slice3A_1268[0] : i32 from vector<1xi32>
    %dma_start3A_1270 = arith.constant 0 : i32
    %dma_start3A_1271 = arith.constant 0 : i32
    %dma_start3A_1272 = arith.constant 0 : i32
    %dma_start3A_1273 = tpu.memref_slice %arg6[%dma_start3A_1270, %dma_start3A_1271, %squeeze3A_1269, %dma_start3A_1272] : memref<2x16x56x55xf32, #tpu.memory_space<vmem>> -> memref<1x16x55x55xf32, #tpu.memory_space<vmem>>
    %dma_start3A_1274 = tpu.memref_squeeze %dma_start3A_1273 : memref<1x16x55x55xf32, #tpu.memory_space<vmem>> -> memref<16x55x55xf32, #tpu.memory_space<vmem>>
    %dma_start3A_1275 = arith.constant 0 : i32
    %dma_start3A_1276 = arith.constant 0 : i32
    %dma_start3A_1277 = arith.constant 0 : i32
    %dma_start3A_1278 = tpu.memref_slice %arg4[%select_n3A_1211, %dma_start3A_1275, %select_n3A_1251, %select_n3A_1267, %dma_start3A_1276, %dma_start3A_1277] : memref<2x32x32x4x55x55xf32, #tpu.memory_space<hbm>> -> memref<1x16x1x1x55x55xf32, #tpu.memory_space<hbm>>
    %dma_start3A_1279 = tpu.memref_squeeze %dma_start3A_1278 : memref<1x16x1x1x55x55xf32, #tpu.memory_space<hbm>> -> memref<16x55x55xf32, #tpu.memory_space<hbm>>
    %dma_start3A_1280 = arith.constant 0 : i32
    %dma_start3A_1281 = arith.constant 0 : i32
    %dma_start3A_1282 = arith.constant 0 : i32
    %dma_start3A_1283 = tpu.memref_slice %arg4[%select_n3A_1211, %dma_start3A_1280, %select_n3A_1251, %select_n3A_1267, %dma_start3A_1281, %dma_start3A_1282] : memref<2x32x32x4x55x55xf32, #tpu.memory_space<hbm>> -> memref<1x16x1x1x55x55xf32, #tpu.memory_space<hbm>>
    %dma_start3A_1284 = tpu.memref_squeeze %dma_start3A_1283 : memref<1x16x1x1x55x55xf32, #tpu.memory_space<hbm>> -> memref<16x55x55xf32, #tpu.memory_space<hbm>>
    %dma_start3A_1285 = arith.constant 0 : i32
    %dma_start3A_1286 = arith.constant 0 : i32
    %dma_start3A_1287 = tpu.memref_slice %arg6[%dma_start3A_1270, %dma_start3A_1285, %squeeze3A_1269, %dma_start3A_1286] : memref<2x16x56x55xf32, #tpu.memory_space<vmem>> -> memref<1x16x55x55xf32, #tpu.memory_space<vmem>>
    %dma_start3A_1288 = tpu.memref_squeeze %dma_start3A_1287 : memref<1x16x55x55xf32, #tpu.memory_space<vmem>> -> memref<16x55x55xf32, #tpu.memory_space<vmem>>
    tpu.enqueue_dma source(%dma_start3A_1288 : memref<16x55x55xf32, #tpu.memory_space<vmem>>) target(%dma_start3A_1284 : memref<16x55x55xf32, #tpu.memory_space<hbm>>) target_semaphore(%arg8 : memref<!tpu.dma_semaphore, #tpu.memory_space<semaphore_mem>>)
    %dma_wait3A_1289 = arith.constant 0 : i32
    %dma_wait3A_1290 = arith.constant 0 : i32
    %dma_wait3A_1291 = arith.constant 0 : i32
    %dma_wait3A_1292 = tpu.memref_slice %arg6[%dma_wait3A_1289, %dma_wait3A_1290, %squeeze3A_1269, %dma_wait3A_1291] : memref<2x16x56x55xf32, #tpu.memory_space<vmem>> -> memref<1x16x55x55xf32, #tpu.memory_space<vmem>>
    %dma_wait3A_1293 = tpu.memref_squeeze %dma_wait3A_1292 : memref<1x16x55x55xf32, #tpu.memory_space<vmem>> -> memref<16x55x55xf32, #tpu.memory_space<vmem>>
    %dma_wait3A_1294 = arith.constant 0 : i32
    %dma_wait3A_1295 = arith.constant 0 : i32
    %dma_wait3A_1296 = arith.constant 0 : i32
    %dma_wait3A_1297 = tpu.memref_slice %arg4[%select_n3A_1211, %dma_wait3A_1294, %select_n3A_1251, %select_n3A_1267, %dma_wait3A_1295, %dma_wait3A_1296] : memref<2x32x32x4x55x55xf32, #tpu.memory_space<hbm>> -> memref<1x16x1x1x55x55xf32, #tpu.memory_space<hbm>>
    %dma_wait3A_1298 = tpu.memref_squeeze %dma_wait3A_1297 : memref<1x16x1x1x55x55xf32, #tpu.memory_space<hbm>> -> memref<16x55x55xf32, #tpu.memory_space<hbm>>
    %dma_wait3A_1299 = arith.constant 0 : i32
    %dma_wait3A_1300 = arith.constant 0 : i32
    %dma_wait3A_1301 = arith.constant 0 : i32
    %dma_wait3A_1302 = tpu.memref_slice %arg4[%select_n3A_1211, %dma_wait3A_1299, %select_n3A_1251, %select_n3A_1267, %dma_wait3A_1300, %dma_wait3A_1301] : memref<2x32x32x4x55x55xf32, #tpu.memory_space<hbm>> -> memref<1x16x1x1x55x55xf32, #tpu.memory_space<hbm>>
    %dma_wait3A_1303 = tpu.memref_squeeze %dma_wait3A_1302 : memref<1x16x1x1x55x55xf32, #tpu.memory_space<hbm>> -> memref<16x55x55xf32, #tpu.memory_space<hbm>>
    %dma_wait3A_1304 = arith.constant 0 : i32
    %dma_wait3A_1305 = arith.constant 0 : i32
    %dma_wait3A_1306 = tpu.memref_slice %arg6[%dma_wait3A_1289, %dma_wait3A_1304, %squeeze3A_1269, %dma_wait3A_1305] : memref<2x16x56x55xf32, #tpu.memory_space<vmem>> -> memref<1x16x55x55xf32, #tpu.memory_space<vmem>>
    %dma_wait3A_1307 = tpu.memref_squeeze %dma_wait3A_1306 : memref<1x16x55x55xf32, #tpu.memory_space<vmem>> -> memref<16x55x55xf32, #tpu.memory_space<vmem>>
    tpu.wait_dma2 semaphore(%arg8 : memref<!tpu.dma_semaphore, #tpu.memory_space<semaphore_mem>>) src(%dma_wait3A_1307 : memref<16x55x55xf32, #tpu.memory_space<vmem>>) dst(%dma_wait3A_1303 : memref<16x55x55xf32, #tpu.memory_space<hbm>>)
    %mul3A_1308 = arith.constant 8 : i32
    %mul3A_1309 = arith.muli %add3A, %mul3A_1308 : i32
    %add3A_1310 = arith.constant 4 : i32
    %add3A_1311 = arith.addi %mul3A_1309, %add3A_1310 : i32
    %mul3A_1312 = arith.constant 16 : i32
    %mul3A_1313 = arith.muli %add3A_1311, %mul3A_1312 : i32
    %get3A_1314 = arith.index_cast %mul3A_1313 : i32 to index
    %get3A_1315 = tpu.vector_load %arg5[%get3A_1314] {strides = array<i32>} : memref<4096xi32, #tpu.memory_space<vmem>>, vector<16xi32>,
    %get3A_1316 = vector.shape_cast %get3A_1315 : vector<16xi32> to vector<16xi32>
    %slice3A_1317 = vector.extract_strided_slice %get3A_1316 {offsets = [2], sizes = [1], strides = [1]} : vector<16xi32> to vector<1xi32>
    %squeeze3A_1318 = vector.extract %slice3A_1317[0] : i32 from vector<1xi32>
    %slice3A_1319 = vector.extract_strided_slice %get3A_1316 {offsets = [0], sizes = [1], strides = [1]} : vector<16xi32> to vector<1xi32>
    %squeeze3A_1320 = vector.extract %slice3A_1319[0] : i32 from vector<1xi32>
    %dma_start3A_1321 = arith.constant 0 : i32
    %dma_start3A_1322 = arith.constant 0 : i32
    %dma_start3A_1323 = arith.constant 0 : i32
    %dma_start3A_1324 = arith.constant 0 : i32
    %dma_start3A_1325 = tpu.memref_slice %arg6[%dma_start3A_1321, %dma_start3A_1322, %dma_start3A_1323, %dma_start3A_1324] : memref<2x16x56x55xf32, #tpu.memory_space<vmem>> -> memref<1x16x56x55xf32, #tpu.memory_space<vmem>>
    %dma_start3A_1326 = tpu.memref_squeeze %dma_start3A_1325 : memref<1x16x56x55xf32, #tpu.memory_space<vmem>> -> memref<16x56x55xf32, #tpu.memory_space<vmem>>
    %dma_start3A_1327 = arith.constant 0 : i32
    %dma_start3A_1328 = arith.constant 0 : i32
    %dma_start3A_1329 = arith.constant 0 : i32
    %dma_start3A_1330 = tpu.memref_slice %arg2[%squeeze3A_1318, %dma_start3A_1327, %squeeze3A_1320, %dma_start3A_1328, %dma_start3A_1329] : memref<2x32x64x56x55xf32, #tpu.memory_space<hbm>> -> memref<1x16x1x56x55xf32, #tpu.memory_space<hbm>>
    %dma_start3A_1331 = tpu.memref_squeeze %dma_start3A_1330 : memref<1x16x1x56x55xf32, #tpu.memory_space<hbm>> -> memref<16x56x55xf32, #tpu.memory_space<hbm>>
    %dma_start3A_1332 = arith.constant 0 : i32
    %dma_start3A_1333 = arith.constant 0 : i32
    %dma_start3A_1334 = arith.constant 0 : i32
    %dma_start3A_1335 = tpu.memref_slice %arg6[%dma_start3A_1321, %dma_start3A_1332, %dma_start3A_1333, %dma_start3A_1334] : memref<2x16x56x55xf32, #tpu.memory_space<vmem>> -> memref<1x16x56x55xf32, #tpu.memory_space<vmem>>
    %dma_start3A_1336 = tpu.memref_squeeze %dma_start3A_1335 : memref<1x16x56x55xf32, #tpu.memory_space<vmem>> -> memref<16x56x55xf32, #tpu.memory_space<vmem>>
    %dma_start3A_1337 = arith.constant 0 : i32
    %dma_start3A_1338 = arith.constant 0 : i32
    %dma_start3A_1339 = arith.constant 0 : i32
    %dma_start3A_1340 = tpu.memref_slice %arg2[%squeeze3A_1318, %dma_start3A_1337, %squeeze3A_1320, %dma_start3A_1338, %dma_start3A_1339] : memref<2x32x64x56x55xf32, #tpu.memory_space<hbm>> -> memref<1x16x1x56x55xf32, #tpu.memory_space<hbm>>
    %dma_start3A_1341 = tpu.memref_squeeze %dma_start3A_1340 : memref<1x16x1x56x55xf32, #tpu.memory_space<hbm>> -> memref<16x56x55xf32, #tpu.memory_space<hbm>>
    tpu.enqueue_dma source(%dma_start3A_1341 : memref<16x56x55xf32, #tpu.memory_space<hbm>>) target(%dma_start3A_1336 : memref<16x56x55xf32, #tpu.memory_space<vmem>>) target_semaphore(%arg7 : memref<!tpu.dma_semaphore, #tpu.memory_space<semaphore_mem>>)
    %dma_wait3A_1342 = arith.constant 1 : i32
    %dma_wait3A_1343 = arith.constant 0 : i32
    %dma_wait3A_1344 = arith.constant 0 : i32
    %dma_wait3A_1345 = arith.constant 0 : i32
    %dma_wait3A_1346 = tpu.memref_slice %arg6[%dma_wait3A_1342, %dma_wait3A_1343, %dma_wait3A_1344, %dma_wait3A_1345] : memref<2x16x56x55xf32, #tpu.memory_space<vmem>> -> memref<1x16x56x55xf32, #tpu.memory_space<vmem>>
    %dma_wait3A_1347 = tpu.memref_squeeze %dma_wait3A_1346 : memref<1x16x56x55xf32, #tpu.memory_space<vmem>> -> memref<16x56x55xf32, #tpu.memory_space<vmem>>
    %dma_wait3A_1348 = arith.constant 16 : i32
    %dma_wait3A_1349 = arith.constant 0 : i32
    %dma_wait3A_1350 = arith.constant 0 : i32
    %dma_wait3A_1351 = tpu.memref_slice %arg2[%squeeze3A_1134, %dma_wait3A_1348, %squeeze3A_1136, %dma_wait3A_1349, %dma_wait3A_1350] : memref<2x32x64x56x55xf32, #tpu.memory_space<hbm>> -> memref<1x16x1x56x55xf32, #tpu.memory_space<hbm>>
    %dma_wait3A_1352 = tpu.memref_squeeze %dma_wait3A_1351 : memref<1x16x1x56x55xf32, #tpu.memory_space<hbm>> -> memref<16x56x55xf32, #tpu.memory_space<hbm>>
    %dma_wait3A_1353 = arith.constant 0 : i32
    %dma_wait3A_1354 = arith.constant 0 : i32
    %dma_wait3A_1355 = arith.constant 0 : i32
    %dma_wait3A_1356 = tpu.memref_slice %arg6[%dma_wait3A_1342, %dma_wait3A_1353, %dma_wait3A_1354, %dma_wait3A_1355] : memref<2x16x56x55xf32, #tpu.memory_space<vmem>> -> memref<1x16x56x55xf32, #tpu.memory_space<vmem>>
    %dma_wait3A_1357 = tpu.memref_squeeze %dma_wait3A_1356 : memref<1x16x56x55xf32, #tpu.memory_space<vmem>> -> memref<16x56x55xf32, #tpu.memory_space<vmem>>
    %dma_wait3A_1358 = arith.constant 16 : i32
    %dma_wait3A_1359 = arith.constant 0 : i32
    %dma_wait3A_1360 = arith.constant 0 : i32
    %dma_wait3A_1361 = tpu.memref_slice %arg2[%squeeze3A_1134, %dma_wait3A_1358, %squeeze3A_1136, %dma_wait3A_1359, %dma_wait3A_1360] : memref<2x32x64x56x55xf32, #tpu.memory_space<hbm>> -> memref<1x16x1x56x55xf32, #tpu.memory_space<hbm>>
    %dma_wait3A_1362 = tpu.memref_squeeze %dma_wait3A_1361 : memref<1x16x1x56x55xf32, #tpu.memory_space<hbm>> -> memref<16x56x55xf32, #tpu.memory_space<hbm>>
    tpu.wait_dma2 semaphore(%arg7 : memref<!tpu.dma_semaphore, #tpu.memory_space<semaphore_mem>>) src(%dma_wait3A_1362 : memref<16x56x55xf32, #tpu.memory_space<hbm>>) dst(%dma_wait3A_1357 : memref<16x56x55xf32, #tpu.memory_space<vmem>>)
    %mul3A_1363 = arith.constant 8 : i32
    %mul3A_1364 = arith.muli %add3A, %mul3A_1363 : i32
    %add3A_1365 = arith.constant 3 : i32
    %add3A_1366 = arith.addi %mul3A_1364, %add3A_1365 : i32
    %mul3A_1367 = arith.constant 16 : i32
    %mul3A_1368 = arith.muli %add3A_1366, %mul3A_1367 : i32
    %get3A_1369 = arith.index_cast %mul3A_1368 : i32 to index
    %get3A_1370 = tpu.vector_load %arg5[%get3A_1369] {strides = array<i32>} : memref<4096xi32, #tpu.memory_space<vmem>>, vector<16xi32>,
    %get3A_1371 = vector.shape_cast %get3A_1370 : vector<16xi32> to vector<16xi32>
    %jit3A_1372 = arith.constant 128 : i32
    %div3A_1373 = arith.divsi %add3A_1366, %jit3A_1372 : i32
    %sign3A_1374 = arith.constant 0 : i32
    %sign3A_1375 = arith.cmpi sgt, %add3A_1366, %sign3A_1374 : i32
    %sign3A_1376 = arith.extui %sign3A_1375 : i1 to i32
    %sign3A_1377 = arith.constant 0 : i32
    %sign3A_1378 = arith.cmpi slt, %add3A_1366, %sign3A_1377 : i32
    %sign3A_1379 = arith.extui %sign3A_1378 : i1 to i32
    %sign3A_1380 = arith.subi %sign3A_1376, %sign3A_1379 : i32
    %sign3A_1381 = arith.constant 0 : i32
    %sign3A_1382 = arith.cmpi sgt, %jit3A_1372, %sign3A_1381 : i32
    %sign3A_1383 = arith.extui %sign3A_1382 : i1 to i32
    %sign3A_1384 = arith.constant 0 : i32
    %sign3A_1385 = arith.cmpi slt, %jit3A_1372, %sign3A_1384 : i32
    %sign3A_1386 = arith.extui %sign3A_1385 : i1 to i32
    %sign3A_1387 = arith.subi %sign3A_1383, %sign3A_1386 : i32
    %ne3A_1388 = arith.cmpi ne, %sign3A_1380, %sign3A_1387 : i32
    %rem3A_1389 = arith.remsi %add3A_1366, %jit3A_1372 : i32
    %ne3A_1390 = arith.constant 0 : i32
    %ne3A_1391 = arith.cmpi ne, %rem3A_1389, %ne3A_1390 : i32
    %and3A_1392 = arith.andi %ne3A_1388, %ne3A_1391 : i1
    %sub3A_1393 = arith.constant 1 : i32
    %sub3A_1394 = arith.subi %div3A_1373, %sub3A_1393 : i32
    %select_n3A_1395 = arith.select %and3A_1392, %sub3A_1394, %div3A_1373 : i32
    %jit3A_1396 = arith.constant 4 : i32
    %div3A_1397 = arith.divsi %add3A_1366, %jit3A_1396 : i32
    %sign3A_1398 = arith.constant 0 : i32
    %sign3A_1399 = arith.cmpi sgt, %add3A_1366, %sign3A_1398 : i32
    %sign3A_1400 = arith.extui %sign3A_1399 : i1 to i32
    %sign3A_1401 = arith.constant 0 : i32
    %sign3A_1402 = arith.cmpi slt, %add3A_1366, %sign3A_1401 : i32
    %sign3A_1403 = arith.extui %sign3A_1402 : i1 to i32
    %sign3A_1404 = arith.subi %sign3A_1400, %sign3A_1403 : i32
    %sign3A_1405 = arith.constant 0 : i32
    %sign3A_1406 = arith.cmpi sgt, %jit3A_1396, %sign3A_1405 : i32
    %sign3A_1407 = arith.extui %sign3A_1406 : i1 to i32
    %sign3A_1408 = arith.constant 0 : i32
    %sign3A_1409 = arith.cmpi slt, %jit3A_1396, %sign3A_1408 : i32
    %sign3A_1410 = arith.extui %sign3A_1409 : i1 to i32
    %sign3A_1411 = arith.subi %sign3A_1407, %sign3A_1410 : i32
    %ne3A_1412 = arith.cmpi ne, %sign3A_1404, %sign3A_1411 : i32
    %rem3A_1413 = arith.remsi %add3A_1366, %jit3A_1396 : i32
    %ne3A_1414 = arith.constant 0 : i32
    %ne3A_1415 = arith.cmpi ne, %rem3A_1413, %ne3A_1414 : i32
    %and3A_1416 = arith.andi %ne3A_1412, %ne3A_1415 : i1
    %sub3A_1417 = arith.constant 1 : i32
    %sub3A_1418 = arith.subi %div3A_1397, %sub3A_1417 : i32
    %select_n3A_1419 = arith.select %and3A_1416, %sub3A_1418, %div3A_1397 : i32
    %jit3A_1420 = arith.constant 32 : i32
    %eq3A_1421 = arith.constant 0 : i32
    %eq3A_1422 = arith.cmpi eq, %jit3A_1420, %eq3A_1421 : i32
    %jit3A_1423 = arith.constant 1 : i32
    %select_n3A_1424 = arith.select %eq3A_1422, %jit3A_1423, %jit3A_1420 : i32
    %rem3A_1425 = arith.remsi %select_n3A_1419, %select_n3A_1424 : i32
    %ne3A_1426 = arith.constant 0 : i32
    %ne3A_1427 = arith.cmpi ne, %rem3A_1425, %ne3A_1426 : i32
    %lt3A_1428 = arith.constant 0 : i32
    %lt3A_1429 = arith.cmpi slt, %rem3A_1425, %lt3A_1428 : i32
    %lt3A_1430 = arith.constant 0 : i32
    %lt3A_1431 = arith.cmpi slt, %select_n3A_1424, %lt3A_1430 : i32
    %ne3A_1432 = arith.xori %lt3A_1429, %lt3A_1431 : i1
    %and3A_1433 = arith.andi %ne3A_1432, %ne3A_1427 : i1
    %add3A_1434 = arith.addi %rem3A_1425, %select_n3A_1424 : i32
    %select_n3A_1435 = arith.select %and3A_1433, %add3A_1434, %rem3A_1425 : i32
    %jit3A_1436 = arith.constant 4 : i32
    %eq3A_1437 = arith.constant 0 : i32
    %eq3A_1438 = arith.cmpi eq, %jit3A_1436, %eq3A_1437 : i32
    %jit3A_1439 = arith.constant 1 : i32
    %select_n3A_1440 = arith.select %eq3A_1438, %jit3A_1439, %jit3A_1436 : i32
    %rem3A_1441 = arith.remsi %add3A_1366, %select_n3A_1440 : i32
    %ne3A_1442 = arith.constant 0 : i32
    %ne3A_1443 = arith.cmpi ne, %rem3A_1441, %ne3A_1442 : i32
    %lt3A_1444 = arith.constant 0 : i32
    %lt3A_1445 = arith.cmpi slt, %rem3A_1441, %lt3A_1444 : i32
    %lt3A_1446 = arith.constant 0 : i32
    %lt3A_1447 = arith.cmpi slt, %select_n3A_1440, %lt3A_1446 : i32
    %ne3A_1448 = arith.xori %lt3A_1445, %lt3A_1447 : i1
    %and3A_1449 = arith.andi %ne3A_1448, %ne3A_1443 : i1
    %add3A_1450 = arith.addi %rem3A_1441, %select_n3A_1440 : i32
    %select_n3A_1451 = arith.select %and3A_1449, %add3A_1450, %rem3A_1441 : i32
    %slice3A_1452 = vector.extract_strided_slice %get3A_1371 {offsets = [1], sizes = [1], strides = [1]} : vector<16xi32> to vector<1xi32>
    %squeeze3A_1453 = vector.extract %slice3A_1452[0] : i32 from vector<1xi32>
    %dma_start3A_1454 = arith.constant 1 : i32
    %dma_start3A_1455 = arith.constant 0 : i32
    %dma_start3A_1456 = arith.constant 0 : i32
    %dma_start3A_1457 = tpu.memref_slice %arg6[%dma_start3A_1454, %dma_start3A_1455, %squeeze3A_1453, %dma_start3A_1456] : memref<2x16x56x55xf32, #tpu.memory_space<vmem>> -> memref<1x16x55x55xf32, #tpu.memory_space<vmem>>
    %dma_start3A_1458 = tpu.memref_squeeze %dma_start3A_1457 : memref<1x16x55x55xf32, #tpu.memory_space<vmem>> -> memref<16x55x55xf32, #tpu.memory_space<vmem>>
    %dma_start3A_1459 = arith.constant 16 : i32
    %dma_start3A_1460 = arith.constant 0 : i32
    %dma_start3A_1461 = arith.constant 0 : i32
    %dma_start3A_1462 = tpu.memref_slice %arg4[%select_n3A_1395, %dma_start3A_1459, %select_n3A_1435, %select_n3A_1451, %dma_start3A_1460, %dma_start3A_1461] : memref<2x32x32x4x55x55xf32, #tpu.memory_space<hbm>> -> memref<1x16x1x1x55x55xf32, #tpu.memory_space<hbm>>
    %dma_start3A_1463 = tpu.memref_squeeze %dma_start3A_1462 : memref<1x16x1x1x55x55xf32, #tpu.memory_space<hbm>> -> memref<16x55x55xf32, #tpu.memory_space<hbm>>
    %dma_start3A_1464 = arith.constant 16 : i32
    %dma_start3A_1465 = arith.constant 0 : i32
    %dma_start3A_1466 = arith.constant 0 : i32
    %dma_start3A_1467 = tpu.memref_slice %arg4[%select_n3A_1395, %dma_start3A_1464, %select_n3A_1435, %select_n3A_1451, %dma_start3A_1465, %dma_start3A_1466] : memref<2x32x32x4x55x55xf32, #tpu.memory_space<hbm>> -> memref<1x16x1x1x55x55xf32, #tpu.memory_space<hbm>>
    %dma_start3A_1468 = tpu.memref_squeeze %dma_start3A_1467 : memref<1x16x1x1x55x55xf32, #tpu.memory_space<hbm>> -> memref<16x55x55xf32, #tpu.memory_space<hbm>>
    %dma_start3A_1469 = arith.constant 0 : i32
    %dma_start3A_1470 = arith.constant 0 : i32
    %dma_start3A_1471 = tpu.memref_slice %arg6[%dma_start3A_1454, %dma_start3A_1469, %squeeze3A_1453, %dma_start3A_1470] : memref<2x16x56x55xf32, #tpu.memory_space<vmem>> -> memref<1x16x55x55xf32, #tpu.memory_space<vmem>>
    %dma_start3A_1472 = tpu.memref_squeeze %dma_start3A_1471 : memref<1x16x55x55xf32, #tpu.memory_space<vmem>> -> memref<16x55x55xf32, #tpu.memory_space<vmem>>
    tpu.enqueue_dma source(%dma_start3A_1472 : memref<16x55x55xf32, #tpu.memory_space<vmem>>) target(%dma_start3A_1468 : memref<16x55x55xf32, #tpu.memory_space<hbm>>) target_semaphore(%arg8 : memref<!tpu.dma_semaphore, #tpu.memory_space<semaphore_mem>>)
    %dma_wait3A_1473 = arith.constant 1 : i32
    %dma_wait3A_1474 = arith.constant 0 : i32
    %dma_wait3A_1475 = arith.constant 0 : i32
    %dma_wait3A_1476 = tpu.memref_slice %arg6[%dma_wait3A_1473, %dma_wait3A_1474, %squeeze3A_1453, %dma_wait3A_1475] : memref<2x16x56x55xf32, #tpu.memory_space<vmem>> -> memref<1x16x55x55xf32, #tpu.memory_space<vmem>>
    %dma_wait3A_1477 = tpu.memref_squeeze %dma_wait3A_1476 : memref<1x16x55x55xf32, #tpu.memory_space<vmem>> -> memref<16x55x55xf32, #tpu.memory_space<vmem>>
    %dma_wait3A_1478 = arith.constant 16 : i32
    %dma_wait3A_1479 = arith.constant 0 : i32
    %dma_wait3A_1480 = arith.constant 0 : i32
    %dma_wait3A_1481 = tpu.memref_slice %arg4[%select_n3A_1395, %dma_wait3A_1478, %select_n3A_1435, %select_n3A_1451, %dma_wait3A_1479, %dma_wait3A_1480] : memref<2x32x32x4x55x55xf32, #tpu.memory_space<hbm>> -> memref<1x16x1x1x55x55xf32, #tpu.memory_space<hbm>>
    %dma_wait3A_1482 = tpu.memref_squeeze %dma_wait3A_1481 : memref<1x16x1x1x55x55xf32, #tpu.memory_space<hbm>> -> memref<16x55x55xf32, #tpu.memory_space<hbm>>
    %dma_wait3A_1483 = arith.constant 16 : i32
    %dma_wait3A_1484 = arith.constant 0 : i32
    %dma_wait3A_1485 = arith.constant 0 : i32
    %dma_wait3A_1486 = tpu.memref_slice %arg4[%select_n3A_1395, %dma_wait3A_1483, %select_n3A_1435, %select_n3A_1451, %dma_wait3A_1484, %dma_wait3A_1485] : memref<2x32x32x4x55x55xf32, #tpu.memory_space<hbm>> -> memref<1x16x1x1x55x55xf32, #tpu.memory_space<hbm>>
    %dma_wait3A_1487 = tpu.memref_squeeze %dma_wait3A_1486 : memref<1x16x1x1x55x55xf32, #tpu.memory_space<hbm>> -> memref<16x55x55xf32, #tpu.memory_space<hbm>>
    %dma_wait3A_1488 = arith.constant 0 : i32
    %dma_wait3A_1489 = arith.constant 0 : i32
    %dma_wait3A_1490 = tpu.memref_slice %arg6[%dma_wait3A_1473, %dma_wait3A_1488, %squeeze3A_1453, %dma_wait3A_1489] : memref<2x16x56x55xf32, #tpu.memory_space<vmem>> -> memref<1x16x55x55xf32, #tpu.memory_space<vmem>>
    %dma_wait3A_1491 = tpu.memref_squeeze %dma_wait3A_1490 : memref<1x16x55x55xf32, #tpu.memory_space<vmem>> -> memref<16x55x55xf32, #tpu.memory_space<vmem>>
    tpu.wait_dma2 semaphore(%arg8 : memref<!tpu.dma_semaphore, #tpu.memory_space<semaphore_mem>>) src(%dma_wait3A_1491 : memref<16x55x55xf32, #tpu.memory_space<vmem>>) dst(%dma_wait3A_1487 : memref<16x55x55xf32, #tpu.memory_space<hbm>>)
    %mul3A_1492 = arith.constant 8 : i32
    %mul3A_1493 = arith.muli %add3A, %mul3A_1492 : i32
    %add3A_1494 = arith.constant 4 : i32
    %add3A_1495 = arith.addi %mul3A_1493, %add3A_1494 : i32
    %mul3A_1496 = arith.constant 16 : i32
    %mul3A_1497 = arith.muli %add3A_1495, %mul3A_1496 : i32
    %get3A_1498 = arith.index_cast %mul3A_1497 : i32 to index
    %get3A_1499 = tpu.vector_load %arg5[%get3A_1498] {strides = array<i32>} : memref<4096xi32, #tpu.memory_space<vmem>>, vector<16xi32>,
    %get3A_1500 = vector.shape_cast %get3A_1499 : vector<16xi32> to vector<16xi32>
    %slice3A_1501 = vector.extract_strided_slice %get3A_1500 {offsets = [2], sizes = [1], strides = [1]} : vector<16xi32> to vector<1xi32>
    %squeeze3A_1502 = vector.extract %slice3A_1501[0] : i32 from vector<1xi32>
    %slice3A_1503 = vector.extract_strided_slice %get3A_1500 {offsets = [0], sizes = [1], strides = [1]} : vector<16xi32> to vector<1xi32>
    %squeeze3A_1504 = vector.extract %slice3A_1503[0] : i32 from vector<1xi32>
    %dma_start3A_1505 = arith.constant 1 : i32
    %dma_start3A_1506 = arith.constant 0 : i32
    %dma_start3A_1507 = arith.constant 0 : i32
    %dma_start3A_1508 = arith.constant 0 : i32
    %dma_start3A_1509 = tpu.memref_slice %arg6[%dma_start3A_1505, %dma_start3A_1506, %dma_start3A_1507, %dma_start3A_1508] : memref<2x16x56x55xf32, #tpu.memory_space<vmem>> -> memref<1x16x56x55xf32, #tpu.memory_space<vmem>>
    %dma_start3A_1510 = tpu.memref_squeeze %dma_start3A_1509 : memref<1x16x56x55xf32, #tpu.memory_space<vmem>> -> memref<16x56x55xf32, #tpu.memory_space<vmem>>
    %dma_start3A_1511 = arith.constant 16 : i32
    %dma_start3A_1512 = arith.constant 0 : i32
    %dma_start3A_1513 = arith.constant 0 : i32
    %dma_start3A_1514 = tpu.memref_slice %arg2[%squeeze3A_1502, %dma_start3A_1511, %squeeze3A_1504, %dma_start3A_1512, %dma_start3A_1513] : memref<2x32x64x56x55xf32, #tpu.memory_space<hbm>> -> memref<1x16x1x56x55xf32, #tpu.memory_space<hbm>>
    %dma_start3A_1515 = tpu.memref_squeeze %dma_start3A_1514 : memref<1x16x1x56x55xf32, #tpu.memory_space<hbm>> -> memref<16x56x55xf32, #tpu.memory_space<hbm>>
    %dma_start3A_1516 = arith.constant 0 : i32
    %dma_start3A_1517 = arith.constant 0 : i32
    %dma_start3A_1518 = arith.constant 0 : i32
    %dma_start3A_1519 = tpu.memref_slice %arg6[%dma_start3A_1505, %dma_start3A_1516, %dma_start3A_1517, %dma_start3A_1518] : memref<2x16x56x55xf32, #tpu.memory_space<vmem>> -> memref<1x16x56x55xf32, #tpu.memory_space<vmem>>
    %dma_start3A_1520 = tpu.memref_squeeze %dma_start3A_1519 : memref<1x16x56x55xf32, #tpu.memory_space<vmem>> -> memref<16x56x55xf32, #tpu.memory_space<vmem>>
    %dma_start3A_1521 = arith.constant 16 : i32
    %dma_start3A_1522 = arith.constant 0 : i32
    %dma_start3A_1523 = arith.constant 0 : i32
    %dma_start3A_1524 = tpu.memref_slice %arg2[%squeeze3A_1502, %dma_start3A_1521, %squeeze3A_1504, %dma_start3A_1522, %dma_start3A_1523] : memref<2x32x64x56x55xf32, #tpu.memory_space<hbm>> -> memref<1x16x1x56x55xf32, #tpu.memory_space<hbm>>
    %dma_start3A_1525 = tpu.memref_squeeze %dma_start3A_1524 : memref<1x16x1x56x55xf32, #tpu.memory_space<hbm>> -> memref<16x56x55xf32, #tpu.memory_space<hbm>>
    tpu.enqueue_dma source(%dma_start3A_1525 : memref<16x56x55xf32, #tpu.memory_space<hbm>>) target(%dma_start3A_1520 : memref<16x56x55xf32, #tpu.memory_space<vmem>>) target_semaphore(%arg7 : memref<!tpu.dma_semaphore, #tpu.memory_space<semaphore_mem>>)
    %dma_wait3A_1526 = arith.constant 0 : i32
    %dma_wait3A_1527 = arith.constant 0 : i32
    %dma_wait3A_1528 = arith.constant 0 : i32
    %dma_wait3A_1529 = arith.constant 0 : i32
    %dma_wait3A_1530 = tpu.memref_slice %arg6[%dma_wait3A_1526, %dma_wait3A_1527, %dma_wait3A_1528, %dma_wait3A_1529] : memref<2x16x56x55xf32, #tpu.memory_space<vmem>> -> memref<1x16x56x55xf32, #tpu.memory_space<vmem>>
    %dma_wait3A_1531 = tpu.memref_squeeze %dma_wait3A_1530 : memref<1x16x56x55xf32, #tpu.memory_space<vmem>> -> memref<16x56x55xf32, #tpu.memory_space<vmem>>
    %dma_wait3A_1532 = arith.constant 0 : i32
    %dma_wait3A_1533 = arith.constant 0 : i32
    %dma_wait3A_1534 = arith.constant 0 : i32
    %dma_wait3A_1535 = tpu.memref_slice %arg2[%squeeze3A_1318, %dma_wait3A_1532, %squeeze3A_1320, %dma_wait3A_1533, %dma_wait3A_1534] : memref<2x32x64x56x55xf32, #tpu.memory_space<hbm>> -> memref<1x16x1x56x55xf32, #tpu.memory_space<hbm>>
    %dma_wait3A_1536 = tpu.memref_squeeze %dma_wait3A_1535 : memref<1x16x1x56x55xf32, #tpu.memory_space<hbm>> -> memref<16x56x55xf32, #tpu.memory_space<hbm>>
    %dma_wait3A_1537 = arith.constant 0 : i32
    %dma_wait3A_1538 = arith.constant 0 : i32
    %dma_wait3A_1539 = arith.constant 0 : i32
    %dma_wait3A_1540 = tpu.memref_slice %arg6[%dma_wait3A_1526, %dma_wait3A_1537, %dma_wait3A_1538, %dma_wait3A_1539] : memref<2x16x56x55xf32, #tpu.memory_space<vmem>> -> memref<1x16x56x55xf32, #tpu.memory_space<vmem>>
    %dma_wait3A_1541 = tpu.memref_squeeze %dma_wait3A_1540 : memref<1x16x56x55xf32, #tpu.memory_space<vmem>> -> memref<16x56x55xf32, #tpu.memory_space<vmem>>
    %dma_wait3A_1542 = arith.constant 0 : i32
    %dma_wait3A_1543 = arith.constant 0 : i32
    %dma_wait3A_1544 = arith.constant 0 : i32
    %dma_wait3A_1545 = tpu.memref_slice %arg2[%squeeze3A_1318, %dma_wait3A_1542, %squeeze3A_1320, %dma_wait3A_1543, %dma_wait3A_1544] : memref<2x32x64x56x55xf32, #tpu.memory_space<hbm>> -> memref<1x16x1x56x55xf32, #tpu.memory_space<hbm>>
    %dma_wait3A_1546 = tpu.memref_squeeze %dma_wait3A_1545 : memref<1x16x1x56x55xf32, #tpu.memory_space<hbm>> -> memref<16x56x55xf32, #tpu.memory_space<hbm>>
    tpu.wait_dma2 semaphore(%arg7 : memref<!tpu.dma_semaphore, #tpu.memory_space<semaphore_mem>>) src(%dma_wait3A_1546 : memref<16x56x55xf32, #tpu.memory_space<hbm>>) dst(%dma_wait3A_1541 : memref<16x56x55xf32, #tpu.memory_space<vmem>>)
    %mul3A_1547 = arith.constant 8 : i32
    %mul3A_1548 = arith.muli %add3A, %mul3A_1547 : i32
    %add3A_1549 = arith.constant 4 : i32
    %add3A_1550 = arith.addi %mul3A_1548, %add3A_1549 : i32
    %mul3A_1551 = arith.constant 16 : i32
    %mul3A_1552 = arith.muli %add3A_1550, %mul3A_1551 : i32
    %get3A_1553 = arith.index_cast %mul3A_1552 : i32 to index
    %get3A_1554 = tpu.vector_load %arg5[%get3A_1553] {strides = array<i32>} : memref<4096xi32, #tpu.memory_space<vmem>>, vector<16xi32>,
    %get3A_1555 = vector.shape_cast %get3A_1554 : vector<16xi32> to vector<16xi32>
    %jit3A_1556 = arith.constant 128 : i32
    %div3A_1557 = arith.divsi %add3A_1550, %jit3A_1556 : i32
    %sign3A_1558 = arith.constant 0 : i32
    %sign3A_1559 = arith.cmpi sgt, %add3A_1550, %sign3A_1558 : i32
    %sign3A_1560 = arith.extui %sign3A_1559 : i1 to i32
    %sign3A_1561 = arith.constant 0 : i32
    %sign3A_1562 = arith.cmpi slt, %add3A_1550, %sign3A_1561 : i32
    %sign3A_1563 = arith.extui %sign3A_1562 : i1 to i32
    %sign3A_1564 = arith.subi %sign3A_1560, %sign3A_1563 : i32
    %sign3A_1565 = arith.constant 0 : i32
    %sign3A_1566 = arith.cmpi sgt, %jit3A_1556, %sign3A_1565 : i32
    %sign3A_1567 = arith.extui %sign3A_1566 : i1 to i32
    %sign3A_1568 = arith.constant 0 : i32
    %sign3A_1569 = arith.cmpi slt, %jit3A_1556, %sign3A_1568 : i32
    %sign3A_1570 = arith.extui %sign3A_1569 : i1 to i32
    %sign3A_1571 = arith.subi %sign3A_1567, %sign3A_1570 : i32
    %ne3A_1572 = arith.cmpi ne, %sign3A_1564, %sign3A_1571 : i32
    %rem3A_1573 = arith.remsi %add3A_1550, %jit3A_1556 : i32
    %ne3A_1574 = arith.constant 0 : i32
    %ne3A_1575 = arith.cmpi ne, %rem3A_1573, %ne3A_1574 : i32
    %and3A_1576 = arith.andi %ne3A_1572, %ne3A_1575 : i1
    %sub3A_1577 = arith.constant 1 : i32
    %sub3A_1578 = arith.subi %div3A_1557, %sub3A_1577 : i32
    %select_n3A_1579 = arith.select %and3A_1576, %sub3A_1578, %div3A_1557 : i32
    %jit3A_1580 = arith.constant 4 : i32
    %div3A_1581 = arith.divsi %add3A_1550, %jit3A_1580 : i32
    %sign3A_1582 = arith.constant 0 : i32
    %sign3A_1583 = arith.cmpi sgt, %add3A_1550, %sign3A_1582 : i32
    %sign3A_1584 = arith.extui %sign3A_1583 : i1 to i32
    %sign3A_1585 = arith.constant 0 : i32
    %sign3A_1586 = arith.cmpi slt, %add3A_1550, %sign3A_1585 : i32
    %sign3A_1587 = arith.extui %sign3A_1586 : i1 to i32
    %sign3A_1588 = arith.subi %sign3A_1584, %sign3A_1587 : i32
    %sign3A_1589 = arith.constant 0 : i32
    %sign3A_1590 = arith.cmpi sgt, %jit3A_1580, %sign3A_1589 : i32
    %sign3A_1591 = arith.extui %sign3A_1590 : i1 to i32
    %sign3A_1592 = arith.constant 0 : i32
    %sign3A_1593 = arith.cmpi slt, %jit3A_1580, %sign3A_1592 : i32
    %sign3A_1594 = arith.extui %sign3A_1593 : i1 to i32
    %sign3A_1595 = arith.subi %sign3A_1591, %sign3A_1594 : i32
    %ne3A_1596 = arith.cmpi ne, %sign3A_1588, %sign3A_1595 : i32
    %rem3A_1597 = arith.remsi %add3A_1550, %jit3A_1580 : i32
    %ne3A_1598 = arith.constant 0 : i32
    %ne3A_1599 = arith.cmpi ne, %rem3A_1597, %ne3A_1598 : i32
    %and3A_1600 = arith.andi %ne3A_1596, %ne3A_1599 : i1
    %sub3A_1601 = arith.constant 1 : i32
    %sub3A_1602 = arith.subi %div3A_1581, %sub3A_1601 : i32
    %select_n3A_1603 = arith.select %and3A_1600, %sub3A_1602, %div3A_1581 : i32
    %jit3A_1604 = arith.constant 32 : i32
    %eq3A_1605 = arith.constant 0 : i32
    %eq3A_1606 = arith.cmpi eq, %jit3A_1604, %eq3A_1605 : i32
    %jit3A_1607 = arith.constant 1 : i32
    %select_n3A_1608 = arith.select %eq3A_1606, %jit3A_1607, %jit3A_1604 : i32
    %rem3A_1609 = arith.remsi %select_n3A_1603, %select_n3A_1608 : i32
    %ne3A_1610 = arith.constant 0 : i32
    %ne3A_1611 = arith.cmpi ne, %rem3A_1609, %ne3A_1610 : i32
    %lt3A_1612 = arith.constant 0 : i32
    %lt3A_1613 = arith.cmpi slt, %rem3A_1609, %lt3A_1612 : i32
    %lt3A_1614 = arith.constant 0 : i32
    %lt3A_1615 = arith.cmpi slt, %select_n3A_1608, %lt3A_1614 : i32
    %ne3A_1616 = arith.xori %lt3A_1613, %lt3A_1615 : i1
    %and3A_1617 = arith.andi %ne3A_1616, %ne3A_1611 : i1
    %add3A_1618 = arith.addi %rem3A_1609, %select_n3A_1608 : i32
    %select_n3A_1619 = arith.select %and3A_1617, %add3A_1618, %rem3A_1609 : i32
    %jit3A_1620 = arith.constant 4 : i32
    %eq3A_1621 = arith.constant 0 : i32
    %eq3A_1622 = arith.cmpi eq, %jit3A_1620, %eq3A_1621 : i32
    %jit3A_1623 = arith.constant 1 : i32
    %select_n3A_1624 = arith.select %eq3A_1622, %jit3A_1623, %jit3A_1620 : i32
    %rem3A_1625 = arith.remsi %add3A_1550, %select_n3A_1624 : i32
    %ne3A_1626 = arith.constant 0 : i32
    %ne3A_1627 = arith.cmpi ne, %rem3A_1625, %ne3A_1626 : i32
    %lt3A_1628 = arith.constant 0 : i32
    %lt3A_1629 = arith.cmpi slt, %rem3A_1625, %lt3A_1628 : i32
    %lt3A_1630 = arith.constant 0 : i32
    %lt3A_1631 = arith.cmpi slt, %select_n3A_1624, %lt3A_1630 : i32
    %ne3A_1632 = arith.xori %lt3A_1629, %lt3A_1631 : i1
    %and3A_1633 = arith.andi %ne3A_1632, %ne3A_1627 : i1
    %add3A_1634 = arith.addi %rem3A_1625, %select_n3A_1624 : i32
    %select_n3A_1635 = arith.select %and3A_1633, %add3A_1634, %rem3A_1625 : i32
    %slice3A_1636 = vector.extract_strided_slice %get3A_1555 {offsets = [1], sizes = [1], strides = [1]} : vector<16xi32> to vector<1xi32>
    %squeeze3A_1637 = vector.extract %slice3A_1636[0] : i32 from vector<1xi32>
    %dma_start3A_1638 = arith.constant 0 : i32
    %dma_start3A_1639 = arith.constant 0 : i32
    %dma_start3A_1640 = arith.constant 0 : i32
    %dma_start3A_1641 = tpu.memref_slice %arg6[%dma_start3A_1638, %dma_start3A_1639, %squeeze3A_1637, %dma_start3A_1640] : memref<2x16x56x55xf32, #tpu.memory_space<vmem>> -> memref<1x16x55x55xf32, #tpu.memory_space<vmem>>
    %dma_start3A_1642 = tpu.memref_squeeze %dma_start3A_1641 : memref<1x16x55x55xf32, #tpu.memory_space<vmem>> -> memref<16x55x55xf32, #tpu.memory_space<vmem>>
    %dma_start3A_1643 = arith.constant 0 : i32
    %dma_start3A_1644 = arith.constant 0 : i32
    %dma_start3A_1645 = arith.constant 0 : i32
    %dma_start3A_1646 = tpu.memref_slice %arg4[%select_n3A_1579, %dma_start3A_1643, %select_n3A_1619, %select_n3A_1635, %dma_start3A_1644, %dma_start3A_1645] : memref<2x32x32x4x55x55xf32, #tpu.memory_space<hbm>> -> memref<1x16x1x1x55x55xf32, #tpu.memory_space<hbm>>
    %dma_start3A_1647 = tpu.memref_squeeze %dma_start3A_1646 : memref<1x16x1x1x55x55xf32, #tpu.memory_space<hbm>> -> memref<16x55x55xf32, #tpu.memory_space<hbm>>
    %dma_start3A_1648 = arith.constant 0 : i32
    %dma_start3A_1649 = arith.constant 0 : i32
    %dma_start3A_1650 = arith.constant 0 : i32
    %dma_start3A_1651 = tpu.memref_slice %arg4[%select_n3A_1579, %dma_start3A_1648, %select_n3A_1619, %select_n3A_1635, %dma_start3A_1649, %dma_start3A_1650] : memref<2x32x32x4x55x55xf32, #tpu.memory_space<hbm>> -> memref<1x16x1x1x55x55xf32, #tpu.memory_space<hbm>>
    %dma_start3A_1652 = tpu.memref_squeeze %dma_start3A_1651 : memref<1x16x1x1x55x55xf32, #tpu.memory_space<hbm>> -> memref<16x55x55xf32, #tpu.memory_space<hbm>>
    %dma_start3A_1653 = arith.constant 0 : i32
    %dma_start3A_1654 = arith.constant 0 : i32
    %dma_start3A_1655 = tpu.memref_slice %arg6[%dma_start3A_1638, %dma_start3A_1653, %squeeze3A_1637, %dma_start3A_1654] : memref<2x16x56x55xf32, #tpu.memory_space<vmem>> -> memref<1x16x55x55xf32, #tpu.memory_space<vmem>>
    %dma_start3A_1656 = tpu.memref_squeeze %dma_start3A_1655 : memref<1x16x55x55xf32, #tpu.memory_space<vmem>> -> memref<16x55x55xf32, #tpu.memory_space<vmem>>
    tpu.enqueue_dma source(%dma_start3A_1656 : memref<16x55x55xf32, #tpu.memory_space<vmem>>) target(%dma_start3A_1652 : memref<16x55x55xf32, #tpu.memory_space<hbm>>) target_semaphore(%arg8 : memref<!tpu.dma_semaphore, #tpu.memory_space<semaphore_mem>>)
    %dma_wait3A_1657 = arith.constant 0 : i32
    %dma_wait3A_1658 = arith.constant 0 : i32
    %dma_wait3A_1659 = arith.constant 0 : i32
    %dma_wait3A_1660 = tpu.memref_slice %arg6[%dma_wait3A_1657, %dma_wait3A_1658, %squeeze3A_1637, %dma_wait3A_1659] : memref<2x16x56x55xf32, #tpu.memory_space<vmem>> -> memref<1x16x55x55xf32, #tpu.memory_space<vmem>>
    %dma_wait3A_1661 = tpu.memref_squeeze %dma_wait3A_1660 : memref<1x16x55x55xf32, #tpu.memory_space<vmem>> -> memref<16x55x55xf32, #tpu.memory_space<vmem>>
    %dma_wait3A_1662 = arith.constant 0 : i32
    %dma_wait3A_1663 = arith.constant 0 : i32
    %dma_wait3A_1664 = arith.constant 0 : i32
    %dma_wait3A_1665 = tpu.memref_slice %arg4[%select_n3A_1579, %dma_wait3A_1662, %select_n3A_1619, %select_n3A_1635, %dma_wait3A_1663, %dma_wait3A_1664] : memref<2x32x32x4x55x55xf32, #tpu.memory_space<hbm>> -> memref<1x16x1x1x55x55xf32, #tpu.memory_space<hbm>>
    %dma_wait3A_1666 = tpu.memref_squeeze %dma_wait3A_1665 : memref<1x16x1x1x55x55xf32, #tpu.memory_space<hbm>> -> memref<16x55x55xf32, #tpu.memory_space<hbm>>
    %dma_wait3A_1667 = arith.constant 0 : i32
    %dma_wait3A_1668 = arith.constant 0 : i32
    %dma_wait3A_1669 = arith.constant 0 : i32
    %dma_wait3A_1670 = tpu.memref_slice %arg4[%select_n3A_1579, %dma_wait3A_1667, %select_n3A_1619, %select_n3A_1635, %dma_wait3A_1668, %dma_wait3A_1669] : memref<2x32x32x4x55x55xf32, #tpu.memory_space<hbm>> -> memref<1x16x1x1x55x55xf32, #tpu.memory_space<hbm>>
    %dma_wait3A_1671 = tpu.memref_squeeze %dma_wait3A_1670 : memref<1x16x1x1x55x55xf32, #tpu.memory_space<hbm>> -> memref<16x55x55xf32, #tpu.memory_space<hbm>>
    %dma_wait3A_1672 = arith.constant 0 : i32
    %dma_wait3A_1673 = arith.constant 0 : i32
    %dma_wait3A_1674 = tpu.memref_slice %arg6[%dma_wait3A_1657, %dma_wait3A_1672, %squeeze3A_1637, %dma_wait3A_1673] : memref<2x16x56x55xf32, #tpu.memory_space<vmem>> -> memref<1x16x55x55xf32, #tpu.memory_space<vmem>>
    %dma_wait3A_1675 = tpu.memref_squeeze %dma_wait3A_1674 : memref<1x16x55x55xf32, #tpu.memory_space<vmem>> -> memref<16x55x55xf32, #tpu.memory_space<vmem>>
    tpu.wait_dma2 semaphore(%arg8 : memref<!tpu.dma_semaphore, #tpu.memory_space<semaphore_mem>>) src(%dma_wait3A_1675 : memref<16x55x55xf32, #tpu.memory_space<vmem>>) dst(%dma_wait3A_1671 : memref<16x55x55xf32, #tpu.memory_space<hbm>>)
    %mul3A_1676 = arith.constant 8 : i32
    %mul3A_1677 = arith.muli %add3A, %mul3A_1676 : i32
    %add3A_1678 = arith.constant 5 : i32
    %add3A_1679 = arith.addi %mul3A_1677, %add3A_1678 : i32
    %mul3A_1680 = arith.constant 16 : i32
    %mul3A_1681 = arith.muli %add3A_1679, %mul3A_1680 : i32
    %get3A_1682 = arith.index_cast %mul3A_1681 : i32 to index
    %get3A_1683 = tpu.vector_load %arg5[%get3A_1682] {strides = array<i32>} : memref<4096xi32, #tpu.memory_space<vmem>>, vector<16xi32>,
    %get3A_1684 = vector.shape_cast %get3A_1683 : vector<16xi32> to vector<16xi32>
    %slice3A_1685 = vector.extract_strided_slice %get3A_1684 {offsets = [2], sizes = [1], strides = [1]} : vector<16xi32> to vector<1xi32>
    %squeeze3A_1686 = vector.extract %slice3A_1685[0] : i32 from vector<1xi32>
    %slice3A_1687 = vector.extract_strided_slice %get3A_1684 {offsets = [0], sizes = [1], strides = [1]} : vector<16xi32> to vector<1xi32>
    %squeeze3A_1688 = vector.extract %slice3A_1687[0] : i32 from vector<1xi32>
    %dma_start3A_1689 = arith.constant 0 : i32
    %dma_start3A_1690 = arith.constant 0 : i32
    %dma_start3A_1691 = arith.constant 0 : i32
    %dma_start3A_1692 = arith.constant 0 : i32
    %dma_start3A_1693 = tpu.memref_slice %arg6[%dma_start3A_1689, %dma_start3A_1690, %dma_start3A_1691, %dma_start3A_1692] : memref<2x16x56x55xf32, #tpu.memory_space<vmem>> -> memref<1x16x56x55xf32, #tpu.memory_space<vmem>>
    %dma_start3A_1694 = tpu.memref_squeeze %dma_start3A_1693 : memref<1x16x56x55xf32, #tpu.memory_space<vmem>> -> memref<16x56x55xf32, #tpu.memory_space<vmem>>
    %dma_start3A_1695 = arith.constant 0 : i32
    %dma_start3A_1696 = arith.constant 0 : i32
    %dma_start3A_1697 = arith.constant 0 : i32
    %dma_start3A_1698 = tpu.memref_slice %arg2[%squeeze3A_1686, %dma_start3A_1695, %squeeze3A_1688, %dma_start3A_1696, %dma_start3A_1697] : memref<2x32x64x56x55xf32, #tpu.memory_space<hbm>> -> memref<1x16x1x56x55xf32, #tpu.memory_space<hbm>>
    %dma_start3A_1699 = tpu.memref_squeeze %dma_start3A_1698 : memref<1x16x1x56x55xf32, #tpu.memory_space<hbm>> -> memref<16x56x55xf32, #tpu.memory_space<hbm>>
    %dma_start3A_1700 = arith.constant 0 : i32
    %dma_start3A_1701 = arith.constant 0 : i32
    %dma_start3A_1702 = arith.constant 0 : i32
    %dma_start3A_1703 = tpu.memref_slice %arg6[%dma_start3A_1689, %dma_start3A_1700, %dma_start3A_1701, %dma_start3A_1702] : memref<2x16x56x55xf32, #tpu.memory_space<vmem>> -> memref<1x16x56x55xf32, #tpu.memory_space<vmem>>
    %dma_start3A_1704 = tpu.memref_squeeze %dma_start3A_1703 : memref<1x16x56x55xf32, #tpu.memory_space<vmem>> -> memref<16x56x55xf32, #tpu.memory_space<vmem>>
    %dma_start3A_1705 = arith.constant 0 : i32
    %dma_start3A_1706 = arith.constant 0 : i32
    %dma_start3A_1707 = arith.constant 0 : i32
    %dma_start3A_1708 = tpu.memref_slice %arg2[%squeeze3A_1686, %dma_start3A_1705, %squeeze3A_1688, %dma_start3A_1706, %dma_start3A_1707] : memref<2x32x64x56x55xf32, #tpu.memory_space<hbm>> -> memref<1x16x1x56x55xf32, #tpu.memory_space<hbm>>
    %dma_start3A_1709 = tpu.memref_squeeze %dma_start3A_1708 : memref<1x16x1x56x55xf32, #tpu.memory_space<hbm>> -> memref<16x56x55xf32, #tpu.memory_space<hbm>>
    tpu.enqueue_dma source(%dma_start3A_1709 : memref<16x56x55xf32, #tpu.memory_space<hbm>>) target(%dma_start3A_1704 : memref<16x56x55xf32, #tpu.memory_space<vmem>>) target_semaphore(%arg7 : memref<!tpu.dma_semaphore, #tpu.memory_space<semaphore_mem>>)
    %dma_wait3A_1710 = arith.constant 1 : i32
    %dma_wait3A_1711 = arith.constant 0 : i32
    %dma_wait3A_1712 = arith.constant 0 : i32
    %dma_wait3A_1713 = arith.constant 0 : i32
    %dma_wait3A_1714 = tpu.memref_slice %arg6[%dma_wait3A_1710, %dma_wait3A_1711, %dma_wait3A_1712, %dma_wait3A_1713] : memref<2x16x56x55xf32, #tpu.memory_space<vmem>> -> memref<1x16x56x55xf32, #tpu.memory_space<vmem>>
    %dma_wait3A_1715 = tpu.memref_squeeze %dma_wait3A_1714 : memref<1x16x56x55xf32, #tpu.memory_space<vmem>> -> memref<16x56x55xf32, #tpu.memory_space<vmem>>
    %dma_wait3A_1716 = arith.constant 16 : i32
    %dma_wait3A_1717 = arith.constant 0 : i32
    %dma_wait3A_1718 = arith.constant 0 : i32
    %dma_wait3A_1719 = tpu.memref_slice %arg2[%squeeze3A_1502, %dma_wait3A_1716, %squeeze3A_1504, %dma_wait3A_1717, %dma_wait3A_1718] : memref<2x32x64x56x55xf32, #tpu.memory_space<hbm>> -> memref<1x16x1x56x55xf32, #tpu.memory_space<hbm>>
    %dma_wait3A_1720 = tpu.memref_squeeze %dma_wait3A_1719 : memref<1x16x1x56x55xf32, #tpu.memory_space<hbm>> -> memref<16x56x55xf32, #tpu.memory_space<hbm>>
    %dma_wait3A_1721 = arith.constant 0 : i32
    %dma_wait3A_1722 = arith.constant 0 : i32
    %dma_wait3A_1723 = arith.constant 0 : i32
    %dma_wait3A_1724 = tpu.memref_slice %arg6[%dma_wait3A_1710, %dma_wait3A_1721, %dma_wait3A_1722, %dma_wait3A_1723] : memref<2x16x56x55xf32, #tpu.memory_space<vmem>> -> memref<1x16x56x55xf32, #tpu.memory_space<vmem>>
    %dma_wait3A_1725 = tpu.memref_squeeze %dma_wait3A_1724 : memref<1x16x56x55xf32, #tpu.memory_space<vmem>> -> memref<16x56x55xf32, #tpu.memory_space<vmem>>
    %dma_wait3A_1726 = arith.constant 16 : i32
    %dma_wait3A_1727 = arith.constant 0 : i32
    %dma_wait3A_1728 = arith.constant 0 : i32
    %dma_wait3A_1729 = tpu.memref_slice %arg2[%squeeze3A_1502, %dma_wait3A_1726, %squeeze3A_1504, %dma_wait3A_1727, %dma_wait3A_1728] : memref<2x32x64x56x55xf32, #tpu.memory_space<hbm>> -> memref<1x16x1x56x55xf32, #tpu.memory_space<hbm>>
    %dma_wait3A_1730 = tpu.memref_squeeze %dma_wait3A_1729 : memref<1x16x1x56x55xf32, #tpu.memory_space<hbm>> -> memref<16x56x55xf32, #tpu.memory_space<hbm>>
    tpu.wait_dma2 semaphore(%arg7 : memref<!tpu.dma_semaphore, #tpu.memory_space<semaphore_mem>>) src(%dma_wait3A_1730 : memref<16x56x55xf32, #tpu.memory_space<hbm>>) dst(%dma_wait3A_1725 : memref<16x56x55xf32, #tpu.memory_space<vmem>>)
    %mul3A_1731 = arith.constant 8 : i32
    %mul3A_1732 = arith.muli %add3A, %mul3A_1731 : i32
    %add3A_1733 = arith.constant 4 : i32
    %add3A_1734 = arith.addi %mul3A_1732, %add3A_1733 : i32
    %mul3A_1735 = arith.constant 16 : i32
    %mul3A_1736 = arith.muli %add3A_1734, %mul3A_1735 : i32
    %get3A_1737 = arith.index_cast %mul3A_1736 : i32 to index
    %get3A_1738 = tpu.vector_load %arg5[%get3A_1737] {strides = array<i32>} : memref<4096xi32, #tpu.memory_space<vmem>>, vector<16xi32>,
    %get3A_1739 = vector.shape_cast %get3A_1738 : vector<16xi32> to vector<16xi32>
    %jit3A_1740 = arith.constant 128 : i32
    %div3A_1741 = arith.divsi %add3A_1734, %jit3A_1740 : i32
    %sign3A_1742 = arith.constant 0 : i32
    %sign3A_1743 = arith.cmpi sgt, %add3A_1734, %sign3A_1742 : i32
    %sign3A_1744 = arith.extui %sign3A_1743 : i1 to i32
    %sign3A_1745 = arith.constant 0 : i32
    %sign3A_1746 = arith.cmpi slt, %add3A_1734, %sign3A_1745 : i32
    %sign3A_1747 = arith.extui %sign3A_1746 : i1 to i32
    %sign3A_1748 = arith.subi %sign3A_1744, %sign3A_1747 : i32
    %sign3A_1749 = arith.constant 0 : i32
    %sign3A_1750 = arith.cmpi sgt, %jit3A_1740, %sign3A_1749 : i32
    %sign3A_1751 = arith.extui %sign3A_1750 : i1 to i32
    %sign3A_1752 = arith.constant 0 : i32
    %sign3A_1753 = arith.cmpi slt, %jit3A_1740, %sign3A_1752 : i32
    %sign3A_1754 = arith.extui %sign3A_1753 : i1 to i32
    %sign3A_1755 = arith.subi %sign3A_1751, %sign3A_1754 : i32
    %ne3A_1756 = arith.cmpi ne, %sign3A_1748, %sign3A_1755 : i32
    %rem3A_1757 = arith.remsi %add3A_1734, %jit3A_1740 : i32
    %ne3A_1758 = arith.constant 0 : i32
    %ne3A_1759 = arith.cmpi ne, %rem3A_1757, %ne3A_1758 : i32
    %and3A_1760 = arith.andi %ne3A_1756, %ne3A_1759 : i1
    %sub3A_1761 = arith.constant 1 : i32
    %sub3A_1762 = arith.subi %div3A_1741, %sub3A_1761 : i32
    %select_n3A_1763 = arith.select %and3A_1760, %sub3A_1762, %div3A_1741 : i32
    %jit3A_1764 = arith.constant 4 : i32
    %div3A_1765 = arith.divsi %add3A_1734, %jit3A_1764 : i32
    %sign3A_1766 = arith.constant 0 : i32
    %sign3A_1767 = arith.cmpi sgt, %add3A_1734, %sign3A_1766 : i32
    %sign3A_1768 = arith.extui %sign3A_1767 : i1 to i32
    %sign3A_1769 = arith.constant 0 : i32
    %sign3A_1770 = arith.cmpi slt, %add3A_1734, %sign3A_1769 : i32
    %sign3A_1771 = arith.extui %sign3A_1770 : i1 to i32
    %sign3A_1772 = arith.subi %sign3A_1768, %sign3A_1771 : i32
    %sign3A_1773 = arith.constant 0 : i32
    %sign3A_1774 = arith.cmpi sgt, %jit3A_1764, %sign3A_1773 : i32
    %sign3A_1775 = arith.extui %sign3A_1774 : i1 to i32
    %sign3A_1776 = arith.constant 0 : i32
    %sign3A_1777 = arith.cmpi slt, %jit3A_1764, %sign3A_1776 : i32
    %sign3A_1778 = arith.extui %sign3A_1777 : i1 to i32
    %sign3A_1779 = arith.subi %sign3A_1775, %sign3A_1778 : i32
    %ne3A_1780 = arith.cmpi ne, %sign3A_1772, %sign3A_1779 : i32
    %rem3A_1781 = arith.remsi %add3A_1734, %jit3A_1764 : i32
    %ne3A_1782 = arith.constant 0 : i32
    %ne3A_1783 = arith.cmpi ne, %rem3A_1781, %ne3A_1782 : i32
    %and3A_1784 = arith.andi %ne3A_1780, %ne3A_1783 : i1
    %sub3A_1785 = arith.constant 1 : i32
    %sub3A_1786 = arith.subi %div3A_1765, %sub3A_1785 : i32
    %select_n3A_1787 = arith.select %and3A_1784, %sub3A_1786, %div3A_1765 : i32
    %jit3A_1788 = arith.constant 32 : i32
    %eq3A_1789 = arith.constant 0 : i32
    %eq3A_1790 = arith.cmpi eq, %jit3A_1788, %eq3A_1789 : i32
    %jit3A_1791 = arith.constant 1 : i32
    %select_n3A_1792 = arith.select %eq3A_1790, %jit3A_1791, %jit3A_1788 : i32
    %rem3A_1793 = arith.remsi %select_n3A_1787, %select_n3A_1792 : i32
    %ne3A_1794 = arith.constant 0 : i32
    %ne3A_1795 = arith.cmpi ne, %rem3A_1793, %ne3A_1794 : i32
    %lt3A_1796 = arith.constant 0 : i32
    %lt3A_1797 = arith.cmpi slt, %rem3A_1793, %lt3A_1796 : i32
    %lt3A_1798 = arith.constant 0 : i32
    %lt3A_1799 = arith.cmpi slt, %select_n3A_1792, %lt3A_1798 : i32
    %ne3A_1800 = arith.xori %lt3A_1797, %lt3A_1799 : i1
    %and3A_1801 = arith.andi %ne3A_1800, %ne3A_1795 : i1
    %add3A_1802 = arith.addi %rem3A_1793, %select_n3A_1792 : i32
    %select_n3A_1803 = arith.select %and3A_1801, %add3A_1802, %rem3A_1793 : i32
    %jit3A_1804 = arith.constant 4 : i32
    %eq3A_1805 = arith.constant 0 : i32
    %eq3A_1806 = arith.cmpi eq, %jit3A_1804, %eq3A_1805 : i32
    %jit3A_1807 = arith.constant 1 : i32
    %select_n3A_1808 = arith.select %eq3A_1806, %jit3A_1807, %jit3A_1804 : i32
    %rem3A_1809 = arith.remsi %add3A_1734, %select_n3A_1808 : i32
    %ne3A_1810 = arith.constant 0 : i32
    %ne3A_1811 = arith.cmpi ne, %rem3A_1809, %ne3A_1810 : i32
    %lt3A_1812 = arith.constant 0 : i32
    %lt3A_1813 = arith.cmpi slt, %rem3A_1809, %lt3A_1812 : i32
    %lt3A_1814 = arith.constant 0 : i32
    %lt3A_1815 = arith.cmpi slt, %select_n3A_1808, %lt3A_1814 : i32
    %ne3A_1816 = arith.xori %lt3A_1813, %lt3A_1815 : i1
    %and3A_1817 = arith.andi %ne3A_1816, %ne3A_1811 : i1
    %add3A_1818 = arith.addi %rem3A_1809, %select_n3A_1808 : i32
    %select_n3A_1819 = arith.select %and3A_1817, %add3A_1818, %rem3A_1809 : i32
    %slice3A_1820 = vector.extract_strided_slice %get3A_1739 {offsets = [1], sizes = [1], strides = [1]} : vector<16xi32> to vector<1xi32>
    %squeeze3A_1821 = vector.extract %slice3A_1820[0] : i32 from vector<1xi32>
    %dma_start3A_1822 = arith.constant 1 : i32
    %dma_start3A_1823 = arith.constant 0 : i32
    %dma_start3A_1824 = arith.constant 0 : i32
    %dma_start3A_1825 = tpu.memref_slice %arg6[%dma_start3A_1822, %dma_start3A_1823, %squeeze3A_1821, %dma_start3A_1824] : memref<2x16x56x55xf32, #tpu.memory_space<vmem>> -> memref<1x16x55x55xf32, #tpu.memory_space<vmem>>
    %dma_start3A_1826 = tpu.memref_squeeze %dma_start3A_1825 : memref<1x16x55x55xf32, #tpu.memory_space<vmem>> -> memref<16x55x55xf32, #tpu.memory_space<vmem>>
    %dma_start3A_1827 = arith.constant 16 : i32
    %dma_start3A_1828 = arith.constant 0 : i32
    %dma_start3A_1829 = arith.constant 0 : i32
    %dma_start3A_1830 = tpu.memref_slice %arg4[%select_n3A_1763, %dma_start3A_1827, %select_n3A_1803, %select_n3A_1819, %dma_start3A_1828, %dma_start3A_1829] : memref<2x32x32x4x55x55xf32, #tpu.memory_space<hbm>> -> memref<1x16x1x1x55x55xf32, #tpu.memory_space<hbm>>
    %dma_start3A_1831 = tpu.memref_squeeze %dma_start3A_1830 : memref<1x16x1x1x55x55xf32, #tpu.memory_space<hbm>> -> memref<16x55x55xf32, #tpu.memory_space<hbm>>
    %dma_start3A_1832 = arith.constant 16 : i32
    %dma_start3A_1833 = arith.constant 0 : i32
    %dma_start3A_1834 = arith.constant 0 : i32
    %dma_start3A_1835 = tpu.memref_slice %arg4[%select_n3A_1763, %dma_start3A_1832, %select_n3A_1803, %select_n3A_1819, %dma_start3A_1833, %dma_start3A_1834] : memref<2x32x32x4x55x55xf32, #tpu.memory_space<hbm>> -> memref<1x16x1x1x55x55xf32, #tpu.memory_space<hbm>>
    %dma_start3A_1836 = tpu.memref_squeeze %dma_start3A_1835 : memref<1x16x1x1x55x55xf32, #tpu.memory_space<hbm>> -> memref<16x55x55xf32, #tpu.memory_space<hbm>>
    %dma_start3A_1837 = arith.constant 0 : i32
    %dma_start3A_1838 = arith.constant 0 : i32
    %dma_start3A_1839 = tpu.memref_slice %arg6[%dma_start3A_1822, %dma_start3A_1837, %squeeze3A_1821, %dma_start3A_1838] : memref<2x16x56x55xf32, #tpu.memory_space<vmem>> -> memref<1x16x55x55xf32, #tpu.memory_space<vmem>>
    %dma_start3A_1840 = tpu.memref_squeeze %dma_start3A_1839 : memref<1x16x55x55xf32, #tpu.memory_space<vmem>> -> memref<16x55x55xf32, #tpu.memory_space<vmem>>
    tpu.enqueue_dma source(%dma_start3A_1840 : memref<16x55x55xf32, #tpu.memory_space<vmem>>) target(%dma_start3A_1836 : memref<16x55x55xf32, #tpu.memory_space<hbm>>) target_semaphore(%arg8 : memref<!tpu.dma_semaphore, #tpu.memory_space<semaphore_mem>>)
    %dma_wait3A_1841 = arith.constant 1 : i32
    %dma_wait3A_1842 = arith.constant 0 : i32
    %dma_wait3A_1843 = arith.constant 0 : i32
    %dma_wait3A_1844 = tpu.memref_slice %arg6[%dma_wait3A_1841, %dma_wait3A_1842, %squeeze3A_1821, %dma_wait3A_1843] : memref<2x16x56x55xf32, #tpu.memory_space<vmem>> -> memref<1x16x55x55xf32, #tpu.memory_space<vmem>>
    %dma_wait3A_1845 = tpu.memref_squeeze %dma_wait3A_1844 : memref<1x16x55x55xf32, #tpu.memory_space<vmem>> -> memref<16x55x55xf32, #tpu.memory_space<vmem>>
    %dma_wait3A_1846 = arith.constant 16 : i32
    %dma_wait3A_1847 = arith.constant 0 : i32
    %dma_wait3A_1848 = arith.constant 0 : i32
    %dma_wait3A_1849 = tpu.memref_slice %arg4[%select_n3A_1763, %dma_wait3A_1846, %select_n3A_1803, %select_n3A_1819, %dma_wait3A_1847, %dma_wait3A_1848] : memref<2x32x32x4x55x55xf32, #tpu.memory_space<hbm>> -> memref<1x16x1x1x55x55xf32, #tpu.memory_space<hbm>>
    %dma_wait3A_1850 = tpu.memref_squeeze %dma_wait3A_1849 : memref<1x16x1x1x55x55xf32, #tpu.memory_space<hbm>> -> memref<16x55x55xf32, #tpu.memory_space<hbm>>
    %dma_wait3A_1851 = arith.constant 16 : i32
    %dma_wait3A_1852 = arith.constant 0 : i32
    %dma_wait3A_1853 = arith.constant 0 : i32
    %dma_wait3A_1854 = tpu.memref_slice %arg4[%select_n3A_1763, %dma_wait3A_1851, %select_n3A_1803, %select_n3A_1819, %dma_wait3A_1852, %dma_wait3A_1853] : memref<2x32x32x4x55x55xf32, #tpu.memory_space<hbm>> -> memref<1x16x1x1x55x55xf32, #tpu.memory_space<hbm>>
    %dma_wait3A_1855 = tpu.memref_squeeze %dma_wait3A_1854 : memref<1x16x1x1x55x55xf32, #tpu.memory_space<hbm>> -> memref<16x55x55xf32, #tpu.memory_space<hbm>>
    %dma_wait3A_1856 = arith.constant 0 : i32
    %dma_wait3A_1857 = arith.constant 0 : i32
    %dma_wait3A_1858 = tpu.memref_slice %arg6[%dma_wait3A_1841, %dma_wait3A_1856, %squeeze3A_1821, %dma_wait3A_1857] : memref<2x16x56x55xf32, #tpu.memory_space<vmem>> -> memref<1x16x55x55xf32, #tpu.memory_space<vmem>>
    %dma_wait3A_1859 = tpu.memref_squeeze %dma_wait3A_1858 : memref<1x16x55x55xf32, #tpu.memory_space<vmem>> -> memref<16x55x55xf32, #tpu.memory_space<vmem>>
    tpu.wait_dma2 semaphore(%arg8 : memref<!tpu.dma_semaphore, #tpu.memory_space<semaphore_mem>>) src(%dma_wait3A_1859 : memref<16x55x55xf32, #tpu.memory_space<vmem>>) dst(%dma_wait3A_1855 : memref<16x55x55xf32, #tpu.memory_space<hbm>>)
    %mul3A_1860 = arith.constant 8 : i32
    %mul3A_1861 = arith.muli %add3A, %mul3A_1860 : i32
    %add3A_1862 = arith.constant 5 : i32
    %add3A_1863 = arith.addi %mul3A_1861, %add3A_1862 : i32
    %mul3A_1864 = arith.constant 16 : i32
    %mul3A_1865 = arith.muli %add3A_1863, %mul3A_1864 : i32
    %get3A_1866 = arith.index_cast %mul3A_1865 : i32 to index
    %get3A_1867 = tpu.vector_load %arg5[%get3A_1866] {strides = array<i32>} : memref<4096xi32, #tpu.memory_space<vmem>>, vector<16xi32>,
    %get3A_1868 = vector.shape_cast %get3A_1867 : vector<16xi32> to vector<16xi32>
    %slice3A_1869 = vector.extract_strided_slice %get3A_1868 {offsets = [2], sizes = [1], strides = [1]} : vector<16xi32> to vector<1xi32>
    %squeeze3A_1870 = vector.extract %slice3A_1869[0] : i32 from vector<1xi32>
    %slice3A_1871 = vector.extract_strided_slice %get3A_1868 {offsets = [0], sizes = [1], strides = [1]} : vector<16xi32> to vector<1xi32>
    %squeeze3A_1872 = vector.extract %slice3A_1871[0] : i32 from vector<1xi32>
    %dma_start3A_1873 = arith.constant 1 : i32
    %dma_start3A_1874 = arith.constant 0 : i32
    %dma_start3A_1875 = arith.constant 0 : i32
    %dma_start3A_1876 = arith.constant 0 : i32
    %dma_start3A_1877 = tpu.memref_slice %arg6[%dma_start3A_1873, %dma_start3A_1874, %dma_start3A_1875, %dma_start3A_1876] : memref<2x16x56x55xf32, #tpu.memory_space<vmem>> -> memref<1x16x56x55xf32, #tpu.memory_space<vmem>>
    %dma_start3A_1878 = tpu.memref_squeeze %dma_start3A_1877 : memref<1x16x56x55xf32, #tpu.memory_space<vmem>> -> memref<16x56x55xf32, #tpu.memory_space<vmem>>
    %dma_start3A_1879 = arith.constant 16 : i32
    %dma_start3A_1880 = arith.constant 0 : i32
    %dma_start3A_1881 = arith.constant 0 : i32
    %dma_start3A_1882 = tpu.memref_slice %arg2[%squeeze3A_1870, %dma_start3A_1879, %squeeze3A_1872, %dma_start3A_1880, %dma_start3A_1881] : memref<2x32x64x56x55xf32, #tpu.memory_space<hbm>> -> memref<1x16x1x56x55xf32, #tpu.memory_space<hbm>>
    %dma_start3A_1883 = tpu.memref_squeeze %dma_start3A_1882 : memref<1x16x1x56x55xf32, #tpu.memory_space<hbm>> -> memref<16x56x55xf32, #tpu.memory_space<hbm>>
    %dma_start3A_1884 = arith.constant 0 : i32
    %dma_start3A_1885 = arith.constant 0 : i32
    %dma_start3A_1886 = arith.constant 0 : i32
    %dma_start3A_1887 = tpu.memref_slice %arg6[%dma_start3A_1873, %dma_start3A_1884, %dma_start3A_1885, %dma_start3A_1886] : memref<2x16x56x55xf32, #tpu.memory_space<vmem>> -> memref<1x16x56x55xf32, #tpu.memory_space<vmem>>
    %dma_start3A_1888 = tpu.memref_squeeze %dma_start3A_1887 : memref<1x16x56x55xf32, #tpu.memory_space<vmem>> -> memref<16x56x55xf32, #tpu.memory_space<vmem>>
    %dma_start3A_1889 = arith.constant 16 : i32
    %dma_start3A_1890 = arith.constant 0 : i32
    %dma_start3A_1891 = arith.constant 0 : i32
    %dma_start3A_1892 = tpu.memref_slice %arg2[%squeeze3A_1870, %dma_start3A_1889, %squeeze3A_1872, %dma_start3A_1890, %dma_start3A_1891] : memref<2x32x64x56x55xf32, #tpu.memory_space<hbm>> -> memref<1x16x1x56x55xf32, #tpu.memory_space<hbm>>
    %dma_start3A_1893 = tpu.memref_squeeze %dma_start3A_1892 : memref<1x16x1x56x55xf32, #tpu.memory_space<hbm>> -> memref<16x56x55xf32, #tpu.memory_space<hbm>>
    tpu.enqueue_dma source(%dma_start3A_1893 : memref<16x56x55xf32, #tpu.memory_space<hbm>>) target(%dma_start3A_1888 : memref<16x56x55xf32, #tpu.memory_space<vmem>>) target_semaphore(%arg7 : memref<!tpu.dma_semaphore, #tpu.memory_space<semaphore_mem>>)
    %dma_wait3A_1894 = arith.constant 0 : i32
    %dma_wait3A_1895 = arith.constant 0 : i32
    %dma_wait3A_1896 = arith.constant 0 : i32
    %dma_wait3A_1897 = arith.constant 0 : i32
    %dma_wait3A_1898 = tpu.memref_slice %arg6[%dma_wait3A_1894, %dma_wait3A_1895, %dma_wait3A_1896, %dma_wait3A_1897] : memref<2x16x56x55xf32, #tpu.memory_space<vmem>> -> memref<1x16x56x55xf32, #tpu.memory_space<vmem>>
    %dma_wait3A_1899 = tpu.memref_squeeze %dma_wait3A_1898 : memref<1x16x56x55xf32, #tpu.memory_space<vmem>> -> memref<16x56x55xf32, #tpu.memory_space<vmem>>
    %dma_wait3A_1900 = arith.constant 0 : i32
    %dma_wait3A_1901 = arith.constant 0 : i32
    %dma_wait3A_1902 = arith.constant 0 : i32
    %dma_wait3A_1903 = tpu.memref_slice %arg2[%squeeze3A_1686, %dma_wait3A_1900, %squeeze3A_1688, %dma_wait3A_1901, %dma_wait3A_1902] : memref<2x32x64x56x55xf32, #tpu.memory_space<hbm>> -> memref<1x16x1x56x55xf32, #tpu.memory_space<hbm>>
    %dma_wait3A_1904 = tpu.memref_squeeze %dma_wait3A_1903 : memref<1x16x1x56x55xf32, #tpu.memory_space<hbm>> -> memref<16x56x55xf32, #tpu.memory_space<hbm>>
    %dma_wait3A_1905 = arith.constant 0 : i32
    %dma_wait3A_1906 = arith.constant 0 : i32
    %dma_wait3A_1907 = arith.constant 0 : i32
    %dma_wait3A_1908 = tpu.memref_slice %arg6[%dma_wait3A_1894, %dma_wait3A_1905, %dma_wait3A_1906, %dma_wait3A_1907] : memref<2x16x56x55xf32, #tpu.memory_space<vmem>> -> memref<1x16x56x55xf32, #tpu.memory_space<vmem>>
    %dma_wait3A_1909 = tpu.memref_squeeze %dma_wait3A_1908 : memref<1x16x56x55xf32, #tpu.memory_space<vmem>> -> memref<16x56x55xf32, #tpu.memory_space<vmem>>
    %dma_wait3A_1910 = arith.constant 0 : i32
    %dma_wait3A_1911 = arith.constant 0 : i32
    %dma_wait3A_1912 = arith.constant 0 : i32
    %dma_wait3A_1913 = tpu.memref_slice %arg2[%squeeze3A_1686, %dma_wait3A_1910, %squeeze3A_1688, %dma_wait3A_1911, %dma_wait3A_1912] : memref<2x32x64x56x55xf32, #tpu.memory_space<hbm>> -> memref<1x16x1x56x55xf32, #tpu.memory_space<hbm>>
    %dma_wait3A_1914 = tpu.memref_squeeze %dma_wait3A_1913 : memref<1x16x1x56x55xf32, #tpu.memory_space<hbm>> -> memref<16x56x55xf32, #tpu.memory_space<hbm>>
    tpu.wait_dma2 semaphore(%arg7 : memref<!tpu.dma_semaphore, #tpu.memory_space<semaphore_mem>>) src(%dma_wait3A_1914 : memref<16x56x55xf32, #tpu.memory_space<hbm>>) dst(%dma_wait3A_1909 : memref<16x56x55xf32, #tpu.memory_space<vmem>>)
    %mul3A_1915 = arith.constant 8 : i32
    %mul3A_1916 = arith.muli %add3A, %mul3A_1915 : i32
    %add3A_1917 = arith.constant 5 : i32
    %add3A_1918 = arith.addi %mul3A_1916, %add3A_1917 : i32
    %mul3A_1919 = arith.constant 16 : i32
    %mul3A_1920 = arith.muli %add3A_1918, %mul3A_1919 : i32
    %get3A_1921 = arith.index_cast %mul3A_1920 : i32 to index
    %get3A_1922 = tpu.vector_load %arg5[%get3A_1921] {strides = array<i32>} : memref<4096xi32, #tpu.memory_space<vmem>>, vector<16xi32>,
    %get3A_1923 = vector.shape_cast %get3A_1922 : vector<16xi32> to vector<16xi32>
    %jit3A_1924 = arith.constant 128 : i32
    %div3A_1925 = arith.divsi %add3A_1918, %jit3A_1924 : i32
    %sign3A_1926 = arith.constant 0 : i32
    %sign3A_1927 = arith.cmpi sgt, %add3A_1918, %sign3A_1926 : i32
    %sign3A_1928 = arith.extui %sign3A_1927 : i1 to i32
    %sign3A_1929 = arith.constant 0 : i32
    %sign3A_1930 = arith.cmpi slt, %add3A_1918, %sign3A_1929 : i32
    %sign3A_1931 = arith.extui %sign3A_1930 : i1 to i32
    %sign3A_1932 = arith.subi %sign3A_1928, %sign3A_1931 : i32
    %sign3A_1933 = arith.constant 0 : i32
    %sign3A_1934 = arith.cmpi sgt, %jit3A_1924, %sign3A_1933 : i32
    %sign3A_1935 = arith.extui %sign3A_1934 : i1 to i32
    %sign3A_1936 = arith.constant 0 : i32
    %sign3A_1937 = arith.cmpi slt, %jit3A_1924, %sign3A_1936 : i32
    %sign3A_1938 = arith.extui %sign3A_1937 : i1 to i32
    %sign3A_1939 = arith.subi %sign3A_1935, %sign3A_1938 : i32
    %ne3A_1940 = arith.cmpi ne, %sign3A_1932, %sign3A_1939 : i32
    %rem3A_1941 = arith.remsi %add3A_1918, %jit3A_1924 : i32
    %ne3A_1942 = arith.constant 0 : i32
    %ne3A_1943 = arith.cmpi ne, %rem3A_1941, %ne3A_1942 : i32
    %and3A_1944 = arith.andi %ne3A_1940, %ne3A_1943 : i1
    %sub3A_1945 = arith.constant 1 : i32
    %sub3A_1946 = arith.subi %div3A_1925, %sub3A_1945 : i32
    %select_n3A_1947 = arith.select %and3A_1944, %sub3A_1946, %div3A_1925 : i32
    %jit3A_1948 = arith.constant 4 : i32
    %div3A_1949 = arith.divsi %add3A_1918, %jit3A_1948 : i32
    %sign3A_1950 = arith.constant 0 : i32
    %sign3A_1951 = arith.cmpi sgt, %add3A_1918, %sign3A_1950 : i32
    %sign3A_1952 = arith.extui %sign3A_1951 : i1 to i32
    %sign3A_1953 = arith.constant 0 : i32
    %sign3A_1954 = arith.cmpi slt, %add3A_1918, %sign3A_1953 : i32
    %sign3A_1955 = arith.extui %sign3A_1954 : i1 to i32
    %sign3A_1956 = arith.subi %sign3A_1952, %sign3A_1955 : i32
    %sign3A_1957 = arith.constant 0 : i32
    %sign3A_1958 = arith.cmpi sgt, %jit3A_1948, %sign3A_1957 : i32
    %sign3A_1959 = arith.extui %sign3A_1958 : i1 to i32
    %sign3A_1960 = arith.constant 0 : i32
    %sign3A_1961 = arith.cmpi slt, %jit3A_1948, %sign3A_1960 : i32
    %sign3A_1962 = arith.extui %sign3A_1961 : i1 to i32
    %sign3A_1963 = arith.subi %sign3A_1959, %sign3A_1962 : i32
    %ne3A_1964 = arith.cmpi ne, %sign3A_1956, %sign3A_1963 : i32
    %rem3A_1965 = arith.remsi %add3A_1918, %jit3A_1948 : i32
    %ne3A_1966 = arith.constant 0 : i32
    %ne3A_1967 = arith.cmpi ne, %rem3A_1965, %ne3A_1966 : i32
    %and3A_1968 = arith.andi %ne3A_1964, %ne3A_1967 : i1
    %sub3A_1969 = arith.constant 1 : i32
    %sub3A_1970 = arith.subi %div3A_1949, %sub3A_1969 : i32
    %select_n3A_1971 = arith.select %and3A_1968, %sub3A_1970, %div3A_1949 : i32
    %jit3A_1972 = arith.constant 32 : i32
    %eq3A_1973 = arith.constant 0 : i32
    %eq3A_1974 = arith.cmpi eq, %jit3A_1972, %eq3A_1973 : i32
    %jit3A_1975 = arith.constant 1 : i32
    %select_n3A_1976 = arith.select %eq3A_1974, %jit3A_1975, %jit3A_1972 : i32
    %rem3A_1977 = arith.remsi %select_n3A_1971, %select_n3A_1976 : i32
    %ne3A_1978 = arith.constant 0 : i32
    %ne3A_1979 = arith.cmpi ne, %rem3A_1977, %ne3A_1978 : i32
    %lt3A_1980 = arith.constant 0 : i32
    %lt3A_1981 = arith.cmpi slt, %rem3A_1977, %lt3A_1980 : i32
    %lt3A_1982 = arith.constant 0 : i32
    %lt3A_1983 = arith.cmpi slt, %select_n3A_1976, %lt3A_1982 : i32
    %ne3A_1984 = arith.xori %lt3A_1981, %lt3A_1983 : i1
    %and3A_1985 = arith.andi %ne3A_1984, %ne3A_1979 : i1
    %add3A_1986 = arith.addi %rem3A_1977, %select_n3A_1976 : i32
    %select_n3A_1987 = arith.select %and3A_1985, %add3A_1986, %rem3A_1977 : i32
    %jit3A_1988 = arith.constant 4 : i32
    %eq3A_1989 = arith.constant 0 : i32
    %eq3A_1990 = arith.cmpi eq, %jit3A_1988, %eq3A_1989 : i32
    %jit3A_1991 = arith.constant 1 : i32
    %select_n3A_1992 = arith.select %eq3A_1990, %jit3A_1991, %jit3A_1988 : i32
    %rem3A_1993 = arith.remsi %add3A_1918, %select_n3A_1992 : i32
    %ne3A_1994 = arith.constant 0 : i32
    %ne3A_1995 = arith.cmpi ne, %rem3A_1993, %ne3A_1994 : i32
    %lt3A_1996 = arith.constant 0 : i32
    %lt3A_1997 = arith.cmpi slt, %rem3A_1993, %lt3A_1996 : i32
    %lt3A_1998 = arith.constant 0 : i32
    %lt3A_1999 = arith.cmpi slt, %select_n3A_1992, %lt3A_1998 : i32
    %ne3A_2000 = arith.xori %lt3A_1997, %lt3A_1999 : i1
    %and3A_2001 = arith.andi %ne3A_2000, %ne3A_1995 : i1
    %add3A_2002 = arith.addi %rem3A_1993, %select_n3A_1992 : i32
    %select_n3A_2003 = arith.select %and3A_2001, %add3A_2002, %rem3A_1993 : i32
    %slice3A_2004 = vector.extract_strided_slice %get3A_1923 {offsets = [1], sizes = [1], strides = [1]} : vector<16xi32> to vector<1xi32>
    %squeeze3A_2005 = vector.extract %slice3A_2004[0] : i32 from vector<1xi32>
    %dma_start3A_2006 = arith.constant 0 : i32
    %dma_start3A_2007 = arith.constant 0 : i32
    %dma_start3A_2008 = arith.constant 0 : i32
    %dma_start3A_2009 = tpu.memref_slice %arg6[%dma_start3A_2006, %dma_start3A_2007, %squeeze3A_2005, %dma_start3A_2008] : memref<2x16x56x55xf32, #tpu.memory_space<vmem>> -> memref<1x16x55x55xf32, #tpu.memory_space<vmem>>
    %dma_start3A_2010 = tpu.memref_squeeze %dma_start3A_2009 : memref<1x16x55x55xf32, #tpu.memory_space<vmem>> -> memref<16x55x55xf32, #tpu.memory_space<vmem>>
    %dma_start3A_2011 = arith.constant 0 : i32
    %dma_start3A_2012 = arith.constant 0 : i32
    %dma_start3A_2013 = arith.constant 0 : i32
    %dma_start3A_2014 = tpu.memref_slice %arg4[%select_n3A_1947, %dma_start3A_2011, %select_n3A_1987, %select_n3A_2003, %dma_start3A_2012, %dma_start3A_2013] : memref<2x32x32x4x55x55xf32, #tpu.memory_space<hbm>> -> memref<1x16x1x1x55x55xf32, #tpu.memory_space<hbm>>
    %dma_start3A_2015 = tpu.memref_squeeze %dma_start3A_2014 : memref<1x16x1x1x55x55xf32, #tpu.memory_space<hbm>> -> memref<16x55x55xf32, #tpu.memory_space<hbm>>
    %dma_start3A_2016 = arith.constant 0 : i32
    %dma_start3A_2017 = arith.constant 0 : i32
    %dma_start3A_2018 = arith.constant 0 : i32
    %dma_start3A_2019 = tpu.memref_slice %arg4[%select_n3A_1947, %dma_start3A_2016, %select_n3A_1987, %select_n3A_2003, %dma_start3A_2017, %dma_start3A_2018] : memref<2x32x32x4x55x55xf32, #tpu.memory_space<hbm>> -> memref<1x16x1x1x55x55xf32, #tpu.memory_space<hbm>>
    %dma_start3A_2020 = tpu.memref_squeeze %dma_start3A_2019 : memref<1x16x1x1x55x55xf32, #tpu.memory_space<hbm>> -> memref<16x55x55xf32, #tpu.memory_space<hbm>>
    %dma_start3A_2021 = arith.constant 0 : i32
    %dma_start3A_2022 = arith.constant 0 : i32
    %dma_start3A_2023 = tpu.memref_slice %arg6[%dma_start3A_2006, %dma_start3A_2021, %squeeze3A_2005, %dma_start3A_2022] : memref<2x16x56x55xf32, #tpu.memory_space<vmem>> -> memref<1x16x55x55xf32, #tpu.memory_space<vmem>>
    %dma_start3A_2024 = tpu.memref_squeeze %dma_start3A_2023 : memref<1x16x55x55xf32, #tpu.memory_space<vmem>> -> memref<16x55x55xf32, #tpu.memory_space<vmem>>
    tpu.enqueue_dma source(%dma_start3A_2024 : memref<16x55x55xf32, #tpu.memory_space<vmem>>) target(%dma_start3A_2020 : memref<16x55x55xf32, #tpu.memory_space<hbm>>) target_semaphore(%arg8 : memref<!tpu.dma_semaphore, #tpu.memory_space<semaphore_mem>>)
    %dma_wait3A_2025 = arith.constant 0 : i32
    %dma_wait3A_2026 = arith.constant 0 : i32
    %dma_wait3A_2027 = arith.constant 0 : i32
    %dma_wait3A_2028 = tpu.memref_slice %arg6[%dma_wait3A_2025, %dma_wait3A_2026, %squeeze3A_2005, %dma_wait3A_2027] : memref<2x16x56x55xf32, #tpu.memory_space<vmem>> -> memref<1x16x55x55xf32, #tpu.memory_space<vmem>>
    %dma_wait3A_2029 = tpu.memref_squeeze %dma_wait3A_2028 : memref<1x16x55x55xf32, #tpu.memory_space<vmem>> -> memref<16x55x55xf32, #tpu.memory_space<vmem>>
    %dma_wait3A_2030 = arith.constant 0 : i32
    %dma_wait3A_2031 = arith.constant 0 : i32
    %dma_wait3A_2032 = arith.constant 0 : i32
    %dma_wait3A_2033 = tpu.memref_slice %arg4[%select_n3A_1947, %dma_wait3A_2030, %select_n3A_1987, %select_n3A_2003, %dma_wait3A_2031, %dma_wait3A_2032] : memref<2x32x32x4x55x55xf32, #tpu.memory_space<hbm>> -> memref<1x16x1x1x55x55xf32, #tpu.memory_space<hbm>>
    %dma_wait3A_2034 = tpu.memref_squeeze %dma_wait3A_2033 : memref<1x16x1x1x55x55xf32, #tpu.memory_space<hbm>> -> memref<16x55x55xf32, #tpu.memory_space<hbm>>
    %dma_wait3A_2035 = arith.constant 0 : i32
    %dma_wait3A_2036 = arith.constant 0 : i32
    %dma_wait3A_2037 = arith.constant 0 : i32
    %dma_wait3A_2038 = tpu.memref_slice %arg4[%select_n3A_1947, %dma_wait3A_2035, %select_n3A_1987, %select_n3A_2003, %dma_wait3A_2036, %dma_wait3A_2037] : memref<2x32x32x4x55x55xf32, #tpu.memory_space<hbm>> -> memref<1x16x1x1x55x55xf32, #tpu.memory_space<hbm>>
    %dma_wait3A_2039 = tpu.memref_squeeze %dma_wait3A_2038 : memref<1x16x1x1x55x55xf32, #tpu.memory_space<hbm>> -> memref<16x55x55xf32, #tpu.memory_space<hbm>>
    %dma_wait3A_2040 = arith.constant 0 : i32
    %dma_wait3A_2041 = arith.constant 0 : i32
    %dma_wait3A_2042 = tpu.memref_slice %arg6[%dma_wait3A_2025, %dma_wait3A_2040, %squeeze3A_2005, %dma_wait3A_2041] : memref<2x16x56x55xf32, #tpu.memory_space<vmem>> -> memref<1x16x55x55xf32, #tpu.memory_space<vmem>>
    %dma_wait3A_2043 = tpu.memref_squeeze %dma_wait3A_2042 : memref<1x16x55x55xf32, #tpu.memory_space<vmem>> -> memref<16x55x55xf32, #tpu.memory_space<vmem>>
    tpu.wait_dma2 semaphore(%arg8 : memref<!tpu.dma_semaphore, #tpu.memory_space<semaphore_mem>>) src(%dma_wait3A_2043 : memref<16x55x55xf32, #tpu.memory_space<vmem>>) dst(%dma_wait3A_2039 : memref<16x55x55xf32, #tpu.memory_space<hbm>>)
    %mul3A_2044 = arith.constant 8 : i32
    %mul3A_2045 = arith.muli %add3A, %mul3A_2044 : i32
    %add3A_2046 = arith.constant 6 : i32
    %add3A_2047 = arith.addi %mul3A_2045, %add3A_2046 : i32
    %mul3A_2048 = arith.constant 16 : i32
    %mul3A_2049 = arith.muli %add3A_2047, %mul3A_2048 : i32
    %get3A_2050 = arith.index_cast %mul3A_2049 : i32 to index
    %get3A_2051 = tpu.vector_load %arg5[%get3A_2050] {strides = array<i32>} : memref<4096xi32, #tpu.memory_space<vmem>>, vector<16xi32>,
    %get3A_2052 = vector.shape_cast %get3A_2051 : vector<16xi32> to vector<16xi32>
    %slice3A_2053 = vector.extract_strided_slice %get3A_2052 {offsets = [2], sizes = [1], strides = [1]} : vector<16xi32> to vector<1xi32>
    %squeeze3A_2054 = vector.extract %slice3A_2053[0] : i32 from vector<1xi32>
    %slice3A_2055 = vector.extract_strided_slice %get3A_2052 {offsets = [0], sizes = [1], strides = [1]} : vector<16xi32> to vector<1xi32>
    %squeeze3A_2056 = vector.extract %slice3A_2055[0] : i32 from vector<1xi32>
    %dma_start3A_2057 = arith.constant 0 : i32
    %dma_start3A_2058 = arith.constant 0 : i32
    %dma_start3A_2059 = arith.constant 0 : i32
    %dma_start3A_2060 = arith.constant 0 : i32
    %dma_start3A_2061 = tpu.memref_slice %arg6[%dma_start3A_2057, %dma_start3A_2058, %dma_start3A_2059, %dma_start3A_2060] : memref<2x16x56x55xf32, #tpu.memory_space<vmem>> -> memref<1x16x56x55xf32, #tpu.memory_space<vmem>>
    %dma_start3A_2062 = tpu.memref_squeeze %dma_start3A_2061 : memref<1x16x56x55xf32, #tpu.memory_space<vmem>> -> memref<16x56x55xf32, #tpu.memory_space<vmem>>
    %dma_start3A_2063 = arith.constant 0 : i32
    %dma_start3A_2064 = arith.constant 0 : i32
    %dma_start3A_2065 = arith.constant 0 : i32
    %dma_start3A_2066 = tpu.memref_slice %arg2[%squeeze3A_2054, %dma_start3A_2063, %squeeze3A_2056, %dma_start3A_2064, %dma_start3A_2065] : memref<2x32x64x56x55xf32, #tpu.memory_space<hbm>> -> memref<1x16x1x56x55xf32, #tpu.memory_space<hbm>>
    %dma_start3A_2067 = tpu.memref_squeeze %dma_start3A_2066 : memref<1x16x1x56x55xf32, #tpu.memory_space<hbm>> -> memref<16x56x55xf32, #tpu.memory_space<hbm>>
    %dma_start3A_2068 = arith.constant 0 : i32
    %dma_start3A_2069 = arith.constant 0 : i32
    %dma_start3A_2070 = arith.constant 0 : i32
    %dma_start3A_2071 = tpu.memref_slice %arg6[%dma_start3A_2057, %dma_start3A_2068, %dma_start3A_2069, %dma_start3A_2070] : memref<2x16x56x55xf32, #tpu.memory_space<vmem>> -> memref<1x16x56x55xf32, #tpu.memory_space<vmem>>
    %dma_start3A_2072 = tpu.memref_squeeze %dma_start3A_2071 : memref<1x16x56x55xf32, #tpu.memory_space<vmem>> -> memref<16x56x55xf32, #tpu.memory_space<vmem>>
    %dma_start3A_2073 = arith.constant 0 : i32
    %dma_start3A_2074 = arith.constant 0 : i32
    %dma_start3A_2075 = arith.constant 0 : i32
    %dma_start3A_2076 = tpu.memref_slice %arg2[%squeeze3A_2054, %dma_start3A_2073, %squeeze3A_2056, %dma_start3A_2074, %dma_start3A_2075] : memref<2x32x64x56x55xf32, #tpu.memory_space<hbm>> -> memref<1x16x1x56x55xf32, #tpu.memory_space<hbm>>
    %dma_start3A_2077 = tpu.memref_squeeze %dma_start3A_2076 : memref<1x16x1x56x55xf32, #tpu.memory_space<hbm>> -> memref<16x56x55xf32, #tpu.memory_space<hbm>>
    tpu.enqueue_dma source(%dma_start3A_2077 : memref<16x56x55xf32, #tpu.memory_space<hbm>>) target(%dma_start3A_2072 : memref<16x56x55xf32, #tpu.memory_space<vmem>>) target_semaphore(%arg7 : memref<!tpu.dma_semaphore, #tpu.memory_space<semaphore_mem>>)
    %dma_wait3A_2078 = arith.constant 1 : i32
    %dma_wait3A_2079 = arith.constant 0 : i32
    %dma_wait3A_2080 = arith.constant 0 : i32
    %dma_wait3A_2081 = arith.constant 0 : i32
    %dma_wait3A_2082 = tpu.memref_slice %arg6[%dma_wait3A_2078, %dma_wait3A_2079, %dma_wait3A_2080, %dma_wait3A_2081] : memref<2x16x56x55xf32, #tpu.memory_space<vmem>> -> memref<1x16x56x55xf32, #tpu.memory_space<vmem>>
    %dma_wait3A_2083 = tpu.memref_squeeze %dma_wait3A_2082 : memref<1x16x56x55xf32, #tpu.memory_space<vmem>> -> memref<16x56x55xf32, #tpu.memory_space<vmem>>
    %dma_wait3A_2084 = arith.constant 16 : i32
    %dma_wait3A_2085 = arith.constant 0 : i32
    %dma_wait3A_2086 = arith.constant 0 : i32
    %dma_wait3A_2087 = tpu.memref_slice %arg2[%squeeze3A_1870, %dma_wait3A_2084, %squeeze3A_1872, %dma_wait3A_2085, %dma_wait3A_2086] : memref<2x32x64x56x55xf32, #tpu.memory_space<hbm>> -> memref<1x16x1x56x55xf32, #tpu.memory_space<hbm>>
    %dma_wait3A_2088 = tpu.memref_squeeze %dma_wait3A_2087 : memref<1x16x1x56x55xf32, #tpu.memory_space<hbm>> -> memref<16x56x55xf32, #tpu.memory_space<hbm>>
    %dma_wait3A_2089 = arith.constant 0 : i32
    %dma_wait3A_2090 = arith.constant 0 : i32
    %dma_wait3A_2091 = arith.constant 0 : i32
    %dma_wait3A_2092 = tpu.memref_slice %arg6[%dma_wait3A_2078, %dma_wait3A_2089, %dma_wait3A_2090, %dma_wait3A_2091] : memref<2x16x56x55xf32, #tpu.memory_space<vmem>> -> memref<1x16x56x55xf32, #tpu.memory_space<vmem>>
    %dma_wait3A_2093 = tpu.memref_squeeze %dma_wait3A_2092 : memref<1x16x56x55xf32, #tpu.memory_space<vmem>> -> memref<16x56x55xf32, #tpu.memory_space<vmem>>
    %dma_wait3A_2094 = arith.constant 16 : i32
    %dma_wait3A_2095 = arith.constant 0 : i32
    %dma_wait3A_2096 = arith.constant 0 : i32
    %dma_wait3A_2097 = tpu.memref_slice %arg2[%squeeze3A_1870, %dma_wait3A_2094, %squeeze3A_1872, %dma_wait3A_2095, %dma_wait3A_2096] : memref<2x32x64x56x55xf32, #tpu.memory_space<hbm>> -> memref<1x16x1x56x55xf32, #tpu.memory_space<hbm>>
    %dma_wait3A_2098 = tpu.memref_squeeze %dma_wait3A_2097 : memref<1x16x1x56x55xf32, #tpu.memory_space<hbm>> -> memref<16x56x55xf32, #tpu.memory_space<hbm>>
    tpu.wait_dma2 semaphore(%arg7 : memref<!tpu.dma_semaphore, #tpu.memory_space<semaphore_mem>>) src(%dma_wait3A_2098 : memref<16x56x55xf32, #tpu.memory_space<hbm>>) dst(%dma_wait3A_2093 : memref<16x56x55xf32, #tpu.memory_space<vmem>>)
    %mul3A_2099 = arith.constant 8 : i32
    %mul3A_2100 = arith.muli %add3A, %mul3A_2099 : i32
    %add3A_2101 = arith.constant 5 : i32
    %add3A_2102 = arith.addi %mul3A_2100, %add3A_2101 : i32
    %mul3A_2103 = arith.constant 16 : i32
    %mul3A_2104 = arith.muli %add3A_2102, %mul3A_2103 : i32
    %get3A_2105 = arith.index_cast %mul3A_2104 : i32 to index
    %get3A_2106 = tpu.vector_load %arg5[%get3A_2105] {strides = array<i32>} : memref<4096xi32, #tpu.memory_space<vmem>>, vector<16xi32>,
    %get3A_2107 = vector.shape_cast %get3A_2106 : vector<16xi32> to vector<16xi32>
    %jit3A_2108 = arith.constant 128 : i32
    %div3A_2109 = arith.divsi %add3A_2102, %jit3A_2108 : i32
    %sign3A_2110 = arith.constant 0 : i32
    %sign3A_2111 = arith.cmpi sgt, %add3A_2102, %sign3A_2110 : i32
    %sign3A_2112 = arith.extui %sign3A_2111 : i1 to i32
    %sign3A_2113 = arith.constant 0 : i32
    %sign3A_2114 = arith.cmpi slt, %add3A_2102, %sign3A_2113 : i32
    %sign3A_2115 = arith.extui %sign3A_2114 : i1 to i32
    %sign3A_2116 = arith.subi %sign3A_2112, %sign3A_2115 : i32
    %sign3A_2117 = arith.constant 0 : i32
    %sign3A_2118 = arith.cmpi sgt, %jit3A_2108, %sign3A_2117 : i32
    %sign3A_2119 = arith.extui %sign3A_2118 : i1 to i32
    %sign3A_2120 = arith.constant 0 : i32
    %sign3A_2121 = arith.cmpi slt, %jit3A_2108, %sign3A_2120 : i32
    %sign3A_2122 = arith.extui %sign3A_2121 : i1 to i32
    %sign3A_2123 = arith.subi %sign3A_2119, %sign3A_2122 : i32
    %ne3A_2124 = arith.cmpi ne, %sign3A_2116, %sign3A_2123 : i32
    %rem3A_2125 = arith.remsi %add3A_2102, %jit3A_2108 : i32
    %ne3A_2126 = arith.constant 0 : i32
    %ne3A_2127 = arith.cmpi ne, %rem3A_2125, %ne3A_2126 : i32
    %and3A_2128 = arith.andi %ne3A_2124, %ne3A_2127 : i1
    %sub3A_2129 = arith.constant 1 : i32
    %sub3A_2130 = arith.subi %div3A_2109, %sub3A_2129 : i32
    %select_n3A_2131 = arith.select %and3A_2128, %sub3A_2130, %div3A_2109 : i32
    %jit3A_2132 = arith.constant 4 : i32
    %div3A_2133 = arith.divsi %add3A_2102, %jit3A_2132 : i32
    %sign3A_2134 = arith.constant 0 : i32
    %sign3A_2135 = arith.cmpi sgt, %add3A_2102, %sign3A_2134 : i32
    %sign3A_2136 = arith.extui %sign3A_2135 : i1 to i32
    %sign3A_2137 = arith.constant 0 : i32
    %sign3A_2138 = arith.cmpi slt, %add3A_2102, %sign3A_2137 : i32
    %sign3A_2139 = arith.extui %sign3A_2138 : i1 to i32
    %sign3A_2140 = arith.subi %sign3A_2136, %sign3A_2139 : i32
    %sign3A_2141 = arith.constant 0 : i32
    %sign3A_2142 = arith.cmpi sgt, %jit3A_2132, %sign3A_2141 : i32
    %sign3A_2143 = arith.extui %sign3A_2142 : i1 to i32
    %sign3A_2144 = arith.constant 0 : i32
    %sign3A_2145 = arith.cmpi slt, %jit3A_2132, %sign3A_2144 : i32
    %sign3A_2146 = arith.extui %sign3A_2145 : i1 to i32
    %sign3A_2147 = arith.subi %sign3A_2143, %sign3A_2146 : i32
    %ne3A_2148 = arith.cmpi ne, %sign3A_2140, %sign3A_2147 : i32
    %rem3A_2149 = arith.remsi %add3A_2102, %jit3A_2132 : i32
    %ne3A_2150 = arith.constant 0 : i32
    %ne3A_2151 = arith.cmpi ne, %rem3A_2149, %ne3A_2150 : i32
    %and3A_2152 = arith.andi %ne3A_2148, %ne3A_2151 : i1
    %sub3A_2153 = arith.constant 1 : i32
    %sub3A_2154 = arith.subi %div3A_2133, %sub3A_2153 : i32
    %select_n3A_2155 = arith.select %and3A_2152, %sub3A_2154, %div3A_2133 : i32
    %jit3A_2156 = arith.constant 32 : i32
    %eq3A_2157 = arith.constant 0 : i32
    %eq3A_2158 = arith.cmpi eq, %jit3A_2156, %eq3A_2157 : i32
    %jit3A_2159 = arith.constant 1 : i32
    %select_n3A_2160 = arith.select %eq3A_2158, %jit3A_2159, %jit3A_2156 : i32
    %rem3A_2161 = arith.remsi %select_n3A_2155, %select_n3A_2160 : i32
    %ne3A_2162 = arith.constant 0 : i32
    %ne3A_2163 = arith.cmpi ne, %rem3A_2161, %ne3A_2162 : i32
    %lt3A_2164 = arith.constant 0 : i32
    %lt3A_2165 = arith.cmpi slt, %rem3A_2161, %lt3A_2164 : i32
    %lt3A_2166 = arith.constant 0 : i32
    %lt3A_2167 = arith.cmpi slt, %select_n3A_2160, %lt3A_2166 : i32
    %ne3A_2168 = arith.xori %lt3A_2165, %lt3A_2167 : i1
    %and3A_2169 = arith.andi %ne3A_2168, %ne3A_2163 : i1
    %add3A_2170 = arith.addi %rem3A_2161, %select_n3A_2160 : i32
    %select_n3A_2171 = arith.select %and3A_2169, %add3A_2170, %rem3A_2161 : i32
    %jit3A_2172 = arith.constant 4 : i32
    %eq3A_2173 = arith.constant 0 : i32
    %eq3A_2174 = arith.cmpi eq, %jit3A_2172, %eq3A_2173 : i32
    %jit3A_2175 = arith.constant 1 : i32
    %select_n3A_2176 = arith.select %eq3A_2174, %jit3A_2175, %jit3A_2172 : i32
    %rem3A_2177 = arith.remsi %add3A_2102, %select_n3A_2176 : i32
    %ne3A_2178 = arith.constant 0 : i32
    %ne3A_2179 = arith.cmpi ne, %rem3A_2177, %ne3A_2178 : i32
    %lt3A_2180 = arith.constant 0 : i32
    %lt3A_2181 = arith.cmpi slt, %rem3A_2177, %lt3A_2180 : i32
    %lt3A_2182 = arith.constant 0 : i32
    %lt3A_2183 = arith.cmpi slt, %select_n3A_2176, %lt3A_2182 : i32
    %ne3A_2184 = arith.xori %lt3A_2181, %lt3A_2183 : i1
    %and3A_2185 = arith.andi %ne3A_2184, %ne3A_2179 : i1
    %add3A_2186 = arith.addi %rem3A_2177, %select_n3A_2176 : i32
    %select_n3A_2187 = arith.select %and3A_2185, %add3A_2186, %rem3A_2177 : i32
    %slice3A_2188 = vector.extract_strided_slice %get3A_2107 {offsets = [1], sizes = [1], strides = [1]} : vector<16xi32> to vector<1xi32>
    %squeeze3A_2189 = vector.extract %slice3A_2188[0] : i32 from vector<1xi32>
    %dma_start3A_2190 = arith.constant 1 : i32
    %dma_start3A_2191 = arith.constant 0 : i32
    %dma_start3A_2192 = arith.constant 0 : i32
    %dma_start3A_2193 = tpu.memref_slice %arg6[%dma_start3A_2190, %dma_start3A_2191, %squeeze3A_2189, %dma_start3A_2192] : memref<2x16x56x55xf32, #tpu.memory_space<vmem>> -> memref<1x16x55x55xf32, #tpu.memory_space<vmem>>
    %dma_start3A_2194 = tpu.memref_squeeze %dma_start3A_2193 : memref<1x16x55x55xf32, #tpu.memory_space<vmem>> -> memref<16x55x55xf32, #tpu.memory_space<vmem>>
    %dma_start3A_2195 = arith.constant 16 : i32
    %dma_start3A_2196 = arith.constant 0 : i32
    %dma_start3A_2197 = arith.constant 0 : i32
    %dma_start3A_2198 = tpu.memref_slice %arg4[%select_n3A_2131, %dma_start3A_2195, %select_n3A_2171, %select_n3A_2187, %dma_start3A_2196, %dma_start3A_2197] : memref<2x32x32x4x55x55xf32, #tpu.memory_space<hbm>> -> memref<1x16x1x1x55x55xf32, #tpu.memory_space<hbm>>
    %dma_start3A_2199 = tpu.memref_squeeze %dma_start3A_2198 : memref<1x16x1x1x55x55xf32, #tpu.memory_space<hbm>> -> memref<16x55x55xf32, #tpu.memory_space<hbm>>
    %dma_start3A_2200 = arith.constant 16 : i32
    %dma_start3A_2201 = arith.constant 0 : i32
    %dma_start3A_2202 = arith.constant 0 : i32
    %dma_start3A_2203 = tpu.memref_slice %arg4[%select_n3A_2131, %dma_start3A_2200, %select_n3A_2171, %select_n3A_2187, %dma_start3A_2201, %dma_start3A_2202] : memref<2x32x32x4x55x55xf32, #tpu.memory_space<hbm>> -> memref<1x16x1x1x55x55xf32, #tpu.memory_space<hbm>>
    %dma_start3A_2204 = tpu.memref_squeeze %dma_start3A_2203 : memref<1x16x1x1x55x55xf32, #tpu.memory_space<hbm>> -> memref<16x55x55xf32, #tpu.memory_space<hbm>>
    %dma_start3A_2205 = arith.constant 0 : i32
    %dma_start3A_2206 = arith.constant 0 : i32
    %dma_start3A_2207 = tpu.memref_slice %arg6[%dma_start3A_2190, %dma_start3A_2205, %squeeze3A_2189, %dma_start3A_2206] : memref<2x16x56x55xf32, #tpu.memory_space<vmem>> -> memref<1x16x55x55xf32, #tpu.memory_space<vmem>>
    %dma_start3A_2208 = tpu.memref_squeeze %dma_start3A_2207 : memref<1x16x55x55xf32, #tpu.memory_space<vmem>> -> memref<16x55x55xf32, #tpu.memory_space<vmem>>
    tpu.enqueue_dma source(%dma_start3A_2208 : memref<16x55x55xf32, #tpu.memory_space<vmem>>) target(%dma_start3A_2204 : memref<16x55x55xf32, #tpu.memory_space<hbm>>) target_semaphore(%arg8 : memref<!tpu.dma_semaphore, #tpu.memory_space<semaphore_mem>>)
    %dma_wait3A_2209 = arith.constant 1 : i32
    %dma_wait3A_2210 = arith.constant 0 : i32
    %dma_wait3A_2211 = arith.constant 0 : i32
    %dma_wait3A_2212 = tpu.memref_slice %arg6[%dma_wait3A_2209, %dma_wait3A_2210, %squeeze3A_2189, %dma_wait3A_2211] : memref<2x16x56x55xf32, #tpu.memory_space<vmem>> -> memref<1x16x55x55xf32, #tpu.memory_space<vmem>>
    %dma_wait3A_2213 = tpu.memref_squeeze %dma_wait3A_2212 : memref<1x16x55x55xf32, #tpu.memory_space<vmem>> -> memref<16x55x55xf32, #tpu.memory_space<vmem>>
    %dma_wait3A_2214 = arith.constant 16 : i32
    %dma_wait3A_2215 = arith.constant 0 : i32
    %dma_wait3A_2216 = arith.constant 0 : i32
    %dma_wait3A_2217 = tpu.memref_slice %arg4[%select_n3A_2131, %dma_wait3A_2214, %select_n3A_2171, %select_n3A_2187, %dma_wait3A_2215, %dma_wait3A_2216] : memref<2x32x32x4x55x55xf32, #tpu.memory_space<hbm>> -> memref<1x16x1x1x55x55xf32, #tpu.memory_space<hbm>>
    %dma_wait3A_2218 = tpu.memref_squeeze %dma_wait3A_2217 : memref<1x16x1x1x55x55xf32, #tpu.memory_space<hbm>> -> memref<16x55x55xf32, #tpu.memory_space<hbm>>
    %dma_wait3A_2219 = arith.constant 16 : i32
    %dma_wait3A_2220 = arith.constant 0 : i32
    %dma_wait3A_2221 = arith.constant 0 : i32
    %dma_wait3A_2222 = tpu.memref_slice %arg4[%select_n3A_2131, %dma_wait3A_2219, %select_n3A_2171, %select_n3A_2187, %dma_wait3A_2220, %dma_wait3A_2221] : memref<2x32x32x4x55x55xf32, #tpu.memory_space<hbm>> -> memref<1x16x1x1x55x55xf32, #tpu.memory_space<hbm>>
    %dma_wait3A_2223 = tpu.memref_squeeze %dma_wait3A_2222 : memref<1x16x1x1x55x55xf32, #tpu.memory_space<hbm>> -> memref<16x55x55xf32, #tpu.memory_space<hbm>>
    %dma_wait3A_2224 = arith.constant 0 : i32
    %dma_wait3A_2225 = arith.constant 0 : i32
    %dma_wait3A_2226 = tpu.memref_slice %arg6[%dma_wait3A_2209, %dma_wait3A_2224, %squeeze3A_2189, %dma_wait3A_2225] : memref<2x16x56x55xf32, #tpu.memory_space<vmem>> -> memref<1x16x55x55xf32, #tpu.memory_space<vmem>>
    %dma_wait3A_2227 = tpu.memref_squeeze %dma_wait3A_2226 : memref<1x16x55x55xf32, #tpu.memory_space<vmem>> -> memref<16x55x55xf32, #tpu.memory_space<vmem>>
    tpu.wait_dma2 semaphore(%arg8 : memref<!tpu.dma_semaphore, #tpu.memory_space<semaphore_mem>>) src(%dma_wait3A_2227 : memref<16x55x55xf32, #tpu.memory_space<vmem>>) dst(%dma_wait3A_2223 : memref<16x55x55xf32, #tpu.memory_space<hbm>>)
    %mul3A_2228 = arith.constant 8 : i32
    %mul3A_2229 = arith.muli %add3A, %mul3A_2228 : i32
    %add3A_2230 = arith.constant 6 : i32
    %add3A_2231 = arith.addi %mul3A_2229, %add3A_2230 : i32
    %mul3A_2232 = arith.constant 16 : i32
    %mul3A_2233 = arith.muli %add3A_2231, %mul3A_2232 : i32
    %get3A_2234 = arith.index_cast %mul3A_2233 : i32 to index
    %get3A_2235 = tpu.vector_load %arg5[%get3A_2234] {strides = array<i32>} : memref<4096xi32, #tpu.memory_space<vmem>>, vector<16xi32>,
    %get3A_2236 = vector.shape_cast %get3A_2235 : vector<16xi32> to vector<16xi32>
    %slice3A_2237 = vector.extract_strided_slice %get3A_2236 {offsets = [2], sizes = [1], strides = [1]} : vector<16xi32> to vector<1xi32>
    %squeeze3A_2238 = vector.extract %slice3A_2237[0] : i32 from vector<1xi32>
    %slice3A_2239 = vector.extract_strided_slice %get3A_2236 {offsets = [0], sizes = [1], strides = [1]} : vector<16xi32> to vector<1xi32>
    %squeeze3A_2240 = vector.extract %slice3A_2239[0] : i32 from vector<1xi32>
    %dma_start3A_2241 = arith.constant 1 : i32
    %dma_start3A_2242 = arith.constant 0 : i32
    %dma_start3A_2243 = arith.constant 0 : i32
    %dma_start3A_2244 = arith.constant 0 : i32
    %dma_start3A_2245 = tpu.memref_slice %arg6[%dma_start3A_2241, %dma_start3A_2242, %dma_start3A_2243, %dma_start3A_2244] : memref<2x16x56x55xf32, #tpu.memory_space<vmem>> -> memref<1x16x56x55xf32, #tpu.memory_space<vmem>>
    %dma_start3A_2246 = tpu.memref_squeeze %dma_start3A_2245 : memref<1x16x56x55xf32, #tpu.memory_space<vmem>> -> memref<16x56x55xf32, #tpu.memory_space<vmem>>
    %dma_start3A_2247 = arith.constant 16 : i32
    %dma_start3A_2248 = arith.constant 0 : i32
    %dma_start3A_2249 = arith.constant 0 : i32
    %dma_start3A_2250 = tpu.memref_slice %arg2[%squeeze3A_2238, %dma_start3A_2247, %squeeze3A_2240, %dma_start3A_2248, %dma_start3A_2249] : memref<2x32x64x56x55xf32, #tpu.memory_space<hbm>> -> memref<1x16x1x56x55xf32, #tpu.memory_space<hbm>>
    %dma_start3A_2251 = tpu.memref_squeeze %dma_start3A_2250 : memref<1x16x1x56x55xf32, #tpu.memory_space<hbm>> -> memref<16x56x55xf32, #tpu.memory_space<hbm>>
    %dma_start3A_2252 = arith.constant 0 : i32
    %dma_start3A_2253 = arith.constant 0 : i32
    %dma_start3A_2254 = arith.constant 0 : i32
    %dma_start3A_2255 = tpu.memref_slice %arg6[%dma_start3A_2241, %dma_start3A_2252, %dma_start3A_2253, %dma_start3A_2254] : memref<2x16x56x55xf32, #tpu.memory_space<vmem>> -> memref<1x16x56x55xf32, #tpu.memory_space<vmem>>
    %dma_start3A_2256 = tpu.memref_squeeze %dma_start3A_2255 : memref<1x16x56x55xf32, #tpu.memory_space<vmem>> -> memref<16x56x55xf32, #tpu.memory_space<vmem>>
    %dma_start3A_2257 = arith.constant 16 : i32
    %dma_start3A_2258 = arith.constant 0 : i32
    %dma_start3A_2259 = arith.constant 0 : i32
    %dma_start3A_2260 = tpu.memref_slice %arg2[%squeeze3A_2238, %dma_start3A_2257, %squeeze3A_2240, %dma_start3A_2258, %dma_start3A_2259] : memref<2x32x64x56x55xf32, #tpu.memory_space<hbm>> -> memref<1x16x1x56x55xf32, #tpu.memory_space<hbm>>
    %dma_start3A_2261 = tpu.memref_squeeze %dma_start3A_2260 : memref<1x16x1x56x55xf32, #tpu.memory_space<hbm>> -> memref<16x56x55xf32, #tpu.memory_space<hbm>>
    tpu.enqueue_dma source(%dma_start3A_2261 : memref<16x56x55xf32, #tpu.memory_space<hbm>>) target(%dma_start3A_2256 : memref<16x56x55xf32, #tpu.memory_space<vmem>>) target_semaphore(%arg7 : memref<!tpu.dma_semaphore, #tpu.memory_space<semaphore_mem>>)
    %dma_wait3A_2262 = arith.constant 0 : i32
    %dma_wait3A_2263 = arith.constant 0 : i32
    %dma_wait3A_2264 = arith.constant 0 : i32
    %dma_wait3A_2265 = arith.constant 0 : i32
    %dma_wait3A_2266 = tpu.memref_slice %arg6[%dma_wait3A_2262, %dma_wait3A_2263, %dma_wait3A_2264, %dma_wait3A_2265] : memref<2x16x56x55xf32, #tpu.memory_space<vmem>> -> memref<1x16x56x55xf32, #tpu.memory_space<vmem>>
    %dma_wait3A_2267 = tpu.memref_squeeze %dma_wait3A_2266 : memref<1x16x56x55xf32, #tpu.memory_space<vmem>> -> memref<16x56x55xf32, #tpu.memory_space<vmem>>
    %dma_wait3A_2268 = arith.constant 0 : i32
    %dma_wait3A_2269 = arith.constant 0 : i32
    %dma_wait3A_2270 = arith.constant 0 : i32
    %dma_wait3A_2271 = tpu.memref_slice %arg2[%squeeze3A_2054, %dma_wait3A_2268, %squeeze3A_2056, %dma_wait3A_2269, %dma_wait3A_2270] : memref<2x32x64x56x55xf32, #tpu.memory_space<hbm>> -> memref<1x16x1x56x55xf32, #tpu.memory_space<hbm>>
    %dma_wait3A_2272 = tpu.memref_squeeze %dma_wait3A_2271 : memref<1x16x1x56x55xf32, #tpu.memory_space<hbm>> -> memref<16x56x55xf32, #tpu.memory_space<hbm>>
    %dma_wait3A_2273 = arith.constant 0 : i32
    %dma_wait3A_2274 = arith.constant 0 : i32
    %dma_wait3A_2275 = arith.constant 0 : i32
    %dma_wait3A_2276 = tpu.memref_slice %arg6[%dma_wait3A_2262, %dma_wait3A_2273, %dma_wait3A_2274, %dma_wait3A_2275] : memref<2x16x56x55xf32, #tpu.memory_space<vmem>> -> memref<1x16x56x55xf32, #tpu.memory_space<vmem>>
    %dma_wait3A_2277 = tpu.memref_squeeze %dma_wait3A_2276 : memref<1x16x56x55xf32, #tpu.memory_space<vmem>> -> memref<16x56x55xf32, #tpu.memory_space<vmem>>
    %dma_wait3A_2278 = arith.constant 0 : i32
    %dma_wait3A_2279 = arith.constant 0 : i32
    %dma_wait3A_2280 = arith.constant 0 : i32
    %dma_wait3A_2281 = tpu.memref_slice %arg2[%squeeze3A_2054, %dma_wait3A_2278, %squeeze3A_2056, %dma_wait3A_2279, %dma_wait3A_2280] : memref<2x32x64x56x55xf32, #tpu.memory_space<hbm>> -> memref<1x16x1x56x55xf32, #tpu.memory_space<hbm>>
    %dma_wait3A_2282 = tpu.memref_squeeze %dma_wait3A_2281 : memref<1x16x1x56x55xf32, #tpu.memory_space<hbm>> -> memref<16x56x55xf32, #tpu.memory_space<hbm>>
    tpu.wait_dma2 semaphore(%arg7 : memref<!tpu.dma_semaphore, #tpu.memory_space<semaphore_mem>>) src(%dma_wait3A_2282 : memref<16x56x55xf32, #tpu.memory_space<hbm>>) dst(%dma_wait3A_2277 : memref<16x56x55xf32, #tpu.memory_space<vmem>>)
    %mul3A_2283 = arith.constant 8 : i32
    %mul3A_2284 = arith.muli %add3A, %mul3A_2283 : i32
    %add3A_2285 = arith.constant 6 : i32
    %add3A_2286 = arith.addi %mul3A_2284, %add3A_2285 : i32
    %mul3A_2287 = arith.constant 16 : i32
    %mul3A_2288 = arith.muli %add3A_2286, %mul3A_2287 : i32
    %get3A_2289 = arith.index_cast %mul3A_2288 : i32 to index
    %get3A_2290 = tpu.vector_load %arg5[%get3A_2289] {strides = array<i32>} : memref<4096xi32, #tpu.memory_space<vmem>>, vector<16xi32>,
    %get3A_2291 = vector.shape_cast %get3A_2290 : vector<16xi32> to vector<16xi32>
    %jit3A_2292 = arith.constant 128 : i32
    %div3A_2293 = arith.divsi %add3A_2286, %jit3A_2292 : i32
    %sign3A_2294 = arith.constant 0 : i32
    %sign3A_2295 = arith.cmpi sgt, %add3A_2286, %sign3A_2294 : i32
    %sign3A_2296 = arith.extui %sign3A_2295 : i1 to i32
    %sign3A_2297 = arith.constant 0 : i32
    %sign3A_2298 = arith.cmpi slt, %add3A_2286, %sign3A_2297 : i32
    %sign3A_2299 = arith.extui %sign3A_2298 : i1 to i32
    %sign3A_2300 = arith.subi %sign3A_2296, %sign3A_2299 : i32
    %sign3A_2301 = arith.constant 0 : i32
    %sign3A_2302 = arith.cmpi sgt, %jit3A_2292, %sign3A_2301 : i32
    %sign3A_2303 = arith.extui %sign3A_2302 : i1 to i32
    %sign3A_2304 = arith.constant 0 : i32
    %sign3A_2305 = arith.cmpi slt, %jit3A_2292, %sign3A_2304 : i32
    %sign3A_2306 = arith.extui %sign3A_2305 : i1 to i32
    %sign3A_2307 = arith.subi %sign3A_2303, %sign3A_2306 : i32
    %ne3A_2308 = arith.cmpi ne, %sign3A_2300, %sign3A_2307 : i32
    %rem3A_2309 = arith.remsi %add3A_2286, %jit3A_2292 : i32
    %ne3A_2310 = arith.constant 0 : i32
    %ne3A_2311 = arith.cmpi ne, %rem3A_2309, %ne3A_2310 : i32
    %and3A_2312 = arith.andi %ne3A_2308, %ne3A_2311 : i1
    %sub3A_2313 = arith.constant 1 : i32
    %sub3A_2314 = arith.subi %div3A_2293, %sub3A_2313 : i32
    %select_n3A_2315 = arith.select %and3A_2312, %sub3A_2314, %div3A_2293 : i32
    %jit3A_2316 = arith.constant 4 : i32
    %div3A_2317 = arith.divsi %add3A_2286, %jit3A_2316 : i32
    %sign3A_2318 = arith.constant 0 : i32
    %sign3A_2319 = arith.cmpi sgt, %add3A_2286, %sign3A_2318 : i32
    %sign3A_2320 = arith.extui %sign3A_2319 : i1 to i32
    %sign3A_2321 = arith.constant 0 : i32
    %sign3A_2322 = arith.cmpi slt, %add3A_2286, %sign3A_2321 : i32
    %sign3A_2323 = arith.extui %sign3A_2322 : i1 to i32
    %sign3A_2324 = arith.subi %sign3A_2320, %sign3A_2323 : i32
    %sign3A_2325 = arith.constant 0 : i32
    %sign3A_2326 = arith.cmpi sgt, %jit3A_2316, %sign3A_2325 : i32
    %sign3A_2327 = arith.extui %sign3A_2326 : i1 to i32
    %sign3A_2328 = arith.constant 0 : i32
    %sign3A_2329 = arith.cmpi slt, %jit3A_2316, %sign3A_2328 : i32
    %sign3A_2330 = arith.extui %sign3A_2329 : i1 to i32
    %sign3A_2331 = arith.subi %sign3A_2327, %sign3A_2330 : i32
    %ne3A_2332 = arith.cmpi ne, %sign3A_2324, %sign3A_2331 : i32
    %rem3A_2333 = arith.remsi %add3A_2286, %jit3A_2316 : i32
    %ne3A_2334 = arith.constant 0 : i32
    %ne3A_2335 = arith.cmpi ne, %rem3A_2333, %ne3A_2334 : i32
    %and3A_2336 = arith.andi %ne3A_2332, %ne3A_2335 : i1
    %sub3A_2337 = arith.constant 1 : i32
    %sub3A_2338 = arith.subi %div3A_2317, %sub3A_2337 : i32
    %select_n3A_2339 = arith.select %and3A_2336, %sub3A_2338, %div3A_2317 : i32
    %jit3A_2340 = arith.constant 32 : i32
    %eq3A_2341 = arith.constant 0 : i32
    %eq3A_2342 = arith.cmpi eq, %jit3A_2340, %eq3A_2341 : i32
    %jit3A_2343 = arith.constant 1 : i32
    %select_n3A_2344 = arith.select %eq3A_2342, %jit3A_2343, %jit3A_2340 : i32
    %rem3A_2345 = arith.remsi %select_n3A_2339, %select_n3A_2344 : i32
    %ne3A_2346 = arith.constant 0 : i32
    %ne3A_2347 = arith.cmpi ne, %rem3A_2345, %ne3A_2346 : i32
    %lt3A_2348 = arith.constant 0 : i32
    %lt3A_2349 = arith.cmpi slt, %rem3A_2345, %lt3A_2348 : i32
    %lt3A_2350 = arith.constant 0 : i32
    %lt3A_2351 = arith.cmpi slt, %select_n3A_2344, %lt3A_2350 : i32
    %ne3A_2352 = arith.xori %lt3A_2349, %lt3A_2351 : i1
    %and3A_2353 = arith.andi %ne3A_2352, %ne3A_2347 : i1
    %add3A_2354 = arith.addi %rem3A_2345, %select_n3A_2344 : i32
    %select_n3A_2355 = arith.select %and3A_2353, %add3A_2354, %rem3A_2345 : i32
    %jit3A_2356 = arith.constant 4 : i32
    %eq3A_2357 = arith.constant 0 : i32
    %eq3A_2358 = arith.cmpi eq, %jit3A_2356, %eq3A_2357 : i32
    %jit3A_2359 = arith.constant 1 : i32
    %select_n3A_2360 = arith.select %eq3A_2358, %jit3A_2359, %jit3A_2356 : i32
    %rem3A_2361 = arith.remsi %add3A_2286, %select_n3A_2360 : i32
    %ne3A_2362 = arith.constant 0 : i32
    %ne3A_2363 = arith.cmpi ne, %rem3A_2361, %ne3A_2362 : i32
    %lt3A_2364 = arith.constant 0 : i32
    %lt3A_2365 = arith.cmpi slt, %rem3A_2361, %lt3A_2364 : i32
    %lt3A_2366 = arith.constant 0 : i32
    %lt3A_2367 = arith.cmpi slt, %select_n3A_2360, %lt3A_2366 : i32
    %ne3A_2368 = arith.xori %lt3A_2365, %lt3A_2367 : i1
    %and3A_2369 = arith.andi %ne3A_2368, %ne3A_2363 : i1
    %add3A_2370 = arith.addi %rem3A_2361, %select_n3A_2360 : i32
    %select_n3A_2371 = arith.select %and3A_2369, %add3A_2370, %rem3A_2361 : i32
    %slice3A_2372 = vector.extract_strided_slice %get3A_2291 {offsets = [1], sizes = [1], strides = [1]} : vector<16xi32> to vector<1xi32>
    %squeeze3A_2373 = vector.extract %slice3A_2372[0] : i32 from vector<1xi32>
    %dma_start3A_2374 = arith.constant 0 : i32
    %dma_start3A_2375 = arith.constant 0 : i32
    %dma_start3A_2376 = arith.constant 0 : i32
    %dma_start3A_2377 = tpu.memref_slice %arg6[%dma_start3A_2374, %dma_start3A_2375, %squeeze3A_2373, %dma_start3A_2376] : memref<2x16x56x55xf32, #tpu.memory_space<vmem>> -> memref<1x16x55x55xf32, #tpu.memory_space<vmem>>
    %dma_start3A_2378 = tpu.memref_squeeze %dma_start3A_2377 : memref<1x16x55x55xf32, #tpu.memory_space<vmem>> -> memref<16x55x55xf32, #tpu.memory_space<vmem>>
    %dma_start3A_2379 = arith.constant 0 : i32
    %dma_start3A_2380 = arith.constant 0 : i32
    %dma_start3A_2381 = arith.constant 0 : i32
    %dma_start3A_2382 = tpu.memref_slice %arg4[%select_n3A_2315, %dma_start3A_2379, %select_n3A_2355, %select_n3A_2371, %dma_start3A_2380, %dma_start3A_2381] : memref<2x32x32x4x55x55xf32, #tpu.memory_space<hbm>> -> memref<1x16x1x1x55x55xf32, #tpu.memory_space<hbm>>
    %dma_start3A_2383 = tpu.memref_squeeze %dma_start3A_2382 : memref<1x16x1x1x55x55xf32, #tpu.memory_space<hbm>> -> memref<16x55x55xf32, #tpu.memory_space<hbm>>
    %dma_start3A_2384 = arith.constant 0 : i32
    %dma_start3A_2385 = arith.constant 0 : i32
    %dma_start3A_2386 = arith.constant 0 : i32
    %dma_start3A_2387 = tpu.memref_slice %arg4[%select_n3A_2315, %dma_start3A_2384, %select_n3A_2355, %select_n3A_2371, %dma_start3A_2385, %dma_start3A_2386] : memref<2x32x32x4x55x55xf32, #tpu.memory_space<hbm>> -> memref<1x16x1x1x55x55xf32, #tpu.memory_space<hbm>>
    %dma_start3A_2388 = tpu.memref_squeeze %dma_start3A_2387 : memref<1x16x1x1x55x55xf32, #tpu.memory_space<hbm>> -> memref<16x55x55xf32, #tpu.memory_space<hbm>>
    %dma_start3A_2389 = arith.constant 0 : i32
    %dma_start3A_2390 = arith.constant 0 : i32
    %dma_start3A_2391 = tpu.memref_slice %arg6[%dma_start3A_2374, %dma_start3A_2389, %squeeze3A_2373, %dma_start3A_2390] : memref<2x16x56x55xf32, #tpu.memory_space<vmem>> -> memref<1x16x55x55xf32, #tpu.memory_space<vmem>>
    %dma_start3A_2392 = tpu.memref_squeeze %dma_start3A_2391 : memref<1x16x55x55xf32, #tpu.memory_space<vmem>> -> memref<16x55x55xf32, #tpu.memory_space<vmem>>
    tpu.enqueue_dma source(%dma_start3A_2392 : memref<16x55x55xf32, #tpu.memory_space<vmem>>) target(%dma_start3A_2388 : memref<16x55x55xf32, #tpu.memory_space<hbm>>) target_semaphore(%arg8 : memref<!tpu.dma_semaphore, #tpu.memory_space<semaphore_mem>>)
    %dma_wait3A_2393 = arith.constant 0 : i32
    %dma_wait3A_2394 = arith.constant 0 : i32
    %dma_wait3A_2395 = arith.constant 0 : i32
    %dma_wait3A_2396 = tpu.memref_slice %arg6[%dma_wait3A_2393, %dma_wait3A_2394, %squeeze3A_2373, %dma_wait3A_2395] : memref<2x16x56x55xf32, #tpu.memory_space<vmem>> -> memref<1x16x55x55xf32, #tpu.memory_space<vmem>>
    %dma_wait3A_2397 = tpu.memref_squeeze %dma_wait3A_2396 : memref<1x16x55x55xf32, #tpu.memory_space<vmem>> -> memref<16x55x55xf32, #tpu.memory_space<vmem>>
    %dma_wait3A_2398 = arith.constant 0 : i32
    %dma_wait3A_2399 = arith.constant 0 : i32
    %dma_wait3A_2400 = arith.constant 0 : i32
    %dma_wait3A_2401 = tpu.memref_slice %arg4[%select_n3A_2315, %dma_wait3A_2398, %select_n3A_2355, %select_n3A_2371, %dma_wait3A_2399, %dma_wait3A_2400] : memref<2x32x32x4x55x55xf32, #tpu.memory_space<hbm>> -> memref<1x16x1x1x55x55xf32, #tpu.memory_space<hbm>>
    %dma_wait3A_2402 = tpu.memref_squeeze %dma_wait3A_2401 : memref<1x16x1x1x55x55xf32, #tpu.memory_space<hbm>> -> memref<16x55x55xf32, #tpu.memory_space<hbm>>
    %dma_wait3A_2403 = arith.constant 0 : i32
    %dma_wait3A_2404 = arith.constant 0 : i32
    %dma_wait3A_2405 = arith.constant 0 : i32
    %dma_wait3A_2406 = tpu.memref_slice %arg4[%select_n3A_2315, %dma_wait3A_2403, %select_n3A_2355, %select_n3A_2371, %dma_wait3A_2404, %dma_wait3A_2405] : memref<2x32x32x4x55x55xf32, #tpu.memory_space<hbm>> -> memref<1x16x1x1x55x55xf32, #tpu.memory_space<hbm>>
    %dma_wait3A_2407 = tpu.memref_squeeze %dma_wait3A_2406 : memref<1x16x1x1x55x55xf32, #tpu.memory_space<hbm>> -> memref<16x55x55xf32, #tpu.memory_space<hbm>>
    %dma_wait3A_2408 = arith.constant 0 : i32
    %dma_wait3A_2409 = arith.constant 0 : i32
    %dma_wait3A_2410 = tpu.memref_slice %arg6[%dma_wait3A_2393, %dma_wait3A_2408, %squeeze3A_2373, %dma_wait3A_2409] : memref<2x16x56x55xf32, #tpu.memory_space<vmem>> -> memref<1x16x55x55xf32, #tpu.memory_space<vmem>>
    %dma_wait3A_2411 = tpu.memref_squeeze %dma_wait3A_2410 : memref<1x16x55x55xf32, #tpu.memory_space<vmem>> -> memref<16x55x55xf32, #tpu.memory_space<vmem>>
    tpu.wait_dma2 semaphore(%arg8 : memref<!tpu.dma_semaphore, #tpu.memory_space<semaphore_mem>>) src(%dma_wait3A_2411 : memref<16x55x55xf32, #tpu.memory_space<vmem>>) dst(%dma_wait3A_2407 : memref<16x55x55xf32, #tpu.memory_space<hbm>>)
    %mul3A_2412 = arith.constant 8 : i32
    %mul3A_2413 = arith.muli %add3A, %mul3A_2412 : i32
    %add3A_2414 = arith.constant 7 : i32
    %add3A_2415 = arith.addi %mul3A_2413, %add3A_2414 : i32
    %mul3A_2416 = arith.constant 16 : i32
    %mul3A_2417 = arith.muli %add3A_2415, %mul3A_2416 : i32
    %get3A_2418 = arith.index_cast %mul3A_2417 : i32 to index
    %get3A_2419 = tpu.vector_load %arg5[%get3A_2418] {strides = array<i32>} : memref<4096xi32, #tpu.memory_space<vmem>>, vector<16xi32>,
    %get3A_2420 = vector.shape_cast %get3A_2419 : vector<16xi32> to vector<16xi32>
    %slice3A_2421 = vector.extract_strided_slice %get3A_2420 {offsets = [2], sizes = [1], strides = [1]} : vector<16xi32> to vector<1xi32>
    %squeeze3A_2422 = vector.extract %slice3A_2421[0] : i32 from vector<1xi32>
    %slice3A_2423 = vector.extract_strided_slice %get3A_2420 {offsets = [0], sizes = [1], strides = [1]} : vector<16xi32> to vector<1xi32>
    %squeeze3A_2424 = vector.extract %slice3A_2423[0] : i32 from vector<1xi32>
    %dma_start3A_2425 = arith.constant 0 : i32
    %dma_start3A_2426 = arith.constant 0 : i32
    %dma_start3A_2427 = arith.constant 0 : i32
    %dma_start3A_2428 = arith.constant 0 : i32
    %dma_start3A_2429 = tpu.memref_slice %arg6[%dma_start3A_2425, %dma_start3A_2426, %dma_start3A_2427, %dma_start3A_2428] : memref<2x16x56x55xf32, #tpu.memory_space<vmem>> -> memref<1x16x56x55xf32, #tpu.memory_space<vmem>>
    %dma_start3A_2430 = tpu.memref_squeeze %dma_start3A_2429 : memref<1x16x56x55xf32, #tpu.memory_space<vmem>> -> memref<16x56x55xf32, #tpu.memory_space<vmem>>
    %dma_start3A_2431 = arith.constant 0 : i32
    %dma_start3A_2432 = arith.constant 0 : i32
    %dma_start3A_2433 = arith.constant 0 : i32
    %dma_start3A_2434 = tpu.memref_slice %arg2[%squeeze3A_2422, %dma_start3A_2431, %squeeze3A_2424, %dma_start3A_2432, %dma_start3A_2433] : memref<2x32x64x56x55xf32, #tpu.memory_space<hbm>> -> memref<1x16x1x56x55xf32, #tpu.memory_space<hbm>>
    %dma_start3A_2435 = tpu.memref_squeeze %dma_start3A_2434 : memref<1x16x1x56x55xf32, #tpu.memory_space<hbm>> -> memref<16x56x55xf32, #tpu.memory_space<hbm>>
    %dma_start3A_2436 = arith.constant 0 : i32
    %dma_start3A_2437 = arith.constant 0 : i32
    %dma_start3A_2438 = arith.constant 0 : i32
    %dma_start3A_2439 = tpu.memref_slice %arg6[%dma_start3A_2425, %dma_start3A_2436, %dma_start3A_2437, %dma_start3A_2438] : memref<2x16x56x55xf32, #tpu.memory_space<vmem>> -> memref<1x16x56x55xf32, #tpu.memory_space<vmem>>
    %dma_start3A_2440 = tpu.memref_squeeze %dma_start3A_2439 : memref<1x16x56x55xf32, #tpu.memory_space<vmem>> -> memref<16x56x55xf32, #tpu.memory_space<vmem>>
    %dma_start3A_2441 = arith.constant 0 : i32
    %dma_start3A_2442 = arith.constant 0 : i32
    %dma_start3A_2443 = arith.constant 0 : i32
    %dma_start3A_2444 = tpu.memref_slice %arg2[%squeeze3A_2422, %dma_start3A_2441, %squeeze3A_2424, %dma_start3A_2442, %dma_start3A_2443] : memref<2x32x64x56x55xf32, #tpu.memory_space<hbm>> -> memref<1x16x1x56x55xf32, #tpu.memory_space<hbm>>
    %dma_start3A_2445 = tpu.memref_squeeze %dma_start3A_2444 : memref<1x16x1x56x55xf32, #tpu.memory_space<hbm>> -> memref<16x56x55xf32, #tpu.memory_space<hbm>>
    tpu.enqueue_dma source(%dma_start3A_2445 : memref<16x56x55xf32, #tpu.memory_space<hbm>>) target(%dma_start3A_2440 : memref<16x56x55xf32, #tpu.memory_space<vmem>>) target_semaphore(%arg7 : memref<!tpu.dma_semaphore, #tpu.memory_space<semaphore_mem>>)
    %dma_wait3A_2446 = arith.constant 1 : i32
    %dma_wait3A_2447 = arith.constant 0 : i32
    %dma_wait3A_2448 = arith.constant 0 : i32
    %dma_wait3A_2449 = arith.constant 0 : i32
    %dma_wait3A_2450 = tpu.memref_slice %arg6[%dma_wait3A_2446, %dma_wait3A_2447, %dma_wait3A_2448, %dma_wait3A_2449] : memref<2x16x56x55xf32, #tpu.memory_space<vmem>> -> memref<1x16x56x55xf32, #tpu.memory_space<vmem>>
    %dma_wait3A_2451 = tpu.memref_squeeze %dma_wait3A_2450 : memref<1x16x56x55xf32, #tpu.memory_space<vmem>> -> memref<16x56x55xf32, #tpu.memory_space<vmem>>
    %dma_wait3A_2452 = arith.constant 16 : i32
    %dma_wait3A_2453 = arith.constant 0 : i32
    %dma_wait3A_2454 = arith.constant 0 : i32
    %dma_wait3A_2455 = tpu.memref_slice %arg2[%squeeze3A_2238, %dma_wait3A_2452, %squeeze3A_2240, %dma_wait3A_2453, %dma_wait3A_2454] : memref<2x32x64x56x55xf32, #tpu.memory_space<hbm>> -> memref<1x16x1x56x55xf32, #tpu.memory_space<hbm>>
    %dma_wait3A_2456 = tpu.memref_squeeze %dma_wait3A_2455 : memref<1x16x1x56x55xf32, #tpu.memory_space<hbm>> -> memref<16x56x55xf32, #tpu.memory_space<hbm>>
    %dma_wait3A_2457 = arith.constant 0 : i32
    %dma_wait3A_2458 = arith.constant 0 : i32
    %dma_wait3A_2459 = arith.constant 0 : i32
    %dma_wait3A_2460 = tpu.memref_slice %arg6[%dma_wait3A_2446, %dma_wait3A_2457, %dma_wait3A_2458, %dma_wait3A_2459] : memref<2x16x56x55xf32, #tpu.memory_space<vmem>> -> memref<1x16x56x55xf32, #tpu.memory_space<vmem>>
    %dma_wait3A_2461 = tpu.memref_squeeze %dma_wait3A_2460 : memref<1x16x56x55xf32, #tpu.memory_space<vmem>> -> memref<16x56x55xf32, #tpu.memory_space<vmem>>
    %dma_wait3A_2462 = arith.constant 16 : i32
    %dma_wait3A_2463 = arith.constant 0 : i32
    %dma_wait3A_2464 = arith.constant 0 : i32
    %dma_wait3A_2465 = tpu.memref_slice %arg2[%squeeze3A_2238, %dma_wait3A_2462, %squeeze3A_2240, %dma_wait3A_2463, %dma_wait3A_2464] : memref<2x32x64x56x55xf32, #tpu.memory_space<hbm>> -> memref<1x16x1x56x55xf32, #tpu.memory_space<hbm>>
    %dma_wait3A_2466 = tpu.memref_squeeze %dma_wait3A_2465 : memref<1x16x1x56x55xf32, #tpu.memory_space<hbm>> -> memref<16x56x55xf32, #tpu.memory_space<hbm>>
    tpu.wait_dma2 semaphore(%arg7 : memref<!tpu.dma_semaphore, #tpu.memory_space<semaphore_mem>>) src(%dma_wait3A_2466 : memref<16x56x55xf32, #tpu.memory_space<hbm>>) dst(%dma_wait3A_2461 : memref<16x56x55xf32, #tpu.memory_space<vmem>>)
    %mul3A_2467 = arith.constant 8 : i32
    %mul3A_2468 = arith.muli %add3A, %mul3A_2467 : i32
    %add3A_2469 = arith.constant 6 : i32
    %add3A_2470 = arith.addi %mul3A_2468, %add3A_2469 : i32
    %mul3A_2471 = arith.constant 16 : i32
    %mul3A_2472 = arith.muli %add3A_2470, %mul3A_2471 : i32
    %get3A_2473 = arith.index_cast %mul3A_2472 : i32 to index
    %get3A_2474 = tpu.vector_load %arg5[%get3A_2473] {strides = array<i32>} : memref<4096xi32, #tpu.memory_space<vmem>>, vector<16xi32>,
    %get3A_2475 = vector.shape_cast %get3A_2474 : vector<16xi32> to vector<16xi32>
    %jit3A_2476 = arith.constant 128 : i32
    %div3A_2477 = arith.divsi %add3A_2470, %jit3A_2476 : i32
    %sign3A_2478 = arith.constant 0 : i32
    %sign3A_2479 = arith.cmpi sgt, %add3A_2470, %sign3A_2478 : i32
    %sign3A_2480 = arith.extui %sign3A_2479 : i1 to i32
    %sign3A_2481 = arith.constant 0 : i32
    %sign3A_2482 = arith.cmpi slt, %add3A_2470, %sign3A_2481 : i32
    %sign3A_2483 = arith.extui %sign3A_2482 : i1 to i32
    %sign3A_2484 = arith.subi %sign3A_2480, %sign3A_2483 : i32
    %sign3A_2485 = arith.constant 0 : i32
    %sign3A_2486 = arith.cmpi sgt, %jit3A_2476, %sign3A_2485 : i32
    %sign3A_2487 = arith.extui %sign3A_2486 : i1 to i32
    %sign3A_2488 = arith.constant 0 : i32
    %sign3A_2489 = arith.cmpi slt, %jit3A_2476, %sign3A_2488 : i32
    %sign3A_2490 = arith.extui %sign3A_2489 : i1 to i32
    %sign3A_2491 = arith.subi %sign3A_2487, %sign3A_2490 : i32
    %ne3A_2492 = arith.cmpi ne, %sign3A_2484, %sign3A_2491 : i32
    %rem3A_2493 = arith.remsi %add3A_2470, %jit3A_2476 : i32
    %ne3A_2494 = arith.constant 0 : i32
    %ne3A_2495 = arith.cmpi ne, %rem3A_2493, %ne3A_2494 : i32
    %and3A_2496 = arith.andi %ne3A_2492, %ne3A_2495 : i1
    %sub3A_2497 = arith.constant 1 : i32
    %sub3A_2498 = arith.subi %div3A_2477, %sub3A_2497 : i32
    %select_n3A_2499 = arith.select %and3A_2496, %sub3A_2498, %div3A_2477 : i32
    %jit3A_2500 = arith.constant 4 : i32
    %div3A_2501 = arith.divsi %add3A_2470, %jit3A_2500 : i32
    %sign3A_2502 = arith.constant 0 : i32
    %sign3A_2503 = arith.cmpi sgt, %add3A_2470, %sign3A_2502 : i32
    %sign3A_2504 = arith.extui %sign3A_2503 : i1 to i32
    %sign3A_2505 = arith.constant 0 : i32
    %sign3A_2506 = arith.cmpi slt, %add3A_2470, %sign3A_2505 : i32
    %sign3A_2507 = arith.extui %sign3A_2506 : i1 to i32
    %sign3A_2508 = arith.subi %sign3A_2504, %sign3A_2507 : i32
    %sign3A_2509 = arith.constant 0 : i32
    %sign3A_2510 = arith.cmpi sgt, %jit3A_2500, %sign3A_2509 : i32
    %sign3A_2511 = arith.extui %sign3A_2510 : i1 to i32
    %sign3A_2512 = arith.constant 0 : i32
    %sign3A_2513 = arith.cmpi slt, %jit3A_2500, %sign3A_2512 : i32
    %sign3A_2514 = arith.extui %sign3A_2513 : i1 to i32
    %sign3A_2515 = arith.subi %sign3A_2511, %sign3A_2514 : i32
    %ne3A_2516 = arith.cmpi ne, %sign3A_2508, %sign3A_2515 : i32
    %rem3A_2517 = arith.remsi %add3A_2470, %jit3A_2500 : i32
    %ne3A_2518 = arith.constant 0 : i32
    %ne3A_2519 = arith.cmpi ne, %rem3A_2517, %ne3A_2518 : i32
    %and3A_2520 = arith.andi %ne3A_2516, %ne3A_2519 : i1
    %sub3A_2521 = arith.constant 1 : i32
    %sub3A_2522 = arith.subi %div3A_2501, %sub3A_2521 : i32
    %select_n3A_2523 = arith.select %and3A_2520, %sub3A_2522, %div3A_2501 : i32
    %jit3A_2524 = arith.constant 32 : i32
    %eq3A_2525 = arith.constant 0 : i32
    %eq3A_2526 = arith.cmpi eq, %jit3A_2524, %eq3A_2525 : i32
    %jit3A_2527 = arith.constant 1 : i32
    %select_n3A_2528 = arith.select %eq3A_2526, %jit3A_2527, %jit3A_2524 : i32
    %rem3A_2529 = arith.remsi %select_n3A_2523, %select_n3A_2528 : i32
    %ne3A_2530 = arith.constant 0 : i32
    %ne3A_2531 = arith.cmpi ne, %rem3A_2529, %ne3A_2530 : i32
    %lt3A_2532 = arith.constant 0 : i32
    %lt3A_2533 = arith.cmpi slt, %rem3A_2529, %lt3A_2532 : i32
    %lt3A_2534 = arith.constant 0 : i32
    %lt3A_2535 = arith.cmpi slt, %select_n3A_2528, %lt3A_2534 : i32
    %ne3A_2536 = arith.xori %lt3A_2533, %lt3A_2535 : i1
    %and3A_2537 = arith.andi %ne3A_2536, %ne3A_2531 : i1
    %add3A_2538 = arith.addi %rem3A_2529, %select_n3A_2528 : i32
    %select_n3A_2539 = arith.select %and3A_2537, %add3A_2538, %rem3A_2529 : i32
    %jit3A_2540 = arith.constant 4 : i32
    %eq3A_2541 = arith.constant 0 : i32
    %eq3A_2542 = arith.cmpi eq, %jit3A_2540, %eq3A_2541 : i32
    %jit3A_2543 = arith.constant 1 : i32
    %select_n3A_2544 = arith.select %eq3A_2542, %jit3A_2543, %jit3A_2540 : i32
    %rem3A_2545 = arith.remsi %add3A_2470, %select_n3A_2544 : i32
    %ne3A_2546 = arith.constant 0 : i32
    %ne3A_2547 = arith.cmpi ne, %rem3A_2545, %ne3A_2546 : i32
    %lt3A_2548 = arith.constant 0 : i32
    %lt3A_2549 = arith.cmpi slt, %rem3A_2545, %lt3A_2548 : i32
    %lt3A_2550 = arith.constant 0 : i32
    %lt3A_2551 = arith.cmpi slt, %select_n3A_2544, %lt3A_2550 : i32
    %ne3A_2552 = arith.xori %lt3A_2549, %lt3A_2551 : i1
    %and3A_2553 = arith.andi %ne3A_2552, %ne3A_2547 : i1
    %add3A_2554 = arith.addi %rem3A_2545, %select_n3A_2544 : i32
    %select_n3A_2555 = arith.select %and3A_2553, %add3A_2554, %rem3A_2545 : i32
    %slice3A_2556 = vector.extract_strided_slice %get3A_2475 {offsets = [1], sizes = [1], strides = [1]} : vector<16xi32> to vector<1xi32>
    %squeeze3A_2557 = vector.extract %slice3A_2556[0] : i32 from vector<1xi32>
    %dma_start3A_2558 = arith.constant 1 : i32
    %dma_start3A_2559 = arith.constant 0 : i32
    %dma_start3A_2560 = arith.constant 0 : i32
    %dma_start3A_2561 = tpu.memref_slice %arg6[%dma_start3A_2558, %dma_start3A_2559, %squeeze3A_2557, %dma_start3A_2560] : memref<2x16x56x55xf32, #tpu.memory_space<vmem>> -> memref<1x16x55x55xf32, #tpu.memory_space<vmem>>
    %dma_start3A_2562 = tpu.memref_squeeze %dma_start3A_2561 : memref<1x16x55x55xf32, #tpu.memory_space<vmem>> -> memref<16x55x55xf32, #tpu.memory_space<vmem>>
    %dma_start3A_2563 = arith.constant 16 : i32
    %dma_start3A_2564 = arith.constant 0 : i32
    %dma_start3A_2565 = arith.constant 0 : i32
    %dma_start3A_2566 = tpu.memref_slice %arg4[%select_n3A_2499, %dma_start3A_2563, %select_n3A_2539, %select_n3A_2555, %dma_start3A_2564, %dma_start3A_2565] : memref<2x32x32x4x55x55xf32, #tpu.memory_space<hbm>> -> memref<1x16x1x1x55x55xf32, #tpu.memory_space<hbm>>
    %dma_start3A_2567 = tpu.memref_squeeze %dma_start3A_2566 : memref<1x16x1x1x55x55xf32, #tpu.memory_space<hbm>> -> memref<16x55x55xf32, #tpu.memory_space<hbm>>
    %dma_start3A_2568 = arith.constant 16 : i32
    %dma_start3A_2569 = arith.constant 0 : i32
    %dma_start3A_2570 = arith.constant 0 : i32
    %dma_start3A_2571 = tpu.memref_slice %arg4[%select_n3A_2499, %dma_start3A_2568, %select_n3A_2539, %select_n3A_2555, %dma_start3A_2569, %dma_start3A_2570] : memref<2x32x32x4x55x55xf32, #tpu.memory_space<hbm>> -> memref<1x16x1x1x55x55xf32, #tpu.memory_space<hbm>>
    %dma_start3A_2572 = tpu.memref_squeeze %dma_start3A_2571 : memref<1x16x1x1x55x55xf32, #tpu.memory_space<hbm>> -> memref<16x55x55xf32, #tpu.memory_space<hbm>>
    %dma_start3A_2573 = arith.constant 0 : i32
    %dma_start3A_2574 = arith.constant 0 : i32
    %dma_start3A_2575 = tpu.memref_slice %arg6[%dma_start3A_2558, %dma_start3A_2573, %squeeze3A_2557, %dma_start3A_2574] : memref<2x16x56x55xf32, #tpu.memory_space<vmem>> -> memref<1x16x55x55xf32, #tpu.memory_space<vmem>>
    %dma_start3A_2576 = tpu.memref_squeeze %dma_start3A_2575 : memref<1x16x55x55xf32, #tpu.memory_space<vmem>> -> memref<16x55x55xf32, #tpu.memory_space<vmem>>
    tpu.enqueue_dma source(%dma_start3A_2576 : memref<16x55x55xf32, #tpu.memory_space<vmem>>) target(%dma_start3A_2572 : memref<16x55x55xf32, #tpu.memory_space<hbm>>) target_semaphore(%arg8 : memref<!tpu.dma_semaphore, #tpu.memory_space<semaphore_mem>>)
    %dma_wait3A_2577 = arith.constant 1 : i32
    %dma_wait3A_2578 = arith.constant 0 : i32
    %dma_wait3A_2579 = arith.constant 0 : i32
    %dma_wait3A_2580 = tpu.memref_slice %arg6[%dma_wait3A_2577, %dma_wait3A_2578, %squeeze3A_2557, %dma_wait3A_2579] : memref<2x16x56x55xf32, #tpu.memory_space<vmem>> -> memref<1x16x55x55xf32, #tpu.memory_space<vmem>>
    %dma_wait3A_2581 = tpu.memref_squeeze %dma_wait3A_2580 : memref<1x16x55x55xf32, #tpu.memory_space<vmem>> -> memref<16x55x55xf32, #tpu.memory_space<vmem>>
    %dma_wait3A_2582 = arith.constant 16 : i32
    %dma_wait3A_2583 = arith.constant 0 : i32
    %dma_wait3A_2584 = arith.constant 0 : i32
    %dma_wait3A_2585 = tpu.memref_slice %arg4[%select_n3A_2499, %dma_wait3A_2582, %select_n3A_2539, %select_n3A_2555, %dma_wait3A_2583, %dma_wait3A_2584] : memref<2x32x32x4x55x55xf32, #tpu.memory_space<hbm>> -> memref<1x16x1x1x55x55xf32, #tpu.memory_space<hbm>>
    %dma_wait3A_2586 = tpu.memref_squeeze %dma_wait3A_2585 : memref<1x16x1x1x55x55xf32, #tpu.memory_space<hbm>> -> memref<16x55x55xf32, #tpu.memory_space<hbm>>
    %dma_wait3A_2587 = arith.constant 16 : i32
    %dma_wait3A_2588 = arith.constant 0 : i32
    %dma_wait3A_2589 = arith.constant 0 : i32
    %dma_wait3A_2590 = tpu.memref_slice %arg4[%select_n3A_2499, %dma_wait3A_2587, %select_n3A_2539, %select_n3A_2555, %dma_wait3A_2588, %dma_wait3A_2589] : memref<2x32x32x4x55x55xf32, #tpu.memory_space<hbm>> -> memref<1x16x1x1x55x55xf32, #tpu.memory_space<hbm>>
    %dma_wait3A_2591 = tpu.memref_squeeze %dma_wait3A_2590 : memref<1x16x1x1x55x55xf32, #tpu.memory_space<hbm>> -> memref<16x55x55xf32, #tpu.memory_space<hbm>>
    %dma_wait3A_2592 = arith.constant 0 : i32
    %dma_wait3A_2593 = arith.constant 0 : i32
    %dma_wait3A_2594 = tpu.memref_slice %arg6[%dma_wait3A_2577, %dma_wait3A_2592, %squeeze3A_2557, %dma_wait3A_2593] : memref<2x16x56x55xf32, #tpu.memory_space<vmem>> -> memref<1x16x55x55xf32, #tpu.memory_space<vmem>>
    %dma_wait3A_2595 = tpu.memref_squeeze %dma_wait3A_2594 : memref<1x16x55x55xf32, #tpu.memory_space<vmem>> -> memref<16x55x55xf32, #tpu.memory_space<vmem>>
    tpu.wait_dma2 semaphore(%arg8 : memref<!tpu.dma_semaphore, #tpu.memory_space<semaphore_mem>>) src(%dma_wait3A_2595 : memref<16x55x55xf32, #tpu.memory_space<vmem>>) dst(%dma_wait3A_2591 : memref<16x55x55xf32, #tpu.memory_space<hbm>>)
    %mul3A_2596 = arith.constant 8 : i32
    %mul3A_2597 = arith.muli %add3A, %mul3A_2596 : i32
    %add3A_2598 = arith.constant 7 : i32
    %add3A_2599 = arith.addi %mul3A_2597, %add3A_2598 : i32
    %mul3A_2600 = arith.constant 16 : i32
    %mul3A_2601 = arith.muli %add3A_2599, %mul3A_2600 : i32
    %get3A_2602 = arith.index_cast %mul3A_2601 : i32 to index
    %get3A_2603 = tpu.vector_load %arg5[%get3A_2602] {strides = array<i32>} : memref<4096xi32, #tpu.memory_space<vmem>>, vector<16xi32>,
    %get3A_2604 = vector.shape_cast %get3A_2603 : vector<16xi32> to vector<16xi32>
    %slice3A_2605 = vector.extract_strided_slice %get3A_2604 {offsets = [2], sizes = [1], strides = [1]} : vector<16xi32> to vector<1xi32>
    %squeeze3A_2606 = vector.extract %slice3A_2605[0] : i32 from vector<1xi32>
    %slice3A_2607 = vector.extract_strided_slice %get3A_2604 {offsets = [0], sizes = [1], strides = [1]} : vector<16xi32> to vector<1xi32>
    %squeeze3A_2608 = vector.extract %slice3A_2607[0] : i32 from vector<1xi32>
    %dma_start3A_2609 = arith.constant 1 : i32
    %dma_start3A_2610 = arith.constant 0 : i32
    %dma_start3A_2611 = arith.constant 0 : i32
    %dma_start3A_2612 = arith.constant 0 : i32
    %dma_start3A_2613 = tpu.memref_slice %arg6[%dma_start3A_2609, %dma_start3A_2610, %dma_start3A_2611, %dma_start3A_2612] : memref<2x16x56x55xf32, #tpu.memory_space<vmem>> -> memref<1x16x56x55xf32, #tpu.memory_space<vmem>>
    %dma_start3A_2614 = tpu.memref_squeeze %dma_start3A_2613 : memref<1x16x56x55xf32, #tpu.memory_space<vmem>> -> memref<16x56x55xf32, #tpu.memory_space<vmem>>
    %dma_start3A_2615 = arith.constant 16 : i32
    %dma_start3A_2616 = arith.constant 0 : i32
    %dma_start3A_2617 = arith.constant 0 : i32
    %dma_start3A_2618 = tpu.memref_slice %arg2[%squeeze3A_2606, %dma_start3A_2615, %squeeze3A_2608, %dma_start3A_2616, %dma_start3A_2617] : memref<2x32x64x56x55xf32, #tpu.memory_space<hbm>> -> memref<1x16x1x56x55xf32, #tpu.memory_space<hbm>>
    %dma_start3A_2619 = tpu.memref_squeeze %dma_start3A_2618 : memref<1x16x1x56x55xf32, #tpu.memory_space<hbm>> -> memref<16x56x55xf32, #tpu.memory_space<hbm>>
    %dma_start3A_2620 = arith.constant 0 : i32
    %dma_start3A_2621 = arith.constant 0 : i32
    %dma_start3A_2622 = arith.constant 0 : i32
    %dma_start3A_2623 = tpu.memref_slice %arg6[%dma_start3A_2609, %dma_start3A_2620, %dma_start3A_2621, %dma_start3A_2622] : memref<2x16x56x55xf32, #tpu.memory_space<vmem>> -> memref<1x16x56x55xf32, #tpu.memory_space<vmem>>
    %dma_start3A_2624 = tpu.memref_squeeze %dma_start3A_2623 : memref<1x16x56x55xf32, #tpu.memory_space<vmem>> -> memref<16x56x55xf32, #tpu.memory_space<vmem>>
    %dma_start3A_2625 = arith.constant 16 : i32
    %dma_start3A_2626 = arith.constant 0 : i32
    %dma_start3A_2627 = arith.constant 0 : i32
    %dma_start3A_2628 = tpu.memref_slice %arg2[%squeeze3A_2606, %dma_start3A_2625, %squeeze3A_2608, %dma_start3A_2626, %dma_start3A_2627] : memref<2x32x64x56x55xf32, #tpu.memory_space<hbm>> -> memref<1x16x1x56x55xf32, #tpu.memory_space<hbm>>
    %dma_start3A_2629 = tpu.memref_squeeze %dma_start3A_2628 : memref<1x16x1x56x55xf32, #tpu.memory_space<hbm>> -> memref<16x56x55xf32, #tpu.memory_space<hbm>>
    tpu.enqueue_dma source(%dma_start3A_2629 : memref<16x56x55xf32, #tpu.memory_space<hbm>>) target(%dma_start3A_2624 : memref<16x56x55xf32, #tpu.memory_space<vmem>>) target_semaphore(%arg7 : memref<!tpu.dma_semaphore, #tpu.memory_space<semaphore_mem>>)
    %dma_wait3A_2630 = arith.constant 0 : i32
    %dma_wait3A_2631 = arith.constant 0 : i32
    %dma_wait3A_2632 = arith.constant 0 : i32
    %dma_wait3A_2633 = arith.constant 0 : i32
    %dma_wait3A_2634 = tpu.memref_slice %arg6[%dma_wait3A_2630, %dma_wait3A_2631, %dma_wait3A_2632, %dma_wait3A_2633] : memref<2x16x56x55xf32, #tpu.memory_space<vmem>> -> memref<1x16x56x55xf32, #tpu.memory_space<vmem>>
    %dma_wait3A_2635 = tpu.memref_squeeze %dma_wait3A_2634 : memref<1x16x56x55xf32, #tpu.memory_space<vmem>> -> memref<16x56x55xf32, #tpu.memory_space<vmem>>
    %dma_wait3A_2636 = arith.constant 0 : i32
    %dma_wait3A_2637 = arith.constant 0 : i32
    %dma_wait3A_2638 = arith.constant 0 : i32
    %dma_wait3A_2639 = tpu.memref_slice %arg2[%squeeze3A_2422, %dma_wait3A_2636, %squeeze3A_2424, %dma_wait3A_2637, %dma_wait3A_2638] : memref<2x32x64x56x55xf32, #tpu.memory_space<hbm>> -> memref<1x16x1x56x55xf32, #tpu.memory_space<hbm>>
    %dma_wait3A_2640 = tpu.memref_squeeze %dma_wait3A_2639 : memref<1x16x1x56x55xf32, #tpu.memory_space<hbm>> -> memref<16x56x55xf32, #tpu.memory_space<hbm>>
    %dma_wait3A_2641 = arith.constant 0 : i32
    %dma_wait3A_2642 = arith.constant 0 : i32
    %dma_wait3A_2643 = arith.constant 0 : i32
    %dma_wait3A_2644 = tpu.memref_slice %arg6[%dma_wait3A_2630, %dma_wait3A_2641, %dma_wait3A_2642, %dma_wait3A_2643] : memref<2x16x56x55xf32, #tpu.memory_space<vmem>> -> memref<1x16x56x55xf32, #tpu.memory_space<vmem>>
    %dma_wait3A_2645 = tpu.memref_squeeze %dma_wait3A_2644 : memref<1x16x56x55xf32, #tpu.memory_space<vmem>> -> memref<16x56x55xf32, #tpu.memory_space<vmem>>
    %dma_wait3A_2646 = arith.constant 0 : i32
    %dma_wait3A_2647 = arith.constant 0 : i32
    %dma_wait3A_2648 = arith.constant 0 : i32
    %dma_wait3A_2649 = tpu.memref_slice %arg2[%squeeze3A_2422, %dma_wait3A_2646, %squeeze3A_2424, %dma_wait3A_2647, %dma_wait3A_2648] : memref<2x32x64x56x55xf32, #tpu.memory_space<hbm>> -> memref<1x16x1x56x55xf32, #tpu.memory_space<hbm>>
    %dma_wait3A_2650 = tpu.memref_squeeze %dma_wait3A_2649 : memref<1x16x1x56x55xf32, #tpu.memory_space<hbm>> -> memref<16x56x55xf32, #tpu.memory_space<hbm>>
    tpu.wait_dma2 semaphore(%arg7 : memref<!tpu.dma_semaphore, #tpu.memory_space<semaphore_mem>>) src(%dma_wait3A_2650 : memref<16x56x55xf32, #tpu.memory_space<hbm>>) dst(%dma_wait3A_2645 : memref<16x56x55xf32, #tpu.memory_space<vmem>>)
    %mul3A_2651 = arith.constant 8 : i32
    %mul3A_2652 = arith.muli %add3A, %mul3A_2651 : i32
    %add3A_2653 = arith.constant 7 : i32
    %add3A_2654 = arith.addi %mul3A_2652, %add3A_2653 : i32
    %mul3A_2655 = arith.constant 16 : i32
    %mul3A_2656 = arith.muli %add3A_2654, %mul3A_2655 : i32
    %get3A_2657 = arith.index_cast %mul3A_2656 : i32 to index
    %get3A_2658 = tpu.vector_load %arg5[%get3A_2657] {strides = array<i32>} : memref<4096xi32, #tpu.memory_space<vmem>>, vector<16xi32>,
    %get3A_2659 = vector.shape_cast %get3A_2658 : vector<16xi32> to vector<16xi32>
    %jit3A_2660 = arith.constant 128 : i32
    %div3A_2661 = arith.divsi %add3A_2654, %jit3A_2660 : i32
    %sign3A_2662 = arith.constant 0 : i32
    %sign3A_2663 = arith.cmpi sgt, %add3A_2654, %sign3A_2662 : i32
    %sign3A_2664 = arith.extui %sign3A_2663 : i1 to i32
    %sign3A_2665 = arith.constant 0 : i32
    %sign3A_2666 = arith.cmpi slt, %add3A_2654, %sign3A_2665 : i32
    %sign3A_2667 = arith.extui %sign3A_2666 : i1 to i32
    %sign3A_2668 = arith.subi %sign3A_2664, %sign3A_2667 : i32
    %sign3A_2669 = arith.constant 0 : i32
    %sign3A_2670 = arith.cmpi sgt, %jit3A_2660, %sign3A_2669 : i32
    %sign3A_2671 = arith.extui %sign3A_2670 : i1 to i32
    %sign3A_2672 = arith.constant 0 : i32
    %sign3A_2673 = arith.cmpi slt, %jit3A_2660, %sign3A_2672 : i32
    %sign3A_2674 = arith.extui %sign3A_2673 : i1 to i32
    %sign3A_2675 = arith.subi %sign3A_2671, %sign3A_2674 : i32
    %ne3A_2676 = arith.cmpi ne, %sign3A_2668, %sign3A_2675 : i32
    %rem3A_2677 = arith.remsi %add3A_2654, %jit3A_2660 : i32
    %ne3A_2678 = arith.constant 0 : i32
    %ne3A_2679 = arith.cmpi ne, %rem3A_2677, %ne3A_2678 : i32
    %and3A_2680 = arith.andi %ne3A_2676, %ne3A_2679 : i1
    %sub3A_2681 = arith.constant 1 : i32
    %sub3A_2682 = arith.subi %div3A_2661, %sub3A_2681 : i32
    %select_n3A_2683 = arith.select %and3A_2680, %sub3A_2682, %div3A_2661 : i32
    %jit3A_2684 = arith.constant 4 : i32
    %div3A_2685 = arith.divsi %add3A_2654, %jit3A_2684 : i32
    %sign3A_2686 = arith.constant 0 : i32
    %sign3A_2687 = arith.cmpi sgt, %add3A_2654, %sign3A_2686 : i32
    %sign3A_2688 = arith.extui %sign3A_2687 : i1 to i32
    %sign3A_2689 = arith.constant 0 : i32
    %sign3A_2690 = arith.cmpi slt, %add3A_2654, %sign3A_2689 : i32
    %sign3A_2691 = arith.extui %sign3A_2690 : i1 to i32
    %sign3A_2692 = arith.subi %sign3A_2688, %sign3A_2691 : i32
    %sign3A_2693 = arith.constant 0 : i32
    %sign3A_2694 = arith.cmpi sgt, %jit3A_2684, %sign3A_2693 : i32
    %sign3A_2695 = arith.extui %sign3A_2694 : i1 to i32
    %sign3A_2696 = arith.constant 0 : i32
    %sign3A_2697 = arith.cmpi slt, %jit3A_2684, %sign3A_2696 : i32
    %sign3A_2698 = arith.extui %sign3A_2697 : i1 to i32
    %sign3A_2699 = arith.subi %sign3A_2695, %sign3A_2698 : i32
    %ne3A_2700 = arith.cmpi ne, %sign3A_2692, %sign3A_2699 : i32
    %rem3A_2701 = arith.remsi %add3A_2654, %jit3A_2684 : i32
    %ne3A_2702 = arith.constant 0 : i32
    %ne3A_2703 = arith.cmpi ne, %rem3A_2701, %ne3A_2702 : i32
    %and3A_2704 = arith.andi %ne3A_2700, %ne3A_2703 : i1
    %sub3A_2705 = arith.constant 1 : i32
    %sub3A_2706 = arith.subi %div3A_2685, %sub3A_2705 : i32
    %select_n3A_2707 = arith.select %and3A_2704, %sub3A_2706, %div3A_2685 : i32
    %jit3A_2708 = arith.constant 32 : i32
    %eq3A_2709 = arith.constant 0 : i32
    %eq3A_2710 = arith.cmpi eq, %jit3A_2708, %eq3A_2709 : i32
    %jit3A_2711 = arith.constant 1 : i32
    %select_n3A_2712 = arith.select %eq3A_2710, %jit3A_2711, %jit3A_2708 : i32
    %rem3A_2713 = arith.remsi %select_n3A_2707, %select_n3A_2712 : i32
    %ne3A_2714 = arith.constant 0 : i32
    %ne3A_2715 = arith.cmpi ne, %rem3A_2713, %ne3A_2714 : i32
    %lt3A_2716 = arith.constant 0 : i32
    %lt3A_2717 = arith.cmpi slt, %rem3A_2713, %lt3A_2716 : i32
    %lt3A_2718 = arith.constant 0 : i32
    %lt3A_2719 = arith.cmpi slt, %select_n3A_2712, %lt3A_2718 : i32
    %ne3A_2720 = arith.xori %lt3A_2717, %lt3A_2719 : i1
    %and3A_2721 = arith.andi %ne3A_2720, %ne3A_2715 : i1
    %add3A_2722 = arith.addi %rem3A_2713, %select_n3A_2712 : i32
    %select_n3A_2723 = arith.select %and3A_2721, %add3A_2722, %rem3A_2713 : i32
    %jit3A_2724 = arith.constant 4 : i32
    %eq3A_2725 = arith.constant 0 : i32
    %eq3A_2726 = arith.cmpi eq, %jit3A_2724, %eq3A_2725 : i32
    %jit3A_2727 = arith.constant 1 : i32
    %select_n3A_2728 = arith.select %eq3A_2726, %jit3A_2727, %jit3A_2724 : i32
    %rem3A_2729 = arith.remsi %add3A_2654, %select_n3A_2728 : i32
    %ne3A_2730 = arith.constant 0 : i32
    %ne3A_2731 = arith.cmpi ne, %rem3A_2729, %ne3A_2730 : i32
    %lt3A_2732 = arith.constant 0 : i32
    %lt3A_2733 = arith.cmpi slt, %rem3A_2729, %lt3A_2732 : i32
    %lt3A_2734 = arith.constant 0 : i32
    %lt3A_2735 = arith.cmpi slt, %select_n3A_2728, %lt3A_2734 : i32
    %ne3A_2736 = arith.xori %lt3A_2733, %lt3A_2735 : i1
    %and3A_2737 = arith.andi %ne3A_2736, %ne3A_2731 : i1
    %add3A_2738 = arith.addi %rem3A_2729, %select_n3A_2728 : i32
    %select_n3A_2739 = arith.select %and3A_2737, %add3A_2738, %rem3A_2729 : i32
    %slice3A_2740 = vector.extract_strided_slice %get3A_2659 {offsets = [1], sizes = [1], strides = [1]} : vector<16xi32> to vector<1xi32>
    %squeeze3A_2741 = vector.extract %slice3A_2740[0] : i32 from vector<1xi32>
    %dma_start3A_2742 = arith.constant 0 : i32
    %dma_start3A_2743 = arith.constant 0 : i32
    %dma_start3A_2744 = arith.constant 0 : i32
    %dma_start3A_2745 = tpu.memref_slice %arg6[%dma_start3A_2742, %dma_start3A_2743, %squeeze3A_2741, %dma_start3A_2744] : memref<2x16x56x55xf32, #tpu.memory_space<vmem>> -> memref<1x16x55x55xf32, #tpu.memory_space<vmem>>
    %dma_start3A_2746 = tpu.memref_squeeze %dma_start3A_2745 : memref<1x16x55x55xf32, #tpu.memory_space<vmem>> -> memref<16x55x55xf32, #tpu.memory_space<vmem>>
    %dma_start3A_2747 = arith.constant 0 : i32
    %dma_start3A_2748 = arith.constant 0 : i32
    %dma_start3A_2749 = arith.constant 0 : i32
    %dma_start3A_2750 = tpu.memref_slice %arg4[%select_n3A_2683, %dma_start3A_2747, %select_n3A_2723, %select_n3A_2739, %dma_start3A_2748, %dma_start3A_2749] : memref<2x32x32x4x55x55xf32, #tpu.memory_space<hbm>> -> memref<1x16x1x1x55x55xf32, #tpu.memory_space<hbm>>
    %dma_start3A_2751 = tpu.memref_squeeze %dma_start3A_2750 : memref<1x16x1x1x55x55xf32, #tpu.memory_space<hbm>> -> memref<16x55x55xf32, #tpu.memory_space<hbm>>
    %dma_start3A_2752 = arith.constant 0 : i32
    %dma_start3A_2753 = arith.constant 0 : i32
    %dma_start3A_2754 = arith.constant 0 : i32
    %dma_start3A_2755 = tpu.memref_slice %arg4[%select_n3A_2683, %dma_start3A_2752, %select_n3A_2723, %select_n3A_2739, %dma_start3A_2753, %dma_start3A_2754] : memref<2x32x32x4x55x55xf32, #tpu.memory_space<hbm>> -> memref<1x16x1x1x55x55xf32, #tpu.memory_space<hbm>>
    %dma_start3A_2756 = tpu.memref_squeeze %dma_start3A_2755 : memref<1x16x1x1x55x55xf32, #tpu.memory_space<hbm>> -> memref<16x55x55xf32, #tpu.memory_space<hbm>>
    %dma_start3A_2757 = arith.constant 0 : i32
    %dma_start3A_2758 = arith.constant 0 : i32
    %dma_start3A_2759 = tpu.memref_slice %arg6[%dma_start3A_2742, %dma_start3A_2757, %squeeze3A_2741, %dma_start3A_2758] : memref<2x16x56x55xf32, #tpu.memory_space<vmem>> -> memref<1x16x55x55xf32, #tpu.memory_space<vmem>>
    %dma_start3A_2760 = tpu.memref_squeeze %dma_start3A_2759 : memref<1x16x55x55xf32, #tpu.memory_space<vmem>> -> memref<16x55x55xf32, #tpu.memory_space<vmem>>
    tpu.enqueue_dma source(%dma_start3A_2760 : memref<16x55x55xf32, #tpu.memory_space<vmem>>) target(%dma_start3A_2756 : memref<16x55x55xf32, #tpu.memory_space<hbm>>) target_semaphore(%arg8 : memref<!tpu.dma_semaphore, #tpu.memory_space<semaphore_mem>>)
    %dma_wait3A_2761 = arith.constant 0 : i32
    %dma_wait3A_2762 = arith.constant 0 : i32
    %dma_wait3A_2763 = arith.constant 0 : i32
    %dma_wait3A_2764 = tpu.memref_slice %arg6[%dma_wait3A_2761, %dma_wait3A_2762, %squeeze3A_2741, %dma_wait3A_2763] : memref<2x16x56x55xf32, #tpu.memory_space<vmem>> -> memref<1x16x55x55xf32, #tpu.memory_space<vmem>>
    %dma_wait3A_2765 = tpu.memref_squeeze %dma_wait3A_2764 : memref<1x16x55x55xf32, #tpu.memory_space<vmem>> -> memref<16x55x55xf32, #tpu.memory_space<vmem>>
    %dma_wait3A_2766 = arith.constant 0 : i32
    %dma_wait3A_2767 = arith.constant 0 : i32
    %dma_wait3A_2768 = arith.constant 0 : i32
    %dma_wait3A_2769 = tpu.memref_slice %arg4[%select_n3A_2683, %dma_wait3A_2766, %select_n3A_2723, %select_n3A_2739, %dma_wait3A_2767, %dma_wait3A_2768] : memref<2x32x32x4x55x55xf32, #tpu.memory_space<hbm>> -> memref<1x16x1x1x55x55xf32, #tpu.memory_space<hbm>>
    %dma_wait3A_2770 = tpu.memref_squeeze %dma_wait3A_2769 : memref<1x16x1x1x55x55xf32, #tpu.memory_space<hbm>> -> memref<16x55x55xf32, #tpu.memory_space<hbm>>
    %dma_wait3A_2771 = arith.constant 0 : i32
    %dma_wait3A_2772 = arith.constant 0 : i32
    %dma_wait3A_2773 = arith.constant 0 : i32
    %dma_wait3A_2774 = tpu.memref_slice %arg4[%select_n3A_2683, %dma_wait3A_2771, %select_n3A_2723, %select_n3A_2739, %dma_wait3A_2772, %dma_wait3A_2773] : memref<2x32x32x4x55x55xf32, #tpu.memory_space<hbm>> -> memref<1x16x1x1x55x55xf32, #tpu.memory_space<hbm>>
    %dma_wait3A_2775 = tpu.memref_squeeze %dma_wait3A_2774 : memref<1x16x1x1x55x55xf32, #tpu.memory_space<hbm>> -> memref<16x55x55xf32, #tpu.memory_space<hbm>>
    %dma_wait3A_2776 = arith.constant 0 : i32
    %dma_wait3A_2777 = arith.constant 0 : i32
    %dma_wait3A_2778 = tpu.memref_slice %arg6[%dma_wait3A_2761, %dma_wait3A_2776, %squeeze3A_2741, %dma_wait3A_2777] : memref<2x16x56x55xf32, #tpu.memory_space<vmem>> -> memref<1x16x55x55xf32, #tpu.memory_space<vmem>>
    %dma_wait3A_2779 = tpu.memref_squeeze %dma_wait3A_2778 : memref<1x16x55x55xf32, #tpu.memory_space<vmem>> -> memref<16x55x55xf32, #tpu.memory_space<vmem>>
    tpu.wait_dma2 semaphore(%arg8 : memref<!tpu.dma_semaphore, #tpu.memory_space<semaphore_mem>>) src(%dma_wait3A_2779 : memref<16x55x55xf32, #tpu.memory_space<vmem>>) dst(%dma_wait3A_2775 : memref<16x55x55xf32, #tpu.memory_space<hbm>>)
    %dma_wait3A_2780 = arith.constant 1 : i32
    %dma_wait3A_2781 = arith.constant 0 : i32
    %dma_wait3A_2782 = arith.constant 0 : i32
    %dma_wait3A_2783 = arith.constant 0 : i32
    %dma_wait3A_2784 = tpu.memref_slice %arg6[%dma_wait3A_2780, %dma_wait3A_2781, %dma_wait3A_2782, %dma_wait3A_2783] : memref<2x16x56x55xf32, #tpu.memory_space<vmem>> -> memref<1x16x56x55xf32, #tpu.memory_space<vmem>>
    %dma_wait3A_2785 = tpu.memref_squeeze %dma_wait3A_2784 : memref<1x16x56x55xf32, #tpu.memory_space<vmem>> -> memref<16x56x55xf32, #tpu.memory_space<vmem>>
    %dma_wait3A_2786 = arith.constant 16 : i32
    %dma_wait3A_2787 = arith.constant 0 : i32
    %dma_wait3A_2788 = arith.constant 0 : i32
    %dma_wait3A_2789 = tpu.memref_slice %arg2[%squeeze3A_2606, %dma_wait3A_2786, %squeeze3A_2608, %dma_wait3A_2787, %dma_wait3A_2788] : memref<2x32x64x56x55xf32, #tpu.memory_space<hbm>> -> memref<1x16x1x56x55xf32, #tpu.memory_space<hbm>>
    %dma_wait3A_2790 = tpu.memref_squeeze %dma_wait3A_2789 : memref<1x16x1x56x55xf32, #tpu.memory_space<hbm>> -> memref<16x56x55xf32, #tpu.memory_space<hbm>>
    %dma_wait3A_2791 = arith.constant 0 : i32
    %dma_wait3A_2792 = arith.constant 0 : i32
    %dma_wait3A_2793 = arith.constant 0 : i32
    %dma_wait3A_2794 = tpu.memref_slice %arg6[%dma_wait3A_2780, %dma_wait3A_2791, %dma_wait3A_2792, %dma_wait3A_2793] : memref<2x16x56x55xf32, #tpu.memory_space<vmem>> -> memref<1x16x56x55xf32, #tpu.memory_space<vmem>>
    %dma_wait3A_2795 = tpu.memref_squeeze %dma_wait3A_2794 : memref<1x16x56x55xf32, #tpu.memory_space<vmem>> -> memref<16x56x55xf32, #tpu.memory_space<vmem>>
    %dma_wait3A_2796 = arith.constant 16 : i32
    %dma_wait3A_2797 = arith.constant 0 : i32
    %dma_wait3A_2798 = arith.constant 0 : i32
    %dma_wait3A_2799 = tpu.memref_slice %arg2[%squeeze3A_2606, %dma_wait3A_2796, %squeeze3A_2608, %dma_wait3A_2797, %dma_wait3A_2798] : memref<2x32x64x56x55xf32, #tpu.memory_space<hbm>> -> memref<1x16x1x56x55xf32, #tpu.memory_space<hbm>>
    %dma_wait3A_2800 = tpu.memref_squeeze %dma_wait3A_2799 : memref<1x16x1x56x55xf32, #tpu.memory_space<hbm>> -> memref<16x56x55xf32, #tpu.memory_space<hbm>>
    tpu.wait_dma2 semaphore(%arg7 : memref<!tpu.dma_semaphore, #tpu.memory_space<semaphore_mem>>) src(%dma_wait3A_2800 : memref<16x56x55xf32, #tpu.memory_space<hbm>>) dst(%dma_wait3A_2795 : memref<16x56x55xf32, #tpu.memory_space<vmem>>)
    %mul3A_2801 = arith.constant 8 : i32
    %mul3A_2802 = arith.muli %add3A, %mul3A_2801 : i32
    %add3A_2803 = arith.constant 7 : i32
    %add3A_2804 = arith.addi %mul3A_2802, %add3A_2803 : i32
    %mul3A_2805 = arith.constant 16 : i32
    %mul3A_2806 = arith.muli %add3A_2804, %mul3A_2805 : i32
    %get3A_2807 = arith.index_cast %mul3A_2806 : i32 to index
    %get3A_2808 = tpu.vector_load %arg5[%get3A_2807] {strides = array<i32>} : memref<4096xi32, #tpu.memory_space<vmem>>, vector<16xi32>,
    %get3A_2809 = vector.shape_cast %get3A_2808 : vector<16xi32> to vector<16xi32>
    %jit3A_2810 = arith.constant 128 : i32
    %div3A_2811 = arith.divsi %add3A_2804, %jit3A_2810 : i32
    %sign3A_2812 = arith.constant 0 : i32
    %sign3A_2813 = arith.cmpi sgt, %add3A_2804, %sign3A_2812 : i32
    %sign3A_2814 = arith.extui %sign3A_2813 : i1 to i32
    %sign3A_2815 = arith.constant 0 : i32
    %sign3A_2816 = arith.cmpi slt, %add3A_2804, %sign3A_2815 : i32
    %sign3A_2817 = arith.extui %sign3A_2816 : i1 to i32
    %sign3A_2818 = arith.subi %sign3A_2814, %sign3A_2817 : i32
    %sign3A_2819 = arith.constant 0 : i32
    %sign3A_2820 = arith.cmpi sgt, %jit3A_2810, %sign3A_2819 : i32
    %sign3A_2821 = arith.extui %sign3A_2820 : i1 to i32
    %sign3A_2822 = arith.constant 0 : i32
    %sign3A_2823 = arith.cmpi slt, %jit3A_2810, %sign3A_2822 : i32
    %sign3A_2824 = arith.extui %sign3A_2823 : i1 to i32
    %sign3A_2825 = arith.subi %sign3A_2821, %sign3A_2824 : i32
    %ne3A_2826 = arith.cmpi ne, %sign3A_2818, %sign3A_2825 : i32
    %rem3A_2827 = arith.remsi %add3A_2804, %jit3A_2810 : i32
    %ne3A_2828 = arith.constant 0 : i32
    %ne3A_2829 = arith.cmpi ne, %rem3A_2827, %ne3A_2828 : i32
    %and3A_2830 = arith.andi %ne3A_2826, %ne3A_2829 : i1
    %sub3A_2831 = arith.constant 1 : i32
    %sub3A_2832 = arith.subi %div3A_2811, %sub3A_2831 : i32
    %select_n3A_2833 = arith.select %and3A_2830, %sub3A_2832, %div3A_2811 : i32
    %jit3A_2834 = arith.constant 4 : i32
    %div3A_2835 = arith.divsi %add3A_2804, %jit3A_2834 : i32
    %sign3A_2836 = arith.constant 0 : i32
    %sign3A_2837 = arith.cmpi sgt, %add3A_2804, %sign3A_2836 : i32
    %sign3A_2838 = arith.extui %sign3A_2837 : i1 to i32
    %sign3A_2839 = arith.constant 0 : i32
    %sign3A_2840 = arith.cmpi slt, %add3A_2804, %sign3A_2839 : i32
    %sign3A_2841 = arith.extui %sign3A_2840 : i1 to i32
    %sign3A_2842 = arith.subi %sign3A_2838, %sign3A_2841 : i32
    %sign3A_2843 = arith.constant 0 : i32
    %sign3A_2844 = arith.cmpi sgt, %jit3A_2834, %sign3A_2843 : i32
    %sign3A_2845 = arith.extui %sign3A_2844 : i1 to i32
    %sign3A_2846 = arith.constant 0 : i32
    %sign3A_2847 = arith.cmpi slt, %jit3A_2834, %sign3A_2846 : i32
    %sign3A_2848 = arith.extui %sign3A_2847 : i1 to i32
    %sign3A_2849 = arith.subi %sign3A_2845, %sign3A_2848 : i32
    %ne3A_2850 = arith.cmpi ne, %sign3A_2842, %sign3A_2849 : i32
    %rem3A_2851 = arith.remsi %add3A_2804, %jit3A_2834 : i32
    %ne3A_2852 = arith.constant 0 : i32
    %ne3A_2853 = arith.cmpi ne, %rem3A_2851, %ne3A_2852 : i32
    %and3A_2854 = arith.andi %ne3A_2850, %ne3A_2853 : i1
    %sub3A_2855 = arith.constant 1 : i32
    %sub3A_2856 = arith.subi %div3A_2835, %sub3A_2855 : i32
    %select_n3A_2857 = arith.select %and3A_2854, %sub3A_2856, %div3A_2835 : i32
    %jit3A_2858 = arith.constant 32 : i32
    %eq3A_2859 = arith.constant 0 : i32
    %eq3A_2860 = arith.cmpi eq, %jit3A_2858, %eq3A_2859 : i32
    %jit3A_2861 = arith.constant 1 : i32
    %select_n3A_2862 = arith.select %eq3A_2860, %jit3A_2861, %jit3A_2858 : i32
    %rem3A_2863 = arith.remsi %select_n3A_2857, %select_n3A_2862 : i32
    %ne3A_2864 = arith.constant 0 : i32
    %ne3A_2865 = arith.cmpi ne, %rem3A_2863, %ne3A_2864 : i32
    %lt3A_2866 = arith.constant 0 : i32
    %lt3A_2867 = arith.cmpi slt, %rem3A_2863, %lt3A_2866 : i32
    %lt3A_2868 = arith.constant 0 : i32
    %lt3A_2869 = arith.cmpi slt, %select_n3A_2862, %lt3A_2868 : i32
    %ne3A_2870 = arith.xori %lt3A_2867, %lt3A_2869 : i1
    %and3A_2871 = arith.andi %ne3A_2870, %ne3A_2865 : i1
    %add3A_2872 = arith.addi %rem3A_2863, %select_n3A_2862 : i32
    %select_n3A_2873 = arith.select %and3A_2871, %add3A_2872, %rem3A_2863 : i32
    %jit3A_2874 = arith.constant 4 : i32
    %eq3A_2875 = arith.constant 0 : i32
    %eq3A_2876 = arith.cmpi eq, %jit3A_2874, %eq3A_2875 : i32
    %jit3A_2877 = arith.constant 1 : i32
    %select_n3A_2878 = arith.select %eq3A_2876, %jit3A_2877, %jit3A_2874 : i32
    %rem3A_2879 = arith.remsi %add3A_2804, %select_n3A_2878 : i32
    %ne3A_2880 = arith.constant 0 : i32
    %ne3A_2881 = arith.cmpi ne, %rem3A_2879, %ne3A_2880 : i32
    %lt3A_2882 = arith.constant 0 : i32
    %lt3A_2883 = arith.cmpi slt, %rem3A_2879, %lt3A_2882 : i32
    %lt3A_2884 = arith.constant 0 : i32
    %lt3A_2885 = arith.cmpi slt, %select_n3A_2878, %lt3A_2884 : i32
    %ne3A_2886 = arith.xori %lt3A_2883, %lt3A_2885 : i1
    %and3A_2887 = arith.andi %ne3A_2886, %ne3A_2881 : i1
    %add3A_2888 = arith.addi %rem3A_2879, %select_n3A_2878 : i32
    %select_n3A_2889 = arith.select %and3A_2887, %add3A_2888, %rem3A_2879 : i32
    %slice3A_2890 = vector.extract_strided_slice %get3A_2809 {offsets = [1], sizes = [1], strides = [1]} : vector<16xi32> to vector<1xi32>
    %squeeze3A_2891 = vector.extract %slice3A_2890[0] : i32 from vector<1xi32>
    %dma_start3A_2892 = arith.constant 1 : i32
    %dma_start3A_2893 = arith.constant 0 : i32
    %dma_start3A_2894 = arith.constant 0 : i32
    %dma_start3A_2895 = tpu.memref_slice %arg6[%dma_start3A_2892, %dma_start3A_2893, %squeeze3A_2891, %dma_start3A_2894] : memref<2x16x56x55xf32, #tpu.memory_space<vmem>> -> memref<1x16x55x55xf32, #tpu.memory_space<vmem>>
    %dma_start3A_2896 = tpu.memref_squeeze %dma_start3A_2895 : memref<1x16x55x55xf32, #tpu.memory_space<vmem>> -> memref<16x55x55xf32, #tpu.memory_space<vmem>>
    %dma_start3A_2897 = arith.constant 16 : i32
    %dma_start3A_2898 = arith.constant 0 : i32
    %dma_start3A_2899 = arith.constant 0 : i32
    %dma_start3A_2900 = tpu.memref_slice %arg4[%select_n3A_2833, %dma_start3A_2897, %select_n3A_2873, %select_n3A_2889, %dma_start3A_2898, %dma_start3A_2899] : memref<2x32x32x4x55x55xf32, #tpu.memory_space<hbm>> -> memref<1x16x1x1x55x55xf32, #tpu.memory_space<hbm>>
    %dma_start3A_2901 = tpu.memref_squeeze %dma_start3A_2900 : memref<1x16x1x1x55x55xf32, #tpu.memory_space<hbm>> -> memref<16x55x55xf32, #tpu.memory_space<hbm>>
    %dma_start3A_2902 = arith.constant 16 : i32
    %dma_start3A_2903 = arith.constant 0 : i32
    %dma_start3A_2904 = arith.constant 0 : i32
    %dma_start3A_2905 = tpu.memref_slice %arg4[%select_n3A_2833, %dma_start3A_2902, %select_n3A_2873, %select_n3A_2889, %dma_start3A_2903, %dma_start3A_2904] : memref<2x32x32x4x55x55xf32, #tpu.memory_space<hbm>> -> memref<1x16x1x1x55x55xf32, #tpu.memory_space<hbm>>
    %dma_start3A_2906 = tpu.memref_squeeze %dma_start3A_2905 : memref<1x16x1x1x55x55xf32, #tpu.memory_space<hbm>> -> memref<16x55x55xf32, #tpu.memory_space<hbm>>
    %dma_start3A_2907 = arith.constant 0 : i32
    %dma_start3A_2908 = arith.constant 0 : i32
    %dma_start3A_2909 = tpu.memref_slice %arg6[%dma_start3A_2892, %dma_start3A_2907, %squeeze3A_2891, %dma_start3A_2908] : memref<2x16x56x55xf32, #tpu.memory_space<vmem>> -> memref<1x16x55x55xf32, #tpu.memory_space<vmem>>
    %dma_start3A_2910 = tpu.memref_squeeze %dma_start3A_2909 : memref<1x16x55x55xf32, #tpu.memory_space<vmem>> -> memref<16x55x55xf32, #tpu.memory_space<vmem>>
    tpu.enqueue_dma source(%dma_start3A_2910 : memref<16x55x55xf32, #tpu.memory_space<vmem>>) target(%dma_start3A_2906 : memref<16x55x55xf32, #tpu.memory_space<hbm>>) target_semaphore(%arg8 : memref<!tpu.dma_semaphore, #tpu.memory_space<semaphore_mem>>)
    %dma_wait3A_2911 = arith.constant 1 : i32
    %dma_wait3A_2912 = arith.constant 0 : i32
    %dma_wait3A_2913 = arith.constant 0 : i32
    %dma_wait3A_2914 = tpu.memref_slice %arg6[%dma_wait3A_2911, %dma_wait3A_2912, %squeeze3A_2891, %dma_wait3A_2913] : memref<2x16x56x55xf32, #tpu.memory_space<vmem>> -> memref<1x16x55x55xf32, #tpu.memory_space<vmem>>
    %dma_wait3A_2915 = tpu.memref_squeeze %dma_wait3A_2914 : memref<1x16x55x55xf32, #tpu.memory_space<vmem>> -> memref<16x55x55xf32, #tpu.memory_space<vmem>>
    %dma_wait3A_2916 = arith.constant 16 : i32
    %dma_wait3A_2917 = arith.constant 0 : i32
    %dma_wait3A_2918 = arith.constant 0 : i32
    %dma_wait3A_2919 = tpu.memref_slice %arg4[%select_n3A_2833, %dma_wait3A_2916, %select_n3A_2873, %select_n3A_2889, %dma_wait3A_2917, %dma_wait3A_2918] : memref<2x32x32x4x55x55xf32, #tpu.memory_space<hbm>> -> memref<1x16x1x1x55x55xf32, #tpu.memory_space<hbm>>
    %dma_wait3A_2920 = tpu.memref_squeeze %dma_wait3A_2919 : memref<1x16x1x1x55x55xf32, #tpu.memory_space<hbm>> -> memref<16x55x55xf32, #tpu.memory_space<hbm>>
    %dma_wait3A_2921 = arith.constant 16 : i32
    %dma_wait3A_2922 = arith.constant 0 : i32
    %dma_wait3A_2923 = arith.constant 0 : i32
    %dma_wait3A_2924 = tpu.memref_slice %arg4[%select_n3A_2833, %dma_wait3A_2921, %select_n3A_2873, %select_n3A_2889, %dma_wait3A_2922, %dma_wait3A_2923] : memref<2x32x32x4x55x55xf32, #tpu.memory_space<hbm>> -> memref<1x16x1x1x55x55xf32, #tpu.memory_space<hbm>>
    %dma_wait3A_2925 = tpu.memref_squeeze %dma_wait3A_2924 : memref<1x16x1x1x55x55xf32, #tpu.memory_space<hbm>> -> memref<16x55x55xf32, #tpu.memory_space<hbm>>
    %dma_wait3A_2926 = arith.constant 0 : i32
    %dma_wait3A_2927 = arith.constant 0 : i32
    %dma_wait3A_2928 = tpu.memref_slice %arg6[%dma_wait3A_2911, %dma_wait3A_2926, %squeeze3A_2891, %dma_wait3A_2927] : memref<2x16x56x55xf32, #tpu.memory_space<vmem>> -> memref<1x16x55x55xf32, #tpu.memory_space<vmem>>
    %dma_wait3A_2929 = tpu.memref_squeeze %dma_wait3A_2928 : memref<1x16x55x55xf32, #tpu.memory_space<vmem>> -> memref<16x55x55xf32, #tpu.memory_space<vmem>>
    tpu.wait_dma2 semaphore(%arg8 : memref<!tpu.dma_semaphore, #tpu.memory_space<semaphore_mem>>) src(%dma_wait3A_2929 : memref<16x55x55xf32, #tpu.memory_space<vmem>>) dst(%dma_wait3A_2925 : memref<16x55x55xf32, #tpu.memory_space<hbm>>)
    return
  }
}

</mosaic_0001>

<sc_bundles>
// kernel: kernel.3.cloned.1.call-start
scs
__scs_entry_jumppad:
0x0: {  	(pc) =	sbr.rel $0x88, $3  }
0x1: {  	(tag) =	ssettag $0x0;
	lr =	simm.s32 $0x1  }
0x2: {  	[smem:$0x3F9F] =	sst lr;
	_ =	strace $0xD0000000  }
0x3: {  	_ = 	snop  }
0x4: {  	_ = 	snop  }
0x5: {  	_ = 	snop  }
0x6: {  	_ = 	snop  }
0x7: {  	_ = 	snop  }
__scs_overlays_trampoline_lowered:
0x8: {  	[smem:$0x3FAE] =	sst s0  }
0x9: {  	[smem:$0x3FAF] =	sst s1  }
0xa: {  	[smem:$0x3FB0] =	sst s2  }
0xb: {  	[smem:$0x3FB1] =	sst s3  }
0xc: {  	[smem:$0x3FB2] =	sst s4  }
0xd: {  	[smem:$0x3FB3] =	sst s5  }
0xe: {  	[smem:$0x3FB4] =	sst s6  }
0xf: {  	[smem:$0x3FB5] =	sst s7  }
0x10: {  	[smem:$0x3FB6] =	sst s8  }
0x11: {  	[smem:$0x3FB7] =	sst s9;
	s0 =	simm.s32 @!p0 $0x0  }
0x12: {  	s1 =	sld [smem:$0x3F9D];
	s0 =	simm.s32 @p0 $0x1  }
0x13: {  	[smem:$0x3FB8] =	sst s0;
	s0 =	simm.s32 @!p1 $0x0  }
0x14: {  	s2 =	sld [smem:$0x3F9C];
	s0 =	simm.s32 @p1 $0x1  }
0x15: {  	[smem:$0x3FB9] =	sst s0;
	s0 =	simm.s32 @!p2 $0x0  }
0x16: {  	s3 =	sld [smem:$0x3FDB];
	s0 =	simm.s32 @p2 $0x1  }
0x17: {  	s4 =	simm.s32 $0x1BF5;
	[smem:$0x3FBB] =	sst s0  }
0x18: {  	s0 =	sld [smem:$0x3F9E];
	_ =	swait.ge [sflag:s4], $0x0  }
0x19: {  	s7 =	sld [smem:$0x3F9F]  }
0x1a: {  	s8 =	sadd.s32 $0xFFFFE003, lr  }
0x1b: {  	s9 =	sadd.s32 $0xFFFFFEF7, lr;
	s5 =	simm.s32 $0xFFFFFFFF;
	p2 =	slt.u32 s8, $0xFFFFF086  }
0x1c: {  	p1 =	slt.u32 s9, $0xF7A;
	s5 =	simm.s32 @!p2 $0x0  }
0x1d: {  	s5 =	simm.s32 @p1 $0x1;
	p0 =	seq.s32 s7, s2  }
0x1e: {  	s7 =	smul.u32 @!p0 $0xF7A, s2;
	p2 =	seq.s32 @!p0 s5, $0x0  }
0x1f: {  	s9 =	smul.u32 $0xF7A, s1;
	s8 =	simm.s32 @!p0 $0x1BF5;
	p2 =	por !p2, p0  }
0x20: {  	[sflag:s8] =	ssyncset.s32 @!p0 $0xFFFFF086;
	s6 =	sadd.s32 @!p0 s3, s7;
	s7 =	simm.s32 @!p0 $0x108  }
0x21: {  	s3 =	sadd.s32 s3, s9;
	s6 =	sadd.s32 @!p0 $0x88, s6;
	s7 =	simm.s32 @p2 $0x1082  }
0x22: {  	[simem:s7], [sflag:s8] =	dma.local @!p0 [hbm:s6], $0xF7A  }
0x23: {  	s9 =	sor.u32 $0xD0000000, s2;
	s6 =	simm.s32 $0x108;
	_ =	swait.ge @!p0 [sflag:s8], $0x0  }
0x24: {  	s3 =	sadd.s32 $0x88, s3;
	s6 =	simm.s32 @!p1 $0x1082;
	[sflag:s4] =	ssyncset.s32 $0xFFFFF086  }
0x25: {  	[simem:s6], [sflag:s4] =	dma.local [hbm:s3], $0xF7A  }
0x26: {  	[smem:$0x3F9F] =	sst s1;
	(tag) =	ssettag s2;
	_ =	strace s9  }
0x27: {  	s1 =	sld [smem:$0x3FAF]  }
0x28: {  	s2 =	sld [smem:$0x3FB0]  }
0x29: {  	s4 =	sld [smem:$0x3FB2]  }
0x2a: {  	p0 =	seq.s32 s5, $0x0;
	s5 =	sld [smem:$0x3FB3]  }
0x2b: {  	s6 =	sld [smem:$0x3FB4]  }
0x2c: {  	s7 =	sld [smem:$0x3FB5]  }
0x2d: {  	s3 =	simm.s32 $0x108;
	s8 =	sld [smem:$0x3FB6]  }
0x2e: {  	s3 =	simm.s32 @!p0 $0x1082;
	s9 =	sld [smem:$0x3FB7]  }
0x2f: {  	lr =	sadd.s32 s0, s3;
	s0 =	sld [smem:$0x3FAE]  }
0x30: {  	s3 =	sld [smem:$0x3FB1]  }
0x31: {  	[smem:$0x3FBA] =	sst s10  }
0x32: {  	s10 =	sld [smem:$0x3FB8];
	_ =	sdelay $0x3  }
0x33: {  	p0 =	seq.s32 s10, $0x1;
	s10 =	sld [smem:$0x3FBA];
	_ =	sdelay $0x3  }
0x34: {  	[smem:$0x3FBA] =	sst s10  }
0x35: {  	s10 =	sld [smem:$0x3FB9];
	_ =	sdelay $0x3  }
0x36: {  	p1 =	seq.s32 s10, $0x1;
	s10 =	sld [smem:$0x3FBA];
	_ =	sdelay $0x3  }
0x37: {  	[smem:$0x3FBA] =	sst s10  }
0x38: {  	s10 =	sld [smem:$0x3FBB]  }
0x39: {  	_ = 	snop;
	(pc) =	sbr.ind lr, $3  }
0x3a: {  	_ = 	snop  }
0x3b: {  	_ = 	snop  }
0x3c: {  	p2 =	seq.s32 s10, $0x1;
	s10 =	sld [smem:$0x3FBA]  }
0x3d: {  	_ =	shalt  }
0x3e: {  	_ =	shalt  }
0x3f: {  	_ =	shalt  }
0x40: {  	_ =	shalt  }
0x41: {  	_ =	shalt  }
0x42: {  	_ =	shalt  }
0x43: {  	_ =	shalt  }
0x44: {  	_ =	shalt  }
0x45: {  	_ =	shalt  }
0x46: {  	_ =	shalt  }
0x47: {  	_ =	shalt  }
0x48: {  	_ =	shalt  }
0x49: {  	_ =	shalt  }
0x4a: {  	_ =	shalt  }
0x4b: {  	_ =	shalt  }
0x4c: {  	_ =	shalt  }
0x4d: {  	_ =	shalt  }
0x4e: {  	_ =	shalt  }
0x4f: {  	_ =	shalt  }
0x50: {  	_ =	shalt  }
0x51: {  	_ =	shalt  }
0x52: {  	_ =	shalt  }
0x53: {  	_ =	shalt  }
0x54: {  	_ =	shalt  }
0x55: {  	_ =	shalt  }
0x56: {  	_ =	shalt  }
0x57: {  	_ =	shalt  }
0x58: {  	_ =	shalt  }
0x59: {  	_ =	shalt  }
0x5a: {  	_ =	shalt  }
0x5b: {  	_ =	shalt  }
0x5c: {  	_ =	shalt  }
0x5d: {  	_ =	shalt  }
0x5e: {  	_ =	shalt  }
0x5f: {  	_ =	shalt  }
0x60: {  	_ =	shalt  }
0x61: {  	_ =	shalt  }
0x62: {  	_ =	shalt  }
0x63: {  	_ =	shalt  }
0x64: {  	_ =	shalt  }
0x65: {  	_ =	shalt  }
0x66: {  	_ =	shalt  }
0x67: {  	_ =	shalt  }
0x68: {  	_ =	shalt  }
0x69: {  	_ =	shalt  }
0x6a: {  	_ =	shalt  }
0x6b: {  	_ =	shalt  }
0x6c: {  	_ =	shalt  }
0x6d: {  	_ =	shalt  }
0x6e: {  	_ =	shalt  }
0x6f: {  	_ =	shalt  }
0x70: {  	_ =	shalt  }
0x71: {  	_ =	shalt  }
0x72: {  	_ =	shalt  }
0x73: {  	_ =	shalt  }
0x74: {  	_ =	shalt  }
0x75: {  	_ =	shalt  }
0x76: {  	_ =	shalt  }
0x77: {  	_ =	shalt  }
0x78: {  	_ =	shalt  }
0x79: {  	_ =	shalt  }
0x7a: {  	_ =	shalt  }
0x7b: {  	_ =	shalt  }
0x7c: {  	_ =	shalt  }
0x7d: {  	_ =	shalt  }
0x7e: {  	_ =	shalt  }
0x7f: {  	_ =	shalt  }
0x80: {  	_ =	shalt  }
0x81: {  	_ =	shalt  }
0x82: {  	_ =	shalt  }
0x83: {  	_ =	shalt  }
0x84: {  	_ =	shalt  }
0x85: {  	_ =	shalt  }
0x86: {  	_ =	shalt  }
0x87: {  	_ =	shalt  }
.Lfunc_end0:
.L_simem_size_0:
called_computation_lowered:
.L_overlay_start_0:
0x88: {  	s2 =	sld [smem:$0x3FD9]  }
0x89: {  	s3 =	sld [smem:$0x3FFE];
	_ =	sdelay $0x1  }
0x8a: {  	s1 =	srdreg.scid  }
0x8b: {  	s0 =	sand.u32 $0x1, s1  }
0x8c: {  	s17 =	sshll.u32 s0, $0xA;
	s2 =	sadd.s32 s3, s2  }
0x8d: {  	s2 =	sadd.s32 s2, s17  }
0x8e: {  	[smem:$0x3FC6] =	sst s2  }
0x8f: {  	_ = 	snop  }
0x90: {  	s2 =	sld [smem:$0x3FD0];
	(tm) =	ssettm $0x1  }
0x91: {  	s18 =	sld [smem:$0x3FFB];
	_ =	sdelay $0x3  }
0x92: {  	_ =	strace s18  }
0x93: {  	s3 =	sld [smem:$0x3FFC];
	_ =	sdelay $0x3  }
0x94: {  	_ =	strace s3  }
0x95: {  	s3 =	sld [smem:$0x3FFD];
	_ =	sdelay $0x3  }
0x96: {  	_ =	strace s3  }
0x97: {  	_ =	strace $0x8FFFFFFF  }
0x98: {  	s19 =	sld [smem:$0x3FDB];
	_ =	sdelay $0x1  }
0x99: {  	s4 =	simm.s32 $_scs_section_size  }
0x9a: {  	s5 =	simm.s32 $_size__tile_overlayer_lowered;
	s6 =	simm.s32 $_tile_overlayer_lowered  }
0x9b: {  	s22 =	simm.s32 $0x1BFF;
	s21 =	sshll.u32 s6, $0x1;
	s3 =	sadd.s32 s4, s19  }
0x9c: {  	s7 =	simm.s32 $0x0;
	s20 =	sshll.u32 s5, $0x1;
	s5 =	sadd.s32 s21, s3  }
0x9d: {  	[timem:s7], [sflag:s22] =	dma.local [hbm:s5], s20  }
0x9e: {  	_ =	swait.ge [sflag:s22], s20  }
0x9f: {  	s4 =	ssub.s32 $0x0, s20;
	[sflag:s22] =	ssyncset.done $0x0  }
0xa0: {  	[sflag:s22] =	ssyncadd.s32 s4;
	_ =	sdelay $0x1  }
0xa1: {  	s23 =	simm.s32 $0x1B8B  }
0xa2: {  	_ =	swait.ge [sflag:s23], $0x1  }
0xa3: {  	[sflag:s23] =	ssyncset.done $0x0  }
0xa4: {  	s25 =	simm.s32 $0x1B8E;
	s24 =	sld [smem:$0x3FFE];
	[sflag:s23] =	ssyncadd.s32 $0xFFFFFFFF  }
0xa5: {  	s26 =	simm.s32 $execute0_lowered;
	[smem:$0x3FD2] =	sst s25  }
0xa6: {  	s5 =	sshll.u32 s26, $0x1;
	_ =	strace $0x80000046;
	[dreg:$0x1] =	wrdreg $0xFFFFFFFF  }
0xa7: {  	s28 =	simm.s32 $_size_execute0_lowered;
	s3 =	sadd.s32 s3, s5;
	[dreg:$0x0] =	wrdreg $0x0  }
0xa8: {  	s5 =	sshll.u32 s28, $0x1;
	[dreg:$0x2] =	wrdreg s3  }
0xa9: {  	[dreg:$0x3] =	wrdreg s5  }
0xaa: {  	[dreg:$0x4] =	wrdreg $0xC0  }
0xab: {  	_ =	task [dreg:s7], $0x5FFFF  }
0xac: {  	[dreg:$0x1] =	wrdreg $0xFFFFFFFF  }
0xad: {  	[dreg:$0x0] =	wrdreg $0x60  }
0xae: {  	[dreg:$0x2] =	wrdreg s2  }
0xaf: {  	[dreg:$0x3] =	wrdreg s24  }
0xb0: {  	[dreg:$0x4] =	wrdreg $0x9  }
0xb1: {  	_ =	task.clear_ibuf [dreg:s7], $0x5FFFF;
	_ =	strace $0x90000046  }
0xb2: {  	s29 =	simm.s32 $0x9;
	_ =	strace $0x80000048  }
0xb3: {  	_ =	swait.ge [sflag:s29], $0x1  }
0xb4: {  	[sflag:s29] =	ssyncadd.s32 $0xFFFFFFFF  }
0xb5: {  	_ =	strace $0x90000048  }
0xb6: {  	_ =	sfence  }
0xb7: {  	s30 =	sld [smem:$0x0];
	_ =	sdelay $0x2  }
0xb8: {  	s31 =	sshll.u32 s1, $0xD;
	s1 =	sshrl.u32 s1, $0x2  }
0xb9: {  	s3 =	sand.u32 $0x4000, s31;
	s1 =	sadd.s32 s1, s30  }
0xba: {  	s0 =	sor.u32 s3, s0;
	s1 =	sshll.u32 s1, $0x11  }
0xbb: {  	s0 =	sor.u32 s1, s0  }
0xbc: {  	s0 =	sadd.s32 $0x8F2B, s0  }
0xbd: {  	[sflag:s0] =	ssyncadd.remote.s32 $0x1  }
0xbe: {  	_ =	sfence.sel $0xFFFF  }
0xbf: {  	[dreg:$0x0] =	wrdreg $0xFFFFFFFF;
	(pc) =	sbr.abs _section_cstart, $3  }
0xc0: {  	[dreg:$0x1] =	wrdreg $0xFFFFFFFF  }
0xc1: {  	_ =	task.clear_ibuf [dreg:s7], $0x2FFFF;
	_ =	strace $0x9FFFFFFF  }
0xc2: {  	(tm) =	ssettm $0x7FFFFFFF  }
0xc3: {  	_ =	shalt  }
tec
execute0_lowered:
.L_overlay_start_1:
0x0: {  	(tag) =	ssettag $0x1  }
0x1: {  	s2 =	rddreg [dreg:$0x0]  }
0x2: {  	s0 =	srdreg.scid;
	s4 =	stileid.u32  }
0x3: {  	s1 =	rddreg [dreg:$0x1];
	s28 =	simm.s32 $0xC40;
	s29 =	simm.s32 $0x31000  }
0x4: {  	s31 =	simm.s32 $0xD400;
	s0 =	sand.u32 $0x1, s0;
	s3 =	sshll.u32 s4, $0x1  }
0x5: {  	s4 =	sshrl.u32 s4, $0x3;
	s12 =	sadd.s32 $0xA00, s1;
	s1 =	sadd.s32 $0xC00, s1  }
0x6: {  	s15 =	sor.u32 s0, s3;
	s3 =	simm.s32 $0x0;
	s17 =	smul.u32 $0xC08000, s4  }
0x7: {  	s0 =	ssub.s32 $0x2, s0;
	s5 =	sshll.u32 s15, $0x1;
	[smem:$0x7FF] =	sst s3  }
0x8: {  	s13 =	sshrl.u32 s0, $0x1;
	s4 =	sshll.u32 s15, $0x7;
	s16 =	sshll.u32 s15, $0x3  }
0x9: {  	s5 =	sand.u32 $0x1E, s5;
	_ =	strace $0x80000047;
	[dreg:$0x3] =	wrdreg s12  }
0xa: {  	s0 =	ssub.s32 s0, s13;
	s13 =	sor.u32 $0x4, s16;
	s19 =	sor.u32 $0x5, s16  }
0xb: {  	s16 =	sor.u32 $0x6, s16;
	s5 =	smul.u32 $0x3020, s5;
	s11 =	sshrl.u32 s13, $0x2  }
0xc: {  	s22 =	sshll.u32 s13, $0x6;
	s23 =	sshll.u32 s19, $0x6;
	s11 =	sand.u32 $0x1F, s11  }
0xd: {  	s22 =	sshrl.u32 s22, $0x2;
	s12 =	sadd.s32 s17, s5;
	s18 =	smul.u32 $0x3020, s11  }
0xe: {  	[dreg:$0x4] =	wrdreg s22;
	s5 =	sshrl.u32 s12, $0x3;
	s8 =	sadd.s32 $0x604C08, s12  }
0xf: {  	s7 =	sadd.s32 $0xC08, s12;
	s14 =	sadd.s32 $0x2418, s12;
	s12 =	sadd.s32 $0x606418, s12  }
0x10: {  	s5 =	sadd.s32 s1, s5;
	s7 =	sshrl.u32 s7, $0x3;
	s8 =	sshrl.u32 s8, $0x3  }
0x11: {  	s14 =	sshrl.u32 s14, $0x3;
	s18 =	sadd.s32 s17, s18;
	s12 =	sshrl.u32 s12, $0x3  }
0x12: {  	s6 =	sadd.s32 $0xC0800, s5;
	s11 =	sadd.s32 s1, s14;
	s14 =	sshrl.u32 s19, $0x2  }
0x13: {  	s7 =	sadd.s32 s1, s7;
	s8 =	sadd.s32 s1, s8;
	s13 =	sand.u32 $0x1F, s14  }
0x14: {  	s9 =	sadd.s32 $0x302, s5;
	s14 =	sshrl.u32 s18, $0x3;
	s20 =	smul.u32 $0x3020, s13  }
0x15: {  	s10 =	sadd.s32 $0xC0B02, s5;
	s12 =	sadd.s32 s1, s12;
	s13 =	sadd.s32 s1, s14  }
0x16: {  	s14 =	sadd.s32 $0xC0800, s13;
	s18 =	sadd.s32 s17, s20;
	s20 =	sshllo.u32 s15, $0x3  }
0x17: {  	s21 =	sadd.s32 $0xC08, s18;
	s24 =	sshrl.u32 s20, $0x2;
	s18 =	sadd.s32 $0x604C08, s18  }
0x18: {  	s15 =	sshrl.u32 s21, $0x3;
	s21 =	sshrl.u32 s16, $0x2;
	s19 =	sand.u32 $0x1F, s24  }
0x19: {  	s30 =	sshll.u32 s20, $0x6;
	s21 =	sand.u32 $0x1F, s21;
	s19 =	smul.u32 $0x3020, s19  }
0x1a: {  	s18 =	sshrl.u32 s18, $0x3;
	s24 =	sshll.u32 s16, $0x6;
	s21 =	smul.u32 $0x3020, s21  }
0x1b: {  	s30 =	sshrl.u32 s30, $0x2;
	s15 =	sadd.s32 s1, s15;
	s16 =	sadd.s32 s1, s18  }
0x1c: {  	[dreg:$0x7] =	wrdreg s30;
	s25 =	sadd.s32 s17, s19;
	s17 =	sadd.s32 s17, s21  }
0x1d: {  	s19 =	sadd.s32 $0x2418, s25;
	s18 =	sadd.s32 $0x606418, s25;
	s21 =	smax.u32 s0, $0x1  }
0x1e: {  	s25 =	sshrl.u32 s23, $0x2;
	s0 =	simm.s32 $0x2;
	s17 =	sshrl.u32 s17, $0x3  }
0x1f: {  	s19 =	sshrl.u32 s19, $0x3;
	s18 =	sshrl.u32 s18, $0x3;
	[dreg:$0x5] =	wrdreg s25  }
0x20: {  	s25 =	simm.s32 $0x1000;
	s26 =	sadd.s32 s1, s17;
	s17 =	sadd.s32 s1, s19  }
0x21: {  	s19 =	sadd.s32 $0x302, s26;
	s20 =	sadd.s32 $0xC0B02, s26;
	s26 =	sshrl.u32 s24, $0x2  }
0x22: {  	s18 =	sadd.s32 s1, s18;
	s1 =	simm.s32 $0x1;
	[dreg:$0x6] =	wrdreg s26  }
.LBB2_1:
0x23: {  	s26 =	rddreg [dreg:$0x3];
	s22 =	simm.s32 $0x3  }
0x24: {  	[tilespmem:s3], [sflag:$0x3] =	stream.linear.gather [hbm4b:s26+s3], $0x1000, $0x38;
	[tilespmem:$0x19800] =	vst v63  }
0x25: {  	_ =	swait.ge [sflag:s22], $0x1000  }
0x26: {  	[sflag:s22] =	ssyncset.done $0x0  }
0x27: {  	[sflag:s22] =	ssyncadd.s32 $0xFFFFF000  }
0x28: {  	v0 =	vld [tilespmem:s4+$0x0];
	_ =	sdelay $0x4  }
0x29: {  	(v2sf) =	vpush v0, $0x2  }
0x2a: {  	(v2sf) =	vpush v0, $0x0;
	_ =	sdelay $0xd  }
0x2b: {  	s24 =	spop (v2sf)  }
0x2c: {  	s26 =	smul.u32 $0x620000, s24;
	s30 =	spop (v2sf)  }
0x2d: {  	s22 =	smul.u32 $0xC40, s30;
	_ =	sdelay $0x1  }
0x2e: {  	s22 =	sadd.s32 s22, s26  }
0x2f: {  	s22 =	sshrl.u32 s22, $0x3  }
0x30: {  	s22 =	sadd.s32 s2, s22  }
0x31: {  	[tilespmem:s25], [sflag:$0x1] =	stream.strided.gather [hbm4b:s22+s28], $0xC400, s29, s28, $0x38;
	[tilespmem:$0x19800] =	vst v63  }
0x32: {  	v33 =	vld [tilespmem:s4+$0x0];
	_ =	sdelay $0x4  }
0x33: {  	(v2sf) =	vpush v33, $0x2  }
0x34: {  	(v2sf) =	vpush v33, $0x0;
	_ =	sdelay $0xd  }
0x35: {  	s23 =	spop (v2sf)  }
0x36: {  	s22 =	smul.u32 $0x620000, s23;
	s24 =	spop (v2sf)  }
0x37: {  	s26 =	smul.u32 $0xC40, s24;
	_ =	sdelay $0x1  }
0x38: {  	s22 =	sadd.s32 s22, s26  }
0x39: {  	s22 =	sadd.s32 $0x310000, s22  }
0x3a: {  	s22 =	sshrl.u32 s22, $0x3  }
0x3b: {  	s22 =	sadd.s32 s2, s22  }
0x3c: {  	[tilespmem:s31], [sflag:$0x1] =	stream.strided.gather [hbm4b:s22+s28], $0xC400, s29, s28, $0x38;
	[tilespmem:$0x19800] =	vst v63  }
0x3d: {  	_ =	swait.ge [sflag:s1], $0xC400  }
0x3e: {  	[sflag:s1] =	ssyncset.done $0x0  }
0x3f: {  	[sflag:s1] =	ssyncadd.s32 $0xFFFF3C00  }
0x40: {  	v34 =	vld [tilespmem:s4+$0x0];
	_ =	sdelay $0x4  }
0x41: {  	(v2sf) =	vpush v34, $0x1;
	_ =	sdelay $0xe  }
0x42: {  	s30 =	spop (v2sf)  }
0x43: {  	s22 =	smul.u32 $0xE0, s30;
	_ =	sdelay $0x1  }
0x44: {  	s22 =	sshra.s32 s22, $0x2  }
0x45: {  	s23 =	sadd.s32 $0x1000, s22  }
0x46: {  	[hbm4b:s5+s3] =	stream.linear.scatter [tilespmem:s23], [sflag:$0x2], $0xC08, $0x38;
	[tilespmem:$0x19800] =	vst v63  }
0x47: {  	s24 =	sadd.s32 $0x1C40, s22;
	s23 =	sadd.s32 $0xC080, s5  }
0x48: {  	[hbm4b:s23+s3] =	stream.linear.scatter [tilespmem:s24], [sflag:$0x2], $0xC08, $0x38;
	[tilespmem:$0x19800] =	vst v63  }
0x49: {  	s30 =	sadd.s32 $0x2880, s22;
	s24 =	sadd.s32 $0x18100, s5  }
0x4a: {  	[hbm4b:s24+s3] =	stream.linear.scatter [tilespmem:s30], [sflag:$0x2], $0xC08, $0x38;
	[tilespmem:$0x19800] =	vst v63  }
0x4b: {  	s30 =	sadd.s32 $0x34C0, s22;
	s24 =	sadd.s32 $0x24180, s5  }
0x4c: {  	[hbm4b:s24+s3] =	stream.linear.scatter [tilespmem:s30], [sflag:$0x2], $0xC08, $0x38;
	[tilespmem:$0x19800] =	vst v63  }
0x4d: {  	s30 =	sadd.s32 $0x4100, s22;
	s24 =	sadd.s32 $0x30200, s5  }
0x4e: {  	[hbm4b:s24+s3] =	stream.linear.scatter [tilespmem:s30], [sflag:$0x2], $0xC08, $0x38;
	[tilespmem:$0x19800] =	vst v63  }
0x4f: {  	s30 =	sadd.s32 $0x4D40, s22;
	s24 =	sadd.s32 $0x3C280, s5  }
0x50: {  	[hbm4b:s24+s3] =	stream.linear.scatter [tilespmem:s30], [sflag:$0x2], $0xC08, $0x38;
	[tilespmem:$0x19800] =	vst v63  }
0x51: {  	s30 =	sadd.s32 $0x5980, s22;
	s24 =	sadd.s32 $0x48300, s5  }
0x52: {  	[hbm4b:s24+s3] =	stream.linear.scatter [tilespmem:s30], [sflag:$0x2], $0xC08, $0x38;
	[tilespmem:$0x19800] =	vst v63  }
0x53: {  	s30 =	sadd.s32 $0x65C0, s22;
	s24 =	sadd.s32 $0x54380, s5  }
0x54: {  	[hbm4b:s24+s3] =	stream.linear.scatter [tilespmem:s30], [sflag:$0x2], $0xC08, $0x38;
	[tilespmem:$0x19800] =	vst v63  }
0x55: {  	s30 =	sadd.s32 $0x7200, s22;
	s24 =	sadd.s32 $0x60400, s5  }
0x56: {  	[hbm4b:s24+s3] =	stream.linear.scatter [tilespmem:s30], [sflag:$0x2], $0xC08, $0x38;
	[tilespmem:$0x19800] =	vst v63  }
0x57: {  	s30 =	sadd.s32 $0x7E40, s22;
	s24 =	sadd.s32 $0x6C480, s5  }
0x58: {  	[hbm4b:s24+s3] =	stream.linear.scatter [tilespmem:s30], [sflag:$0x2], $0xC08, $0x38;
	[tilespmem:$0x19800] =	vst v63  }
0x59: {  	s30 =	sadd.s32 $0x8A80, s22;
	s24 =	sadd.s32 $0x78500, s5  }
0x5a: {  	[hbm4b:s24+s3] =	stream.linear.scatter [tilespmem:s30], [sflag:$0x2], $0xC08, $0x38;
	[tilespmem:$0x19800] =	vst v63  }
0x5b: {  	s30 =	sadd.s32 $0x96C0, s22;
	s24 =	sadd.s32 $0x84580, s5  }
0x5c: {  	[hbm4b:s24+s3] =	stream.linear.scatter [tilespmem:s30], [sflag:$0x2], $0xC08, $0x38;
	[tilespmem:$0x19800] =	vst v63  }
0x5d: {  	s30 =	sadd.s32 $0xA300, s22;
	s24 =	sadd.s32 $0x90600, s5  }
0x5e: {  	[hbm4b:s24+s3] =	stream.linear.scatter [tilespmem:s30], [sflag:$0x2], $0xC08, $0x38;
	[tilespmem:$0x19800] =	vst v63  }
0x5f: {  	s30 =	sadd.s32 $0xAF40, s22;
	s24 =	sadd.s32 $0x9C680, s5  }
0x60: {  	[hbm4b:s24+s3] =	stream.linear.scatter [tilespmem:s30], [sflag:$0x2], $0xC08, $0x38;
	[tilespmem:$0x19800] =	vst v63  }
0x61: {  	s26 =	sadd.s32 $0xBB80, s22;
	s30 =	sadd.s32 $0xA8700, s5  }
0x62: {  	[hbm4b:s30+s3] =	stream.linear.scatter [tilespmem:s26], [sflag:$0x2], $0xC08, $0x38;
	[tilespmem:$0x19800] =	vst v63  }
0x63: {  	s22 =	sadd.s32 $0xC7C0, s22;
	s24 =	sadd.s32 $0xB4780, s5  }
0x64: {  	[hbm4b:s24+s3] =	stream.linear.scatter [tilespmem:s22], [sflag:$0x2], $0xC08, $0x38;
	[tilespmem:$0x19800] =	vst v63  }
0x65: {  	_ =	swait.ge [sflag:s0], $0xC080  }
0x66: {  	[sflag:s0] =	ssyncset.done $0x0  }
0x67: {  	[sflag:s0] =	ssyncadd.s32 $0xFFFF3F80  }
0x68: {  	v35 =	vld [tilespmem:s4+$0x10];
	_ =	sdelay $0x4  }
0x69: {  	(v2sf) =	vpush v35, $0x2  }
0x6a: {  	(v2sf) =	vpush v35, $0x0;
	_ =	sdelay $0xd  }
0x6b: {  	s26 =	spop (v2sf)  }
0x6c: {  	s22 =	smul.u32 $0x620000, s26;
	s30 =	spop (v2sf)  }
0x6d: {  	s23 =	smul.u32 $0xC40, s30;
	_ =	sdelay $0x1  }
0x6e: {  	s22 =	sadd.s32 s23, s22  }
0x6f: {  	s22 =	sshrl.u32 s22, $0x3  }
0x70: {  	s22 =	sadd.s32 s2, s22  }
0x71: {  	[tilespmem:s25], [sflag:$0x1] =	stream.strided.gather [hbm4b:s22+s28], $0xC400, s29, s28, $0x38;
	[tilespmem:$0x19800] =	vst v63  }
0x72: {  	_ =	swait.ge [sflag:s1], $0xC400  }
0x73: {  	[sflag:s1] =	ssyncset.done $0x0  }
0x74: {  	[sflag:s1] =	ssyncadd.s32 $0xFFFF3C00  }
0x75: {  	v36 =	vld [tilespmem:s4+$0x0];
	_ =	sdelay $0x4  }
0x76: {  	(v2sf) =	vpush v36, $0x1;
	_ =	sdelay $0xe  }
0x77: {  	s24 =	spop (v2sf)  }
0x78: {  	s22 =	smul.u32 $0xE0, s24;
	_ =	sdelay $0x1  }
0x79: {  	s22 =	sshra.s32 s22, $0x2  }
0x7a: {  	s26 =	sadd.s32 $0xD400, s22  }
0x7b: {  	[hbm4b:s6+s3] =	stream.linear.scatter [tilespmem:s26], [sflag:$0x2], $0xC08, $0x38;
	[tilespmem:$0x19800] =	vst v63  }
0x7c: {  	s24 =	sadd.s32 $0xC080, s6;
	s30 =	sadd.s32 $0xE040, s22  }
0x7d: {  	[hbm4b:s24+s3] =	stream.linear.scatter [tilespmem:s30], [sflag:$0x2], $0xC08, $0x38;
	[tilespmem:$0x19800] =	vst v63  }
0x7e: {  	s30 =	sadd.s32 $0xEC80, s22;
	s24 =	sadd.s32 $0x18100, s6  }
0x7f: {  	[hbm4b:s24+s3] =	stream.linear.scatter [tilespmem:s30], [sflag:$0x2], $0xC08, $0x38;
	[tilespmem:$0x19800] =	vst v63  }
0x80: {  	s30 =	sadd.s32 $0xF8C0, s22;
	s24 =	sadd.s32 $0x24180, s6  }
0x81: {  	[hbm4b:s24+s3] =	stream.linear.scatter [tilespmem:s30], [sflag:$0x2], $0xC08, $0x38;
	[tilespmem:$0x19800] =	vst v63  }
0x82: {  	s30 =	sadd.s32 $0x10500, s22;
	s24 =	sadd.s32 $0x30200, s6  }
0x83: {  	[hbm4b:s24+s3] =	stream.linear.scatter [tilespmem:s30], [sflag:$0x2], $0xC08, $0x38;
	[tilespmem:$0x19800] =	vst v63  }
0x84: {  	s30 =	sadd.s32 $0x11140, s22;
	s24 =	sadd.s32 $0x3C280, s6  }
0x85: {  	[hbm4b:s24+s3] =	stream.linear.scatter [tilespmem:s30], [sflag:$0x2], $0xC08, $0x38;
	[tilespmem:$0x19800] =	vst v63  }
0x86: {  	s30 =	sadd.s32 $0x11D80, s22;
	s24 =	sadd.s32 $0x48300, s6  }
0x87: {  	[hbm4b:s24+s3] =	stream.linear.scatter [tilespmem:s30], [sflag:$0x2], $0xC08, $0x38;
	[tilespmem:$0x19800] =	vst v63  }
0x88: {  	s30 =	sadd.s32 $0x129C0, s22;
	s24 =	sadd.s32 $0x54380, s6  }
0x89: {  	[hbm4b:s24+s3] =	stream.linear.scatter [tilespmem:s30], [sflag:$0x2], $0xC08, $0x38;
	[tilespmem:$0x19800] =	vst v63  }
0x8a: {  	s30 =	sadd.s32 $0x13600, s22;
	s24 =	sadd.s32 $0x60400, s6  }
0x8b: {  	[hbm4b:s24+s3] =	stream.linear.scatter [tilespmem:s30], [sflag:$0x2], $0xC08, $0x38;
	[tilespmem:$0x19800] =	vst v63  }
0x8c: {  	s30 =	sadd.s32 $0x14240, s22;
	s24 =	sadd.s32 $0x6C480, s6  }
0x8d: {  	[hbm4b:s24+s3] =	stream.linear.scatter [tilespmem:s30], [sflag:$0x2], $0xC08, $0x38;
	[tilespmem:$0x19800] =	vst v63  }
0x8e: {  	s30 =	sadd.s32 $0x14E80, s22;
	s24 =	sadd.s32 $0x78500, s6  }
0x8f: {  	[hbm4b:s24+s3] =	stream.linear.scatter [tilespmem:s30], [sflag:$0x2], $0xC08, $0x38;
	[tilespmem:$0x19800] =	vst v63  }
0x90: {  	s30 =	sadd.s32 $0x15AC0, s22;
	s24 =	sadd.s32 $0x84580, s6  }
0x91: {  	[hbm4b:s24+s3] =	stream.linear.scatter [tilespmem:s30], [sflag:$0x2], $0xC08, $0x38;
	[tilespmem:$0x19800] =	vst v63  }
0x92: {  	s30 =	sadd.s32 $0x16700, s22;
	s24 =	sadd.s32 $0x90600, s6  }
0x93: {  	[hbm4b:s24+s3] =	stream.linear.scatter [tilespmem:s30], [sflag:$0x2], $0xC08, $0x38;
	[tilespmem:$0x19800] =	vst v63  }
0x94: {  	s30 =	sadd.s32 $0x17340, s22;
	s24 =	sadd.s32 $0x9C680, s6  }
0x95: {  	[hbm4b:s24+s3] =	stream.linear.scatter [tilespmem:s30], [sflag:$0x2], $0xC08, $0x38;
	[tilespmem:$0x19800] =	vst v63  }
0x96: {  	s26 =	sadd.s32 $0x17F80, s22;
	s30 =	sadd.s32 $0xA8700, s6  }
0x97: {  	[hbm4b:s30+s3] =	stream.linear.scatter [tilespmem:s26], [sflag:$0x2], $0xC08, $0x38;
	[tilespmem:$0x19800] =	vst v63  }
0x98: {  	s22 =	sadd.s32 $0x18BC0, s22;
	s24 =	sadd.s32 $0xB4780, s6  }
0x99: {  	[hbm4b:s24+s3] =	stream.linear.scatter [tilespmem:s22], [sflag:$0x2], $0xC08, $0x38;
	[tilespmem:$0x19800] =	vst v63  }
0x9a: {  	_ =	swait.ge [sflag:s0], $0xC080  }
0x9b: {  	[sflag:s0] =	ssyncset.done $0x0  }
0x9c: {  	[sflag:s0] =	ssyncadd.s32 $0xFFFF3F80  }
0x9d: {  	v37 =	vld [tilespmem:s4+$0x10];
	_ =	sdelay $0x4  }
0x9e: {  	(v2sf) =	vpush v37, $0x2  }
0x9f: {  	(v2sf) =	vpush v37, $0x0;
	_ =	sdelay $0xd  }
0xa0: {  	s26 =	spop (v2sf)  }
0xa1: {  	s22 =	smul.u32 $0x620000, s26;
	s30 =	spop (v2sf)  }
0xa2: {  	s23 =	smul.u32 $0xC40, s30;
	_ =	sdelay $0x1  }
0xa3: {  	s22 =	sadd.s32 s22, s23  }
0xa4: {  	s22 =	sadd.s32 $0x310000, s22  }
0xa5: {  	s22 =	sshrl.u32 s22, $0x3  }
0xa6: {  	s22 =	sadd.s32 s2, s22  }
0xa7: {  	[tilespmem:s31], [sflag:$0x1] =	stream.strided.gather [hbm4b:s22+s28], $0xC400, s29, s28, $0x38;
	[tilespmem:$0x19800] =	vst v63  }
0xa8: {  	_ =	swait.ge [sflag:s1], $0xC400  }
0xa9: {  	[sflag:s1] =	ssyncset.done $0x0  }
0xaa: {  	[sflag:s1] =	ssyncadd.s32 $0xFFFF3C00  }
0xab: {  	v38 =	vld [tilespmem:s4+$0x10];
	_ =	sdelay $0x4  }
0xac: {  	(v2sf) =	vpush v38, $0x1;
	_ =	sdelay $0xe  }
0xad: {  	s24 =	spop (v2sf)  }
0xae: {  	s22 =	smul.u32 $0xE0, s24;
	_ =	sdelay $0x1  }
0xaf: {  	s22 =	sshra.s32 s22, $0x2  }
0xb0: {  	s26 =	sadd.s32 $0x1000, s22  }
0xb1: {  	[hbm4b:s7+s3] =	stream.linear.scatter [tilespmem:s26], [sflag:$0x2], $0xC08, $0x38;
	[tilespmem:$0x19800] =	vst v63  }
0xb2: {  	s24 =	sadd.s32 $0xC080, s7;
	s30 =	sadd.s32 $0x1C40, s22  }
0xb3: {  	[hbm4b:s24+s3] =	stream.linear.scatter [tilespmem:s30], [sflag:$0x2], $0xC08, $0x38;
	[tilespmem:$0x19800] =	vst v63  }
0xb4: {  	s30 =	sadd.s32 $0x2880, s22;
	s24 =	sadd.s32 $0x18100, s7  }
0xb5: {  	[hbm4b:s24+s3] =	stream.linear.scatter [tilespmem:s30], [sflag:$0x2], $0xC08, $0x38;
	[tilespmem:$0x19800] =	vst v63  }
0xb6: {  	s30 =	sadd.s32 $0x34C0, s22;
	s24 =	sadd.s32 $0x24180, s7  }
0xb7: {  	[hbm4b:s24+s3] =	stream.linear.scatter [tilespmem:s30], [sflag:$0x2], $0xC08, $0x38;
	[tilespmem:$0x19800] =	vst v63  }
0xb8: {  	s30 =	sadd.s32 $0x4100, s22;
	s24 =	sadd.s32 $0x30200, s7  }
0xb9: {  	[hbm4b:s24+s3] =	stream.linear.scatter [tilespmem:s30], [sflag:$0x2], $0xC08, $0x38;
	[tilespmem:$0x19800] =	vst v63  }
0xba: {  	s30 =	sadd.s32 $0x4D40, s22;
	s24 =	sadd.s32 $0x3C280, s7  }
0xbb: {  	[hbm4b:s24+s3] =	stream.linear.scatter [tilespmem:s30], [sflag:$0x2], $0xC08, $0x38;
	[tilespmem:$0x19800] =	vst v63  }
0xbc: {  	s30 =	sadd.s32 $0x5980, s22;
	s24 =	sadd.s32 $0x48300, s7  }
0xbd: {  	[hbm4b:s24+s3] =	stream.linear.scatter [tilespmem:s30], [sflag:$0x2], $0xC08, $0x38;
	[tilespmem:$0x19800] =	vst v63  }
0xbe: {  	s30 =	sadd.s32 $0x65C0, s22;
	s24 =	sadd.s32 $0x54380, s7  }
0xbf: {  	[hbm4b:s24+s3] =	stream.linear.scatter [tilespmem:s30], [sflag:$0x2], $0xC08, $0x38;
	[tilespmem:$0x19800] =	vst v63  }
0xc0: {  	s30 =	sadd.s32 $0x7200, s22;
	s24 =	sadd.s32 $0x60400, s7  }
0xc1: {  	[hbm4b:s24+s3] =	stream.linear.scatter [tilespmem:s30], [sflag:$0x2], $0xC08, $0x38;
	[tilespmem:$0x19800] =	vst v63  }
0xc2: {  	s30 =	sadd.s32 $0x7E40, s22;
	s24 =	sadd.s32 $0x6C480, s7  }
0xc3: {  	[hbm4b:s24+s3] =	stream.linear.scatter [tilespmem:s30], [sflag:$0x2], $0xC08, $0x38;
	[tilespmem:$0x19800] =	vst v63  }
0xc4: {  	s30 =	sadd.s32 $0x8A80, s22;
	s24 =	sadd.s32 $0x78500, s7  }
0xc5: {  	[hbm4b:s24+s3] =	stream.linear.scatter [tilespmem:s30], [sflag:$0x2], $0xC08, $0x38;
	[tilespmem:$0x19800] =	vst v63  }
0xc6: {  	s30 =	sadd.s32 $0x96C0, s22;
	s24 =	sadd.s32 $0x84580, s7  }
0xc7: {  	[hbm4b:s24+s3] =	stream.linear.scatter [tilespmem:s30], [sflag:$0x2], $0xC08, $0x38;
	[tilespmem:$0x19800] =	vst v63  }
0xc8: {  	s30 =	sadd.s32 $0xA300, s22;
	s24 =	sadd.s32 $0x90600, s7  }
0xc9: {  	[hbm4b:s24+s3] =	stream.linear.scatter [tilespmem:s30], [sflag:$0x2], $0xC08, $0x38;
	[tilespmem:$0x19800] =	vst v63  }
0xca: {  	s30 =	sadd.s32 $0xAF40, s22;
	s24 =	sadd.s32 $0x9C680, s7  }
0xcb: {  	[hbm4b:s24+s3] =	stream.linear.scatter [tilespmem:s30], [sflag:$0x2], $0xC08, $0x38;
	[tilespmem:$0x19800] =	vst v63  }
0xcc: {  	s26 =	sadd.s32 $0xBB80, s22;
	s30 =	sadd.s32 $0xA8700, s7  }
0xcd: {  	[hbm4b:s30+s3] =	stream.linear.scatter [tilespmem:s26], [sflag:$0x2], $0xC08, $0x38;
	[tilespmem:$0x19800] =	vst v63  }
0xce: {  	s22 =	sadd.s32 $0xC7C0, s22;
	s24 =	sadd.s32 $0xB4780, s7  }
0xcf: {  	[hbm4b:s24+s3] =	stream.linear.scatter [tilespmem:s22], [sflag:$0x2], $0xC08, $0x38;
	[tilespmem:$0x19800] =	vst v63  }
0xd0: {  	_ =	swait.ge [sflag:s0], $0xC080  }
0xd1: {  	[sflag:s0] =	ssyncset.done $0x0  }
0xd2: {  	[sflag:s0] =	ssyncadd.s32 $0xFFFF3F80  }
0xd3: {  	v39 =	vld [tilespmem:s4+$0x20];
	_ =	sdelay $0x4  }
0xd4: {  	(v2sf) =	vpush v39, $0x2  }
0xd5: {  	(v2sf) =	vpush v39, $0x0;
	_ =	sdelay $0xd  }
0xd6: {  	s26 =	spop (v2sf)  }
0xd7: {  	s22 =	smul.u32 $0x620000, s26;
	s30 =	spop (v2sf)  }
0xd8: {  	s23 =	smul.u32 $0xC40, s30;
	_ =	sdelay $0x1  }
0xd9: {  	s22 =	sadd.s32 s23, s22  }
0xda: {  	s22 =	sshrl.u32 s22, $0x3  }
0xdb: {  	s22 =	sadd.s32 s2, s22  }
0xdc: {  	[tilespmem:s25], [sflag:$0x1] =	stream.strided.gather [hbm4b:s22+s28], $0xC400, s29, s28, $0x38;
	[tilespmem:$0x19800] =	vst v63  }
0xdd: {  	_ =	swait.ge [sflag:s1], $0xC400  }
0xde: {  	[sflag:s1] =	ssyncset.done $0x0  }
0xdf: {  	[sflag:s1] =	ssyncadd.s32 $0xFFFF3C00  }
0xe0: {  	v40 =	vld [tilespmem:s4+$0x10];
	_ =	sdelay $0x4  }
0xe1: {  	(v2sf) =	vpush v40, $0x1;
	_ =	sdelay $0xe  }
0xe2: {  	s24 =	spop (v2sf)  }
0xe3: {  	s22 =	smul.u32 $0xE0, s24;
	_ =	sdelay $0x1  }
0xe4: {  	s22 =	sshra.s32 s22, $0x2  }
0xe5: {  	s26 =	sadd.s32 $0xD400, s22  }
0xe6: {  	[hbm4b:s8+s3] =	stream.linear.scatter [tilespmem:s26], [sflag:$0x2], $0xC08, $0x38;
	[tilespmem:$0x19800] =	vst v63  }
0xe7: {  	s24 =	sadd.s32 $0xC080, s8;
	s30 =	sadd.s32 $0xE040, s22  }
0xe8: {  	[hbm4b:s24+s3] =	stream.linear.scatter [tilespmem:s30], [sflag:$0x2], $0xC08, $0x38;
	[tilespmem:$0x19800] =	vst v63  }
0xe9: {  	s30 =	sadd.s32 $0xEC80, s22;
	s24 =	sadd.s32 $0x18100, s8  }
0xea: {  	[hbm4b:s24+s3] =	stream.linear.scatter [tilespmem:s30], [sflag:$0x2], $0xC08, $0x38;
	[tilespmem:$0x19800] =	vst v63  }
0xeb: {  	s30 =	sadd.s32 $0xF8C0, s22;
	s24 =	sadd.s32 $0x24180, s8  }
0xec: {  	[hbm4b:s24+s3] =	stream.linear.scatter [tilespmem:s30], [sflag:$0x2], $0xC08, $0x38;
	[tilespmem:$0x19800] =	vst v63  }
0xed: {  	s30 =	sadd.s32 $0x10500, s22;
	s24 =	sadd.s32 $0x30200, s8  }
0xee: {  	[hbm4b:s24+s3] =	stream.linear.scatter [tilespmem:s30], [sflag:$0x2], $0xC08, $0x38;
	[tilespmem:$0x19800] =	vst v63  }
0xef: {  	s30 =	sadd.s32 $0x11140, s22;
	s24 =	sadd.s32 $0x3C280, s8  }
0xf0: {  	[hbm4b:s24+s3] =	stream.linear.scatter [tilespmem:s30], [sflag:$0x2], $0xC08, $0x38;
	[tilespmem:$0x19800] =	vst v63  }
0xf1: {  	s30 =	sadd.s32 $0x11D80, s22;
	s24 =	sadd.s32 $0x48300, s8  }
0xf2: {  	[hbm4b:s24+s3] =	stream.linear.scatter [tilespmem:s30], [sflag:$0x2], $0xC08, $0x38;
	[tilespmem:$0x19800] =	vst v63  }
0xf3: {  	s30 =	sadd.s32 $0x129C0, s22;
	s24 =	sadd.s32 $0x54380, s8  }
0xf4: {  	[hbm4b:s24+s3] =	stream.linear.scatter [tilespmem:s30], [sflag:$0x2], $0xC08, $0x38;
	[tilespmem:$0x19800] =	vst v63  }
0xf5: {  	s30 =	sadd.s32 $0x13600, s22;
	s24 =	sadd.s32 $0x60400, s8  }
0xf6: {  	[hbm4b:s24+s3] =	stream.linear.scatter [tilespmem:s30], [sflag:$0x2], $0xC08, $0x38;
	[tilespmem:$0x19800] =	vst v63  }
0xf7: {  	s30 =	sadd.s32 $0x14240, s22;
	s24 =	sadd.s32 $0x6C480, s8  }
0xf8: {  	[hbm4b:s24+s3] =	stream.linear.scatter [tilespmem:s30], [sflag:$0x2], $0xC08, $0x38;
	[tilespmem:$0x19800] =	vst v63  }
0xf9: {  	s30 =	sadd.s32 $0x14E80, s22;
	s24 =	sadd.s32 $0x78500, s8  }
0xfa: {  	[hbm4b:s24+s3] =	stream.linear.scatter [tilespmem:s30], [sflag:$0x2], $0xC08, $0x38;
	[tilespmem:$0x19800] =	vst v63  }
0xfb: {  	s30 =	sadd.s32 $0x15AC0, s22;
	s24 =	sadd.s32 $0x84580, s8  }
0xfc: {  	[hbm4b:s24+s3] =	stream.linear.scatter [tilespmem:s30], [sflag:$0x2], $0xC08, $0x38;
	[tilespmem:$0x19800] =	vst v63  }
0xfd: {  	s30 =	sadd.s32 $0x16700, s22;
	s24 =	sadd.s32 $0x90600, s8  }
0xfe: {  	[hbm4b:s24+s3] =	stream.linear.scatter [tilespmem:s30], [sflag:$0x2], $0xC08, $0x38;
	[tilespmem:$0x19800] =	vst v63  }
0xff: {  	s30 =	sadd.s32 $0x17340, s22;
	s24 =	sadd.s32 $0x9C680, s8  }
0x100: {  	[hbm4b:s24+s3] =	stream.linear.scatter [tilespmem:s30], [sflag:$0x2], $0xC08, $0x38;
	[tilespmem:$0x19800] =	vst v63  }
0x101: {  	s26 =	sadd.s32 $0x17F80, s22;
	s30 =	sadd.s32 $0xA8700, s8  }
0x102: {  	[hbm4b:s30+s3] =	stream.linear.scatter [tilespmem:s26], [sflag:$0x2], $0xC08, $0x38;
	[tilespmem:$0x19800] =	vst v63  }
0x103: {  	s22 =	sadd.s32 $0x18BC0, s22;
	s24 =	sadd.s32 $0xB4780, s8  }
0x104: {  	[hbm4b:s24+s3] =	stream.linear.scatter [tilespmem:s22], [sflag:$0x2], $0xC08, $0x38;
	[tilespmem:$0x19800] =	vst v63  }
0x105: {  	_ =	swait.ge [sflag:s0], $0xC080  }
0x106: {  	[sflag:s0] =	ssyncset.done $0x0  }
0x107: {  	[sflag:s0] =	ssyncadd.s32 $0xFFFF3F80  }
0x108: {  	v41 =	vld [tilespmem:s4+$0x20];
	_ =	sdelay $0x4  }
0x109: {  	(v2sf) =	vpush v41, $0x2  }
0x10a: {  	(v2sf) =	vpush v41, $0x0;
	_ =	sdelay $0xd  }
0x10b: {  	s26 =	spop (v2sf)  }
0x10c: {  	s22 =	smul.u32 $0x620000, s26;
	s30 =	spop (v2sf)  }
0x10d: {  	s23 =	smul.u32 $0xC40, s30;
	_ =	sdelay $0x1  }
0x10e: {  	s22 =	sadd.s32 s22, s23  }
0x10f: {  	s22 =	sadd.s32 $0x310000, s22  }
0x110: {  	s22 =	sshrl.u32 s22, $0x3  }
0x111: {  	s22 =	sadd.s32 s2, s22  }
0x112: {  	[tilespmem:s31], [sflag:$0x1] =	stream.strided.gather [hbm4b:s22+s28], $0xC400, s29, s28, $0x38;
	[tilespmem:$0x19800] =	vst v63  }
0x113: {  	_ =	swait.ge [sflag:s1], $0xC400  }
0x114: {  	[sflag:s1] =	ssyncset.done $0x0  }
0x115: {  	[sflag:s1] =	ssyncadd.s32 $0xFFFF3C00  }
0x116: {  	v42 =	vld [tilespmem:s4+$0x20];
	_ =	sdelay $0x4  }
0x117: {  	(v2sf) =	vpush v42, $0x1;
	_ =	sdelay $0xe  }
0x118: {  	s24 =	spop (v2sf)  }
0x119: {  	s22 =	smul.u32 $0xE0, s24;
	_ =	sdelay $0x1  }
0x11a: {  	s22 =	sshra.s32 s22, $0x2  }
0x11b: {  	s26 =	sadd.s32 $0x1000, s22  }
0x11c: {  	[hbm4b:s9+s3] =	stream.linear.scatter [tilespmem:s26], [sflag:$0x2], $0xC08, $0x38;
	[tilespmem:$0x19800] =	vst v63  }
0x11d: {  	s24 =	sadd.s32 $0xC080, s9;
	s30 =	sadd.s32 $0x1C40, s22  }
0x11e: {  	[hbm4b:s24+s3] =	stream.linear.scatter [tilespmem:s30], [sflag:$0x2], $0xC08, $0x38;
	[tilespmem:$0x19800] =	vst v63  }
0x11f: {  	s30 =	sadd.s32 $0x2880, s22;
	s24 =	sadd.s32 $0x18100, s9  }
0x120: {  	[hbm4b:s24+s3] =	stream.linear.scatter [tilespmem:s30], [sflag:$0x2], $0xC08, $0x38;
	[tilespmem:$0x19800] =	vst v63  }
0x121: {  	s30 =	sadd.s32 $0x34C0, s22;
	s24 =	sadd.s32 $0x24180, s9  }
0x122: {  	[hbm4b:s24+s3] =	stream.linear.scatter [tilespmem:s30], [sflag:$0x2], $0xC08, $0x38;
	[tilespmem:$0x19800] =	vst v63  }
0x123: {  	s30 =	sadd.s32 $0x4100, s22;
	s24 =	sadd.s32 $0x30200, s9  }
0x124: {  	[hbm4b:s24+s3] =	stream.linear.scatter [tilespmem:s30], [sflag:$0x2], $0xC08, $0x38;
	[tilespmem:$0x19800] =	vst v63  }
0x125: {  	s30 =	sadd.s32 $0x4D40, s22;
	s24 =	sadd.s32 $0x3C280, s9  }
0x126: {  	[hbm4b:s24+s3] =	stream.linear.scatter [tilespmem:s30], [sflag:$0x2], $0xC08, $0x38;
	[tilespmem:$0x19800] =	vst v63  }
0x127: {  	s30 =	sadd.s32 $0x5980, s22;
	s24 =	sadd.s32 $0x48300, s9  }
0x128: {  	[hbm4b:s24+s3] =	stream.linear.scatter [tilespmem:s30], [sflag:$0x2], $0xC08, $0x38;
	[tilespmem:$0x19800] =	vst v63  }
0x129: {  	s30 =	sadd.s32 $0x65C0, s22;
	s24 =	sadd.s32 $0x54380, s9  }
0x12a: {  	[hbm4b:s24+s3] =	stream.linear.scatter [tilespmem:s30], [sflag:$0x2], $0xC08, $0x38;
	[tilespmem:$0x19800] =	vst v63  }
0x12b: {  	s30 =	sadd.s32 $0x7200, s22;
	s24 =	sadd.s32 $0x60400, s9  }
0x12c: {  	[hbm4b:s24+s3] =	stream.linear.scatter [tilespmem:s30], [sflag:$0x2], $0xC08, $0x38;
	[tilespmem:$0x19800] =	vst v63  }
0x12d: {  	s30 =	sadd.s32 $0x7E40, s22;
	s24 =	sadd.s32 $0x6C480, s9  }
0x12e: {  	[hbm4b:s24+s3] =	stream.linear.scatter [tilespmem:s30], [sflag:$0x2], $0xC08, $0x38;
	[tilespmem:$0x19800] =	vst v63  }
0x12f: {  	s30 =	sadd.s32 $0x8A80, s22;
	s24 =	sadd.s32 $0x78500, s9  }
0x130: {  	[hbm4b:s24+s3] =	stream.linear.scatter [tilespmem:s30], [sflag:$0x2], $0xC08, $0x38;
	[tilespmem:$0x19800] =	vst v63  }
0x131: {  	s30 =	sadd.s32 $0x96C0, s22;
	s24 =	sadd.s32 $0x84580, s9  }
0x132: {  	[hbm4b:s24+s3] =	stream.linear.scatter [tilespmem:s30], [sflag:$0x2], $0xC08, $0x38;
	[tilespmem:$0x19800] =	vst v63  }
0x133: {  	s30 =	sadd.s32 $0xA300, s22;
	s24 =	sadd.s32 $0x90600, s9  }
0x134: {  	[hbm4b:s24+s3] =	stream.linear.scatter [tilespmem:s30], [sflag:$0x2], $0xC08, $0x38;
	[tilespmem:$0x19800] =	vst v63  }
0x135: {  	s30 =	sadd.s32 $0xAF40, s22;
	s24 =	sadd.s32 $0x9C680, s9  }
0x136: {  	[hbm4b:s24+s3] =	stream.linear.scatter [tilespmem:s30], [sflag:$0x2], $0xC08, $0x38;
	[tilespmem:$0x19800] =	vst v63  }
0x137: {  	s26 =	sadd.s32 $0xBB80, s22;
	s30 =	sadd.s32 $0xA8700, s9  }
0x138: {  	[hbm4b:s30+s3] =	stream.linear.scatter [tilespmem:s26], [sflag:$0x2], $0xC08, $0x38;
	[tilespmem:$0x19800] =	vst v63  }
0x139: {  	s22 =	sadd.s32 $0xC7C0, s22;
	s24 =	sadd.s32 $0xB4780, s9  }
0x13a: {  	[hbm4b:s24+s3] =	stream.linear.scatter [tilespmem:s22], [sflag:$0x2], $0xC08, $0x38;
	[tilespmem:$0x19800] =	vst v63  }
0x13b: {  	_ =	swait.ge [sflag:s0], $0xC080  }
0x13c: {  	[sflag:s0] =	ssyncset.done $0x0  }
0x13d: {  	[sflag:s0] =	ssyncadd.s32 $0xFFFF3F80  }
0x13e: {  	v43 =	vld [tilespmem:s4+$0x30];
	_ =	sdelay $0x4  }
0x13f: {  	(v2sf) =	vpush v43, $0x2  }
0x140: {  	(v2sf) =	vpush v43, $0x0;
	_ =	sdelay $0xd  }
0x141: {  	s26 =	spop (v2sf)  }
0x142: {  	s22 =	smul.u32 $0x620000, s26;
	s30 =	spop (v2sf)  }
0x143: {  	s23 =	smul.u32 $0xC40, s30;
	_ =	sdelay $0x1  }
0x144: {  	s22 =	sadd.s32 s23, s22  }
0x145: {  	s22 =	sshrl.u32 s22, $0x3  }
0x146: {  	s22 =	sadd.s32 s2, s22  }
0x147: {  	[tilespmem:s25], [sflag:$0x1] =	stream.strided.gather [hbm4b:s22+s28], $0xC400, s29, s28, $0x38;
	[tilespmem:$0x19800] =	vst v63  }
0x148: {  	_ =	swait.ge [sflag:s1], $0xC400  }
0x149: {  	[sflag:s1] =	ssyncset.done $0x0  }
0x14a: {  	[sflag:s1] =	ssyncadd.s32 $0xFFFF3C00  }
0x14b: {  	v44 =	vld [tilespmem:s4+$0x20];
	_ =	sdelay $0x4  }
0x14c: {  	(v2sf) =	vpush v44, $0x1;
	_ =	sdelay $0xe  }
0x14d: {  	s24 =	spop (v2sf)  }
0x14e: {  	s22 =	smul.u32 $0xE0, s24;
	_ =	sdelay $0x1  }
0x14f: {  	s22 =	sshra.s32 s22, $0x2  }
0x150: {  	s26 =	sadd.s32 $0xD400, s22  }
0x151: {  	[hbm4b:s10+s3] =	stream.linear.scatter [tilespmem:s26], [sflag:$0x2], $0xC08, $0x38;
	[tilespmem:$0x19800] =	vst v63  }
0x152: {  	s24 =	sadd.s32 $0xC080, s10;
	s30 =	sadd.s32 $0xE040, s22  }
0x153: {  	[hbm4b:s24+s3] =	stream.linear.scatter [tilespmem:s30], [sflag:$0x2], $0xC08, $0x38;
	[tilespmem:$0x19800] =	vst v63  }
0x154: {  	s30 =	sadd.s32 $0xEC80, s22;
	s24 =	sadd.s32 $0x18100, s10  }
0x155: {  	[hbm4b:s24+s3] =	stream.linear.scatter [tilespmem:s30], [sflag:$0x2], $0xC08, $0x38;
	[tilespmem:$0x19800] =	vst v63  }
0x156: {  	s30 =	sadd.s32 $0xF8C0, s22;
	s24 =	sadd.s32 $0x24180, s10  }
0x157: {  	[hbm4b:s24+s3] =	stream.linear.scatter [tilespmem:s30], [sflag:$0x2], $0xC08, $0x38;
	[tilespmem:$0x19800] =	vst v63  }
0x158: {  	s30 =	sadd.s32 $0x10500, s22;
	s24 =	sadd.s32 $0x30200, s10  }
0x159: {  	[hbm4b:s24+s3] =	stream.linear.scatter [tilespmem:s30], [sflag:$0x2], $0xC08, $0x38;
	[tilespmem:$0x19800] =	vst v63  }
0x15a: {  	s30 =	sadd.s32 $0x11140, s22;
	s24 =	sadd.s32 $0x3C280, s10  }
0x15b: {  	[hbm4b:s24+s3] =	stream.linear.scatter [tilespmem:s30], [sflag:$0x2], $0xC08, $0x38;
	[tilespmem:$0x19800] =	vst v63  }
0x15c: {  	s30 =	sadd.s32 $0x11D80, s22;
	s24 =	sadd.s32 $0x48300, s10  }
0x15d: {  	[hbm4b:s24+s3] =	stream.linear.scatter [tilespmem:s30], [sflag:$0x2], $0xC08, $0x38;
	[tilespmem:$0x19800] =	vst v63  }
0x15e: {  	s30 =	sadd.s32 $0x129C0, s22;
	s24 =	sadd.s32 $0x54380, s10  }
0x15f: {  	[hbm4b:s24+s3] =	stream.linear.scatter [tilespmem:s30], [sflag:$0x2], $0xC08, $0x38;
	[tilespmem:$0x19800] =	vst v63  }
0x160: {  	s30 =	sadd.s32 $0x13600, s22;
	s24 =	sadd.s32 $0x60400, s10  }
0x161: {  	[hbm4b:s24+s3] =	stream.linear.scatter [tilespmem:s30], [sflag:$0x2], $0xC08, $0x38;
	[tilespmem:$0x19800] =	vst v63  }
0x162: {  	s30 =	sadd.s32 $0x14240, s22;
	s24 =	sadd.s32 $0x6C480, s10  }
0x163: {  	[hbm4b:s24+s3] =	stream.linear.scatter [tilespmem:s30], [sflag:$0x2], $0xC08, $0x38;
	[tilespmem:$0x19800] =	vst v63  }
0x164: {  	s30 =	sadd.s32 $0x14E80, s22;
	s24 =	sadd.s32 $0x78500, s10  }
0x165: {  	[hbm4b:s24+s3] =	stream.linear.scatter [tilespmem:s30], [sflag:$0x2], $0xC08, $0x38;
	[tilespmem:$0x19800] =	vst v63  }
0x166: {  	s30 =	sadd.s32 $0x15AC0, s22;
	s24 =	sadd.s32 $0x84580, s10  }
0x167: {  	[hbm4b:s24+s3] =	stream.linear.scatter [tilespmem:s30], [sflag:$0x2], $0xC08, $0x38;
	[tilespmem:$0x19800] =	vst v63  }
0x168: {  	s30 =	sadd.s32 $0x16700, s22;
	s24 =	sadd.s32 $0x90600, s10  }
0x169: {  	[hbm4b:s24+s3] =	stream.linear.scatter [tilespmem:s30], [sflag:$0x2], $0xC08, $0x38;
	[tilespmem:$0x19800] =	vst v63  }
0x16a: {  	s30 =	sadd.s32 $0x17340, s22;
	s24 =	sadd.s32 $0x9C680, s10  }
0x16b: {  	[hbm4b:s24+s3] =	stream.linear.scatter [tilespmem:s30], [sflag:$0x2], $0xC08, $0x38;
	[tilespmem:$0x19800] =	vst v63  }
0x16c: {  	s26 =	sadd.s32 $0x17F80, s22;
	s30 =	sadd.s32 $0xA8700, s10  }
0x16d: {  	[hbm4b:s30+s3] =	stream.linear.scatter [tilespmem:s26], [sflag:$0x2], $0xC08, $0x38;
	[tilespmem:$0x19800] =	vst v63  }
0x16e: {  	s22 =	sadd.s32 $0x18BC0, s22;
	s24 =	sadd.s32 $0xB4780, s10  }
0x16f: {  	[hbm4b:s24+s3] =	stream.linear.scatter [tilespmem:s22], [sflag:$0x2], $0xC08, $0x38;
	[tilespmem:$0x19800] =	vst v63  }
0x170: {  	_ =	swait.ge [sflag:s0], $0xC080  }
0x171: {  	[sflag:s0] =	ssyncset.done $0x0  }
0x172: {  	[sflag:s0] =	ssyncadd.s32 $0xFFFF3F80  }
0x173: {  	v45 =	vld [tilespmem:s4+$0x30];
	_ =	sdelay $0x4  }
0x174: {  	(v2sf) =	vpush v45, $0x2  }
0x175: {  	(v2sf) =	vpush v45, $0x0;
	_ =	sdelay $0xd  }
0x176: {  	s26 =	spop (v2sf)  }
0x177: {  	s22 =	smul.u32 $0x620000, s26;
	s30 =	spop (v2sf)  }
0x178: {  	s23 =	smul.u32 $0xC40, s30;
	_ =	sdelay $0x1  }
0x179: {  	s22 =	sadd.s32 s22, s23  }
0x17a: {  	s22 =	sadd.s32 $0x310000, s22  }
0x17b: {  	s22 =	sshrl.u32 s22, $0x3  }
0x17c: {  	s22 =	sadd.s32 s2, s22  }
0x17d: {  	[tilespmem:s31], [sflag:$0x1] =	stream.strided.gather [hbm4b:s22+s28], $0xC400, s29, s28, $0x38;
	[tilespmem:$0x19800] =	vst v63  }
0x17e: {  	_ =	swait.ge [sflag:s1], $0xC400  }
0x17f: {  	[sflag:s1] =	ssyncset.done $0x0  }
0x180: {  	[sflag:s1] =	ssyncadd.s32 $0xFFFF3C00  }
0x181: {  	v46 =	vld [tilespmem:s4+$0x30];
	_ =	sdelay $0x4  }
0x182: {  	(v2sf) =	vpush v46, $0x1;
	_ =	sdelay $0xe  }
0x183: {  	s24 =	spop (v2sf)  }
0x184: {  	s22 =	smul.u32 $0xE0, s24;
	_ =	sdelay $0x1  }
0x185: {  	s22 =	sshra.s32 s22, $0x2  }
0x186: {  	s26 =	sadd.s32 $0x1000, s22  }
0x187: {  	[hbm4b:s11+s3] =	stream.linear.scatter [tilespmem:s26], [sflag:$0x2], $0xC08, $0x38;
	[tilespmem:$0x19800] =	vst v63  }
0x188: {  	s24 =	sadd.s32 $0xC080, s11;
	s30 =	sadd.s32 $0x1C40, s22  }
0x189: {  	[hbm4b:s24+s3] =	stream.linear.scatter [tilespmem:s30], [sflag:$0x2], $0xC08, $0x38;
	[tilespmem:$0x19800] =	vst v63  }
0x18a: {  	s30 =	sadd.s32 $0x2880, s22;
	s24 =	sadd.s32 $0x18100, s11  }
0x18b: {  	[hbm4b:s24+s3] =	stream.linear.scatter [tilespmem:s30], [sflag:$0x2], $0xC08, $0x38;
	[tilespmem:$0x19800] =	vst v63  }
0x18c: {  	s30 =	sadd.s32 $0x34C0, s22;
	s24 =	sadd.s32 $0x24180, s11  }
0x18d: {  	[hbm4b:s24+s3] =	stream.linear.scatter [tilespmem:s30], [sflag:$0x2], $0xC08, $0x38;
	[tilespmem:$0x19800] =	vst v63  }
0x18e: {  	s30 =	sadd.s32 $0x4100, s22;
	s24 =	sadd.s32 $0x30200, s11  }
0x18f: {  	[hbm4b:s24+s3] =	stream.linear.scatter [tilespmem:s30], [sflag:$0x2], $0xC08, $0x38;
	[tilespmem:$0x19800] =	vst v63  }
0x190: {  	s30 =	sadd.s32 $0x4D40, s22;
	s24 =	sadd.s32 $0x3C280, s11  }
0x191: {  	[hbm4b:s24+s3] =	stream.linear.scatter [tilespmem:s30], [sflag:$0x2], $0xC08, $0x38;
	[tilespmem:$0x19800] =	vst v63  }
0x192: {  	s30 =	sadd.s32 $0x5980, s22;
	s24 =	sadd.s32 $0x48300, s11  }
0x193: {  	[hbm4b:s24+s3] =	stream.linear.scatter [tilespmem:s30], [sflag:$0x2], $0xC08, $0x38;
	[tilespmem:$0x19800] =	vst v63  }
0x194: {  	s30 =	sadd.s32 $0x65C0, s22;
	s24 =	sadd.s32 $0x54380, s11  }
0x195: {  	[hbm4b:s24+s3] =	stream.linear.scatter [tilespmem:s30], [sflag:$0x2], $0xC08, $0x38;
	[tilespmem:$0x19800] =	vst v63  }
0x196: {  	s30 =	sadd.s32 $0x7200, s22;
	s24 =	sadd.s32 $0x60400, s11  }
0x197: {  	[hbm4b:s24+s3] =	stream.linear.scatter [tilespmem:s30], [sflag:$0x2], $0xC08, $0x38;
	[tilespmem:$0x19800] =	vst v63  }
0x198: {  	s30 =	sadd.s32 $0x7E40, s22;
	s24 =	sadd.s32 $0x6C480, s11  }
0x199: {  	[hbm4b:s24+s3] =	stream.linear.scatter [tilespmem:s30], [sflag:$0x2], $0xC08, $0x38;
	[tilespmem:$0x19800] =	vst v63  }
0x19a: {  	s30 =	sadd.s32 $0x8A80, s22;
	s24 =	sadd.s32 $0x78500, s11  }
0x19b: {  	[hbm4b:s24+s3] =	stream.linear.scatter [tilespmem:s30], [sflag:$0x2], $0xC08, $0x38;
	[tilespmem:$0x19800] =	vst v63  }
0x19c: {  	s30 =	sadd.s32 $0x96C0, s22;
	s24 =	sadd.s32 $0x84580, s11  }
0x19d: {  	[hbm4b:s24+s3] =	stream.linear.scatter [tilespmem:s30], [sflag:$0x2], $0xC08, $0x38;
	[tilespmem:$0x19800] =	vst v63  }
0x19e: {  	s30 =	sadd.s32 $0xA300, s22;
	s24 =	sadd.s32 $0x90600, s11  }
0x19f: {  	[hbm4b:s24+s3] =	stream.linear.scatter [tilespmem:s30], [sflag:$0x2], $0xC08, $0x38;
	[tilespmem:$0x19800] =	vst v63  }
0x1a0: {  	s30 =	sadd.s32 $0xAF40, s22;
	s24 =	sadd.s32 $0x9C680, s11  }
0x1a1: {  	[hbm4b:s24+s3] =	stream.linear.scatter [tilespmem:s30], [sflag:$0x2], $0xC08, $0x38;
	[tilespmem:$0x19800] =	vst v63  }
0x1a2: {  	s26 =	sadd.s32 $0xBB80, s22;
	s30 =	sadd.s32 $0xA8700, s11  }
0x1a3: {  	[hbm4b:s30+s3] =	stream.linear.scatter [tilespmem:s26], [sflag:$0x2], $0xC08, $0x38;
	[tilespmem:$0x19800] =	vst v63  }
0x1a4: {  	s22 =	sadd.s32 $0xC7C0, s22;
	s24 =	sadd.s32 $0xB4780, s11  }
0x1a5: {  	[hbm4b:s24+s3] =	stream.linear.scatter [tilespmem:s22], [sflag:$0x2], $0xC08, $0x38;
	[tilespmem:$0x19800] =	vst v63  }
0x1a6: {  	_ =	swait.ge [sflag:s0], $0xC080  }
0x1a7: {  	[sflag:s0] =	ssyncset.done $0x0  }
0x1a8: {  	s24 =	rddreg [dreg:$0x4];
	[sflag:s0] =	ssyncadd.s32 $0xFFFF3F80  }
0x1a9: {  	v47 =	vld [tilespmem:s24+$0x0];
	_ =	sdelay $0x4  }
0x1aa: {  	(v2sf) =	vpush v47, $0x2  }
0x1ab: {  	(v2sf) =	vpush v47, $0x0;
	_ =	sdelay $0xd  }
0x1ac: {  	s26 =	spop (v2sf)  }
0x1ad: {  	s22 =	smul.u32 $0x620000, s26;
	s30 =	spop (v2sf)  }
0x1ae: {  	s23 =	smul.u32 $0xC40, s30;
	_ =	sdelay $0x1  }
0x1af: {  	s22 =	sadd.s32 s23, s22  }
0x1b0: {  	s22 =	sshrl.u32 s22, $0x3  }
0x1b1: {  	s22 =	sadd.s32 s2, s22  }
0x1b2: {  	[tilespmem:s25], [sflag:$0x1] =	stream.strided.gather [hbm4b:s22+s28], $0xC400, s29, s28, $0x38;
	[tilespmem:$0x19800] =	vst v63  }
0x1b3: {  	_ =	swait.ge [sflag:s1], $0xC400  }
0x1b4: {  	[sflag:s1] =	ssyncset.done $0x0  }
0x1b5: {  	[sflag:s1] =	ssyncadd.s32 $0xFFFF3C00  }
0x1b6: {  	v48 =	vld [tilespmem:s4+$0x30];
	_ =	sdelay $0x4  }
0x1b7: {  	(v2sf) =	vpush v48, $0x1;
	_ =	sdelay $0xe  }
0x1b8: {  	s26 =	spop (v2sf)  }
0x1b9: {  	s22 =	smul.u32 $0xE0, s26;
	_ =	sdelay $0x1  }
0x1ba: {  	s22 =	sshra.s32 s22, $0x2  }
0x1bb: {  	s30 =	sadd.s32 $0xD400, s22  }
0x1bc: {  	[hbm4b:s12+s3] =	stream.linear.scatter [tilespmem:s30], [sflag:$0x2], $0xC08, $0x38;
	[tilespmem:$0x19800] =	vst v63  }
0x1bd: {  	s26 =	sadd.s32 $0xE040, s22;
	s30 =	sadd.s32 $0xC080, s12  }
0x1be: {  	[hbm4b:s30+s3] =	stream.linear.scatter [tilespmem:s26], [sflag:$0x2], $0xC08, $0x38;
	[tilespmem:$0x19800] =	vst v63  }
0x1bf: {  	s26 =	sadd.s32 $0xEC80, s22;
	s30 =	sadd.s32 $0x18100, s12  }
0x1c0: {  	[hbm4b:s30+s3] =	stream.linear.scatter [tilespmem:s26], [sflag:$0x2], $0xC08, $0x38;
	[tilespmem:$0x19800] =	vst v63  }
0x1c1: {  	s26 =	sadd.s32 $0xF8C0, s22;
	s30 =	sadd.s32 $0x24180, s12  }
0x1c2: {  	[hbm4b:s30+s3] =	stream.linear.scatter [tilespmem:s26], [sflag:$0x2], $0xC08, $0x38;
	[tilespmem:$0x19800] =	vst v63  }
0x1c3: {  	s26 =	sadd.s32 $0x10500, s22;
	s30 =	sadd.s32 $0x30200, s12  }
0x1c4: {  	[hbm4b:s30+s3] =	stream.linear.scatter [tilespmem:s26], [sflag:$0x2], $0xC08, $0x38;
	[tilespmem:$0x19800] =	vst v63  }
0x1c5: {  	s26 =	sadd.s32 $0x11140, s22;
	s30 =	sadd.s32 $0x3C280, s12  }
0x1c6: {  	[hbm4b:s30+s3] =	stream.linear.scatter [tilespmem:s26], [sflag:$0x2], $0xC08, $0x38;
	[tilespmem:$0x19800] =	vst v63  }
0x1c7: {  	s26 =	sadd.s32 $0x11D80, s22;
	s30 =	sadd.s32 $0x48300, s12  }
0x1c8: {  	[hbm4b:s30+s3] =	stream.linear.scatter [tilespmem:s26], [sflag:$0x2], $0xC08, $0x38;
	[tilespmem:$0x19800] =	vst v63  }
0x1c9: {  	s26 =	sadd.s32 $0x129C0, s22;
	s30 =	sadd.s32 $0x54380, s12  }
0x1ca: {  	[hbm4b:s30+s3] =	stream.linear.scatter [tilespmem:s26], [sflag:$0x2], $0xC08, $0x38;
	[tilespmem:$0x19800] =	vst v63  }
0x1cb: {  	s26 =	sadd.s32 $0x13600, s22;
	s30 =	sadd.s32 $0x60400, s12  }
0x1cc: {  	[hbm4b:s30+s3] =	stream.linear.scatter [tilespmem:s26], [sflag:$0x2], $0xC08, $0x38;
	[tilespmem:$0x19800] =	vst v63  }
0x1cd: {  	s26 =	sadd.s32 $0x14240, s22;
	s30 =	sadd.s32 $0x6C480, s12  }
0x1ce: {  	[hbm4b:s30+s3] =	stream.linear.scatter [tilespmem:s26], [sflag:$0x2], $0xC08, $0x38;
	[tilespmem:$0x19800] =	vst v63  }
0x1cf: {  	s26 =	sadd.s32 $0x14E80, s22;
	s30 =	sadd.s32 $0x78500, s12  }
0x1d0: {  	[hbm4b:s30+s3] =	stream.linear.scatter [tilespmem:s26], [sflag:$0x2], $0xC08, $0x38;
	[tilespmem:$0x19800] =	vst v63  }
0x1d1: {  	s26 =	sadd.s32 $0x15AC0, s22;
	s30 =	sadd.s32 $0x84580, s12  }
0x1d2: {  	[hbm4b:s30+s3] =	stream.linear.scatter [tilespmem:s26], [sflag:$0x2], $0xC08, $0x38;
	[tilespmem:$0x19800] =	vst v63  }
0x1d3: {  	s26 =	sadd.s32 $0x16700, s22;
	s30 =	sadd.s32 $0x90600, s12  }
0x1d4: {  	[hbm4b:s30+s3] =	stream.linear.scatter [tilespmem:s26], [sflag:$0x2], $0xC08, $0x38;
	[tilespmem:$0x19800] =	vst v63  }
0x1d5: {  	s26 =	sadd.s32 $0x17340, s22;
	s30 =	sadd.s32 $0x9C680, s12  }
0x1d6: {  	[hbm4b:s30+s3] =	stream.linear.scatter [tilespmem:s26], [sflag:$0x2], $0xC08, $0x38;
	[tilespmem:$0x19800] =	vst v63  }
0x1d7: {  	s26 =	sadd.s32 $0x17F80, s22;
	s30 =	sadd.s32 $0xA8700, s12  }
0x1d8: {  	[hbm4b:s30+s3] =	stream.linear.scatter [tilespmem:s26], [sflag:$0x2], $0xC08, $0x38;
	[tilespmem:$0x19800] =	vst v63  }
0x1d9: {  	s22 =	sadd.s32 $0x18BC0, s22;
	s30 =	sadd.s32 $0xB4780, s12  }
0x1da: {  	[hbm4b:s30+s3] =	stream.linear.scatter [tilespmem:s22], [sflag:$0x2], $0xC08, $0x38;
	[tilespmem:$0x19800] =	vst v63  }
0x1db: {  	_ =	swait.ge [sflag:s0], $0xC080  }
0x1dc: {  	[sflag:s0] =	ssyncset.done $0x0  }
0x1dd: {  	[sflag:s0] =	ssyncadd.s32 $0xFFFF3F80  }
0x1de: {  	v49 =	vld [tilespmem:s24+$0x0];
	_ =	sdelay $0x4  }
0x1df: {  	(v2sf) =	vpush v49, $0x2  }
0x1e0: {  	(v2sf) =	vpush v49, $0x0;
	_ =	sdelay $0xd  }
0x1e1: {  	s26 =	spop (v2sf)  }
0x1e2: {  	s22 =	smul.u32 $0x620000, s26;
	s30 =	spop (v2sf)  }
0x1e3: {  	s23 =	smul.u32 $0xC40, s30;
	_ =	sdelay $0x1  }
0x1e4: {  	s22 =	sadd.s32 s22, s23  }
0x1e5: {  	s22 =	sadd.s32 $0x310000, s22  }
0x1e6: {  	s22 =	sshrl.u32 s22, $0x3  }
0x1e7: {  	s22 =	sadd.s32 s2, s22  }
0x1e8: {  	[tilespmem:s31], [sflag:$0x1] =	stream.strided.gather [hbm4b:s22+s28], $0xC400, s29, s28, $0x38;
	[tilespmem:$0x19800] =	vst v63  }
0x1e9: {  	_ =	swait.ge [sflag:s1], $0xC400  }
0x1ea: {  	[sflag:s1] =	ssyncset.done $0x0  }
0x1eb: {  	[sflag:s1] =	ssyncadd.s32 $0xFFFF3C00  }
0x1ec: {  	v50 =	vld [tilespmem:s24+$0x0];
	_ =	sdelay $0x4  }
0x1ed: {  	(v2sf) =	vpush v50, $0x1;
	_ =	sdelay $0xe  }
0x1ee: {  	s26 =	spop (v2sf)  }
0x1ef: {  	s22 =	smul.u32 $0xE0, s26;
	_ =	sdelay $0x1  }
0x1f0: {  	s22 =	sshra.s32 s22, $0x2  }
0x1f1: {  	s30 =	sadd.s32 $0x1000, s22  }
0x1f2: {  	[hbm4b:s13+s3] =	stream.linear.scatter [tilespmem:s30], [sflag:$0x2], $0xC08, $0x38;
	[tilespmem:$0x19800] =	vst v63  }
0x1f3: {  	s26 =	sadd.s32 $0x1C40, s22;
	s30 =	sadd.s32 $0xC080, s13  }
0x1f4: {  	[hbm4b:s30+s3] =	stream.linear.scatter [tilespmem:s26], [sflag:$0x2], $0xC08, $0x38;
	[tilespmem:$0x19800] =	vst v63  }
0x1f5: {  	s26 =	sadd.s32 $0x2880, s22;
	s30 =	sadd.s32 $0x18100, s13  }
0x1f6: {  	[hbm4b:s30+s3] =	stream.linear.scatter [tilespmem:s26], [sflag:$0x2], $0xC08, $0x38;
	[tilespmem:$0x19800] =	vst v63  }
0x1f7: {  	s26 =	sadd.s32 $0x34C0, s22;
	s30 =	sadd.s32 $0x24180, s13  }
0x1f8: {  	[hbm4b:s30+s3] =	stream.linear.scatter [tilespmem:s26], [sflag:$0x2], $0xC08, $0x38;
	[tilespmem:$0x19800] =	vst v63  }
0x1f9: {  	s26 =	sadd.s32 $0x4100, s22;
	s30 =	sadd.s32 $0x30200, s13  }
0x1fa: {  	[hbm4b:s30+s3] =	stream.linear.scatter [tilespmem:s26], [sflag:$0x2], $0xC08, $0x38;
	[tilespmem:$0x19800] =	vst v63  }
0x1fb: {  	s26 =	sadd.s32 $0x4D40, s22;
	s30 =	sadd.s32 $0x3C280, s13  }
0x1fc: {  	[hbm4b:s30+s3] =	stream.linear.scatter [tilespmem:s26], [sflag:$0x2], $0xC08, $0x38;
	[tilespmem:$0x19800] =	vst v63  }
0x1fd: {  	s26 =	sadd.s32 $0x5980, s22;
	s30 =	sadd.s32 $0x48300, s13  }
0x1fe: {  	[hbm4b:s30+s3] =	stream.linear.scatter [tilespmem:s26], [sflag:$0x2], $0xC08, $0x38;
	[tilespmem:$0x19800] =	vst v63  }
0x1ff: {  	s26 =	sadd.s32 $0x65C0, s22;
	s30 =	sadd.s32 $0x54380, s13  }
0x200: {  	[hbm4b:s30+s3] =	stream.linear.scatter [tilespmem:s26], [sflag:$0x2], $0xC08, $0x38;
	[tilespmem:$0x19800] =	vst v63  }
0x201: {  	s26 =	sadd.s32 $0x7200, s22;
	s30 =	sadd.s32 $0x60400, s13  }
0x202: {  	[hbm4b:s30+s3] =	stream.linear.scatter [tilespmem:s26], [sflag:$0x2], $0xC08, $0x38;
	[tilespmem:$0x19800] =	vst v63  }
0x203: {  	s26 =	sadd.s32 $0x7E40, s22;
	s30 =	sadd.s32 $0x6C480, s13  }
0x204: {  	[hbm4b:s30+s3] =	stream.linear.scatter [tilespmem:s26], [sflag:$0x2], $0xC08, $0x38;
	[tilespmem:$0x19800] =	vst v63  }
0x205: {  	s26 =	sadd.s32 $0x8A80, s22;
	s30 =	sadd.s32 $0x78500, s13  }
0x206: {  	[hbm4b:s30+s3] =	stream.linear.scatter [tilespmem:s26], [sflag:$0x2], $0xC08, $0x38;
	[tilespmem:$0x19800] =	vst v63  }
0x207: {  	s26 =	sadd.s32 $0x96C0, s22;
	s30 =	sadd.s32 $0x84580, s13  }
0x208: {  	[hbm4b:s30+s3] =	stream.linear.scatter [tilespmem:s26], [sflag:$0x2], $0xC08, $0x38;
	[tilespmem:$0x19800] =	vst v63  }
0x209: {  	s26 =	sadd.s32 $0xA300, s22;
	s30 =	sadd.s32 $0x90600, s13  }
0x20a: {  	[hbm4b:s30+s3] =	stream.linear.scatter [tilespmem:s26], [sflag:$0x2], $0xC08, $0x38;
	[tilespmem:$0x19800] =	vst v63  }
0x20b: {  	s26 =	sadd.s32 $0xAF40, s22;
	s30 =	sadd.s32 $0x9C680, s13  }
0x20c: {  	[hbm4b:s30+s3] =	stream.linear.scatter [tilespmem:s26], [sflag:$0x2], $0xC08, $0x38;
	[tilespmem:$0x19800] =	vst v63  }
0x20d: {  	s26 =	sadd.s32 $0xBB80, s22;
	s30 =	sadd.s32 $0xA8700, s13  }
0x20e: {  	[hbm4b:s30+s3] =	stream.linear.scatter [tilespmem:s26], [sflag:$0x2], $0xC08, $0x38;
	[tilespmem:$0x19800] =	vst v63  }
0x20f: {  	s22 =	sadd.s32 $0xC7C0, s22;
	s30 =	sadd.s32 $0xB4780, s13  }
0x210: {  	[hbm4b:s30+s3] =	stream.linear.scatter [tilespmem:s22], [sflag:$0x2], $0xC08, $0x38;
	[tilespmem:$0x19800] =	vst v63  }
0x211: {  	_ =	swait.ge [sflag:s0], $0xC080  }
0x212: {  	[sflag:s0] =	ssyncset.done $0x0  }
0x213: {  	s30 =	rddreg [dreg:$0x5];
	[sflag:s0] =	ssyncadd.s32 $0xFFFF3F80  }
0x214: {  	v51 =	vld [tilespmem:s30+$0x0];
	_ =	sdelay $0x4  }
0x215: {  	(v2sf) =	vpush v51, $0x2  }
0x216: {  	(v2sf) =	vpush v51, $0x0;
	_ =	sdelay $0xd  }
0x217: {  	s23 =	spop (v2sf)  }
0x218: {  	s22 =	smul.u32 $0x620000, s23;
	s26 =	spop (v2sf)  }
0x219: {  	s23 =	smul.u32 $0xC40, s26;
	_ =	sdelay $0x1  }
0x21a: {  	s22 =	sadd.s32 s23, s22  }
0x21b: {  	s22 =	sshrl.u32 s22, $0x3  }
0x21c: {  	s22 =	sadd.s32 s2, s22  }
0x21d: {  	[tilespmem:s25], [sflag:$0x1] =	stream.strided.gather [hbm4b:s22+s28], $0xC400, s29, s28, $0x38;
	[tilespmem:$0x19800] =	vst v63  }
0x21e: {  	_ =	swait.ge [sflag:s1], $0xC400  }
0x21f: {  	[sflag:s1] =	ssyncset.done $0x0  }
0x220: {  	[sflag:s1] =	ssyncadd.s32 $0xFFFF3C00  }
0x221: {  	v52 =	vld [tilespmem:s24+$0x0];
	_ =	sdelay $0x4  }
0x222: {  	(v2sf) =	vpush v52, $0x1;
	_ =	sdelay $0xe  }
0x223: {  	s23 =	spop (v2sf)  }
0x224: {  	s22 =	smul.u32 $0xE0, s23;
	_ =	sdelay $0x1  }
0x225: {  	s22 =	sshra.s32 s22, $0x2  }
0x226: {  	s24 =	sadd.s32 $0xD400, s22  }
0x227: {  	[hbm4b:s14+s3] =	stream.linear.scatter [tilespmem:s24], [sflag:$0x2], $0xC08, $0x38;
	[tilespmem:$0x19800] =	vst v63  }
0x228: {  	s26 =	sadd.s32 $0xE040, s22;
	s24 =	sadd.s32 $0xC080, s14  }
0x229: {  	[hbm4b:s24+s3] =	stream.linear.scatter [tilespmem:s26], [sflag:$0x2], $0xC08, $0x38;
	[tilespmem:$0x19800] =	vst v63  }
0x22a: {  	s26 =	sadd.s32 $0xEC80, s22;
	s24 =	sadd.s32 $0x18100, s14  }
0x22b: {  	[hbm4b:s24+s3] =	stream.linear.scatter [tilespmem:s26], [sflag:$0x2], $0xC08, $0x38;
	[tilespmem:$0x19800] =	vst v63  }
0x22c: {  	s26 =	sadd.s32 $0xF8C0, s22;
	s24 =	sadd.s32 $0x24180, s14  }
0x22d: {  	[hbm4b:s24+s3] =	stream.linear.scatter [tilespmem:s26], [sflag:$0x2], $0xC08, $0x38;
	[tilespmem:$0x19800] =	vst v63  }
0x22e: {  	s26 =	sadd.s32 $0x10500, s22;
	s24 =	sadd.s32 $0x30200, s14  }
0x22f: {  	[hbm4b:s24+s3] =	stream.linear.scatter [tilespmem:s26], [sflag:$0x2], $0xC08, $0x38;
	[tilespmem:$0x19800] =	vst v63  }
0x230: {  	s26 =	sadd.s32 $0x11140, s22;
	s24 =	sadd.s32 $0x3C280, s14  }
0x231: {  	[hbm4b:s24+s3] =	stream.linear.scatter [tilespmem:s26], [sflag:$0x2], $0xC08, $0x38;
	[tilespmem:$0x19800] =	vst v63  }
0x232: {  	s26 =	sadd.s32 $0x11D80, s22;
	s24 =	sadd.s32 $0x48300, s14  }
0x233: {  	[hbm4b:s24+s3] =	stream.linear.scatter [tilespmem:s26], [sflag:$0x2], $0xC08, $0x38;
	[tilespmem:$0x19800] =	vst v63  }
0x234: {  	s26 =	sadd.s32 $0x129C0, s22;
	s24 =	sadd.s32 $0x54380, s14  }
0x235: {  	[hbm4b:s24+s3] =	stream.linear.scatter [tilespmem:s26], [sflag:$0x2], $0xC08, $0x38;
	[tilespmem:$0x19800] =	vst v63  }
0x236: {  	s26 =	sadd.s32 $0x13600, s22;
	s24 =	sadd.s32 $0x60400, s14  }
0x237: {  	[hbm4b:s24+s3] =	stream.linear.scatter [tilespmem:s26], [sflag:$0x2], $0xC08, $0x38;
	[tilespmem:$0x19800] =	vst v63  }
0x238: {  	s26 =	sadd.s32 $0x14240, s22;
	s24 =	sadd.s32 $0x6C480, s14  }
0x239: {  	[hbm4b:s24+s3] =	stream.linear.scatter [tilespmem:s26], [sflag:$0x2], $0xC08, $0x38;
	[tilespmem:$0x19800] =	vst v63  }
0x23a: {  	s26 =	sadd.s32 $0x14E80, s22;
	s24 =	sadd.s32 $0x78500, s14  }
0x23b: {  	[hbm4b:s24+s3] =	stream.linear.scatter [tilespmem:s26], [sflag:$0x2], $0xC08, $0x38;
	[tilespmem:$0x19800] =	vst v63  }
0x23c: {  	s26 =	sadd.s32 $0x15AC0, s22;
	s24 =	sadd.s32 $0x84580, s14  }
0x23d: {  	[hbm4b:s24+s3] =	stream.linear.scatter [tilespmem:s26], [sflag:$0x2], $0xC08, $0x38;
	[tilespmem:$0x19800] =	vst v63  }
0x23e: {  	s26 =	sadd.s32 $0x16700, s22;
	s24 =	sadd.s32 $0x90600, s14  }
0x23f: {  	[hbm4b:s24+s3] =	stream.linear.scatter [tilespmem:s26], [sflag:$0x2], $0xC08, $0x38;
	[tilespmem:$0x19800] =	vst v63  }
0x240: {  	s26 =	sadd.s32 $0x17340, s22;
	s24 =	sadd.s32 $0x9C680, s14  }
0x241: {  	[hbm4b:s24+s3] =	stream.linear.scatter [tilespmem:s26], [sflag:$0x2], $0xC08, $0x38;
	[tilespmem:$0x19800] =	vst v63  }
0x242: {  	s26 =	sadd.s32 $0x17F80, s22;
	s24 =	sadd.s32 $0xA8700, s14  }
0x243: {  	[hbm4b:s24+s3] =	stream.linear.scatter [tilespmem:s26], [sflag:$0x2], $0xC08, $0x38;
	[tilespmem:$0x19800] =	vst v63  }
0x244: {  	s22 =	sadd.s32 $0x18BC0, s22;
	s26 =	sadd.s32 $0xB4780, s14  }
0x245: {  	[hbm4b:s26+s3] =	stream.linear.scatter [tilespmem:s22], [sflag:$0x2], $0xC08, $0x38;
	[tilespmem:$0x19800] =	vst v63  }
0x246: {  	_ =	swait.ge [sflag:s0], $0xC080  }
0x247: {  	[sflag:s0] =	ssyncset.done $0x0  }
0x248: {  	[sflag:s0] =	ssyncadd.s32 $0xFFFF3F80  }
0x249: {  	v53 =	vld [tilespmem:s30+$0x0];
	_ =	sdelay $0x4  }
0x24a: {  	(v2sf) =	vpush v53, $0x2  }
0x24b: {  	(v2sf) =	vpush v53, $0x0;
	_ =	sdelay $0xd  }
0x24c: {  	s24 =	spop (v2sf)  }
0x24d: {  	s22 =	smul.u32 $0x620000, s24;
	s26 =	spop (v2sf)  }
0x24e: {  	s23 =	smul.u32 $0xC40, s26;
	_ =	sdelay $0x1  }
0x24f: {  	s22 =	sadd.s32 s22, s23  }
0x250: {  	s22 =	sadd.s32 $0x310000, s22  }
0x251: {  	s22 =	sshrl.u32 s22, $0x3  }
0x252: {  	s22 =	sadd.s32 s2, s22  }
0x253: {  	[tilespmem:s31], [sflag:$0x1] =	stream.strided.gather [hbm4b:s22+s28], $0xC400, s29, s28, $0x38;
	[tilespmem:$0x19800] =	vst v63  }
0x254: {  	_ =	swait.ge [sflag:s1], $0xC400  }
0x255: {  	[sflag:s1] =	ssyncset.done $0x0  }
0x256: {  	[sflag:s1] =	ssyncadd.s32 $0xFFFF3C00  }
0x257: {  	v54 =	vld [tilespmem:s30+$0x0];
	_ =	sdelay $0x4  }
0x258: {  	(v2sf) =	vpush v54, $0x1;
	_ =	sdelay $0xe  }
0x259: {  	s23 =	spop (v2sf)  }
0x25a: {  	s22 =	smul.u32 $0xE0, s23;
	_ =	sdelay $0x1  }
0x25b: {  	s22 =	sshra.s32 s22, $0x2  }
0x25c: {  	s24 =	sadd.s32 $0x1000, s22  }
0x25d: {  	[hbm4b:s15+s3] =	stream.linear.scatter [tilespmem:s24], [sflag:$0x2], $0xC08, $0x38;
	[tilespmem:$0x19800] =	vst v63  }
0x25e: {  	s26 =	sadd.s32 $0x1C40, s22;
	s24 =	sadd.s32 $0xC080, s15  }
0x25f: {  	[hbm4b:s24+s3] =	stream.linear.scatter [tilespmem:s26], [sflag:$0x2], $0xC08, $0x38;
	[tilespmem:$0x19800] =	vst v63  }
0x260: {  	s26 =	sadd.s32 $0x2880, s22;
	s24 =	sadd.s32 $0x18100, s15  }
0x261: {  	[hbm4b:s24+s3] =	stream.linear.scatter [tilespmem:s26], [sflag:$0x2], $0xC08, $0x38;
	[tilespmem:$0x19800] =	vst v63  }
0x262: {  	s26 =	sadd.s32 $0x34C0, s22;
	s24 =	sadd.s32 $0x24180, s15  }
0x263: {  	[hbm4b:s24+s3] =	stream.linear.scatter [tilespmem:s26], [sflag:$0x2], $0xC08, $0x38;
	[tilespmem:$0x19800] =	vst v63  }
0x264: {  	s26 =	sadd.s32 $0x4100, s22;
	s24 =	sadd.s32 $0x30200, s15  }
0x265: {  	[hbm4b:s24+s3] =	stream.linear.scatter [tilespmem:s26], [sflag:$0x2], $0xC08, $0x38;
	[tilespmem:$0x19800] =	vst v63  }
0x266: {  	s26 =	sadd.s32 $0x4D40, s22;
	s24 =	sadd.s32 $0x3C280, s15  }
0x267: {  	[hbm4b:s24+s3] =	stream.linear.scatter [tilespmem:s26], [sflag:$0x2], $0xC08, $0x38;
	[tilespmem:$0x19800] =	vst v63  }
0x268: {  	s26 =	sadd.s32 $0x5980, s22;
	s24 =	sadd.s32 $0x48300, s15  }
0x269: {  	[hbm4b:s24+s3] =	stream.linear.scatter [tilespmem:s26], [sflag:$0x2], $0xC08, $0x38;
	[tilespmem:$0x19800] =	vst v63  }
0x26a: {  	s26 =	sadd.s32 $0x65C0, s22;
	s24 =	sadd.s32 $0x54380, s15  }
0x26b: {  	[hbm4b:s24+s3] =	stream.linear.scatter [tilespmem:s26], [sflag:$0x2], $0xC08, $0x38;
	[tilespmem:$0x19800] =	vst v63  }
0x26c: {  	s26 =	sadd.s32 $0x7200, s22;
	s24 =	sadd.s32 $0x60400, s15  }
0x26d: {  	[hbm4b:s24+s3] =	stream.linear.scatter [tilespmem:s26], [sflag:$0x2], $0xC08, $0x38;
	[tilespmem:$0x19800] =	vst v63  }
0x26e: {  	s26 =	sadd.s32 $0x7E40, s22;
	s24 =	sadd.s32 $0x6C480, s15  }
0x26f: {  	[hbm4b:s24+s3] =	stream.linear.scatter [tilespmem:s26], [sflag:$0x2], $0xC08, $0x38;
	[tilespmem:$0x19800] =	vst v63  }
0x270: {  	s26 =	sadd.s32 $0x8A80, s22;
	s24 =	sadd.s32 $0x78500, s15  }
0x271: {  	[hbm4b:s24+s3] =	stream.linear.scatter [tilespmem:s26], [sflag:$0x2], $0xC08, $0x38;
	[tilespmem:$0x19800] =	vst v63  }
0x272: {  	s26 =	sadd.s32 $0x96C0, s22;
	s24 =	sadd.s32 $0x84580, s15  }
0x273: {  	[hbm4b:s24+s3] =	stream.linear.scatter [tilespmem:s26], [sflag:$0x2], $0xC08, $0x38;
	[tilespmem:$0x19800] =	vst v63  }
0x274: {  	s26 =	sadd.s32 $0xA300, s22;
	s24 =	sadd.s32 $0x90600, s15  }
0x275: {  	[hbm4b:s24+s3] =	stream.linear.scatter [tilespmem:s26], [sflag:$0x2], $0xC08, $0x38;
	[tilespmem:$0x19800] =	vst v63  }
0x276: {  	s26 =	sadd.s32 $0xAF40, s22;
	s24 =	sadd.s32 $0x9C680, s15  }
0x277: {  	[hbm4b:s24+s3] =	stream.linear.scatter [tilespmem:s26], [sflag:$0x2], $0xC08, $0x38;
	[tilespmem:$0x19800] =	vst v63  }
0x278: {  	s26 =	sadd.s32 $0xBB80, s22;
	s24 =	sadd.s32 $0xA8700, s15  }
0x279: {  	[hbm4b:s24+s3] =	stream.linear.scatter [tilespmem:s26], [sflag:$0x2], $0xC08, $0x38;
	[tilespmem:$0x19800] =	vst v63  }
0x27a: {  	s22 =	sadd.s32 $0xC7C0, s22;
	s26 =	sadd.s32 $0xB4780, s15  }
0x27b: {  	[hbm4b:s26+s3] =	stream.linear.scatter [tilespmem:s22], [sflag:$0x2], $0xC08, $0x38;
	[tilespmem:$0x19800] =	vst v63  }
0x27c: {  	_ =	swait.ge [sflag:s0], $0xC080  }
0x27d: {  	[sflag:s0] =	ssyncset.done $0x0  }
0x27e: {  	s24 =	rddreg [dreg:$0x6];
	[sflag:s0] =	ssyncadd.s32 $0xFFFF3F80  }
0x27f: {  	v55 =	vld [tilespmem:s24+$0x0];
	_ =	sdelay $0x4  }
0x280: {  	(v2sf) =	vpush v55, $0x2  }
0x281: {  	(v2sf) =	vpush v55, $0x0;
	_ =	sdelay $0xd  }
0x282: {  	s23 =	spop (v2sf)  }
0x283: {  	s22 =	smul.u32 $0x620000, s23;
	s26 =	spop (v2sf)  }
0x284: {  	s23 =	smul.u32 $0xC40, s26;
	_ =	sdelay $0x1  }
0x285: {  	s22 =	sadd.s32 s23, s22  }
0x286: {  	s22 =	sshrl.u32 s22, $0x3  }
0x287: {  	s22 =	sadd.s32 s2, s22  }
0x288: {  	[tilespmem:s25], [sflag:$0x1] =	stream.strided.gather [hbm4b:s22+s28], $0xC400, s29, s28, $0x38;
	[tilespmem:$0x19800] =	vst v63  }
0x289: {  	_ =	swait.ge [sflag:s1], $0xC400  }
0x28a: {  	[sflag:s1] =	ssyncset.done $0x0  }
0x28b: {  	[sflag:s1] =	ssyncadd.s32 $0xFFFF3C00  }
0x28c: {  	v56 =	vld [tilespmem:s30+$0x0];
	_ =	sdelay $0x4  }
0x28d: {  	(v2sf) =	vpush v56, $0x1;
	_ =	sdelay $0xe  }
0x28e: {  	s26 =	spop (v2sf)  }
0x28f: {  	s22 =	smul.u32 $0xE0, s26;
	_ =	sdelay $0x1  }
0x290: {  	s22 =	sshra.s32 s22, $0x2  }
0x291: {  	s30 =	sadd.s32 $0xD400, s22  }
0x292: {  	[hbm4b:s16+s3] =	stream.linear.scatter [tilespmem:s30], [sflag:$0x2], $0xC08, $0x38;
	[tilespmem:$0x19800] =	vst v63  }
0x293: {  	s26 =	sadd.s32 $0xE040, s22;
	s30 =	sadd.s32 $0xC080, s16  }
0x294: {  	[hbm4b:s30+s3] =	stream.linear.scatter [tilespmem:s26], [sflag:$0x2], $0xC08, $0x38;
	[tilespmem:$0x19800] =	vst v63  }
0x295: {  	s26 =	sadd.s32 $0xEC80, s22;
	s30 =	sadd.s32 $0x18100, s16  }
0x296: {  	[hbm4b:s30+s3] =	stream.linear.scatter [tilespmem:s26], [sflag:$0x2], $0xC08, $0x38;
	[tilespmem:$0x19800] =	vst v63  }
0x297: {  	s26 =	sadd.s32 $0xF8C0, s22;
	s30 =	sadd.s32 $0x24180, s16  }
0x298: {  	[hbm4b:s30+s3] =	stream.linear.scatter [tilespmem:s26], [sflag:$0x2], $0xC08, $0x38;
	[tilespmem:$0x19800] =	vst v63  }
0x299: {  	s26 =	sadd.s32 $0x10500, s22;
	s30 =	sadd.s32 $0x30200, s16  }
0x29a: {  	[hbm4b:s30+s3] =	stream.linear.scatter [tilespmem:s26], [sflag:$0x2], $0xC08, $0x38;
	[tilespmem:$0x19800] =	vst v63  }
0x29b: {  	s26 =	sadd.s32 $0x11140, s22;
	s30 =	sadd.s32 $0x3C280, s16  }
0x29c: {  	[hbm4b:s30+s3] =	stream.linear.scatter [tilespmem:s26], [sflag:$0x2], $0xC08, $0x38;
	[tilespmem:$0x19800] =	vst v63  }
0x29d: {  	s26 =	sadd.s32 $0x11D80, s22;
	s30 =	sadd.s32 $0x48300, s16  }
0x29e: {  	[hbm4b:s30+s3] =	stream.linear.scatter [tilespmem:s26], [sflag:$0x2], $0xC08, $0x38;
	[tilespmem:$0x19800] =	vst v63  }
0x29f: {  	s26 =	sadd.s32 $0x129C0, s22;
	s30 =	sadd.s32 $0x54380, s16  }
0x2a0: {  	[hbm4b:s30+s3] =	stream.linear.scatter [tilespmem:s26], [sflag:$0x2], $0xC08, $0x38;
	[tilespmem:$0x19800] =	vst v63  }
0x2a1: {  	s26 =	sadd.s32 $0x13600, s22;
	s30 =	sadd.s32 $0x60400, s16  }
0x2a2: {  	[hbm4b:s30+s3] =	stream.linear.scatter [tilespmem:s26], [sflag:$0x2], $0xC08, $0x38;
	[tilespmem:$0x19800] =	vst v63  }
0x2a3: {  	s26 =	sadd.s32 $0x14240, s22;
	s30 =	sadd.s32 $0x6C480, s16  }
0x2a4: {  	[hbm4b:s30+s3] =	stream.linear.scatter [tilespmem:s26], [sflag:$0x2], $0xC08, $0x38;
	[tilespmem:$0x19800] =	vst v63  }
0x2a5: {  	s26 =	sadd.s32 $0x14E80, s22;
	s30 =	sadd.s32 $0x78500, s16  }
0x2a6: {  	[hbm4b:s30+s3] =	stream.linear.scatter [tilespmem:s26], [sflag:$0x2], $0xC08, $0x38;
	[tilespmem:$0x19800] =	vst v63  }
0x2a7: {  	s26 =	sadd.s32 $0x15AC0, s22;
	s30 =	sadd.s32 $0x84580, s16  }
0x2a8: {  	[hbm4b:s30+s3] =	stream.linear.scatter [tilespmem:s26], [sflag:$0x2], $0xC08, $0x38;
	[tilespmem:$0x19800] =	vst v63  }
0x2a9: {  	s26 =	sadd.s32 $0x16700, s22;
	s30 =	sadd.s32 $0x90600, s16  }
0x2aa: {  	[hbm4b:s30+s3] =	stream.linear.scatter [tilespmem:s26], [sflag:$0x2], $0xC08, $0x38;
	[tilespmem:$0x19800] =	vst v63  }
0x2ab: {  	s26 =	sadd.s32 $0x17340, s22;
	s30 =	sadd.s32 $0x9C680, s16  }
0x2ac: {  	[hbm4b:s30+s3] =	stream.linear.scatter [tilespmem:s26], [sflag:$0x2], $0xC08, $0x38;
	[tilespmem:$0x19800] =	vst v63  }
0x2ad: {  	s26 =	sadd.s32 $0x17F80, s22;
	s30 =	sadd.s32 $0xA8700, s16  }
0x2ae: {  	[hbm4b:s30+s3] =	stream.linear.scatter [tilespmem:s26], [sflag:$0x2], $0xC08, $0x38;
	[tilespmem:$0x19800] =	vst v63  }
0x2af: {  	s22 =	sadd.s32 $0x18BC0, s22;
	s30 =	sadd.s32 $0xB4780, s16  }
0x2b0: {  	[hbm4b:s30+s3] =	stream.linear.scatter [tilespmem:s22], [sflag:$0x2], $0xC08, $0x38;
	[tilespmem:$0x19800] =	vst v63  }
0x2b1: {  	_ =	swait.ge [sflag:s0], $0xC080  }
0x2b2: {  	[sflag:s0] =	ssyncset.done $0x0  }
0x2b3: {  	[sflag:s0] =	ssyncadd.s32 $0xFFFF3F80  }
0x2b4: {  	v57 =	vld [tilespmem:s24+$0x0];
	_ =	sdelay $0x4  }
0x2b5: {  	(v2sf) =	vpush v57, $0x2  }
0x2b6: {  	(v2sf) =	vpush v57, $0x0;
	_ =	sdelay $0xd  }
0x2b7: {  	s26 =	spop (v2sf)  }
0x2b8: {  	s22 =	smul.u32 $0x620000, s26;
	s30 =	spop (v2sf)  }
0x2b9: {  	s23 =	smul.u32 $0xC40, s30;
	_ =	sdelay $0x1  }
0x2ba: {  	s22 =	sadd.s32 s22, s23  }
0x2bb: {  	s22 =	sadd.s32 $0x310000, s22  }
0x2bc: {  	s22 =	sshrl.u32 s22, $0x3  }
0x2bd: {  	s22 =	sadd.s32 s2, s22  }
0x2be: {  	[tilespmem:s31], [sflag:$0x1] =	stream.strided.gather [hbm4b:s22+s28], $0xC400, s29, s28, $0x38;
	[tilespmem:$0x19800] =	vst v63  }
0x2bf: {  	_ =	swait.ge [sflag:s1], $0xC400  }
0x2c0: {  	[sflag:s1] =	ssyncset.done $0x0  }
0x2c1: {  	[sflag:s1] =	ssyncadd.s32 $0xFFFF3C00  }
0x2c2: {  	v58 =	vld [tilespmem:s24+$0x0];
	_ =	sdelay $0x4  }
0x2c3: {  	(v2sf) =	vpush v58, $0x1;
	_ =	sdelay $0xe  }
0x2c4: {  	s26 =	spop (v2sf)  }
0x2c5: {  	s22 =	smul.u32 $0xE0, s26;
	_ =	sdelay $0x1  }
0x2c6: {  	s22 =	sshra.s32 s22, $0x2  }
0x2c7: {  	s30 =	sadd.s32 $0x1000, s22  }
0x2c8: {  	[hbm4b:s19+s3] =	stream.linear.scatter [tilespmem:s30], [sflag:$0x2], $0xC08, $0x38;
	[tilespmem:$0x19800] =	vst v63  }
0x2c9: {  	s26 =	sadd.s32 $0x1C40, s22;
	s30 =	sadd.s32 $0xC080, s19  }
0x2ca: {  	[hbm4b:s30+s3] =	stream.linear.scatter [tilespmem:s26], [sflag:$0x2], $0xC08, $0x38;
	[tilespmem:$0x19800] =	vst v63  }
0x2cb: {  	s26 =	sadd.s32 $0x2880, s22;
	s30 =	sadd.s32 $0x18100, s19  }
0x2cc: {  	[hbm4b:s30+s3] =	stream.linear.scatter [tilespmem:s26], [sflag:$0x2], $0xC08, $0x38;
	[tilespmem:$0x19800] =	vst v63  }
0x2cd: {  	s26 =	sadd.s32 $0x34C0, s22;
	s30 =	sadd.s32 $0x24180, s19  }
0x2ce: {  	[hbm4b:s30+s3] =	stream.linear.scatter [tilespmem:s26], [sflag:$0x2], $0xC08, $0x38;
	[tilespmem:$0x19800] =	vst v63  }
0x2cf: {  	s26 =	sadd.s32 $0x4100, s22;
	s30 =	sadd.s32 $0x30200, s19  }
0x2d0: {  	[hbm4b:s30+s3] =	stream.linear.scatter [tilespmem:s26], [sflag:$0x2], $0xC08, $0x38;
	[tilespmem:$0x19800] =	vst v63  }
0x2d1: {  	s26 =	sadd.s32 $0x4D40, s22;
	s30 =	sadd.s32 $0x3C280, s19  }
0x2d2: {  	[hbm4b:s30+s3] =	stream.linear.scatter [tilespmem:s26], [sflag:$0x2], $0xC08, $0x38;
	[tilespmem:$0x19800] =	vst v63  }
0x2d3: {  	s26 =	sadd.s32 $0x5980, s22;
	s30 =	sadd.s32 $0x48300, s19  }
0x2d4: {  	[hbm4b:s30+s3] =	stream.linear.scatter [tilespmem:s26], [sflag:$0x2], $0xC08, $0x38;
	[tilespmem:$0x19800] =	vst v63  }
0x2d5: {  	s26 =	sadd.s32 $0x65C0, s22;
	s30 =	sadd.s32 $0x54380, s19  }
0x2d6: {  	[hbm4b:s30+s3] =	stream.linear.scatter [tilespmem:s26], [sflag:$0x2], $0xC08, $0x38;
	[tilespmem:$0x19800] =	vst v63  }
0x2d7: {  	s26 =	sadd.s32 $0x7200, s22;
	s30 =	sadd.s32 $0x60400, s19  }
0x2d8: {  	[hbm4b:s30+s3] =	stream.linear.scatter [tilespmem:s26], [sflag:$0x2], $0xC08, $0x38;
	[tilespmem:$0x19800] =	vst v63  }
0x2d9: {  	s26 =	sadd.s32 $0x7E40, s22;
	s30 =	sadd.s32 $0x6C480, s19  }
0x2da: {  	[hbm4b:s30+s3] =	stream.linear.scatter [tilespmem:s26], [sflag:$0x2], $0xC08, $0x38;
	[tilespmem:$0x19800] =	vst v63  }
0x2db: {  	s26 =	sadd.s32 $0x8A80, s22;
	s30 =	sadd.s32 $0x78500, s19  }
0x2dc: {  	[hbm4b:s30+s3] =	stream.linear.scatter [tilespmem:s26], [sflag:$0x2], $0xC08, $0x38;
	[tilespmem:$0x19800] =	vst v63  }
0x2dd: {  	s26 =	sadd.s32 $0x96C0, s22;
	s30 =	sadd.s32 $0x84580, s19  }
0x2de: {  	[hbm4b:s30+s3] =	stream.linear.scatter [tilespmem:s26], [sflag:$0x2], $0xC08, $0x38;
	[tilespmem:$0x19800] =	vst v63  }
0x2df: {  	s26 =	sadd.s32 $0xA300, s22;
	s30 =	sadd.s32 $0x90600, s19  }
0x2e0: {  	[hbm4b:s30+s3] =	stream.linear.scatter [tilespmem:s26], [sflag:$0x2], $0xC08, $0x38;
	[tilespmem:$0x19800] =	vst v63  }
0x2e1: {  	s26 =	sadd.s32 $0xAF40, s22;
	s30 =	sadd.s32 $0x9C680, s19  }
0x2e2: {  	[hbm4b:s30+s3] =	stream.linear.scatter [tilespmem:s26], [sflag:$0x2], $0xC08, $0x38;
	[tilespmem:$0x19800] =	vst v63  }
0x2e3: {  	s26 =	sadd.s32 $0xBB80, s22;
	s30 =	sadd.s32 $0xA8700, s19  }
0x2e4: {  	[hbm4b:s30+s3] =	stream.linear.scatter [tilespmem:s26], [sflag:$0x2], $0xC08, $0x38;
	[tilespmem:$0x19800] =	vst v63  }
0x2e5: {  	s22 =	sadd.s32 $0xC7C0, s22;
	s30 =	sadd.s32 $0xB4780, s19  }
0x2e6: {  	[hbm4b:s30+s3] =	stream.linear.scatter [tilespmem:s22], [sflag:$0x2], $0xC08, $0x38;
	[tilespmem:$0x19800] =	vst v63  }
0x2e7: {  	_ =	swait.ge [sflag:s0], $0xC080  }
0x2e8: {  	[sflag:s0] =	ssyncset.done $0x0  }
0x2e9: {  	s30 =	rddreg [dreg:$0x7];
	[sflag:s0] =	ssyncadd.s32 $0xFFFF3F80  }
0x2ea: {  	v59 =	vld [tilespmem:s30+$0x0];
	_ =	sdelay $0x4  }
0x2eb: {  	(v2sf) =	vpush v59, $0x2  }
0x2ec: {  	(v2sf) =	vpush v59, $0x0;
	_ =	sdelay $0xd  }
0x2ed: {  	s23 =	spop (v2sf)  }
0x2ee: {  	s22 =	smul.u32 $0x620000, s23;
	s26 =	spop (v2sf)  }
0x2ef: {  	s23 =	smul.u32 $0xC40, s26;
	_ =	sdelay $0x1  }
0x2f0: {  	s22 =	sadd.s32 s23, s22  }
0x2f1: {  	s22 =	sshrl.u32 s22, $0x3  }
0x2f2: {  	s22 =	sadd.s32 s2, s22  }
0x2f3: {  	[tilespmem:s25], [sflag:$0x1] =	stream.strided.gather [hbm4b:s22+s28], $0xC400, s29, s28, $0x38;
	[tilespmem:$0x19800] =	vst v63  }
0x2f4: {  	_ =	swait.ge [sflag:s1], $0xC400  }
0x2f5: {  	[sflag:s1] =	ssyncset.done $0x0  }
0x2f6: {  	[sflag:s1] =	ssyncadd.s32 $0xFFFF3C00  }
0x2f7: {  	v60 =	vld [tilespmem:s24+$0x0];
	_ =	sdelay $0x4  }
0x2f8: {  	(v2sf) =	vpush v60, $0x1;
	_ =	sdelay $0xe  }
0x2f9: {  	s23 =	spop (v2sf)  }
0x2fa: {  	s22 =	smul.u32 $0xE0, s23;
	_ =	sdelay $0x1  }
0x2fb: {  	s22 =	sshra.s32 s22, $0x2  }
0x2fc: {  	s24 =	sadd.s32 $0xD400, s22  }
0x2fd: {  	[hbm4b:s20+s3] =	stream.linear.scatter [tilespmem:s24], [sflag:$0x2], $0xC08, $0x38;
	[tilespmem:$0x19800] =	vst v63  }
0x2fe: {  	s26 =	sadd.s32 $0xE040, s22;
	s24 =	sadd.s32 $0xC080, s20  }
0x2ff: {  	[hbm4b:s24+s3] =	stream.linear.scatter [tilespmem:s26], [sflag:$0x2], $0xC08, $0x38;
	[tilespmem:$0x19800] =	vst v63  }
0x300: {  	s26 =	sadd.s32 $0xEC80, s22;
	s24 =	sadd.s32 $0x18100, s20  }
0x301: {  	[hbm4b:s24+s3] =	stream.linear.scatter [tilespmem:s26], [sflag:$0x2], $0xC08, $0x38;
	[tilespmem:$0x19800] =	vst v63  }
0x302: {  	s26 =	sadd.s32 $0xF8C0, s22;
	s24 =	sadd.s32 $0x24180, s20  }
0x303: {  	[hbm4b:s24+s3] =	stream.linear.scatter [tilespmem:s26], [sflag:$0x2], $0xC08, $0x38;
	[tilespmem:$0x19800] =	vst v63  }
0x304: {  	s26 =	sadd.s32 $0x10500, s22;
	s24 =	sadd.s32 $0x30200, s20  }
0x305: {  	[hbm4b:s24+s3] =	stream.linear.scatter [tilespmem:s26], [sflag:$0x2], $0xC08, $0x38;
	[tilespmem:$0x19800] =	vst v63  }
0x306: {  	s26 =	sadd.s32 $0x11140, s22;
	s24 =	sadd.s32 $0x3C280, s20  }
0x307: {  	[hbm4b:s24+s3] =	stream.linear.scatter [tilespmem:s26], [sflag:$0x2], $0xC08, $0x38;
	[tilespmem:$0x19800] =	vst v63  }
0x308: {  	s26 =	sadd.s32 $0x11D80, s22;
	s24 =	sadd.s32 $0x48300, s20  }
0x309: {  	[hbm4b:s24+s3] =	stream.linear.scatter [tilespmem:s26], [sflag:$0x2], $0xC08, $0x38;
	[tilespmem:$0x19800] =	vst v63  }
0x30a: {  	s26 =	sadd.s32 $0x129C0, s22;
	s24 =	sadd.s32 $0x54380, s20  }
0x30b: {  	[hbm4b:s24+s3] =	stream.linear.scatter [tilespmem:s26], [sflag:$0x2], $0xC08, $0x38;
	[tilespmem:$0x19800] =	vst v63  }
0x30c: {  	s26 =	sadd.s32 $0x13600, s22;
	s24 =	sadd.s32 $0x60400, s20  }
0x30d: {  	[hbm4b:s24+s3] =	stream.linear.scatter [tilespmem:s26], [sflag:$0x2], $0xC08, $0x38;
	[tilespmem:$0x19800] =	vst v63  }
0x30e: {  	s26 =	sadd.s32 $0x14240, s22;
	s24 =	sadd.s32 $0x6C480, s20  }
0x30f: {  	[hbm4b:s24+s3] =	stream.linear.scatter [tilespmem:s26], [sflag:$0x2], $0xC08, $0x38;
	[tilespmem:$0x19800] =	vst v63  }
0x310: {  	s26 =	sadd.s32 $0x14E80, s22;
	s24 =	sadd.s32 $0x78500, s20  }
0x311: {  	[hbm4b:s24+s3] =	stream.linear.scatter [tilespmem:s26], [sflag:$0x2], $0xC08, $0x38;
	[tilespmem:$0x19800] =	vst v63  }
0x312: {  	s26 =	sadd.s32 $0x15AC0, s22;
	s24 =	sadd.s32 $0x84580, s20  }
0x313: {  	[hbm4b:s24+s3] =	stream.linear.scatter [tilespmem:s26], [sflag:$0x2], $0xC08, $0x38;
	[tilespmem:$0x19800] =	vst v63  }
0x314: {  	s26 =	sadd.s32 $0x16700, s22;
	s24 =	sadd.s32 $0x90600, s20  }
0x315: {  	[hbm4b:s24+s3] =	stream.linear.scatter [tilespmem:s26], [sflag:$0x2], $0xC08, $0x38;
	[tilespmem:$0x19800] =	vst v63  }
0x316: {  	s26 =	sadd.s32 $0x17340, s22;
	s24 =	sadd.s32 $0x9C680, s20  }
0x317: {  	[hbm4b:s24+s3] =	stream.linear.scatter [tilespmem:s26], [sflag:$0x2], $0xC08, $0x38;
	[tilespmem:$0x19800] =	vst v63  }
0x318: {  	s26 =	sadd.s32 $0x17F80, s22;
	s24 =	sadd.s32 $0xA8700, s20  }
0x319: {  	[hbm4b:s24+s3] =	stream.linear.scatter [tilespmem:s26], [sflag:$0x2], $0xC08, $0x38;
	[tilespmem:$0x19800] =	vst v63  }
0x31a: {  	s22 =	sadd.s32 $0x18BC0, s22;
	s26 =	sadd.s32 $0xB4780, s20  }
0x31b: {  	[hbm4b:s26+s3] =	stream.linear.scatter [tilespmem:s22], [sflag:$0x2], $0xC08, $0x38;
	[tilespmem:$0x19800] =	vst v63  }
0x31c: {  	_ =	swait.ge [sflag:s0], $0xC080  }
0x31d: {  	[sflag:s0] =	ssyncset.done $0x0  }
0x31e: {  	[sflag:s0] =	ssyncadd.s32 $0xFFFF3F80  }
0x31f: {  	v61 =	vld [tilespmem:s30+$0x0];
	_ =	sdelay $0x4  }
0x320: {  	(v2sf) =	vpush v61, $0x2  }
0x321: {  	(v2sf) =	vpush v61, $0x0;
	_ =	sdelay $0xd  }
0x322: {  	s24 =	spop (v2sf)  }
0x323: {  	s22 =	smul.u32 $0x620000, s24;
	s26 =	spop (v2sf)  }
0x324: {  	s23 =	smul.u32 $0xC40, s26;
	_ =	sdelay $0x1  }
0x325: {  	s22 =	sadd.s32 s22, s23  }
0x326: {  	s22 =	sadd.s32 $0x310000, s22  }
0x327: {  	s22 =	sshrl.u32 s22, $0x3  }
0x328: {  	s22 =	sadd.s32 s2, s22  }
0x329: {  	[tilespmem:s31], [sflag:$0x1] =	stream.strided.gather [hbm4b:s22+s28], $0xC400, s29, s28, $0x38;
	[tilespmem:$0x19800] =	vst v63  }
0x32a: {  	_ =	swait.ge [sflag:s1], $0xC400  }
0x32b: {  	[sflag:s1] =	ssyncset.done $0x0  }
0x32c: {  	[sflag:s1] =	ssyncadd.s32 $0xFFFF3C00  }
0x32d: {  	v62 =	vld [tilespmem:s30+$0x0];
	_ =	sdelay $0x4  }
0x32e: {  	(v2sf) =	vpush v62, $0x1;
	_ =	sdelay $0xe  }
0x32f: {  	s23 =	spop (v2sf)  }
0x330: {  	s22 =	smul.u32 $0xE0, s23;
	_ =	sdelay $0x1  }
0x331: {  	s22 =	sshra.s32 s22, $0x2  }
0x332: {  	s24 =	sadd.s32 $0x1000, s22  }
0x333: {  	[hbm4b:s17+s3] =	stream.linear.scatter [tilespmem:s24], [sflag:$0x2], $0xC08, $0x38;
	[tilespmem:$0x19800] =	vst v63  }
0x334: {  	s26 =	sadd.s32 $0x1C40, s22;
	s24 =	sadd.s32 $0xC080, s17  }
0x335: {  	[hbm4b:s24+s3] =	stream.linear.scatter [tilespmem:s26], [sflag:$0x2], $0xC08, $0x38;
	[tilespmem:$0x19800] =	vst v63  }
0x336: {  	s26 =	sadd.s32 $0x2880, s22;
	s24 =	sadd.s32 $0x18100, s17  }
0x337: {  	[hbm4b:s24+s3] =	stream.linear.scatter [tilespmem:s26], [sflag:$0x2], $0xC08, $0x38;
	[tilespmem:$0x19800] =	vst v63  }
0x338: {  	s26 =	sadd.s32 $0x34C0, s22;
	s24 =	sadd.s32 $0x24180, s17  }
0x339: {  	[hbm4b:s24+s3] =	stream.linear.scatter [tilespmem:s26], [sflag:$0x2], $0xC08, $0x38;
	[tilespmem:$0x19800] =	vst v63  }
0x33a: {  	s26 =	sadd.s32 $0x4100, s22;
	s24 =	sadd.s32 $0x30200, s17  }
0x33b: {  	[hbm4b:s24+s3] =	stream.linear.scatter [tilespmem:s26], [sflag:$0x2], $0xC08, $0x38;
	[tilespmem:$0x19800] =	vst v63  }
0x33c: {  	s26 =	sadd.s32 $0x4D40, s22;
	s24 =	sadd.s32 $0x3C280, s17  }
0x33d: {  	[hbm4b:s24+s3] =	stream.linear.scatter [tilespmem:s26], [sflag:$0x2], $0xC08, $0x38;
	[tilespmem:$0x19800] =	vst v63  }
0x33e: {  	s26 =	sadd.s32 $0x5980, s22;
	s24 =	sadd.s32 $0x48300, s17  }
0x33f: {  	[hbm4b:s24+s3] =	stream.linear.scatter [tilespmem:s26], [sflag:$0x2], $0xC08, $0x38;
	[tilespmem:$0x19800] =	vst v63  }
0x340: {  	s26 =	sadd.s32 $0x65C0, s22;
	s24 =	sadd.s32 $0x54380, s17  }
0x341: {  	[hbm4b:s24+s3] =	stream.linear.scatter [tilespmem:s26], [sflag:$0x2], $0xC08, $0x38;
	[tilespmem:$0x19800] =	vst v63  }
0x342: {  	s26 =	sadd.s32 $0x7200, s22;
	s24 =	sadd.s32 $0x60400, s17  }
0x343: {  	[hbm4b:s24+s3] =	stream.linear.scatter [tilespmem:s26], [sflag:$0x2], $0xC08, $0x38;
	[tilespmem:$0x19800] =	vst v63  }
0x344: {  	s26 =	sadd.s32 $0x7E40, s22;
	s24 =	sadd.s32 $0x6C480, s17  }
0x345: {  	[hbm4b:s24+s3] =	stream.linear.scatter [tilespmem:s26], [sflag:$0x2], $0xC08, $0x38;
	[tilespmem:$0x19800] =	vst v63  }
0x346: {  	s26 =	sadd.s32 $0x8A80, s22;
	s24 =	sadd.s32 $0x78500, s17  }
0x347: {  	[hbm4b:s24+s3] =	stream.linear.scatter [tilespmem:s26], [sflag:$0x2], $0xC08, $0x38;
	[tilespmem:$0x19800] =	vst v63  }
0x348: {  	s26 =	sadd.s32 $0x96C0, s22;
	s24 =	sadd.s32 $0x84580, s17  }
0x349: {  	[hbm4b:s24+s3] =	stream.linear.scatter [tilespmem:s26], [sflag:$0x2], $0xC08, $0x38;
	[tilespmem:$0x19800] =	vst v63  }
0x34a: {  	s26 =	sadd.s32 $0xA300, s22;
	s24 =	sadd.s32 $0x90600, s17  }
0x34b: {  	[hbm4b:s24+s3] =	stream.linear.scatter [tilespmem:s26], [sflag:$0x2], $0xC08, $0x38;
	[tilespmem:$0x19800] =	vst v63  }
0x34c: {  	s26 =	sadd.s32 $0xAF40, s22;
	s24 =	sadd.s32 $0x9C680, s17  }
0x34d: {  	[hbm4b:s24+s3] =	stream.linear.scatter [tilespmem:s26], [sflag:$0x2], $0xC08, $0x38;
	[tilespmem:$0x19800] =	vst v63  }
0x34e: {  	s26 =	sadd.s32 $0xBB80, s22;
	s24 =	sadd.s32 $0xA8700, s17  }
0x34f: {  	[hbm4b:s24+s3] =	stream.linear.scatter [tilespmem:s26], [sflag:$0x2], $0xC08, $0x38;
	[tilespmem:$0x19800] =	vst v63  }
0x350: {  	s22 =	sadd.s32 $0xC7C0, s22;
	s26 =	sadd.s32 $0xB4780, s17  }
0x351: {  	[hbm4b:s26+s3] =	stream.linear.scatter [tilespmem:s22], [sflag:$0x2], $0xC08, $0x38;
	[tilespmem:$0x19800] =	vst v63  }
0x352: {  	_ =	swait.ge [sflag:s0], $0xC080  }
0x353: {  	[sflag:s0] =	ssyncset.done $0x0  }
0x354: {  	[sflag:s0] =	ssyncadd.s32 $0xFFFF3F80  }
0x355: {  	_ =	swait.ge [sflag:s1], $0xC400  }
0x356: {  	[sflag:s1] =	ssyncset.done $0x0  }
0x357: {  	[sflag:s1] =	ssyncadd.s32 $0xFFFF3C00  }
0x358: {  	v63 =	vld [tilespmem:s30+$0x0];
	_ =	sdelay $0x4  }
0x359: {  	(v2sf) =	vpush v63, $0x1;
	_ =	sdelay $0xe  }
0x35a: {  	s24 =	spop (v2sf)  }
0x35b: {  	s22 =	smul.u32 $0xE0, s24;
	_ =	sdelay $0x1  }
0x35c: {  	s22 =	sshra.s32 s22, $0x2  }
0x35d: {  	s26 =	sadd.s32 $0xD400, s22  }
0x35e: {  	[hbm4b:s18+s3] =	stream.linear.scatter [tilespmem:s26], [sflag:$0x2], $0xC08, $0x38;
	[tilespmem:$0x19800] =	vst v63  }
0x35f: {  	s24 =	sadd.s32 $0xC080, s18;
	s30 =	sadd.s32 $0xE040, s22  }
0x360: {  	[hbm4b:s24+s3] =	stream.linear.scatter [tilespmem:s30], [sflag:$0x2], $0xC08, $0x38;
	[tilespmem:$0x19800] =	vst v63  }
0x361: {  	s30 =	sadd.s32 $0xEC80, s22;
	s24 =	sadd.s32 $0x18100, s18  }
0x362: {  	[hbm4b:s24+s3] =	stream.linear.scatter [tilespmem:s30], [sflag:$0x2], $0xC08, $0x38;
	[tilespmem:$0x19800] =	vst v63  }
0x363: {  	s30 =	sadd.s32 $0xF8C0, s22;
	s24 =	sadd.s32 $0x24180, s18  }
0x364: {  	[hbm4b:s24+s3] =	stream.linear.scatter [tilespmem:s30], [sflag:$0x2], $0xC08, $0x38;
	[tilespmem:$0x19800] =	vst v63  }
0x365: {  	s30 =	sadd.s32 $0x10500, s22;
	s24 =	sadd.s32 $0x30200, s18  }
0x366: {  	[hbm4b:s24+s3] =	stream.linear.scatter [tilespmem:s30], [sflag:$0x2], $0xC08, $0x38;
	[tilespmem:$0x19800] =	vst v63  }
0x367: {  	s30 =	sadd.s32 $0x11140, s22;
	s24 =	sadd.s32 $0x3C280, s18  }
0x368: {  	[hbm4b:s24+s3] =	stream.linear.scatter [tilespmem:s30], [sflag:$0x2], $0xC08, $0x38;
	[tilespmem:$0x19800] =	vst v63  }
0x369: {  	s30 =	sadd.s32 $0x11D80, s22;
	s24 =	sadd.s32 $0x48300, s18  }
0x36a: {  	[hbm4b:s24+s3] =	stream.linear.scatter [tilespmem:s30], [sflag:$0x2], $0xC08, $0x38;
	[tilespmem:$0x19800] =	vst v63  }
0x36b: {  	s30 =	sadd.s32 $0x129C0, s22;
	s24 =	sadd.s32 $0x54380, s18  }
0x36c: {  	[hbm4b:s24+s3] =	stream.linear.scatter [tilespmem:s30], [sflag:$0x2], $0xC08, $0x38;
	[tilespmem:$0x19800] =	vst v63  }
0x36d: {  	s30 =	sadd.s32 $0x13600, s22;
	s24 =	sadd.s32 $0x60400, s18  }
0x36e: {  	[hbm4b:s24+s3] =	stream.linear.scatter [tilespmem:s30], [sflag:$0x2], $0xC08, $0x38;
	[tilespmem:$0x19800] =	vst v63  }
0x36f: {  	s30 =	sadd.s32 $0x14240, s22;
	s24 =	sadd.s32 $0x6C480, s18  }
0x370: {  	[hbm4b:s24+s3] =	stream.linear.scatter [tilespmem:s30], [sflag:$0x2], $0xC08, $0x38;
	[tilespmem:$0x19800] =	vst v63  }
0x371: {  	s30 =	sadd.s32 $0x14E80, s22;
	s24 =	sadd.s32 $0x78500, s18  }
0x372: {  	[hbm4b:s24+s3] =	stream.linear.scatter [tilespmem:s30], [sflag:$0x2], $0xC08, $0x38;
	[tilespmem:$0x19800] =	vst v63  }
0x373: {  	s30 =	sadd.s32 $0x15AC0, s22;
	s24 =	sadd.s32 $0x84580, s18  }
0x374: {  	[hbm4b:s24+s3] =	stream.linear.scatter [tilespmem:s30], [sflag:$0x2], $0xC08, $0x38;
	[tilespmem:$0x19800] =	vst v63  }
0x375: {  	s30 =	sadd.s32 $0x16700, s22;
	s24 =	sadd.s32 $0x90600, s18  }
0x376: {  	[hbm4b:s24+s3] =	stream.linear.scatter [tilespmem:s30], [sflag:$0x2], $0xC08, $0x38;
	[tilespmem:$0x19800] =	vst v63  }
0x377: {  	s30 =	sadd.s32 $0x17340, s22;
	s24 =	sadd.s32 $0x9C680, s18  }
0x378: {  	[hbm4b:s24+s3] =	stream.linear.scatter [tilespmem:s30], [sflag:$0x2], $0xC08, $0x38;
	[tilespmem:$0x19800] =	vst v63  }
0x379: {  	p0 =	sne.s32 s21, $0x1;
	s30 =	sadd.s32 $0x17F80, s22;
	s24 =	sadd.s32 $0xA8700, s18  }
0x37a: {  	[hbm4b:s24+s3] =	stream.linear.scatter [tilespmem:s30], [sflag:$0x2], $0xC08, $0x38;
	[tilespmem:$0x19800] =	vst v63  }
.Ltmp0:
0x37b: {  	s22 =	sadd.s32 $0x18BC0, s22;
	s30 =	sadd.s32 $0xB4780, s18;
	(pc) =	sbr.rel @p0 .LBB2_1-.Ltmp0, $4  }
0x37c: {  	[hbm4b:s30+s3] =	stream.linear.scatter [tilespmem:s22], [sflag:$0x2], $0xC08, $0x38;
	[tilespmem:$0x19800] =	vst v63  }
0x37d: {  	_ =	swait.ge [sflag:s0], $0xC080  }
0x37e: {  	[sflag:s0] =	ssyncset.done $0x0  }
0x37f: {  	s21 =	sadd.s32 $0xFFFFFFFF, s21;
	[sflag:s0] =	ssyncadd.s32 $0xFFFF3F80  }
0x380: {  	_ =	sfence.sel $0x180000  }
0x381: {  	[bflag:$0x0] =	sbarrier.arrive $0xFFFF  }
0x382: {  	_ =	strace $0x90000047  }
0x383: {  	s0 =	stileid.u32;
	[bflag:$0x2] =	sbarrier.arrive $0xFFFF  }
0x384: {  	p0 =	sne.s32 s0, $0x0;
	s0 =	rddreg [dreg:$0x2]  }
0x385: {  	s0 =	sadd.s32 @!p0 $0x100000, s0  }
0x386: {  	[sflag:s0] =	ssyncadd.tile.s32 @!p0 $0x1;
	_ =	shalt  }
.Lfunc_end2:
_tile_overlayer_lowered:
.L_overlay_start_2:
0x387: {  	(tag) =	ssettag $0x2  }
0x388: {  	s0 =	rddreg [dreg:$0x0];
	s2 =	stileid.u32  }
0x389: {  	s1 =	rddreg [dreg:$0x1];
	p0 =	sne.s32 s2, $0x0  }
0x38a: {  	s3 =	rddreg [dreg:$0x2];
	[bflag:$0x3] =	sbarrier.arrive $0xFFFF;
	s2 =	simm.s32 @!p0 $0x1C03  }
0x38b: {  	[timem:s3], [sflag:s2] =	dma.local @!p0 [hbm:s0], s1  }
0x38c: {  	s0 =	simm.s32 @!p0 $0x3  }
0x38d: {  	_ =	swait.ge @!p0 [sflag:s0], s1  }
0x38e: {  	s1 =	ssub.s32 @!p0 $0x0, s1;
	[sflag:s0] =	ssyncset.done @!p0 $0x0  }
0x38f: {  	[sflag:s0] =	ssyncadd.s32 @!p0 s1  }
0x390: {  	[bflag:$0x3] =	sbarrier.arrive $0xFFFF  }
0x391: {  	_ =	shalt  }

</sc_bundles>
